<compile_context>
chip_gen: v7x
topology: tpu7x:2x2x1
jax: 0.10.2.dev20260603
libtpu: 0.0.44.dev20260713+nightly
codegen_flags: <defaults>
</compile_context>

<pallas_src>
import functools

import jax
import jax.numpy as jnp
from jax import lax
from jax.experimental import pallas as pl
from jax.experimental.pallas import tpu as pltpu
from jax.experimental.pallas import tpu_sc as plsc

N = 10000
E = 320000
F = 128
G = 512

NC = 2
NS = 16
NW = NC * NS

EPT = E // NW
K = 80
NCHUNK = EPT // K
DK = 80
ROW_CHUNKS = N // DK


def _zero_vmem_rows(buf, rows):
    z16 = jnp.zeros((16,), jnp.float32)

    def zr(r, c):
        def zc(j, c2):
            buf[r, pl.ds(j * 16, 16)] = z16
            return c2
        return lax.fori_loop(0, F // 16, zc, c)

    lax.fori_loop(0, rows, zr, 0)


def _segment_sum_sc(h, echunks):
    mesh = plsc.VectorSubcoreMesh(core_axis_name="c", subcore_axis_name="s")

    @functools.partial(
        pl.kernel,
        out_type=jax.ShapeDtypeStruct((NC, N, F), jnp.float32),
        mesh=mesh,
        scratch_types=[
            [pltpu.VMEM((2, K), jnp.int32)] * 4,
            [pltpu.VMEM((K,), jnp.int32)] * 2,
            [pltpu.VMEM((K, F), jnp.float32)] * 4,
            pltpu.VMEM_SHARED((N, F), jnp.float32),
            [pltpu.SemaphoreType.DMA] * 4,
            [pltpu.SemaphoreType.DMA] * 4,
            [pltpu.SemaphoreType.DMA] * 2,
        ],
    )
    def seg_sum(h_hbm, e_hbm, out_hbm, eidx, didx, rows, agg_sh, isem, gsem,
                ssem):
        cid = lax.axis_index("c")
        sub = lax.axis_index("s")
        wid = sub * NC + cid
        cbase = wid * NCHUNK
        rows0 = rows[0]

        _zero_vmem_rows(rows0, DK)

        def zchunk(j, c):
            i = sub + NS * j

            @pl.when(i < ROW_CHUNKS)
            def _():
                pltpu.sync_copy(rows0.at[pl.ds(0, DK)],
                                agg_sh.at[pl.ds(i * DK, DK)])
            return c

        lax.fori_loop(0, (ROW_CHUNKS + NS - 1) // NS, zchunk, 0)
        plsc.subcore_barrier()

        for p in range(4):
            pltpu.async_copy(e_hbm.at[cbase + p], eidx[p], isem[p])
        for p in range(2):
            pltpu.make_async_copy(e_hbm.at[cbase + p], eidx[p], isem[p]).wait()
            pltpu.async_copy(h_hbm.at[eidx[p].at[0]], rows[p], gsem[p])

        def chunk_body(i, s4, s2):
            t4 = (s4 + 2) % 4

            @pl.when(i >= 2)
            def _():
                pltpu.make_async_copy(rows[(s4 + 2) % 4],
                                      agg_sh.at[didx[s2]], ssem[s2]).wait()

            @pl.when(i + 2 < NCHUNK)
            def _():
                pltpu.make_async_copy(e_hbm.at[cbase + i + 2], eidx[t4],
                                      isem[t4]).wait()
                pltpu.async_copy(h_hbm.at[eidx[t4].at[0]], rows[t4], gsem[t4])

            pltpu.make_async_copy(h_hbm.at[eidx[s4].at[0]], rows[s4],
                                  gsem[s4]).wait()

            for j in range(K // 16):
                didx[s2][pl.ds(j * 16, 16)] = eidx[s4][1, pl.ds(j * 16, 16)]
            pltpu.async_copy(rows[s4], agg_sh.at[didx[s2]], ssem[s2],
                             add=True)

            @pl.when(i + 4 < NCHUNK)
            def _():
                pltpu.async_copy(e_hbm.at[cbase + i + 4], eidx[s4], isem[s4])

        def four_chunks(j, c):
            i0 = 4 * j
            chunk_body(i0, 0, 0)
            for b in range(1, 4):
                @pl.when(i0 + b < NCHUNK)
                def _(b=b):
                    chunk_body(i0 + b, b % 4, b % 2)
            return c

        lax.fori_loop(0, (NCHUNK + 3) // 4, four_chunks, 0)
        pltpu.make_async_copy(rows[(NCHUNK - 2) % 4],
                              agg_sh.at[didx[(NCHUNK - 2) % 2]],
                              ssem[(NCHUNK - 2) % 2]).wait()
        pltpu.make_async_copy(rows[(NCHUNK - 1) % 4],
                              agg_sh.at[didx[(NCHUNK - 1) % 2]],
                              ssem[(NCHUNK - 1) % 2]).wait()
        plsc.subcore_barrier()

        def dchunk(j, c):
            i = sub + NS * j

            @pl.when(i < ROW_CHUNKS)
            def _():
                pltpu.sync_copy(agg_sh.at[pl.ds(i * DK, DK)],
                                rows0.at[pl.ds(0, DK)])
                pltpu.sync_copy(rows0.at[pl.ds(0, DK)],
                                out_hbm.at[cid].at[pl.ds(i * DK, DK)])
            return c

        lax.fori_loop(0, (ROW_CHUNKS + NS - 1) // NS, dchunk, 0)

    return seg_sum(h, echunks)


def _fill_vmem_rows(buf, rows, value):
    v16 = jnp.full((16,), value, jnp.float32)

    def zr(r, c):
        def zc(j, c2):
            buf[r, pl.ds(j * 16, 16)] = v16
            return c2
        return lax.fori_loop(0, F // 16, zc, c)

    lax.fori_loop(0, rows, zr, 0)


def _pool_sc(h, batch2d):
    mesh = plsc.VectorSubcoreMesh(core_axis_name="c", subcore_axis_name="s")

    @functools.partial(
        pl.kernel,
        out_type=(
            jax.ShapeDtypeStruct((NC, G, F), jnp.float32),
            jax.ShapeDtypeStruct((NC, G, F), jnp.float32),
        ),
        mesh=mesh,
        scratch_types=[
            pltpu.VMEM((1, DK), jnp.int32),
            pltpu.VMEM((DK,), jnp.int32),
            pltpu.VMEM((DK, F), jnp.float32),
            pltpu.VMEM((DK, F), jnp.float32),
            pltpu.VMEM_SHARED((G, F), jnp.float32),
            pltpu.VMEM_SHARED((G, F), jnp.float32),
        ],
    )
    def pool(h_hbm, b_hbm, pool_hbm, cnt_hbm, bidx, bidx1d, rows, ones_r,
             pool_sh, cnt_sh):
        cid = lax.axis_index("c")
        sub = lax.axis_index("s")
        wid = sub * NC + cid

        _zero_vmem_rows(rows, DK)
        _fill_vmem_rows(ones_r, DK, 1.0)

        @pl.when(sub < 8)
        def _():
            pltpu.sync_copy(rows.at[pl.ds(0, 64)], pool_sh.at[pl.ds(sub * 64, 64)])

        @pl.when(sub >= 8)
        def _():
            pltpu.sync_copy(rows.at[pl.ds(0, 64)],
                            cnt_sh.at[pl.ds((sub - 8) * 64, 64)])

        plsc.subcore_barrier()

        def kchunk(j, c):
            i = wid + NW * j

            @pl.when(i < ROW_CHUNKS)
            def _():
                pltpu.sync_copy(h_hbm.at[pl.ds(i * DK, DK)], rows)
                pltpu.sync_copy(b_hbm.at[i], bidx)
                for j in range(DK // 16):
                    bidx1d[pl.ds(j * 16, 16)] = bidx[0, pl.ds(j * 16, 16)]
                pltpu.sync_copy(rows, pool_sh.at[bidx1d], add=True)
                pltpu.sync_copy(ones_r, cnt_sh.at[bidx1d], add=True)
            return c

        lax.fori_loop(0, (ROW_CHUNKS + NW - 1) // NW, kchunk, 0)
        plsc.subcore_barrier()

        @pl.when(sub < 8)
        def _():
            pltpu.sync_copy(pool_sh.at[pl.ds(sub * 64, 64)], rows.at[pl.ds(0, 64)])
            pltpu.sync_copy(rows.at[pl.ds(0, 64)],
                            pool_hbm.at[cid].at[pl.ds(sub * 64, 64)])

        @pl.when(sub >= 8)
        def _():
            pltpu.sync_copy(cnt_sh.at[pl.ds((sub - 8) * 64, 64)],
                            rows.at[pl.ds(0, 64)])
            pltpu.sync_copy(rows.at[pl.ds(0, 64)],
                            cnt_hbm.at[cid].at[pl.ds((sub - 8) * 64, 64)])

    return pool(h, batch2d)


def _gin_mlp_tc(h, p0, p1, W1, b1, W2, b2):
    BLK = 400
    grid = (N // BLK,)

    def body(h_ref, p0_ref, p1_ref, w1_ref, b1_ref, w2_ref, b2_ref, o_ref):
        hh = h_ref[...] + p0_ref[...] + p1_ref[...]
        z = jnp.dot(hh, w1_ref[...], preferred_element_type=jnp.float32)
        z = jnp.maximum(z + b1_ref[...], 0.0)
        o = jnp.dot(z, w2_ref[...], preferred_element_type=jnp.float32)
        o_ref[...] = jnp.maximum(o + b2_ref[...], 0.0)

    return pl.pallas_call(
        body,
        grid=grid,
        in_specs=[
            pl.BlockSpec((BLK, F), lambda i: (i, 0)),
            pl.BlockSpec((BLK, F), lambda i: (i, 0)),
            pl.BlockSpec((BLK, F), lambda i: (i, 0)),
            pl.BlockSpec((F, F), lambda i: (0, 0)),
            pl.BlockSpec((1, F), lambda i: (0, 0)),
            pl.BlockSpec((F, F), lambda i: (0, 0)),
            pl.BlockSpec((1, F), lambda i: (0, 0)),
        ],
        out_specs=pl.BlockSpec((BLK, F), lambda i: (i, 0)),
        out_shape=jax.ShapeDtypeStruct((N, F), jnp.float32),
    )(h, p0, p1, W1, b1.reshape(1, F), W2, b2.reshape(1, F))


def _head_tc(p0, p1, c0, c1, W1, b1, W2, b2):
    C = b2.shape[0]

    def body(p0_ref, p1_ref, c0_ref, c1_ref, w1_ref, b1_ref, w2_ref, b2_ref,
             o_ref):
        cnt = jnp.maximum(c0_ref[...] + c1_ref[...], 1.0)
        hg = (p0_ref[...] + p1_ref[...]) / cnt
        z = jnp.dot(hg, w1_ref[...], preferred_element_type=jnp.float32)
        z = jnp.maximum(z + b1_ref[...], 0.0)
        o_ref[...] = (jnp.dot(z, w2_ref[...], preferred_element_type=jnp.float32)
                      + b2_ref[...])

    return pl.pallas_call(
        body,
        out_shape=jax.ShapeDtypeStruct((G, C), jnp.float32),
    )(p0, p1, c0, c1, W1, b1.reshape(1, F), W2, b2.reshape(1, C))


def kernel(x, edge_index, batch,
           gnn0_W1, gnn0_b1, gnn0_W2, gnn0_b2,
           gnn1_W1, gnn1_b1, gnn1_W2, gnn1_b2,
           gnn2_W1, gnn2_b1, gnn2_W2, gnn2_b2,
           gnn3_W1, gnn3_b1, gnn3_W2, gnn3_b2,
           mlp_W1, mlp_b1, mlp_W2, mlp_b2):
    echunks = (edge_index.reshape(2, NW, NCHUNK, K)
               .transpose(1, 2, 0, 3)
               .reshape(NW * NCHUNK, 2, K))
    layers = [
        (gnn0_W1, gnn0_b1, gnn0_W2, gnn0_b2),
        (gnn1_W1, gnn1_b1, gnn1_W2, gnn1_b2),
        (gnn2_W1, gnn2_b1, gnn2_W2, gnn2_b2),
        (gnn3_W1, gnn3_b1, gnn3_W2, gnn3_b2),
    ]
    h = x
    for (W1, b1, W2, b2) in layers:
        parts = _segment_sum_sc(h, echunks)
        h = _gin_mlp_tc(h, parts[0], parts[1], W1, b1, W2, b2)
    pool_parts, cnt_parts = _pool_sc(h, batch.reshape(ROW_CHUNKS, 1, DK))
    return _head_tc(pool_parts[0], pool_parts[1], cnt_parts[0], cnt_parts[1],
                    mlp_W1, mlp_b1, mlp_W2, mlp_b2)

# --- scband reference (transcript-rebuilt; emitter-appended) ---
"""Pipeline reference for scband-zinc-gin-40372692582905 (READ-ONLY COPY).

The authoritative reference and input builder live on the scoring server;
editing this copy changes nothing except your own understanding.
"""

import jax, jax.numpy as jnp
import numpy as np

N = 10000
E = 320000
F = 128
H = 128
G = 512
C = 1
L = 4


def setup_inputs(seed: int = 0) -> dict:
    key = jax.random.key(seed)
    ks = jax.random.split(key, 16)
    inp = {}
    inp["x"] = jax.random.normal(ks[0], (N, F), dtype=jnp.float32)
    inp["edge_index"] = jax.random.randint(ks[1], (2, E), 0, N, dtype=jnp.int32)
    inp["batch"] = jnp.sort(jax.random.randint(ks[2], (N,), 0, G, dtype=jnp.int32))
    dims = [F] + [H] * L
    ki = 3
    for l in range(L):
        din, dout = dims[l], dims[l + 1]
        inp[f"gnn{l}_W1"] = jax.random.normal(ks[ki], (din, H), dtype=jnp.float32) * (1.0 / np.sqrt(din)); ki += 1
        inp[f"gnn{l}_b1"] = jnp.zeros((H,), dtype=jnp.float32)
        inp[f"gnn{l}_W2"] = jax.random.normal(ks[ki], (H, dout), dtype=jnp.float32) * (1.0 / np.sqrt(H)); ki += 1
        inp[f"gnn{l}_b2"] = jnp.zeros((dout,), dtype=jnp.float32)
    inp["mlp_W1"] = jax.random.normal(ks[ki], (H, H), dtype=jnp.float32) * (1.0 / np.sqrt(H)); ki += 1
    inp["mlp_b1"] = jnp.zeros((H,), dtype=jnp.float32)
    inp["mlp_W2"] = jax.random.normal(ks[ki], (H, C), dtype=jnp.float32) * (1.0 / np.sqrt(H)); ki += 1
    inp["mlp_b2"] = jnp.zeros((C,), dtype=jnp.float32)
    return inp


def reference(x, edge_index, batch,
              gnn0_W1, gnn0_b1, gnn0_W2, gnn0_b2,
              gnn1_W1, gnn1_b1, gnn1_W2, gnn1_b2,
              gnn2_W1, gnn2_b1, gnn2_W2, gnn2_b2,
              gnn3_W1, gnn3_b1, gnn3_W2, gnn3_b2,
              mlp_W1, mlp_b1, mlp_W2, mlp_b2):
    src = edge_index[0]
    dst = edge_index[1]
    layers = [
        (gnn0_W1, gnn0_b1, gnn0_W2, gnn0_b2),
        (gnn1_W1, gnn1_b1, gnn1_W2, gnn1_b2),
        (gnn2_W1, gnn2_b1, gnn2_W2, gnn2_b2),
        (gnn3_W1, gnn3_b1, gnn3_W2, gnn3_b2),
    ]
    h = x
    for (W1, b1, W2, b2) in layers:
        # GINConv (eps=0): (1+eps)*h_i + sum_{j->i} h_j, then 2-layer MLP + ReLU
        msg = jnp.take(h, src, axis=0)
        agg = jax.ops.segment_sum(msg, dst, num_segments=N)
        h = h + agg
        h = jnp.maximum(h @ W1 + b1, 0.0)
        h = h @ W2 + b2
        h = jnp.maximum(h, 0.0)
    # global mean pool over graphs
    ones = jnp.ones((N,), dtype=jnp.float32)
    cnt = jax.ops.segment_sum(ones, batch, num_segments=G)
    hg = jax.ops.segment_sum(h, batch, num_segments=G) / jnp.clip(cnt, 1.0)[:, None]
    # mlp1: [hidden, hidden, num_classes]
    hg = jnp.maximum(hg @ mlp_W1 + mlp_b1, 0.0)
    out = hg @ mlp_W2 + mlp_b2
    return out

if __name__ == "__main__":
    import jax
    _d = setup_inputs()
    print(jax.jit(kernel)(*tuple(_d.values())))

</pallas_src>

<mosaic_0001>
#map = affine_map<(d0, d1) -> (0, 0)>
#map1 = affine_map<(d0, d1) -> (0, 0, 0)>
module attributes {stable_mosaic.version = 14 : i64} {
  func.func @seg_sum(%arg0: i32, %arg1: i32, %arg2: memref<10000x128xf32, #tpu.memory_space<hbm>>, %arg3: memref<4000x2x80xi32, #tpu.memory_space<hbm>>, %arg4: memref<2x10000x128xf32, #tpu.memory_space<hbm>>, %arg5: memref<2x80xi32, #tpu.memory_space<vmem>>, %arg6: memref<2x80xi32, #tpu.memory_space<vmem>>, %arg7: memref<2x80xi32, #tpu.memory_space<vmem>>, %arg8: memref<2x80xi32, #tpu.memory_space<vmem>>, %arg9: memref<80xi32, #tpu.memory_space<vmem>>, %arg10: memref<80xi32, #tpu.memory_space<vmem>>, %arg11: memref<80x128xf32, #tpu.memory_space<vmem>>, %arg12: memref<80x128xf32, #tpu.memory_space<vmem>>, %arg13: memref<80x128xf32, #tpu.memory_space<vmem>>, %arg14: memref<80x128xf32, #tpu.memory_space<vmem>>, %arg15: memref<10000x128xf32, #tpu.memory_space<vmem_shared>>, %arg16: memref<!tpu.dma_semaphore, #tpu.memory_space<semaphore_mem>>, %arg17: memref<!tpu.dma_semaphore, #tpu.memory_space<semaphore_mem>>, %arg18: memref<!tpu.dma_semaphore, #tpu.memory_space<semaphore_mem>>, %arg19: memref<!tpu.dma_semaphore, #tpu.memory_space<semaphore_mem>>, %arg20: memref<!tpu.dma_semaphore, #tpu.memory_space<semaphore_mem>>, %arg21: memref<!tpu.dma_semaphore, #tpu.memory_space<semaphore_mem>>, %arg22: memref<!tpu.dma_semaphore, #tpu.memory_space<semaphore_mem>>, %arg23: memref<!tpu.dma_semaphore, #tpu.memory_space<semaphore_mem>>, %arg24: memref<!tpu.dma_semaphore, #tpu.memory_space<semaphore_mem>>, %arg25: memref<!tpu.dma_semaphore, #tpu.memory_space<semaphore_mem>>) attributes {dimension_semantics = [#tpu.dimension_semantics<core_parallel>, #tpu.dimension_semantics<subcore_parallel>], iteration_bounds = array<i64: 2, 16>, scalar_prefetch = 0 : i64, scratch_operands = 21 : i64, tpu.core_type = #tpu.core_type<sc_vector_subcore>, window_params = [{transform_indices = #map}, {transform_indices = #map1}, {transform_indices = #map1}]} {
    %mul3A = arith.constant 2 : i32
    %mul3A_0 = arith.muli %arg1, %mul3A : i32
    %add3A = arith.addi %mul3A_0, %arg0 : i32
    %mul3A_1 = arith.constant 125 : i32
    %mul3A_2 = arith.muli %add3A, %mul3A_1 : i32
    %broadcast_in_dim3A = arith.constant 0.000000e+00 : f32
    %broadcast_in_dim3A_3 = vector.broadcast %broadcast_in_dim3A : f32 to vector<16xf32>
    %scan3A = arith.constant 0 : i32
    %scan3A_4 = arith.constant 0 : i32
    %scan3A_5 = arith.constant 80 : i32
    %scan3A_6 = arith.addi %scan3A_4, %scan3A_5 : i32
    %scan3A_7 = arith.constant 1 : i32
    scf.for %scan3A_106 = %scan3A_4 to %scan3A_6 step %scan3A_7  : i32 {
      %scan3A_107 = arith.constant 0 : i32
      %scan3A_108 = arith.constant 8 : i32
      %scan3A_109 = arith.addi %scan3A_107, %scan3A_108 : i32
      %scan3A_110 = arith.constant 1 : i32
      scf.for %scan3A_112 = %scan3A_107 to %scan3A_109 step %scan3A_110  : i32 {
        %mul3A_113 = arith.constant 16 : i32
        %mul3A_114 = arith.muli %scan3A_112, %mul3A_113 : i32
        %swap3A = arith.index_cast %scan3A_106 : i32 to index
        %swap3A_115 = arith.index_cast %mul3A_114 : i32 to index
        %swap3A_116 = tpu.vector_load %arg11[%swap3A, %swap3A_115] {strides = array<i32>} : memref<80x128xf32, #tpu.memory_space<vmem>>, vector<1x16xf32>,
        %swap3A_117 = vector.shape_cast %swap3A_116 : vector<1x16xf32> to vector<16xf32>
        %swap3A_118 = vector.shape_cast %broadcast_in_dim3A_3 : vector<16xf32> to vector<1x16xf32>
        tpu.vector_store %arg11[%swap3A, %swap3A_115], %swap3A_118 {strides = array<i32>} : memref<80x128xf32, #tpu.memory_space<vmem>>, vector<1x16xf32>,
      }
      %scan3A_111 = arith.constant 8 : i32
    }
    %scan3A_8 = arith.constant 80 : i32
    %scan3A_9 = arith.constant 0 : i32
    %scan3A_10 = arith.constant 0 : i32
    %scan3A_11 = arith.constant 8 : i32
    %scan3A_12 = arith.addi %scan3A_10, %scan3A_11 : i32
    %scan3A_13 = arith.constant 1 : i32
    scf.for %scan3A_106 = %scan3A_10 to %scan3A_12 step %scan3A_13  : i32 {
      %mul3A_107 = arith.constant 16 : i32
      %mul3A_108 = arith.muli %mul3A_107, %scan3A_106 : i32
      %add3A_109 = arith.addi %arg1, %mul3A_108 : i32
      %lt3A = arith.constant 125 : i32
      %lt3A_110 = arith.cmpi slt, %add3A_109, %lt3A : i32
      %convert_element_type3A = arith.extui %lt3A_110 : i1 to i32
      %cond3A = arith.constant 0 : i32
      %cond3A_111 = arith.cmpi ne, %convert_element_type3A, %cond3A : i32
      scf.if %cond3A_111 {
        %mul3A_112 = arith.constant 80 : i32
        %mul3A_113 = arith.muli %add3A_109, %mul3A_112 : i32
        "tpu.region"() ({
          %run_scoped3A = tpu.sem_alloc : memref<!tpu.dma_semaphore, #tpu.memory_space<semaphore_mem>>
          %dma_start3A_114 = arith.constant 0 : i32
          %dma_start3A_115 = arith.constant 0 : i32
          %dma_start3A_116 = tpu.memref_slice %arg11[%dma_start3A_114, %dma_start3A_115] : memref<80x128xf32, #tpu.memory_space<vmem>> -> memref<80x128xf32, #tpu.memory_space<vmem>>
          %dma_start3A_117 = arith.constant 0 : i32
          %dma_start3A_118 = tpu.memref_slice %arg15[%mul3A_113, %dma_start3A_117] : memref<10000x128xf32, #tpu.memory_space<vmem_shared>> -> memref<80x128xf32, #tpu.memory_space<vmem_shared>>
          %dma_start3A_119 = arith.constant 0 : i32
          %dma_start3A_120 = tpu.memref_slice %arg15[%mul3A_113, %dma_start3A_119] : memref<10000x128xf32, #tpu.memory_space<vmem_shared>> -> memref<80x128xf32, #tpu.memory_space<vmem_shared>>
          %dma_start3A_121 = arith.constant 0 : i32
          %dma_start3A_122 = arith.constant 0 : i32
          %dma_start3A_123 = tpu.memref_slice %arg11[%dma_start3A_121, %dma_start3A_122] : memref<80x128xf32, #tpu.memory_space<vmem>> -> memref<80x128xf32, #tpu.memory_space<vmem>>
          tpu.enqueue_dma source(%dma_start3A_123 : memref<80x128xf32, #tpu.memory_space<vmem>>) target(%dma_start3A_120 : memref<80x128xf32, #tpu.memory_space<vmem_shared>>) target_semaphore(%run_scoped3A : memref<!tpu.dma_semaphore, #tpu.memory_space<semaphore_mem>>)
          %dma_wait3A_124 = arith.constant 0 : i32
          %dma_wait3A_125 = arith.constant 0 : i32
          %dma_wait3A_126 = tpu.memref_slice %arg11[%dma_wait3A_124, %dma_wait3A_125] : memref<80x128xf32, #tpu.memory_space<vmem>> -> memref<80x128xf32, #tpu.memory_space<vmem>>
          %dma_wait3A_127 = arith.constant 0 : i32
          %dma_wait3A_128 = tpu.memref_slice %arg15[%mul3A_113, %dma_wait3A_127] : memref<10000x128xf32, #tpu.memory_space<vmem_shared>> -> memref<80x128xf32, #tpu.memory_space<vmem_shared>>
          %dma_wait3A_129 = arith.constant 0 : i32
          %dma_wait3A_130 = tpu.memref_slice %arg15[%mul3A_113, %dma_wait3A_129] : memref<10000x128xf32, #tpu.memory_space<vmem_shared>> -> memref<80x128xf32, #tpu.memory_space<vmem_shared>>
          %dma_wait3A_131 = arith.constant 0 : i32
          %dma_wait3A_132 = arith.constant 0 : i32
          %dma_wait3A_133 = tpu.memref_slice %arg11[%dma_wait3A_131, %dma_wait3A_132] : memref<80x128xf32, #tpu.memory_space<vmem>> -> memref<80x128xf32, #tpu.memory_space<vmem>>
          tpu.wait_dma2 semaphore(%run_scoped3A : memref<!tpu.dma_semaphore, #tpu.memory_space<semaphore_mem>>) src(%dma_wait3A_133 : memref<80x128xf32, #tpu.memory_space<vmem>>) dst(%dma_wait3A_130 : memref<80x128xf32, #tpu.memory_space<vmem_shared>>)
          tpu.yield
        }) : () -> ()
      } else {
      }
    }
    %scan3A_14 = arith.constant 8 : i32
    %barrier3A = arith.constant 0 : index
    tpu.barrier barrier_id(%barrier3A)
    %add3A_15 = arith.constant 0 : i32
    %add3A_16 = arith.addi %mul3A_2, %add3A_15 : i32
    %dma_start3A = arith.constant 0 : i32
    %dma_start3A_17 = arith.constant 0 : i32
    %dma_start3A_18 = tpu.memref_slice %arg3[%add3A_16, %dma_start3A, %dma_start3A_17] : memref<4000x2x80xi32, #tpu.memory_space<hbm>> -> memref<1x2x80xi32, #tpu.memory_space<hbm>>
    %dma_start3A_19 = tpu.memref_squeeze %dma_start3A_18 : memref<1x2x80xi32, #tpu.memory_space<hbm>> -> memref<2x80xi32, #tpu.memory_space<hbm>>
    %dma_start3A_20 = arith.constant 0 : i32
    %dma_start3A_21 = arith.constant 0 : i32
    %dma_start3A_22 = tpu.memref_slice %arg3[%add3A_16, %dma_start3A_20, %dma_start3A_21] : memref<4000x2x80xi32, #tpu.memory_space<hbm>> -> memref<1x2x80xi32, #tpu.memory_space<hbm>>
    %dma_start3A_23 = tpu.memref_squeeze %dma_start3A_22 : memref<1x2x80xi32, #tpu.memory_space<hbm>> -> memref<2x80xi32, #tpu.memory_space<hbm>>
    tpu.enqueue_dma source(%dma_start3A_23 : memref<2x80xi32, #tpu.memory_space<hbm>>) target(%arg5 : memref<2x80xi32, #tpu.memory_space<vmem>>) target_semaphore(%arg16 : memref<!tpu.dma_semaphore, #tpu.memory_space<semaphore_mem>>)
    %add3A_24 = arith.constant 1 : i32
    %add3A_25 = arith.addi %mul3A_2, %add3A_24 : i32
    %dma_start3A_26 = arith.constant 0 : i32
    %dma_start3A_27 = arith.constant 0 : i32
    %dma_start3A_28 = tpu.memref_slice %arg3[%add3A_25, %dma_start3A_26, %dma_start3A_27] : memref<4000x2x80xi32, #tpu.memory_space<hbm>> -> memref<1x2x80xi32, #tpu.memory_space<hbm>>
    %dma_start3A_29 = tpu.memref_squeeze %dma_start3A_28 : memref<1x2x80xi32, #tpu.memory_space<hbm>> -> memref<2x80xi32, #tpu.memory_space<hbm>>
    %dma_start3A_30 = arith.constant 0 : i32
    %dma_start3A_31 = arith.constant 0 : i32
    %dma_start3A_32 = tpu.memref_slice %arg3[%add3A_25, %dma_start3A_30, %dma_start3A_31] : memref<4000x2x80xi32, #tpu.memory_space<hbm>> -> memref<1x2x80xi32, #tpu.memory_space<hbm>>
    %dma_start3A_33 = tpu.memref_squeeze %dma_start3A_32 : memref<1x2x80xi32, #tpu.memory_space<hbm>> -> memref<2x80xi32, #tpu.memory_space<hbm>>
    tpu.enqueue_dma source(%dma_start3A_33 : memref<2x80xi32, #tpu.memory_space<hbm>>) target(%arg6 : memref<2x80xi32, #tpu.memory_space<vmem>>) target_semaphore(%arg17 : memref<!tpu.dma_semaphore, #tpu.memory_space<semaphore_mem>>)
    %add3A_34 = arith.constant 2 : i32
    %add3A_35 = arith.addi %mul3A_2, %add3A_34 : i32
    %dma_start3A_36 = arith.constant 0 : i32
    %dma_start3A_37 = arith.constant 0 : i32
    %dma_start3A_38 = tpu.memref_slice %arg3[%add3A_35, %dma_start3A_36, %dma_start3A_37] : memref<4000x2x80xi32, #tpu.memory_space<hbm>> -> memref<1x2x80xi32, #tpu.memory_space<hbm>>
    %dma_start3A_39 = tpu.memref_squeeze %dma_start3A_38 : memref<1x2x80xi32, #tpu.memory_space<hbm>> -> memref<2x80xi32, #tpu.memory_space<hbm>>
    %dma_start3A_40 = arith.constant 0 : i32
    %dma_start3A_41 = arith.constant 0 : i32
    %dma_start3A_42 = tpu.memref_slice %arg3[%add3A_35, %dma_start3A_40, %dma_start3A_41] : memref<4000x2x80xi32, #tpu.memory_space<hbm>> -> memref<1x2x80xi32, #tpu.memory_space<hbm>>
    %dma_start3A_43 = tpu.memref_squeeze %dma_start3A_42 : memref<1x2x80xi32, #tpu.memory_space<hbm>> -> memref<2x80xi32, #tpu.memory_space<hbm>>
    tpu.enqueue_dma source(%dma_start3A_43 : memref<2x80xi32, #tpu.memory_space<hbm>>) target(%arg7 : memref<2x80xi32, #tpu.memory_space<vmem>>) target_semaphore(%arg18 : memref<!tpu.dma_semaphore, #tpu.memory_space<semaphore_mem>>)
    %add3A_44 = arith.constant 3 : i32
    %add3A_45 = arith.addi %mul3A_2, %add3A_44 : i32
    %dma_start3A_46 = arith.constant 0 : i32
    %dma_start3A_47 = arith.constant 0 : i32
    %dma_start3A_48 = tpu.memref_slice %arg3[%add3A_45, %dma_start3A_46, %dma_start3A_47] : memref<4000x2x80xi32, #tpu.memory_space<hbm>> -> memref<1x2x80xi32, #tpu.memory_space<hbm>>
    %dma_start3A_49 = tpu.memref_squeeze %dma_start3A_48 : memref<1x2x80xi32, #tpu.memory_space<hbm>> -> memref<2x80xi32, #tpu.memory_space<hbm>>
    %dma_start3A_50 = arith.constant 0 : i32
    %dma_start3A_51 = arith.constant 0 : i32
    %dma_start3A_52 = tpu.memref_slice %arg3[%add3A_45, %dma_start3A_50, %dma_start3A_51] : memref<4000x2x80xi32, #tpu.memory_space<hbm>> -> memref<1x2x80xi32, #tpu.memory_space<hbm>>
    %dma_start3A_53 = tpu.memref_squeeze %dma_start3A_52 : memref<1x2x80xi32, #tpu.memory_space<hbm>> -> memref<2x80xi32, #tpu.memory_space<hbm>>
    tpu.enqueue_dma source(%dma_start3A_53 : memref<2x80xi32, #tpu.memory_space<hbm>>) target(%arg8 : memref<2x80xi32, #tpu.memory_space<vmem>>) target_semaphore(%arg19 : memref<!tpu.dma_semaphore, #tpu.memory_space<semaphore_mem>>)
    %add3A_54 = arith.constant 0 : i32
    %add3A_55 = arith.addi %mul3A_2, %add3A_54 : i32
    %dma_wait3A = arith.constant 0 : i32
    %dma_wait3A_56 = arith.constant 0 : i32
    %dma_wait3A_57 = tpu.memref_slice %arg3[%add3A_55, %dma_wait3A, %dma_wait3A_56] : memref<4000x2x80xi32, #tpu.memory_space<hbm>> -> memref<1x2x80xi32, #tpu.memory_space<hbm>>
    %dma_wait3A_58 = tpu.memref_squeeze %dma_wait3A_57 : memref<1x2x80xi32, #tpu.memory_space<hbm>> -> memref<2x80xi32, #tpu.memory_space<hbm>>
    %dma_wait3A_59 = arith.constant 0 : i32
    %dma_wait3A_60 = arith.constant 0 : i32
    %dma_wait3A_61 = tpu.memref_slice %arg3[%add3A_55, %dma_wait3A_59, %dma_wait3A_60] : memref<4000x2x80xi32, #tpu.memory_space<hbm>> -> memref<1x2x80xi32, #tpu.memory_space<hbm>>
    %dma_wait3A_62 = tpu.memref_squeeze %dma_wait3A_61 : memref<1x2x80xi32, #tpu.memory_space<hbm>> -> memref<2x80xi32, #tpu.memory_space<hbm>>
    tpu.wait_dma2 semaphore(%arg16 : memref<!tpu.dma_semaphore, #tpu.memory_space<semaphore_mem>>) src(%dma_wait3A_62 : memref<2x80xi32, #tpu.memory_space<hbm>>) dst(%arg5 : memref<2x80xi32, #tpu.memory_space<vmem>>)
    %dma_start3A_63 = arith.constant 0 : i32
    %dma_start3A_64 = arith.constant 0 : i32
    %dma_start3A_65 = tpu.memref_slice %arg5[%dma_start3A_63, %dma_start3A_64] : memref<2x80xi32, #tpu.memory_space<vmem>> -> memref<1x80xi32, #tpu.memory_space<vmem>>
    %dma_start3A_66 = tpu.memref_squeeze %dma_start3A_65 : memref<1x80xi32, #tpu.memory_space<vmem>> -> memref<80xi32, #tpu.memory_space<vmem>>
    %dma_start3A_67 = arith.constant 0 : i32
    %dma_start3A_68 = arith.constant 0 : i32
    %dma_start3A_69 = tpu.memref_slice %arg2[%dma_start3A_67, %dma_start3A_68] : memref<10000x128xf32, #tpu.memory_space<hbm>> -> memref<10000x128xf32, #tpu.memory_space<hbm>>
    tpu.enqueue_indirect_dma source(%dma_start3A_69 : memref<10000x128xf32, #tpu.memory_space<hbm>>) target(%arg11 : memref<80x128xf32, #tpu.memory_space<vmem>>) offsets(%dma_start3A_66 : memref<80xi32, #tpu.memory_space<vmem>>) semaphore(%arg20 : memref<!tpu.dma_semaphore, #tpu.memory_space<semaphore_mem>>)
    %add3A_70 = arith.constant 1 : i32
    %add3A_71 = arith.addi %mul3A_2, %add3A_70 : i32
    %dma_wait3A_72 = arith.constant 0 : i32
    %dma_wait3A_73 = arith.constant 0 : i32
    %dma_wait3A_74 = tpu.memref_slice %arg3[%add3A_71, %dma_wait3A_72, %dma_wait3A_73] : memref<4000x2x80xi32, #tpu.memory_space<hbm>> -> memref<1x2x80xi32, #tpu.memory_space<hbm>>
    %dma_wait3A_75 = tpu.memref_squeeze %dma_wait3A_74 : memref<1x2x80xi32, #tpu.memory_space<hbm>> -> memref<2x80xi32, #tpu.memory_space<hbm>>
    %dma_wait3A_76 = arith.constant 0 : i32
    %dma_wait3A_77 = arith.constant 0 : i32
    %dma_wait3A_78 = tpu.memref_slice %arg3[%add3A_71, %dma_wait3A_76, %dma_wait3A_77] : memref<4000x2x80xi32, #tpu.memory_space<hbm>> -> memref<1x2x80xi32, #tpu.memory_space<hbm>>
    %dma_wait3A_79 = tpu.memref_squeeze %dma_wait3A_78 : memref<1x2x80xi32, #tpu.memory_space<hbm>> -> memref<2x80xi32, #tpu.memory_space<hbm>>
    tpu.wait_dma2 semaphore(%arg17 : memref<!tpu.dma_semaphore, #tpu.memory_space<semaphore_mem>>) src(%dma_wait3A_79 : memref<2x80xi32, #tpu.memory_space<hbm>>) dst(%arg6 : memref<2x80xi32, #tpu.memory_space<vmem>>)
    %dma_start3A_80 = arith.constant 0 : i32
    %dma_start3A_81 = arith.constant 0 : i32
    %dma_start3A_82 = tpu.memref_slice %arg6[%dma_start3A_80, %dma_start3A_81] : memref<2x80xi32, #tpu.memory_space<vmem>> -> memref<1x80xi32, #tpu.memory_space<vmem>>
    %dma_start3A_83 = tpu.memref_squeeze %dma_start3A_82 : memref<1x80xi32, #tpu.memory_space<vmem>> -> memref<80xi32, #tpu.memory_space<vmem>>
    %dma_start3A_84 = arith.constant 0 : i32
    %dma_start3A_85 = arith.constant 0 : i32
    %dma_start3A_86 = tpu.memref_slice %arg2[%dma_start3A_84, %dma_start3A_85] : memref<10000x128xf32, #tpu.memory_space<hbm>> -> memref<10000x128xf32, #tpu.memory_space<hbm>>
    tpu.enqueue_indirect_dma source(%dma_start3A_86 : memref<10000x128xf32, #tpu.memory_space<hbm>>) target(%arg12 : memref<80x128xf32, #tpu.memory_space<vmem>>) offsets(%dma_start3A_83 : memref<80xi32, #tpu.memory_space<vmem>>) semaphore(%arg21 : memref<!tpu.dma_semaphore, #tpu.memory_space<semaphore_mem>>)
    %scan3A_87 = arith.constant 0 : i32
    %scan3A_88 = arith.constant 0 : i32
    %scan3A_89 = arith.constant 32 : i32
    %scan3A_90 = arith.addi %scan3A_88, %scan3A_89 : i32
    %scan3A_91 = arith.constant 1 : i32
    scf.for %scan3A_106 = %scan3A_88 to %scan3A_90 step %scan3A_91  : i32 {
      %mul3A_107 = arith.constant 4 : i32
      %mul3A_108 = arith.muli %mul3A_107, %scan3A_106 : i32
      %ge3A = arith.constant 2 : i32
      %ge3A_109 = arith.cmpi sge, %mul3A_108, %ge3A : i32
      %convert_element_type3A = arith.extui %ge3A_109 : i1 to i32
      %cond3A = arith.constant 0 : i32
      %cond3A_110 = arith.cmpi ne, %convert_element_type3A, %cond3A : i32
      scf.if %cond3A_110 {
        %dma_wait3A_198 = arith.constant 0 : i32
        %dma_wait3A_199 = arith.constant 0 : i32
        %dma_wait3A_200 = tpu.memref_slice %arg15[%dma_wait3A_198, %dma_wait3A_199] : memref<10000x128xf32, #tpu.memory_space<vmem_shared>> -> memref<10000x128xf32, #tpu.memory_space<vmem_shared>>
        tpu.wait_indirect_dma semaphore(%arg24 : memref<!tpu.dma_semaphore, #tpu.memory_space<semaphore_mem>>) src(%arg13 : memref<80x128xf32, #tpu.memory_space<vmem>>) dst(%dma_wait3A_200 : memref<10000x128xf32, #tpu.memory_space<vmem_shared>>)
      } else {
      }
      %add3A_111 = arith.constant 2 : i32
      %add3A_112 = arith.addi %mul3A_108, %add3A_111 : i32
      %lt3A = arith.constant 125 : i32
      %lt3A_113 = arith.cmpi slt, %add3A_112, %lt3A : i32
      %convert_element_type3A_114 = arith.extui %lt3A_113 : i1 to i32
      %cond3A_115 = arith.constant 0 : i32
      %cond3A_116 = arith.cmpi ne, %convert_element_type3A_114, %cond3A_115 : i32
      scf.if %cond3A_116 {
        %add3A_198 = arith.addi %mul3A_2, %mul3A_108 : i32
        %add3A_199 = arith.constant 2 : i32
        %add3A_200 = arith.addi %add3A_198, %add3A_199 : i32
        %dma_wait3A_201 = arith.constant 0 : i32
        %dma_wait3A_202 = arith.constant 0 : i32
        %dma_wait3A_203 = tpu.memref_slice %arg3[%add3A_200, %dma_wait3A_201, %dma_wait3A_202] : memref<4000x2x80xi32, #tpu.memory_space<hbm>> -> memref<1x2x80xi32, #tpu.memory_space<hbm>>
        %dma_wait3A_204 = tpu.memref_squeeze %dma_wait3A_203 : memref<1x2x80xi32, #tpu.memory_space<hbm>> -> memref<2x80xi32, #tpu.memory_space<hbm>>
        %dma_wait3A_205 = arith.constant 0 : i32
        %dma_wait3A_206 = arith.constant 0 : i32
        %dma_wait3A_207 = tpu.memref_slice %arg3[%add3A_200, %dma_wait3A_205, %dma_wait3A_206] : memref<4000x2x80xi32, #tpu.memory_space<hbm>> -> memref<1x2x80xi32, #tpu.memory_space<hbm>>
        %dma_wait3A_208 = tpu.memref_squeeze %dma_wait3A_207 : memref<1x2x80xi32, #tpu.memory_space<hbm>> -> memref<2x80xi32, #tpu.memory_space<hbm>>
        tpu.wait_dma2 semaphore(%arg18 : memref<!tpu.dma_semaphore, #tpu.memory_space<semaphore_mem>>) src(%dma_wait3A_208 : memref<2x80xi32, #tpu.memory_space<hbm>>) dst(%arg7 : memref<2x80xi32, #tpu.memory_space<vmem>>)
        %dma_start3A_209 = arith.constant 0 : i32
        %dma_start3A_210 = arith.constant 0 : i32
        %dma_start3A_211 = tpu.memref_slice %arg7[%dma_start3A_209, %dma_start3A_210] : memref<2x80xi32, #tpu.memory_space<vmem>> -> memref<1x80xi32, #tpu.memory_space<vmem>>
        %dma_start3A_212 = tpu.memref_squeeze %dma_start3A_211 : memref<1x80xi32, #tpu.memory_space<vmem>> -> memref<80xi32, #tpu.memory_space<vmem>>
        %dma_start3A_213 = arith.constant 0 : i32
        %dma_start3A_214 = arith.constant 0 : i32
        %dma_start3A_215 = tpu.memref_slice %arg2[%dma_start3A_213, %dma_start3A_214] : memref<10000x128xf32, #tpu.memory_space<hbm>> -> memref<10000x128xf32, #tpu.memory_space<hbm>>
        tpu.enqueue_indirect_dma source(%dma_start3A_215 : memref<10000x128xf32, #tpu.memory_space<hbm>>) target(%arg13 : memref<80x128xf32, #tpu.memory_space<vmem>>) offsets(%dma_start3A_212 : memref<80xi32, #tpu.memory_space<vmem>>) semaphore(%arg22 : memref<!tpu.dma_semaphore, #tpu.memory_space<semaphore_mem>>)
      } else {
      }
      %dma_wait3A_117 = arith.constant 0 : i32
      %dma_wait3A_118 = arith.constant 0 : i32
      %dma_wait3A_119 = tpu.memref_slice %arg5[%dma_wait3A_117, %dma_wait3A_118] : memref<2x80xi32, #tpu.memory_space<vmem>> -> memref<1x80xi32, #tpu.memory_space<vmem>>
      %dma_wait3A_120 = tpu.memref_squeeze %dma_wait3A_119 : memref<1x80xi32, #tpu.memory_space<vmem>> -> memref<80xi32, #tpu.memory_space<vmem>>
      %dma_wait3A_121 = arith.constant 0 : i32
      %dma_wait3A_122 = arith.constant 0 : i32
      %dma_wait3A_123 = tpu.memref_slice %arg2[%dma_wait3A_121, %dma_wait3A_122] : memref<10000x128xf32, #tpu.memory_space<hbm>> -> memref<10000x128xf32, #tpu.memory_space<hbm>>
      tpu.wait_indirect_dma semaphore(%arg20 : memref<!tpu.dma_semaphore, #tpu.memory_space<semaphore_mem>>) src(%dma_wait3A_123 : memref<10000x128xf32, #tpu.memory_space<hbm>>) dst(%arg11 : memref<80x128xf32, #tpu.memory_space<vmem>>)
      %get3A = arith.constant 1 : i32
      %get3A_124 = arith.index_cast %get3A : i32 to index
      %get3A_125 = arith.constant 0 : index
      %get3A_126 = tpu.vector_load %arg5[%get3A_124, %get3A_125] {strides = array<i32>} : memref<2x80xi32, #tpu.memory_space<vmem>>, vector<1x16xi32>,
      %get3A_127 = vector.shape_cast %get3A_126 : vector<1x16xi32> to vector<16xi32>
      %swap3A = arith.constant 0 : index
      %swap3A_128 = tpu.vector_load %arg9[%swap3A] {strides = array<i32>} : memref<80xi32, #tpu.memory_space<vmem>>, vector<16xi32>,
      %swap3A_129 = vector.shape_cast %swap3A_128 : vector<16xi32> to vector<16xi32>
      %swap3A_130 = vector.shape_cast %get3A_127 : vector<16xi32> to vector<16xi32>
      tpu.vector_store %arg9[%swap3A], %swap3A_130 {strides = array<i32>} : memref<80xi32, #tpu.memory_space<vmem>>, vector<16xi32>,
      %get3A_131 = arith.constant 1 : i32
      %get3A_132 = arith.index_cast %get3A_131 : i32 to index
      %get3A_133 = arith.constant 16 : index
      %get3A_134 = tpu.vector_load %arg5[%get3A_132, %get3A_133] {strides = array<i32>} : memref<2x80xi32, #tpu.memory_space<vmem>>, vector<1x16xi32>,
      %get3A_135 = vector.shape_cast %get3A_134 : vector<1x16xi32> to vector<16xi32>
      %swap3A_136 = arith.constant 16 : index
      %swap3A_137 = tpu.vector_load %arg9[%swap3A_136] {strides = array<i32>} : memref<80xi32, #tpu.memory_space<vmem>>, vector<16xi32>,
      %swap3A_138 = vector.shape_cast %swap3A_137 : vector<16xi32> to vector<16xi32>
      %swap3A_139 = vector.shape_cast %get3A_135 : vector<16xi32> to vector<16xi32>
      tpu.vector_store %arg9[%swap3A_136], %swap3A_139 {strides = array<i32>} : memref<80xi32, #tpu.memory_space<vmem>>, vector<16xi32>,
      %get3A_140 = arith.constant 1 : i32
      %get3A_141 = arith.index_cast %get3A_140 : i32 to index
      %get3A_142 = arith.constant 32 : index
      %get3A_143 = tpu.vector_load %arg5[%get3A_141, %get3A_142] {strides = array<i32>} : memref<2x80xi32, #tpu.memory_space<vmem>>, vector<1x16xi32>,
      %get3A_144 = vector.shape_cast %get3A_143 : vector<1x16xi32> to vector<16xi32>
      %swap3A_145 = arith.constant 32 : index
      %swap3A_146 = tpu.vector_load %arg9[%swap3A_145] {strides = array<i32>} : memref<80xi32, #tpu.memory_space<vmem>>, vector<16xi32>,
      %swap3A_147 = vector.shape_cast %swap3A_146 : vector<16xi32> to vector<16xi32>
      %swap3A_148 = vector.shape_cast %get3A_144 : vector<16xi32> to vector<16xi32>
      tpu.vector_store %arg9[%swap3A_145], %swap3A_148 {strides = array<i32>} : memref<80xi32, #tpu.memory_space<vmem>>, vector<16xi32>,
      %get3A_149 = arith.constant 1 : i32
      %get3A_150 = arith.index_cast %get3A_149 : i32 to index
      %get3A_151 = arith.constant 48 : index
      %get3A_152 = tpu.vector_load %arg5[%get3A_150, %get3A_151] {strides = array<i32>} : memref<2x80xi32, #tpu.memory_space<vmem>>, vector<1x16xi32>,
      %get3A_153 = vector.shape_cast %get3A_152 : vector<1x16xi32> to vector<16xi32>
      %swap3A_154 = arith.constant 48 : index
      %swap3A_155 = tpu.vector_load %arg9[%swap3A_154] {strides = array<i32>} : memref<80xi32, #tpu.memory_space<vmem>>, vector<16xi32>,
      %swap3A_156 = vector.shape_cast %swap3A_155 : vector<16xi32> to vector<16xi32>
      %swap3A_157 = vector.shape_cast %get3A_153 : vector<16xi32> to vector<16xi32>
      tpu.vector_store %arg9[%swap3A_154], %swap3A_157 {strides = array<i32>} : memref<80xi32, #tpu.memory_space<vmem>>, vector<16xi32>,
      %get3A_158 = arith.constant 1 : i32
      %get3A_159 = arith.index_cast %get3A_158 : i32 to index
      %get3A_160 = arith.constant 64 : index
      %get3A_161 = tpu.vector_load %arg5[%get3A_159, %get3A_160] {strides = array<i32>} : memref<2x80xi32, #tpu.memory_space<vmem>>, vector<1x16xi32>,
      %get3A_162 = vector.shape_cast %get3A_161 : vector<1x16xi32> to vector<16xi32>
      %swap3A_163 = arith.constant 64 : index
      %swap3A_164 = tpu.vector_load %arg9[%swap3A_163] {strides = array<i32>} : memref<80xi32, #tpu.memory_space<vmem>>, vector<16xi32>,
      %swap3A_165 = vector.shape_cast %swap3A_164 : vector<16xi32> to vector<16xi32>
      %swap3A_166 = vector.shape_cast %get3A_162 : vector<16xi32> to vector<16xi32>
      tpu.vector_store %arg9[%swap3A_163], %swap3A_166 {strides = array<i32>} : memref<80xi32, #tpu.memory_space<vmem>>, vector<16xi32>,
      %dma_start3A_167 = arith.constant 0 : i32
      %dma_start3A_168 = arith.constant 0 : i32
      %dma_start3A_169 = tpu.memref_slice %arg15[%dma_start3A_167, %dma_start3A_168] : memref<10000x128xf32, #tpu.memory_space<vmem_shared>> -> memref<10000x128xf32, #tpu.memory_space<vmem_shared>>
      tpu.enqueue_indirect_dma source(%arg11 : memref<80x128xf32, #tpu.memory_space<vmem>>) target(%dma_start3A_169 : memref<10000x128xf32, #tpu.memory_space<vmem_shared>>) offsets(%arg9 : memref<80xi32, #tpu.memory_space<vmem>>) semaphore(%arg24 : memref<!tpu.dma_semaphore, #tpu.memory_space<semaphore_mem>>) {add = true}
      %add3A_170 = arith.constant 4 : i32
      %add3A_171 = arith.addi %mul3A_108, %add3A_170 : i32
      %lt3A_172 = arith.constant 125 : i32
      %lt3A_173 = arith.cmpi slt, %add3A_171, %lt3A_172 : i32
      %convert_element_type3A_174 = arith.extui %lt3A_173 : i1 to i32
      %cond3A_175 = arith.constant 0 : i32
      %cond3A_176 = arith.cmpi ne, %convert_element_type3A_174, %cond3A_175 : i32
      scf.if %cond3A_176 {
        %add3A_198 = arith.addi %mul3A_2, %mul3A_108 : i32
        %add3A_199 = arith.constant 4 : i32
        %add3A_200 = arith.addi %add3A_198, %add3A_199 : i32
        %dma_start3A_201 = arith.constant 0 : i32
        %dma_start3A_202 = arith.constant 0 : i32
        %dma_start3A_203 = tpu.memref_slice %arg3[%add3A_200, %dma_start3A_201, %dma_start3A_202] : memref<4000x2x80xi32, #tpu.memory_space<hbm>> -> memref<1x2x80xi32, #tpu.memory_space<hbm>>
        %dma_start3A_204 = tpu.memref_squeeze %dma_start3A_203 : memref<1x2x80xi32, #tpu.memory_space<hbm>> -> memref<2x80xi32, #tpu.memory_space<hbm>>
        %dma_start3A_205 = arith.constant 0 : i32
        %dma_start3A_206 = arith.constant 0 : i32
        %dma_start3A_207 = tpu.memref_slice %arg3[%add3A_200, %dma_start3A_205, %dma_start3A_206] : memref<4000x2x80xi32, #tpu.memory_space<hbm>> -> memref<1x2x80xi32, #tpu.memory_space<hbm>>
        %dma_start3A_208 = tpu.memref_squeeze %dma_start3A_207 : memref<1x2x80xi32, #tpu.memory_space<hbm>> -> memref<2x80xi32, #tpu.memory_space<hbm>>
        tpu.enqueue_dma source(%dma_start3A_208 : memref<2x80xi32, #tpu.memory_space<hbm>>) target(%arg5 : memref<2x80xi32, #tpu.memory_space<vmem>>) target_semaphore(%arg16 : memref<!tpu.dma_semaphore, #tpu.memory_space<semaphore_mem>>)
      } else {
      }
      %add3A_177 = arith.constant 1 : i32
      %add3A_178 = arith.addi %mul3A_108, %add3A_177 : i32
      %lt3A_179 = arith.constant 125 : i32
      %lt3A_180 = arith.cmpi slt, %add3A_178, %lt3A_179 : i32
      %convert_element_type3A_181 = arith.extui %lt3A_180 : i1 to i32
      %cond3A_182 = arith.constant 0 : i32
      %cond3A_183 = arith.cmpi ne, %convert_element_type3A_181, %cond3A_182 : i32
      scf.if %cond3A_183 {
        %add3A_198 = arith.constant 1 : i32
        %add3A_199 = arith.addi %mul3A_108, %add3A_198 : i32
        %ge3A_200 = arith.constant 2 : i32
        %ge3A_201 = arith.cmpi sge, %add3A_199, %ge3A_200 : i32
        %convert_element_type3A_202 = arith.extui %ge3A_201 : i1 to i32
        %cond3A_203 = arith.constant 0 : i32
        %cond3A_204 = arith.cmpi ne, %convert_element_type3A_202, %cond3A_203 : i32
        scf.if %cond3A_204 {
          %dma_wait3A_274 = arith.constant 0 : i32
          %dma_wait3A_275 = arith.constant 0 : i32
          %dma_wait3A_276 = tpu.memref_slice %arg15[%dma_wait3A_274, %dma_wait3A_275] : memref<10000x128xf32, #tpu.memory_space<vmem_shared>> -> memref<10000x128xf32, #tpu.memory_space<vmem_shared>>
          tpu.wait_indirect_dma semaphore(%arg25 : memref<!tpu.dma_semaphore, #tpu.memory_space<semaphore_mem>>) src(%arg14 : memref<80x128xf32, #tpu.memory_space<vmem>>) dst(%dma_wait3A_276 : memref<10000x128xf32, #tpu.memory_space<vmem_shared>>)
        } else {
        }
        %add3A_205 = arith.constant 2 : i32
        %add3A_206 = arith.addi %add3A_199, %add3A_205 : i32
        %lt3A_207 = arith.constant 125 : i32
        %lt3A_208 = arith.cmpi slt, %add3A_206, %lt3A_207 : i32
        %convert_element_type3A_209 = arith.extui %lt3A_208 : i1 to i32
        %cond3A_210 = arith.constant 0 : i32
        %cond3A_211 = arith.cmpi ne, %convert_element_type3A_209, %cond3A_210 : i32
        scf.if %cond3A_211 {
          %add3A_274 = arith.addi %mul3A_2, %add3A_199 : i32
          %add3A_275 = arith.constant 2 : i32
          %add3A_276 = arith.addi %add3A_274, %add3A_275 : i32
          %dma_wait3A_277 = arith.constant 0 : i32
          %dma_wait3A_278 = arith.constant 0 : i32
          %dma_wait3A_279 = tpu.memref_slice %arg3[%add3A_276, %dma_wait3A_277, %dma_wait3A_278] : memref<4000x2x80xi32, #tpu.memory_space<hbm>> -> memref<1x2x80xi32, #tpu.memory_space<hbm>>
          %dma_wait3A_280 = tpu.memref_squeeze %dma_wait3A_279 : memref<1x2x80xi32, #tpu.memory_space<hbm>> -> memref<2x80xi32, #tpu.memory_space<hbm>>
          %dma_wait3A_281 = arith.constant 0 : i32
          %dma_wait3A_282 = arith.constant 0 : i32
          %dma_wait3A_283 = tpu.memref_slice %arg3[%add3A_276, %dma_wait3A_281, %dma_wait3A_282] : memref<4000x2x80xi32, #tpu.memory_space<hbm>> -> memref<1x2x80xi32, #tpu.memory_space<hbm>>
          %dma_wait3A_284 = tpu.memref_squeeze %dma_wait3A_283 : memref<1x2x80xi32, #tpu.memory_space<hbm>> -> memref<2x80xi32, #tpu.memory_space<hbm>>
          tpu.wait_dma2 semaphore(%arg19 : memref<!tpu.dma_semaphore, #tpu.memory_space<semaphore_mem>>) src(%dma_wait3A_284 : memref<2x80xi32, #tpu.memory_space<hbm>>) dst(%arg8 : memref<2x80xi32, #tpu.memory_space<vmem>>)
          %dma_start3A_285 = arith.constant 0 : i32
          %dma_start3A_286 = arith.constant 0 : i32
          %dma_start3A_287 = tpu.memref_slice %arg8[%dma_start3A_285, %dma_start3A_286] : memref<2x80xi32, #tpu.memory_space<vmem>> -> memref<1x80xi32, #tpu.memory_space<vmem>>
          %dma_start3A_288 = tpu.memref_squeeze %dma_start3A_287 : memref<1x80xi32, #tpu.memory_space<vmem>> -> memref<80xi32, #tpu.memory_space<vmem>>
          %dma_start3A_289 = arith.constant 0 : i32
          %dma_start3A_290 = arith.constant 0 : i32
          %dma_start3A_291 = tpu.memref_slice %arg2[%dma_start3A_289, %dma_start3A_290] : memref<10000x128xf32, #tpu.memory_space<hbm>> -> memref<10000x128xf32, #tpu.memory_space<hbm>>
          tpu.enqueue_indirect_dma source(%dma_start3A_291 : memref<10000x128xf32, #tpu.memory_space<hbm>>) target(%arg14 : memref<80x128xf32, #tpu.memory_space<vmem>>) offsets(%dma_start3A_288 : memref<80xi32, #tpu.memory_space<vmem>>) semaphore(%arg23 : memref<!tpu.dma_semaphore, #tpu.memory_space<semaphore_mem>>)
        } else {
        }
        %dma_wait3A_212 = arith.constant 0 : i32
        %dma_wait3A_213 = arith.constant 0 : i32
        %dma_wait3A_214 = tpu.memref_slice %arg6[%dma_wait3A_212, %dma_wait3A_213] : memref<2x80xi32, #tpu.memory_space<vmem>> -> memref<1x80xi32, #tpu.memory_space<vmem>>
        %dma_wait3A_215 = tpu.memref_squeeze %dma_wait3A_214 : memref<1x80xi32, #tpu.memory_space<vmem>> -> memref<80xi32, #tpu.memory_space<vmem>>
        %dma_wait3A_216 = arith.constant 0 : i32
        %dma_wait3A_217 = arith.constant 0 : i32
        %dma_wait3A_218 = tpu.memref_slice %arg2[%dma_wait3A_216, %dma_wait3A_217] : memref<10000x128xf32, #tpu.memory_space<hbm>> -> memref<10000x128xf32, #tpu.memory_space<hbm>>
        tpu.wait_indirect_dma semaphore(%arg21 : memref<!tpu.dma_semaphore, #tpu.memory_space<semaphore_mem>>) src(%dma_wait3A_218 : memref<10000x128xf32, #tpu.memory_space<hbm>>) dst(%arg12 : memref<80x128xf32, #tpu.memory_space<vmem>>)
        %get3A_219 = arith.constant 1 : i32
        %get3A_220 = arith.index_cast %get3A_219 : i32 to index
        %get3A_221 = arith.constant 0 : index
        %get3A_222 = tpu.vector_load %arg6[%get3A_220, %get3A_221] {strides = array<i32>} : memref<2x80xi32, #tpu.memory_space<vmem>>, vector<1x16xi32>,
        %get3A_223 = vector.shape_cast %get3A_222 : vector<1x16xi32> to vector<16xi32>
        %swap3A_224 = arith.constant 0 : index
        %swap3A_225 = tpu.vector_load %arg10[%swap3A_224] {strides = array<i32>} : memref<80xi32, #tpu.memory_space<vmem>>, vector<16xi32>,
        %swap3A_226 = vector.shape_cast %swap3A_225 : vector<16xi32> to vector<16xi32>
        %swap3A_227 = vector.shape_cast %get3A_223 : vector<16xi32> to vector<16xi32>
        tpu.vector_store %arg10[%swap3A_224], %swap3A_227 {strides = array<i32>} : memref<80xi32, #tpu.memory_space<vmem>>, vector<16xi32>,
        %get3A_228 = arith.constant 1 : i32
        %get3A_229 = arith.index_cast %get3A_228 : i32 to index
        %get3A_230 = arith.constant 16 : index
        %get3A_231 = tpu.vector_load %arg6[%get3A_229, %get3A_230] {strides = array<i32>} : memref<2x80xi32, #tpu.memory_space<vmem>>, vector<1x16xi32>,
        %get3A_232 = vector.shape_cast %get3A_231 : vector<1x16xi32> to vector<16xi32>
        %swap3A_233 = arith.constant 16 : index
        %swap3A_234 = tpu.vector_load %arg10[%swap3A_233] {strides = array<i32>} : memref<80xi32, #tpu.memory_space<vmem>>, vector<16xi32>,
        %swap3A_235 = vector.shape_cast %swap3A_234 : vector<16xi32> to vector<16xi32>
        %swap3A_236 = vector.shape_cast %get3A_232 : vector<16xi32> to vector<16xi32>
        tpu.vector_store %arg10[%swap3A_233], %swap3A_236 {strides = array<i32>} : memref<80xi32, #tpu.memory_space<vmem>>, vector<16xi32>,
        %get3A_237 = arith.constant 1 : i32
        %get3A_238 = arith.index_cast %get3A_237 : i32 to index
        %get3A_239 = arith.constant 32 : index
        %get3A_240 = tpu.vector_load %arg6[%get3A_238, %get3A_239] {strides = array<i32>} : memref<2x80xi32, #tpu.memory_space<vmem>>, vector<1x16xi32>,
        %get3A_241 = vector.shape_cast %get3A_240 : vector<1x16xi32> to vector<16xi32>
        %swap3A_242 = arith.constant 32 : index
        %swap3A_243 = tpu.vector_load %arg10[%swap3A_242] {strides = array<i32>} : memref<80xi32, #tpu.memory_space<vmem>>, vector<16xi32>,
        %swap3A_244 = vector.shape_cast %swap3A_243 : vector<16xi32> to vector<16xi32>
        %swap3A_245 = vector.shape_cast %get3A_241 : vector<16xi32> to vector<16xi32>
        tpu.vector_store %arg10[%swap3A_242], %swap3A_245 {strides = array<i32>} : memref<80xi32, #tpu.memory_space<vmem>>, vector<16xi32>,
        %get3A_246 = arith.constant 1 : i32
        %get3A_247 = arith.index_cast %get3A_246 : i32 to index
        %get3A_248 = arith.constant 48 : index
        %get3A_249 = tpu.vector_load %arg6[%get3A_247, %get3A_248] {strides = array<i32>} : memref<2x80xi32, #tpu.memory_space<vmem>>, vector<1x16xi32>,
        %get3A_250 = vector.shape_cast %get3A_249 : vector<1x16xi32> to vector<16xi32>
        %swap3A_251 = arith.constant 48 : index
        %swap3A_252 = tpu.vector_load %arg10[%swap3A_251] {strides = array<i32>} : memref<80xi32, #tpu.memory_space<vmem>>, vector<16xi32>,
        %swap3A_253 = vector.shape_cast %swap3A_252 : vector<16xi32> to vector<16xi32>
        %swap3A_254 = vector.shape_cast %get3A_250 : vector<16xi32> to vector<16xi32>
        tpu.vector_store %arg10[%swap3A_251], %swap3A_254 {strides = array<i32>} : memref<80xi32, #tpu.memory_space<vmem>>, vector<16xi32>,
        %get3A_255 = arith.constant 1 : i32
        %get3A_256 = arith.index_cast %get3A_255 : i32 to index
        %get3A_257 = arith.constant 64 : index
        %get3A_258 = tpu.vector_load %arg6[%get3A_256, %get3A_257] {strides = array<i32>} : memref<2x80xi32, #tpu.memory_space<vmem>>, vector<1x16xi32>,
        %get3A_259 = vector.shape_cast %get3A_258 : vector<1x16xi32> to vector<16xi32>
        %swap3A_260 = arith.constant 64 : index
        %swap3A_261 = tpu.vector_load %arg10[%swap3A_260] {strides = array<i32>} : memref<80xi32, #tpu.memory_space<vmem>>, vector<16xi32>,
        %swap3A_262 = vector.shape_cast %swap3A_261 : vector<16xi32> to vector<16xi32>
        %swap3A_263 = vector.shape_cast %get3A_259 : vector<16xi32> to vector<16xi32>
        tpu.vector_store %arg10[%swap3A_260], %swap3A_263 {strides = array<i32>} : memref<80xi32, #tpu.memory_space<vmem>>, vector<16xi32>,
        %dma_start3A_264 = arith.constant 0 : i32
        %dma_start3A_265 = arith.constant 0 : i32
        %dma_start3A_266 = tpu.memref_slice %arg15[%dma_start3A_264, %dma_start3A_265] : memref<10000x128xf32, #tpu.memory_space<vmem_shared>> -> memref<10000x128xf32, #tpu.memory_space<vmem_shared>>
        tpu.enqueue_indirect_dma source(%arg12 : memref<80x128xf32, #tpu.memory_space<vmem>>) target(%dma_start3A_266 : memref<10000x128xf32, #tpu.memory_space<vmem_shared>>) offsets(%arg10 : memref<80xi32, #tpu.memory_space<vmem>>) semaphore(%arg25 : memref<!tpu.dma_semaphore, #tpu.memory_space<semaphore_mem>>) {add = true}
        %add3A_267 = arith.constant 4 : i32
        %add3A_268 = arith.addi %add3A_199, %add3A_267 : i32
        %lt3A_269 = arith.constant 125 : i32
        %lt3A_270 = arith.cmpi slt, %add3A_268, %lt3A_269 : i32
        %convert_element_type3A_271 = arith.extui %lt3A_270 : i1 to i32
        %cond3A_272 = arith.constant 0 : i32
        %cond3A_273 = arith.cmpi ne, %convert_element_type3A_271, %cond3A_272 : i32
        scf.if %cond3A_273 {
          %add3A_274 = arith.addi %mul3A_2, %add3A_199 : i32
          %add3A_275 = arith.constant 4 : i32
          %add3A_276 = arith.addi %add3A_274, %add3A_275 : i32
          %dma_start3A_277 = arith.constant 0 : i32
          %dma_start3A_278 = arith.constant 0 : i32
          %dma_start3A_279 = tpu.memref_slice %arg3[%add3A_276, %dma_start3A_277, %dma_start3A_278] : memref<4000x2x80xi32, #tpu.memory_space<hbm>> -> memref<1x2x80xi32, #tpu.memory_space<hbm>>
          %dma_start3A_280 = tpu.memref_squeeze %dma_start3A_279 : memref<1x2x80xi32, #tpu.memory_space<hbm>> -> memref<2x80xi32, #tpu.memory_space<hbm>>
          %dma_start3A_281 = arith.constant 0 : i32
          %dma_start3A_282 = arith.constant 0 : i32
          %dma_start3A_283 = tpu.memref_slice %arg3[%add3A_276, %dma_start3A_281, %dma_start3A_282] : memref<4000x2x80xi32, #tpu.memory_space<hbm>> -> memref<1x2x80xi32, #tpu.memory_space<hbm>>
          %dma_start3A_284 = tpu.memref_squeeze %dma_start3A_283 : memref<1x2x80xi32, #tpu.memory_space<hbm>> -> memref<2x80xi32, #tpu.memory_space<hbm>>
          tpu.enqueue_dma source(%dma_start3A_284 : memref<2x80xi32, #tpu.memory_space<hbm>>) target(%arg6 : memref<2x80xi32, #tpu.memory_space<vmem>>) target_semaphore(%arg17 : memref<!tpu.dma_semaphore, #tpu.memory_space<semaphore_mem>>)
        } else {
        }
      } else {
      }
      %add3A_184 = arith.constant 2 : i32
      %add3A_185 = arith.addi %mul3A_108, %add3A_184 : i32
      %lt3A_186 = arith.constant 125 : i32
      %lt3A_187 = arith.cmpi slt, %add3A_185, %lt3A_186 : i32
      %convert_element_type3A_188 = arith.extui %lt3A_187 : i1 to i32
      %cond3A_189 = arith.constant 0 : i32
      %cond3A_190 = arith.cmpi ne, %convert_element_type3A_188, %cond3A_189 : i32
      scf.if %cond3A_190 {
        %add3A_198 = arith.constant 2 : i32
        %add3A_199 = arith.addi %mul3A_108, %add3A_198 : i32
        %ge3A_200 = arith.constant 2 : i32
        %ge3A_201 = arith.cmpi sge, %add3A_199, %ge3A_200 : i32
        %convert_element_type3A_202 = arith.extui %ge3A_201 : i1 to i32
        %cond3A_203 = arith.constant 0 : i32
        %cond3A_204 = arith.cmpi ne, %convert_element_type3A_202, %cond3A_203 : i32
        scf.if %cond3A_204 {
          %dma_wait3A_274 = arith.constant 0 : i32
          %dma_wait3A_275 = arith.constant 0 : i32
          %dma_wait3A_276 = tpu.memref_slice %arg15[%dma_wait3A_274, %dma_wait3A_275] : memref<10000x128xf32, #tpu.memory_space<vmem_shared>> -> memref<10000x128xf32, #tpu.memory_space<vmem_shared>>
          tpu.wait_indirect_dma semaphore(%arg24 : memref<!tpu.dma_semaphore, #tpu.memory_space<semaphore_mem>>) src(%arg11 : memref<80x128xf32, #tpu.memory_space<vmem>>) dst(%dma_wait3A_276 : memref<10000x128xf32, #tpu.memory_space<vmem_shared>>)
        } else {
        }
        %add3A_205 = arith.constant 2 : i32
        %add3A_206 = arith.addi %add3A_199, %add3A_205 : i32
        %lt3A_207 = arith.constant 125 : i32
        %lt3A_208 = arith.cmpi slt, %add3A_206, %lt3A_207 : i32
        %convert_element_type3A_209 = arith.extui %lt3A_208 : i1 to i32
        %cond3A_210 = arith.constant 0 : i32
        %cond3A_211 = arith.cmpi ne, %convert_element_type3A_209, %cond3A_210 : i32
        scf.if %cond3A_211 {
          %add3A_274 = arith.addi %mul3A_2, %add3A_199 : i32
          %add3A_275 = arith.constant 2 : i32
          %add3A_276 = arith.addi %add3A_274, %add3A_275 : i32
          %dma_wait3A_277 = arith.constant 0 : i32
          %dma_wait3A_278 = arith.constant 0 : i32
          %dma_wait3A_279 = tpu.memref_slice %arg3[%add3A_276, %dma_wait3A_277, %dma_wait3A_278] : memref<4000x2x80xi32, #tpu.memory_space<hbm>> -> memref<1x2x80xi32, #tpu.memory_space<hbm>>
          %dma_wait3A_280 = tpu.memref_squeeze %dma_wait3A_279 : memref<1x2x80xi32, #tpu.memory_space<hbm>> -> memref<2x80xi32, #tpu.memory_space<hbm>>
          %dma_wait3A_281 = arith.constant 0 : i32
          %dma_wait3A_282 = arith.constant 0 : i32
          %dma_wait3A_283 = tpu.memref_slice %arg3[%add3A_276, %dma_wait3A_281, %dma_wait3A_282] : memref<4000x2x80xi32, #tpu.memory_space<hbm>> -> memref<1x2x80xi32, #tpu.memory_space<hbm>>
          %dma_wait3A_284 = tpu.memref_squeeze %dma_wait3A_283 : memref<1x2x80xi32, #tpu.memory_space<hbm>> -> memref<2x80xi32, #tpu.memory_space<hbm>>
          tpu.wait_dma2 semaphore(%arg16 : memref<!tpu.dma_semaphore, #tpu.memory_space<semaphore_mem>>) src(%dma_wait3A_284 : memref<2x80xi32, #tpu.memory_space<hbm>>) dst(%arg5 : memref<2x80xi32, #tpu.memory_space<vmem>>)
          %dma_start3A_285 = arith.constant 0 : i32
          %dma_start3A_286 = arith.constant 0 : i32
          %dma_start3A_287 = tpu.memref_slice %arg5[%dma_start3A_285, %dma_start3A_286] : memref<2x80xi32, #tpu.memory_space<vmem>> -> memref<1x80xi32, #tpu.memory_space<vmem>>
          %dma_start3A_288 = tpu.memref_squeeze %dma_start3A_287 : memref<1x80xi32, #tpu.memory_space<vmem>> -> memref<80xi32, #tpu.memory_space<vmem>>
          %dma_start3A_289 = arith.constant 0 : i32
          %dma_start3A_290 = arith.constant 0 : i32
          %dma_start3A_291 = tpu.memref_slice %arg2[%dma_start3A_289, %dma_start3A_290] : memref<10000x128xf32, #tpu.memory_space<hbm>> -> memref<10000x128xf32, #tpu.memory_space<hbm>>
          tpu.enqueue_indirect_dma source(%dma_start3A_291 : memref<10000x128xf32, #tpu.memory_space<hbm>>) target(%arg11 : memref<80x128xf32, #tpu.memory_space<vmem>>) offsets(%dma_start3A_288 : memref<80xi32, #tpu.memory_space<vmem>>) semaphore(%arg20 : memref<!tpu.dma_semaphore, #tpu.memory_space<semaphore_mem>>)
        } else {
        }
        %dma_wait3A_212 = arith.constant 0 : i32
        %dma_wait3A_213 = arith.constant 0 : i32
        %dma_wait3A_214 = tpu.memref_slice %arg7[%dma_wait3A_212, %dma_wait3A_213] : memref<2x80xi32, #tpu.memory_space<vmem>> -> memref<1x80xi32, #tpu.memory_space<vmem>>
        %dma_wait3A_215 = tpu.memref_squeeze %dma_wait3A_214 : memref<1x80xi32, #tpu.memory_space<vmem>> -> memref<80xi32, #tpu.memory_space<vmem>>
        %dma_wait3A_216 = arith.constant 0 : i32
        %dma_wait3A_217 = arith.constant 0 : i32
        %dma_wait3A_218 = tpu.memref_slice %arg2[%dma_wait3A_216, %dma_wait3A_217] : memref<10000x128xf32, #tpu.memory_space<hbm>> -> memref<10000x128xf32, #tpu.memory_space<hbm>>
        tpu.wait_indirect_dma semaphore(%arg22 : memref<!tpu.dma_semaphore, #tpu.memory_space<semaphore_mem>>) src(%dma_wait3A_218 : memref<10000x128xf32, #tpu.memory_space<hbm>>) dst(%arg13 : memref<80x128xf32, #tpu.memory_space<vmem>>)
        %get3A_219 = arith.constant 1 : i32
        %get3A_220 = arith.index_cast %get3A_219 : i32 to index
        %get3A_221 = arith.constant 0 : index
        %get3A_222 = tpu.vector_load %arg7[%get3A_220, %get3A_221] {strides = array<i32>} : memref<2x80xi32, #tpu.memory_space<vmem>>, vector<1x16xi32>,
        %get3A_223 = vector.shape_cast %get3A_222 : vector<1x16xi32> to vector<16xi32>
        %swap3A_224 = arith.constant 0 : index
        %swap3A_225 = tpu.vector_load %arg9[%swap3A_224] {strides = array<i32>} : memref<80xi32, #tpu.memory_space<vmem>>, vector<16xi32>,
        %swap3A_226 = vector.shape_cast %swap3A_225 : vector<16xi32> to vector<16xi32>
        %swap3A_227 = vector.shape_cast %get3A_223 : vector<16xi32> to vector<16xi32>
        tpu.vector_store %arg9[%swap3A_224], %swap3A_227 {strides = array<i32>} : memref<80xi32, #tpu.memory_space<vmem>>, vector<16xi32>,
        %get3A_228 = arith.constant 1 : i32
        %get3A_229 = arith.index_cast %get3A_228 : i32 to index
        %get3A_230 = arith.constant 16 : index
        %get3A_231 = tpu.vector_load %arg7[%get3A_229, %get3A_230] {strides = array<i32>} : memref<2x80xi32, #tpu.memory_space<vmem>>, vector<1x16xi32>,
        %get3A_232 = vector.shape_cast %get3A_231 : vector<1x16xi32> to vector<16xi32>
        %swap3A_233 = arith.constant 16 : index
        %swap3A_234 = tpu.vector_load %arg9[%swap3A_233] {strides = array<i32>} : memref<80xi32, #tpu.memory_space<vmem>>, vector<16xi32>,
        %swap3A_235 = vector.shape_cast %swap3A_234 : vector<16xi32> to vector<16xi32>
        %swap3A_236 = vector.shape_cast %get3A_232 : vector<16xi32> to vector<16xi32>
        tpu.vector_store %arg9[%swap3A_233], %swap3A_236 {strides = array<i32>} : memref<80xi32, #tpu.memory_space<vmem>>, vector<16xi32>,
        %get3A_237 = arith.constant 1 : i32
        %get3A_238 = arith.index_cast %get3A_237 : i32 to index
        %get3A_239 = arith.constant 32 : index
        %get3A_240 = tpu.vector_load %arg7[%get3A_238, %get3A_239] {strides = array<i32>} : memref<2x80xi32, #tpu.memory_space<vmem>>, vector<1x16xi32>,
        %get3A_241 = vector.shape_cast %get3A_240 : vector<1x16xi32> to vector<16xi32>
        %swap3A_242 = arith.constant 32 : index
        %swap3A_243 = tpu.vector_load %arg9[%swap3A_242] {strides = array<i32>} : memref<80xi32, #tpu.memory_space<vmem>>, vector<16xi32>,
        %swap3A_244 = vector.shape_cast %swap3A_243 : vector<16xi32> to vector<16xi32>
        %swap3A_245 = vector.shape_cast %get3A_241 : vector<16xi32> to vector<16xi32>
        tpu.vector_store %arg9[%swap3A_242], %swap3A_245 {strides = array<i32>} : memref<80xi32, #tpu.memory_space<vmem>>, vector<16xi32>,
        %get3A_246 = arith.constant 1 : i32
        %get3A_247 = arith.index_cast %get3A_246 : i32 to index
        %get3A_248 = arith.constant 48 : index
        %get3A_249 = tpu.vector_load %arg7[%get3A_247, %get3A_248] {strides = array<i32>} : memref<2x80xi32, #tpu.memory_space<vmem>>, vector<1x16xi32>,
        %get3A_250 = vector.shape_cast %get3A_249 : vector<1x16xi32> to vector<16xi32>
        %swap3A_251 = arith.constant 48 : index
        %swap3A_252 = tpu.vector_load %arg9[%swap3A_251] {strides = array<i32>} : memref<80xi32, #tpu.memory_space<vmem>>, vector<16xi32>,
        %swap3A_253 = vector.shape_cast %swap3A_252 : vector<16xi32> to vector<16xi32>
        %swap3A_254 = vector.shape_cast %get3A_250 : vector<16xi32> to vector<16xi32>
        tpu.vector_store %arg9[%swap3A_251], %swap3A_254 {strides = array<i32>} : memref<80xi32, #tpu.memory_space<vmem>>, vector<16xi32>,
        %get3A_255 = arith.constant 1 : i32
        %get3A_256 = arith.index_cast %get3A_255 : i32 to index
        %get3A_257 = arith.constant 64 : index
        %get3A_258 = tpu.vector_load %arg7[%get3A_256, %get3A_257] {strides = array<i32>} : memref<2x80xi32, #tpu.memory_space<vmem>>, vector<1x16xi32>,
        %get3A_259 = vector.shape_cast %get3A_258 : vector<1x16xi32> to vector<16xi32>
        %swap3A_260 = arith.constant 64 : index
        %swap3A_261 = tpu.vector_load %arg9[%swap3A_260] {strides = array<i32>} : memref<80xi32, #tpu.memory_space<vmem>>, vector<16xi32>,
        %swap3A_262 = vector.shape_cast %swap3A_261 : vector<16xi32> to vector<16xi32>
        %swap3A_263 = vector.shape_cast %get3A_259 : vector<16xi32> to vector<16xi32>
        tpu.vector_store %arg9[%swap3A_260], %swap3A_263 {strides = array<i32>} : memref<80xi32, #tpu.memory_space<vmem>>, vector<16xi32>,
        %dma_start3A_264 = arith.constant 0 : i32
        %dma_start3A_265 = arith.constant 0 : i32
        %dma_start3A_266 = tpu.memref_slice %arg15[%dma_start3A_264, %dma_start3A_265] : memref<10000x128xf32, #tpu.memory_space<vmem_shared>> -> memref<10000x128xf32, #tpu.memory_space<vmem_shared>>
        tpu.enqueue_indirect_dma source(%arg13 : memref<80x128xf32, #tpu.memory_space<vmem>>) target(%dma_start3A_266 : memref<10000x128xf32, #tpu.memory_space<vmem_shared>>) offsets(%arg9 : memref<80xi32, #tpu.memory_space<vmem>>) semaphore(%arg24 : memref<!tpu.dma_semaphore, #tpu.memory_space<semaphore_mem>>) {add = true}
        %add3A_267 = arith.constant 4 : i32
        %add3A_268 = arith.addi %add3A_199, %add3A_267 : i32
        %lt3A_269 = arith.constant 125 : i32
        %lt3A_270 = arith.cmpi slt, %add3A_268, %lt3A_269 : i32
        %convert_element_type3A_271 = arith.extui %lt3A_270 : i1 to i32
        %cond3A_272 = arith.constant 0 : i32
        %cond3A_273 = arith.cmpi ne, %convert_element_type3A_271, %cond3A_272 : i32
        scf.if %cond3A_273 {
          %add3A_274 = arith.addi %mul3A_2, %add3A_199 : i32
          %add3A_275 = arith.constant 4 : i32
          %add3A_276 = arith.addi %add3A_274, %add3A_275 : i32
          %dma_start3A_277 = arith.constant 0 : i32
          %dma_start3A_278 = arith.constant 0 : i32
          %dma_start3A_279 = tpu.memref_slice %arg3[%add3A_276, %dma_start3A_277, %dma_start3A_278] : memref<4000x2x80xi32, #tpu.memory_space<hbm>> -> memref<1x2x80xi32, #tpu.memory_space<hbm>>
          %dma_start3A_280 = tpu.memref_squeeze %dma_start3A_279 : memref<1x2x80xi32, #tpu.memory_space<hbm>> -> memref<2x80xi32, #tpu.memory_space<hbm>>
          %dma_start3A_281 = arith.constant 0 : i32
          %dma_start3A_282 = arith.constant 0 : i32
          %dma_start3A_283 = tpu.memref_slice %arg3[%add3A_276, %dma_start3A_281, %dma_start3A_282] : memref<4000x2x80xi32, #tpu.memory_space<hbm>> -> memref<1x2x80xi32, #tpu.memory_space<hbm>>
          %dma_start3A_284 = tpu.memref_squeeze %dma_start3A_283 : memref<1x2x80xi32, #tpu.memory_space<hbm>> -> memref<2x80xi32, #tpu.memory_space<hbm>>
          tpu.enqueue_dma source(%dma_start3A_284 : memref<2x80xi32, #tpu.memory_space<hbm>>) target(%arg7 : memref<2x80xi32, #tpu.memory_space<vmem>>) target_semaphore(%arg18 : memref<!tpu.dma_semaphore, #tpu.memory_space<semaphore_mem>>)
        } else {
        }
      } else {
      }
      %add3A_191 = arith.constant 3 : i32
      %add3A_192 = arith.addi %mul3A_108, %add3A_191 : i32
      %lt3A_193 = arith.constant 125 : i32
      %lt3A_194 = arith.cmpi slt, %add3A_192, %lt3A_193 : i32
      %convert_element_type3A_195 = arith.extui %lt3A_194 : i1 to i32
      %cond3A_196 = arith.constant 0 : i32
      %cond3A_197 = arith.cmpi ne, %convert_element_type3A_195, %cond3A_196 : i32
      scf.if %cond3A_197 {
        %add3A_198 = arith.constant 3 : i32
        %add3A_199 = arith.addi %mul3A_108, %add3A_198 : i32
        %ge3A_200 = arith.constant 2 : i32
        %ge3A_201 = arith.cmpi sge, %add3A_199, %ge3A_200 : i32
        %convert_element_type3A_202 = arith.extui %ge3A_201 : i1 to i32
        %cond3A_203 = arith.constant 0 : i32
        %cond3A_204 = arith.cmpi ne, %convert_element_type3A_202, %cond3A_203 : i32
        scf.if %cond3A_204 {
          %dma_wait3A_274 = arith.constant 0 : i32
          %dma_wait3A_275 = arith.constant 0 : i32
          %dma_wait3A_276 = tpu.memref_slice %arg15[%dma_wait3A_274, %dma_wait3A_275] : memref<10000x128xf32, #tpu.memory_space<vmem_shared>> -> memref<10000x128xf32, #tpu.memory_space<vmem_shared>>
          tpu.wait_indirect_dma semaphore(%arg25 : memref<!tpu.dma_semaphore, #tpu.memory_space<semaphore_mem>>) src(%arg12 : memref<80x128xf32, #tpu.memory_space<vmem>>) dst(%dma_wait3A_276 : memref<10000x128xf32, #tpu.memory_space<vmem_shared>>)
        } else {
        }
        %add3A_205 = arith.constant 2 : i32
        %add3A_206 = arith.addi %add3A_199, %add3A_205 : i32
        %lt3A_207 = arith.constant 125 : i32
        %lt3A_208 = arith.cmpi slt, %add3A_206, %lt3A_207 : i32
        %convert_element_type3A_209 = arith.extui %lt3A_208 : i1 to i32
        %cond3A_210 = arith.constant 0 : i32
        %cond3A_211 = arith.cmpi ne, %convert_element_type3A_209, %cond3A_210 : i32
        scf.if %cond3A_211 {
          %add3A_274 = arith.addi %mul3A_2, %add3A_199 : i32
          %add3A_275 = arith.constant 2 : i32
          %add3A_276 = arith.addi %add3A_274, %add3A_275 : i32
          %dma_wait3A_277 = arith.constant 0 : i32
          %dma_wait3A_278 = arith.constant 0 : i32
          %dma_wait3A_279 = tpu.memref_slice %arg3[%add3A_276, %dma_wait3A_277, %dma_wait3A_278] : memref<4000x2x80xi32, #tpu.memory_space<hbm>> -> memref<1x2x80xi32, #tpu.memory_space<hbm>>
          %dma_wait3A_280 = tpu.memref_squeeze %dma_wait3A_279 : memref<1x2x80xi32, #tpu.memory_space<hbm>> -> memref<2x80xi32, #tpu.memory_space<hbm>>
          %dma_wait3A_281 = arith.constant 0 : i32
          %dma_wait3A_282 = arith.constant 0 : i32
          %dma_wait3A_283 = tpu.memref_slice %arg3[%add3A_276, %dma_wait3A_281, %dma_wait3A_282] : memref<4000x2x80xi32, #tpu.memory_space<hbm>> -> memref<1x2x80xi32, #tpu.memory_space<hbm>>
          %dma_wait3A_284 = tpu.memref_squeeze %dma_wait3A_283 : memref<1x2x80xi32, #tpu.memory_space<hbm>> -> memref<2x80xi32, #tpu.memory_space<hbm>>
          tpu.wait_dma2 semaphore(%arg17 : memref<!tpu.dma_semaphore, #tpu.memory_space<semaphore_mem>>) src(%dma_wait3A_284 : memref<2x80xi32, #tpu.memory_space<hbm>>) dst(%arg6 : memref<2x80xi32, #tpu.memory_space<vmem>>)
          %dma_start3A_285 = arith.constant 0 : i32
          %dma_start3A_286 = arith.constant 0 : i32
          %dma_start3A_287 = tpu.memref_slice %arg6[%dma_start3A_285, %dma_start3A_286] : memref<2x80xi32, #tpu.memory_space<vmem>> -> memref<1x80xi32, #tpu.memory_space<vmem>>
          %dma_start3A_288 = tpu.memref_squeeze %dma_start3A_287 : memref<1x80xi32, #tpu.memory_space<vmem>> -> memref<80xi32, #tpu.memory_space<vmem>>
          %dma_start3A_289 = arith.constant 0 : i32
          %dma_start3A_290 = arith.constant 0 : i32
          %dma_start3A_291 = tpu.memref_slice %arg2[%dma_start3A_289, %dma_start3A_290] : memref<10000x128xf32, #tpu.memory_space<hbm>> -> memref<10000x128xf32, #tpu.memory_space<hbm>>
          tpu.enqueue_indirect_dma source(%dma_start3A_291 : memref<10000x128xf32, #tpu.memory_space<hbm>>) target(%arg12 : memref<80x128xf32, #tpu.memory_space<vmem>>) offsets(%dma_start3A_288 : memref<80xi32, #tpu.memory_space<vmem>>) semaphore(%arg21 : memref<!tpu.dma_semaphore, #tpu.memory_space<semaphore_mem>>)
        } else {
        }
        %dma_wait3A_212 = arith.constant 0 : i32
        %dma_wait3A_213 = arith.constant 0 : i32
        %dma_wait3A_214 = tpu.memref_slice %arg8[%dma_wait3A_212, %dma_wait3A_213] : memref<2x80xi32, #tpu.memory_space<vmem>> -> memref<1x80xi32, #tpu.memory_space<vmem>>
        %dma_wait3A_215 = tpu.memref_squeeze %dma_wait3A_214 : memref<1x80xi32, #tpu.memory_space<vmem>> -> memref<80xi32, #tpu.memory_space<vmem>>
        %dma_wait3A_216 = arith.constant 0 : i32
        %dma_wait3A_217 = arith.constant 0 : i32
        %dma_wait3A_218 = tpu.memref_slice %arg2[%dma_wait3A_216, %dma_wait3A_217] : memref<10000x128xf32, #tpu.memory_space<hbm>> -> memref<10000x128xf32, #tpu.memory_space<hbm>>
        tpu.wait_indirect_dma semaphore(%arg23 : memref<!tpu.dma_semaphore, #tpu.memory_space<semaphore_mem>>) src(%dma_wait3A_218 : memref<10000x128xf32, #tpu.memory_space<hbm>>) dst(%arg14 : memref<80x128xf32, #tpu.memory_space<vmem>>)
        %get3A_219 = arith.constant 1 : i32
        %get3A_220 = arith.index_cast %get3A_219 : i32 to index
        %get3A_221 = arith.constant 0 : index
        %get3A_222 = tpu.vector_load %arg8[%get3A_220, %get3A_221] {strides = array<i32>} : memref<2x80xi32, #tpu.memory_space<vmem>>, vector<1x16xi32>,
        %get3A_223 = vector.shape_cast %get3A_222 : vector<1x16xi32> to vector<16xi32>
        %swap3A_224 = arith.constant 0 : index
        %swap3A_225 = tpu.vector_load %arg10[%swap3A_224] {strides = array<i32>} : memref<80xi32, #tpu.memory_space<vmem>>, vector<16xi32>,
        %swap3A_226 = vector.shape_cast %swap3A_225 : vector<16xi32> to vector<16xi32>
        %swap3A_227 = vector.shape_cast %get3A_223 : vector<16xi32> to vector<16xi32>
        tpu.vector_store %arg10[%swap3A_224], %swap3A_227 {strides = array<i32>} : memref<80xi32, #tpu.memory_space<vmem>>, vector<16xi32>,
        %get3A_228 = arith.constant 1 : i32
        %get3A_229 = arith.index_cast %get3A_228 : i32 to index
        %get3A_230 = arith.constant 16 : index
        %get3A_231 = tpu.vector_load %arg8[%get3A_229, %get3A_230] {strides = array<i32>} : memref<2x80xi32, #tpu.memory_space<vmem>>, vector<1x16xi32>,
        %get3A_232 = vector.shape_cast %get3A_231 : vector<1x16xi32> to vector<16xi32>
        %swap3A_233 = arith.constant 16 : index
        %swap3A_234 = tpu.vector_load %arg10[%swap3A_233] {strides = array<i32>} : memref<80xi32, #tpu.memory_space<vmem>>, vector<16xi32>,
        %swap3A_235 = vector.shape_cast %swap3A_234 : vector<16xi32> to vector<16xi32>
        %swap3A_236 = vector.shape_cast %get3A_232 : vector<16xi32> to vector<16xi32>
        tpu.vector_store %arg10[%swap3A_233], %swap3A_236 {strides = array<i32>} : memref<80xi32, #tpu.memory_space<vmem>>, vector<16xi32>,
        %get3A_237 = arith.constant 1 : i32
        %get3A_238 = arith.index_cast %get3A_237 : i32 to index
        %get3A_239 = arith.constant 32 : index
        %get3A_240 = tpu.vector_load %arg8[%get3A_238, %get3A_239] {strides = array<i32>} : memref<2x80xi32, #tpu.memory_space<vmem>>, vector<1x16xi32>,
        %get3A_241 = vector.shape_cast %get3A_240 : vector<1x16xi32> to vector<16xi32>
        %swap3A_242 = arith.constant 32 : index
        %swap3A_243 = tpu.vector_load %arg10[%swap3A_242] {strides = array<i32>} : memref<80xi32, #tpu.memory_space<vmem>>, vector<16xi32>,
        %swap3A_244 = vector.shape_cast %swap3A_243 : vector<16xi32> to vector<16xi32>
        %swap3A_245 = vector.shape_cast %get3A_241 : vector<16xi32> to vector<16xi32>
        tpu.vector_store %arg10[%swap3A_242], %swap3A_245 {strides = array<i32>} : memref<80xi32, #tpu.memory_space<vmem>>, vector<16xi32>,
        %get3A_246 = arith.constant 1 : i32
        %get3A_247 = arith.index_cast %get3A_246 : i32 to index
        %get3A_248 = arith.constant 48 : index
        %get3A_249 = tpu.vector_load %arg8[%get3A_247, %get3A_248] {strides = array<i32>} : memref<2x80xi32, #tpu.memory_space<vmem>>, vector<1x16xi32>,
        %get3A_250 = vector.shape_cast %get3A_249 : vector<1x16xi32> to vector<16xi32>
        %swap3A_251 = arith.constant 48 : index
        %swap3A_252 = tpu.vector_load %arg10[%swap3A_251] {strides = array<i32>} : memref<80xi32, #tpu.memory_space<vmem>>, vector<16xi32>,
        %swap3A_253 = vector.shape_cast %swap3A_252 : vector<16xi32> to vector<16xi32>
        %swap3A_254 = vector.shape_cast %get3A_250 : vector<16xi32> to vector<16xi32>
        tpu.vector_store %arg10[%swap3A_251], %swap3A_254 {strides = array<i32>} : memref<80xi32, #tpu.memory_space<vmem>>, vector<16xi32>,
        %get3A_255 = arith.constant 1 : i32
        %get3A_256 = arith.index_cast %get3A_255 : i32 to index
        %get3A_257 = arith.constant 64 : index
        %get3A_258 = tpu.vector_load %arg8[%get3A_256, %get3A_257] {strides = array<i32>} : memref<2x80xi32, #tpu.memory_space<vmem>>, vector<1x16xi32>,
        %get3A_259 = vector.shape_cast %get3A_258 : vector<1x16xi32> to vector<16xi32>
        %swap3A_260 = arith.constant 64 : index
        %swap3A_261 = tpu.vector_load %arg10[%swap3A_260] {strides = array<i32>} : memref<80xi32, #tpu.memory_space<vmem>>, vector<16xi32>,
        %swap3A_262 = vector.shape_cast %swap3A_261 : vector<16xi32> to vector<16xi32>
        %swap3A_263 = vector.shape_cast %get3A_259 : vector<16xi32> to vector<16xi32>
        tpu.vector_store %arg10[%swap3A_260], %swap3A_263 {strides = array<i32>} : memref<80xi32, #tpu.memory_space<vmem>>, vector<16xi32>,
        %dma_start3A_264 = arith.constant 0 : i32
        %dma_start3A_265 = arith.constant 0 : i32
        %dma_start3A_266 = tpu.memref_slice %arg15[%dma_start3A_264, %dma_start3A_265] : memref<10000x128xf32, #tpu.memory_space<vmem_shared>> -> memref<10000x128xf32, #tpu.memory_space<vmem_shared>>
        tpu.enqueue_indirect_dma source(%arg14 : memref<80x128xf32, #tpu.memory_space<vmem>>) target(%dma_start3A_266 : memref<10000x128xf32, #tpu.memory_space<vmem_shared>>) offsets(%arg10 : memref<80xi32, #tpu.memory_space<vmem>>) semaphore(%arg25 : memref<!tpu.dma_semaphore, #tpu.memory_space<semaphore_mem>>) {add = true}
        %add3A_267 = arith.constant 4 : i32
        %add3A_268 = arith.addi %add3A_199, %add3A_267 : i32
        %lt3A_269 = arith.constant 125 : i32
        %lt3A_270 = arith.cmpi slt, %add3A_268, %lt3A_269 : i32
        %convert_element_type3A_271 = arith.extui %lt3A_270 : i1 to i32
        %cond3A_272 = arith.constant 0 : i32
        %cond3A_273 = arith.cmpi ne, %convert_element_type3A_271, %cond3A_272 : i32
        scf.if %cond3A_273 {
          %add3A_274 = arith.addi %mul3A_2, %add3A_199 : i32
          %add3A_275 = arith.constant 4 : i32
          %add3A_276 = arith.addi %add3A_274, %add3A_275 : i32
          %dma_start3A_277 = arith.constant 0 : i32
          %dma_start3A_278 = arith.constant 0 : i32
          %dma_start3A_279 = tpu.memref_slice %arg3[%add3A_276, %dma_start3A_277, %dma_start3A_278] : memref<4000x2x80xi32, #tpu.memory_space<hbm>> -> memref<1x2x80xi32, #tpu.memory_space<hbm>>
          %dma_start3A_280 = tpu.memref_squeeze %dma_start3A_279 : memref<1x2x80xi32, #tpu.memory_space<hbm>> -> memref<2x80xi32, #tpu.memory_space<hbm>>
          %dma_start3A_281 = arith.constant 0 : i32
          %dma_start3A_282 = arith.constant 0 : i32
          %dma_start3A_283 = tpu.memref_slice %arg3[%add3A_276, %dma_start3A_281, %dma_start3A_282] : memref<4000x2x80xi32, #tpu.memory_space<hbm>> -> memref<1x2x80xi32, #tpu.memory_space<hbm>>
          %dma_start3A_284 = tpu.memref_squeeze %dma_start3A_283 : memref<1x2x80xi32, #tpu.memory_space<hbm>> -> memref<2x80xi32, #tpu.memory_space<hbm>>
          tpu.enqueue_dma source(%dma_start3A_284 : memref<2x80xi32, #tpu.memory_space<hbm>>) target(%arg8 : memref<2x80xi32, #tpu.memory_space<vmem>>) target_semaphore(%arg19 : memref<!tpu.dma_semaphore, #tpu.memory_space<semaphore_mem>>)
        } else {
        }
      } else {
      }
    }
    %scan3A_92 = arith.constant 32 : i32
    %dma_wait3A_93 = arith.constant 0 : i32
    %dma_wait3A_94 = arith.constant 0 : i32
    %dma_wait3A_95 = tpu.memref_slice %arg15[%dma_wait3A_93, %dma_wait3A_94] : memref<10000x128xf32, #tpu.memory_space<vmem_shared>> -> memref<10000x128xf32, #tpu.memory_space<vmem_shared>>
    tpu.wait_indirect_dma semaphore(%arg25 : memref<!tpu.dma_semaphore, #tpu.memory_space<semaphore_mem>>) src(%arg14 : memref<80x128xf32, #tpu.memory_space<vmem>>) dst(%dma_wait3A_95 : memref<10000x128xf32, #tpu.memory_space<vmem_shared>>)
    %dma_wait3A_96 = arith.constant 0 : i32
    %dma_wait3A_97 = arith.constant 0 : i32
    %dma_wait3A_98 = tpu.memref_slice %arg15[%dma_wait3A_96, %dma_wait3A_97] : memref<10000x128xf32, #tpu.memory_space<vmem_shared>> -> memref<10000x128xf32, #tpu.memory_space<vmem_shared>>
    tpu.wait_indirect_dma semaphore(%arg24 : memref<!tpu.dma_semaphore, #tpu.memory_space<semaphore_mem>>) src(%arg11 : memref<80x128xf32, #tpu.memory_space<vmem>>) dst(%dma_wait3A_98 : memref<10000x128xf32, #tpu.memory_space<vmem_shared>>)
    %barrier3A_99 = arith.constant 0 : index
    tpu.barrier barrier_id(%barrier3A_99)
    %scan3A_100 = arith.constant 0 : i32
    %scan3A_101 = arith.constant 0 : i32
    %scan3A_102 = arith.constant 8 : i32
    %scan3A_103 = arith.addi %scan3A_101, %scan3A_102 : i32
    %scan3A_104 = arith.constant 1 : i32
    scf.for %scan3A_106 = %scan3A_101 to %scan3A_103 step %scan3A_104  : i32 {
      %mul3A_107 = arith.constant 16 : i32
      %mul3A_108 = arith.muli %mul3A_107, %scan3A_106 : i32
      %add3A_109 = arith.addi %arg1, %mul3A_108 : i32
      %lt3A = arith.constant 125 : i32
      %lt3A_110 = arith.cmpi slt, %add3A_109, %lt3A : i32
      %convert_element_type3A = arith.extui %lt3A_110 : i1 to i32
      %cond3A = arith.constant 0 : i32
      %cond3A_111 = arith.cmpi ne, %convert_element_type3A, %cond3A : i32
      scf.if %cond3A_111 {
        %mul3A_112 = arith.constant 80 : i32
        %mul3A_113 = arith.muli %add3A_109, %mul3A_112 : i32
        "tpu.region"() ({
          %run_scoped3A = tpu.sem_alloc : memref<!tpu.dma_semaphore, #tpu.memory_space<semaphore_mem>>
          %dma_start3A_116 = arith.constant 0 : i32
          %dma_start3A_117 = arith.constant 0 : i32
          %dma_start3A_118 = tpu.memref_slice %arg11[%dma_start3A_116, %dma_start3A_117] : memref<80x128xf32, #tpu.memory_space<vmem>> -> memref<80x128xf32, #tpu.memory_space<vmem>>
          %dma_start3A_119 = arith.constant 0 : i32
          %dma_start3A_120 = tpu.memref_slice %arg15[%mul3A_113, %dma_start3A_119] : memref<10000x128xf32, #tpu.memory_space<vmem_shared>> -> memref<80x128xf32, #tpu.memory_space<vmem_shared>>
          %dma_start3A_121 = arith.constant 0 : i32
          %dma_start3A_122 = arith.constant 0 : i32
          %dma_start3A_123 = tpu.memref_slice %arg11[%dma_start3A_121, %dma_start3A_122] : memref<80x128xf32, #tpu.memory_space<vmem>> -> memref<80x128xf32, #tpu.memory_space<vmem>>
          %dma_start3A_124 = arith.constant 0 : i32
          %dma_start3A_125 = tpu.memref_slice %arg15[%mul3A_113, %dma_start3A_124] : memref<10000x128xf32, #tpu.memory_space<vmem_shared>> -> memref<80x128xf32, #tpu.memory_space<vmem_shared>>
          tpu.enqueue_dma source(%dma_start3A_125 : memref<80x128xf32, #tpu.memory_space<vmem_shared>>) target(%dma_start3A_123 : memref<80x128xf32, #tpu.memory_space<vmem>>) target_semaphore(%run_scoped3A : memref<!tpu.dma_semaphore, #tpu.memory_space<semaphore_mem>>)
          %dma_wait3A_126 = arith.constant 0 : i32
          %dma_wait3A_127 = arith.constant 0 : i32
          %dma_wait3A_128 = tpu.memref_slice %arg11[%dma_wait3A_126, %dma_wait3A_127] : memref<80x128xf32, #tpu.memory_space<vmem>> -> memref<80x128xf32, #tpu.memory_space<vmem>>
          %dma_wait3A_129 = arith.constant 0 : i32
          %dma_wait3A_130 = tpu.memref_slice %arg15[%mul3A_113, %dma_wait3A_129] : memref<10000x128xf32, #tpu.memory_space<vmem_shared>> -> memref<80x128xf32, #tpu.memory_space<vmem_shared>>
          %dma_wait3A_131 = arith.constant 0 : i32
          %dma_wait3A_132 = arith.constant 0 : i32
          %dma_wait3A_133 = tpu.memref_slice %arg11[%dma_wait3A_131, %dma_wait3A_132] : memref<80x128xf32, #tpu.memory_space<vmem>> -> memref<80x128xf32, #tpu.memory_space<vmem>>
          %dma_wait3A_134 = arith.constant 0 : i32
          %dma_wait3A_135 = tpu.memref_slice %arg15[%mul3A_113, %dma_wait3A_134] : memref<10000x128xf32, #tpu.memory_space<vmem_shared>> -> memref<80x128xf32, #tpu.memory_space<vmem_shared>>
          tpu.wait_dma2 semaphore(%run_scoped3A : memref<!tpu.dma_semaphore, #tpu.memory_space<semaphore_mem>>) src(%dma_wait3A_135 : memref<80x128xf32, #tpu.memory_space<vmem_shared>>) dst(%dma_wait3A_133 : memref<80x128xf32, #tpu.memory_space<vmem>>)
          tpu.yield
        }) : () -> ()
        %mul3A_114 = arith.constant 80 : i32
        %mul3A_115 = arith.muli %add3A_109, %mul3A_114 : i32
        "tpu.region"() ({
          %run_scoped3A = tpu.sem_alloc : memref<!tpu.dma_semaphore, #tpu.memory_space<semaphore_mem>>
          %dma_start3A_116 = arith.constant 0 : i32
          %dma_start3A_117 = arith.constant 0 : i32
          %dma_start3A_118 = tpu.memref_slice %arg11[%dma_start3A_116, %dma_start3A_117] : memref<80x128xf32, #tpu.memory_space<vmem>> -> memref<80x128xf32, #tpu.memory_space<vmem>>
          %dma_start3A_119 = arith.constant 0 : i32
          %dma_start3A_120 = arith.constant 0 : i32
          %dma_start3A_121 = tpu.memref_slice %arg4[%arg0, %dma_start3A_119, %dma_start3A_120] : memref<2x10000x128xf32, #tpu.memory_space<hbm>> -> memref<1x10000x128xf32, #tpu.memory_space<hbm>>
          %dma_start3A_122 = tpu.memref_squeeze %dma_start3A_121 : memref<1x10000x128xf32, #tpu.memory_space<hbm>> -> memref<10000x128xf32, #tpu.memory_space<hbm>>
          %dma_start3A_123 = arith.constant 0 : i32
          %dma_start3A_124 = tpu.memref_slice %dma_start3A_122[%mul3A_115, %dma_start3A_123] : memref<10000x128xf32, #tpu.memory_space<hbm>> -> memref<80x128xf32, #tpu.memory_space<hbm>>
          %dma_start3A_125 = arith.constant 0 : i32
          %dma_start3A_126 = arith.constant 0 : i32
          %dma_start3A_127 = tpu.memref_slice %arg4[%arg0, %dma_start3A_125, %dma_start3A_126] : memref<2x10000x128xf32, #tpu.memory_space<hbm>> -> memref<1x10000x128xf32, #tpu.memory_space<hbm>>
          %dma_start3A_128 = tpu.memref_squeeze %dma_start3A_127 : memref<1x10000x128xf32, #tpu.memory_space<hbm>> -> memref<10000x128xf32, #tpu.memory_space<hbm>>
          %dma_start3A_129 = arith.constant 0 : i32
          %dma_start3A_130 = tpu.memref_slice %dma_start3A_128[%mul3A_115, %dma_start3A_129] : memref<10000x128xf32, #tpu.memory_space<hbm>> -> memref<80x128xf32, #tpu.memory_space<hbm>>
          %dma_start3A_131 = arith.constant 0 : i32
          %dma_start3A_132 = arith.constant 0 : i32
          %dma_start3A_133 = tpu.memref_slice %arg11[%dma_start3A_131, %dma_start3A_132] : memref<80x128xf32, #tpu.memory_space<vmem>> -> memref<80x128xf32, #tpu.memory_space<vmem>>
          tpu.enqueue_dma source(%dma_start3A_133 : memref<80x128xf32, #tpu.memory_space<vmem>>) target(%dma_start3A_130 : memref<80x128xf32, #tpu.memory_space<hbm>>) target_semaphore(%run_scoped3A : memref<!tpu.dma_semaphore, #tpu.memory_space<semaphore_mem>>)
          %dma_wait3A_134 = arith.constant 0 : i32
          %dma_wait3A_135 = arith.constant 0 : i32
          %dma_wait3A_136 = tpu.memref_slice %arg11[%dma_wait3A_134, %dma_wait3A_135] : memref<80x128xf32, #tpu.memory_space<vmem>> -> memref<80x128xf32, #tpu.memory_space<vmem>>
          %dma_wait3A_137 = arith.constant 0 : i32
          %dma_wait3A_138 = arith.constant 0 : i32
          %dma_wait3A_139 = tpu.memref_slice %arg4[%arg0, %dma_wait3A_137, %dma_wait3A_138] : memref<2x10000x128xf32, #tpu.memory_space<hbm>> -> memref<1x10000x128xf32, #tpu.memory_space<hbm>>
          %dma_wait3A_140 = tpu.memref_squeeze %dma_wait3A_139 : memref<1x10000x128xf32, #tpu.memory_space<hbm>> -> memref<10000x128xf32, #tpu.memory_space<hbm>>
          %dma_wait3A_141 = arith.constant 0 : i32
          %dma_wait3A_142 = tpu.memref_slice %dma_wait3A_140[%mul3A_115, %dma_wait3A_141] : memref<10000x128xf32, #tpu.memory_space<hbm>> -> memref<80x128xf32, #tpu.memory_space<hbm>>
          %dma_wait3A_143 = arith.constant 0 : i32
          %dma_wait3A_144 = arith.constant 0 : i32
          %dma_wait3A_145 = tpu.memref_slice %arg4[%arg0, %dma_wait3A_143, %dma_wait3A_144] : memref<2x10000x128xf32, #tpu.memory_space<hbm>> -> memref<1x10000x128xf32, #tpu.memory_space<hbm>>
          %dma_wait3A_146 = tpu.memref_squeeze %dma_wait3A_145 : memref<1x10000x128xf32, #tpu.memory_space<hbm>> -> memref<10000x128xf32, #tpu.memory_space<hbm>>
          %dma_wait3A_147 = arith.constant 0 : i32
          %dma_wait3A_148 = tpu.memref_slice %dma_wait3A_146[%mul3A_115, %dma_wait3A_147] : memref<10000x128xf32, #tpu.memory_space<hbm>> -> memref<80x128xf32, #tpu.memory_space<hbm>>
          %dma_wait3A_149 = arith.constant 0 : i32
          %dma_wait3A_150 = arith.constant 0 : i32
          %dma_wait3A_151 = tpu.memref_slice %arg11[%dma_wait3A_149, %dma_wait3A_150] : memref<80x128xf32, #tpu.memory_space<vmem>> -> memref<80x128xf32, #tpu.memory_space<vmem>>
          tpu.wait_dma2 semaphore(%run_scoped3A : memref<!tpu.dma_semaphore, #tpu.memory_space<semaphore_mem>>) src(%dma_wait3A_151 : memref<80x128xf32, #tpu.memory_space<vmem>>) dst(%dma_wait3A_148 : memref<80x128xf32, #tpu.memory_space<hbm>>)
          tpu.yield
        }) : () -> ()
      } else {
      }
    }
    %scan3A_105 = arith.constant 8 : i32
    return
  }
}

#map = affine_map<(d0, d1) -> (0, 0)>
#map1 = affine_map<(d0, d1) -> (0, 0, 0)>
module attributes {stable_mosaic.version = 14 : i64} {
  func.func @seg_sum(%arg0: i32, %arg1: i32, %arg2: memref<10000x128xf32, #tpu.memory_space<hbm>>, %arg3: memref<4000x2x80xi32, #tpu.memory_space<hbm>>, %arg4: memref<2x10000x128xf32, #tpu.memory_space<hbm>>, %arg5: memref<2x80xi32, #tpu.memory_space<vmem>>, %arg6: memref<2x80xi32, #tpu.memory_space<vmem>>, %arg7: memref<2x80xi32, #tpu.memory_space<vmem>>, %arg8: memref<2x80xi32, #tpu.memory_space<vmem>>, %arg9: memref<80xi32, #tpu.memory_space<vmem>>, %arg10: memref<80xi32, #tpu.memory_space<vmem>>, %arg11: memref<80x128xf32, #tpu.memory_space<vmem>>, %arg12: memref<80x128xf32, #tpu.memory_space<vmem>>, %arg13: memref<80x128xf32, #tpu.memory_space<vmem>>, %arg14: memref<80x128xf32, #tpu.memory_space<vmem>>, %arg15: memref<10000x128xf32, #tpu.memory_space<vmem_shared>>, %arg16: memref<!tpu.dma_semaphore, #tpu.memory_space<semaphore_mem>>, %arg17: memref<!tpu.dma_semaphore, #tpu.memory_space<semaphore_mem>>, %arg18: memref<!tpu.dma_semaphore, #tpu.memory_space<semaphore_mem>>, %arg19: memref<!tpu.dma_semaphore, #tpu.memory_space<semaphore_mem>>, %arg20: memref<!tpu.dma_semaphore, #tpu.memory_space<semaphore_mem>>, %arg21: memref<!tpu.dma_semaphore, #tpu.memory_space<semaphore_mem>>, %arg22: memref<!tpu.dma_semaphore, #tpu.memory_space<semaphore_mem>>, %arg23: memref<!tpu.dma_semaphore, #tpu.memory_space<semaphore_mem>>, %arg24: memref<!tpu.dma_semaphore, #tpu.memory_space<semaphore_mem>>, %arg25: memref<!tpu.dma_semaphore, #tpu.memory_space<semaphore_mem>>) attributes {dimension_semantics = [#tpu.dimension_semantics<core_parallel>, #tpu.dimension_semantics<subcore_parallel>], iteration_bounds = array<i64: 2, 16>, scalar_prefetch = 0 : i64, scratch_operands = 21 : i64, tpu.core_type = #tpu.core_type<sc_vector_subcore>, window_params = [{transform_indices = #map}, {transform_indices = #map1}, {transform_indices = #map1}]} {
    %mul3A = arith.constant 2 : i32
    %mul3A_0 = arith.muli %arg1, %mul3A : i32
    %add3A = arith.addi %mul3A_0, %arg0 : i32
    %mul3A_1 = arith.constant 125 : i32
    %mul3A_2 = arith.muli %add3A, %mul3A_1 : i32
    %broadcast_in_dim3A = arith.constant 0.000000e+00 : f32
    %broadcast_in_dim3A_3 = vector.broadcast %broadcast_in_dim3A : f32 to vector<16xf32>
    %scan3A = arith.constant 0 : i32
    %scan3A_4 = arith.constant 0 : i32
    %scan3A_5 = arith.constant 80 : i32
    %scan3A_6 = arith.addi %scan3A_4, %scan3A_5 : i32
    %scan3A_7 = arith.constant 1 : i32
    scf.for %scan3A_106 = %scan3A_4 to %scan3A_6 step %scan3A_7  : i32 {
      %scan3A_107 = arith.constant 0 : i32
      %scan3A_108 = arith.constant 8 : i32
      %scan3A_109 = arith.addi %scan3A_107, %scan3A_108 : i32
      %scan3A_110 = arith.constant 1 : i32
      scf.for %scan3A_112 = %scan3A_107 to %scan3A_109 step %scan3A_110  : i32 {
        %mul3A_113 = arith.constant 16 : i32
        %mul3A_114 = arith.muli %scan3A_112, %mul3A_113 : i32
        %swap3A = arith.index_cast %scan3A_106 : i32 to index
        %swap3A_115 = arith.index_cast %mul3A_114 : i32 to index
        %swap3A_116 = tpu.vector_load %arg11[%swap3A, %swap3A_115] {strides = array<i32>} : memref<80x128xf32, #tpu.memory_space<vmem>>, vector<1x16xf32>,
        %swap3A_117 = vector.shape_cast %swap3A_116 : vector<1x16xf32> to vector<16xf32>
        %swap3A_118 = vector.shape_cast %broadcast_in_dim3A_3 : vector<16xf32> to vector<1x16xf32>
        tpu.vector_store %arg11[%swap3A, %swap3A_115], %swap3A_118 {strides = array<i32>} : memref<80x128xf32, #tpu.memory_space<vmem>>, vector<1x16xf32>,
      }
      %scan3A_111 = arith.constant 8 : i32
    }
    %scan3A_8 = arith.constant 80 : i32
    %scan3A_9 = arith.constant 0 : i32
    %scan3A_10 = arith.constant 0 : i32
    %scan3A_11 = arith.constant 8 : i32
    %scan3A_12 = arith.addi %scan3A_10, %scan3A_11 : i32
    %scan3A_13 = arith.constant 1 : i32
    scf.for %scan3A_106 = %scan3A_10 to %scan3A_12 step %scan3A_13  : i32 {
      %mul3A_107 = arith.constant 16 : i32
      %mul3A_108 = arith.muli %mul3A_107, %scan3A_106 : i32
      %add3A_109 = arith.addi %arg1, %mul3A_108 : i32
      %lt3A = arith.constant 125 : i32
      %lt3A_110 = arith.cmpi slt, %add3A_109, %lt3A : i32
      %convert_element_type3A = arith.extui %lt3A_110 : i1 to i32
      %cond3A = arith.constant 0 : i32
      %cond3A_111 = arith.cmpi ne, %convert_element_type3A, %cond3A : i32
      scf.if %cond3A_111 {
        %mul3A_112 = arith.constant 80 : i32
        %mul3A_113 = arith.muli %add3A_109, %mul3A_112 : i32
        "tpu.region"() ({
          %run_scoped3A = tpu.sem_alloc : memref<!tpu.dma_semaphore, #tpu.memory_space<semaphore_mem>>
          %dma_start3A_114 = arith.constant 0 : i32
          %dma_start3A_115 = arith.constant 0 : i32
          %dma_start3A_116 = tpu.memref_slice %arg11[%dma_start3A_114, %dma_start3A_115] : memref<80x128xf32, #tpu.memory_space<vmem>> -> memref<80x128xf32, #tpu.memory_space<vmem>>
          %dma_start3A_117 = arith.constant 0 : i32
          %dma_start3A_118 = tpu.memref_slice %arg15[%mul3A_113, %dma_start3A_117] : memref<10000x128xf32, #tpu.memory_space<vmem_shared>> -> memref<80x128xf32, #tpu.memory_space<vmem_shared>>
          %dma_start3A_119 = arith.constant 0 : i32
          %dma_start3A_120 = tpu.memref_slice %arg15[%mul3A_113, %dma_start3A_119] : memref<10000x128xf32, #tpu.memory_space<vmem_shared>> -> memref<80x128xf32, #tpu.memory_space<vmem_shared>>
          %dma_start3A_121 = arith.constant 0 : i32
          %dma_start3A_122 = arith.constant 0 : i32
          %dma_start3A_123 = tpu.memref_slice %arg11[%dma_start3A_121, %dma_start3A_122] : memref<80x128xf32, #tpu.memory_space<vmem>> -> memref<80x128xf32, #tpu.memory_space<vmem>>
          tpu.enqueue_dma source(%dma_start3A_123 : memref<80x128xf32, #tpu.memory_space<vmem>>) target(%dma_start3A_120 : memref<80x128xf32, #tpu.memory_space<vmem_shared>>) target_semaphore(%run_scoped3A : memref<!tpu.dma_semaphore, #tpu.memory_space<semaphore_mem>>)
          %dma_wait3A_124 = arith.constant 0 : i32
          %dma_wait3A_125 = arith.constant 0 : i32
          %dma_wait3A_126 = tpu.memref_slice %arg11[%dma_wait3A_124, %dma_wait3A_125] : memref<80x128xf32, #tpu.memory_space<vmem>> -> memref<80x128xf32, #tpu.memory_space<vmem>>
          %dma_wait3A_127 = arith.constant 0 : i32
          %dma_wait3A_128 = tpu.memref_slice %arg15[%mul3A_113, %dma_wait3A_127] : memref<10000x128xf32, #tpu.memory_space<vmem_shared>> -> memref<80x128xf32, #tpu.memory_space<vmem_shared>>
          %dma_wait3A_129 = arith.constant 0 : i32
          %dma_wait3A_130 = tpu.memref_slice %arg15[%mul3A_113, %dma_wait3A_129] : memref<10000x128xf32, #tpu.memory_space<vmem_shared>> -> memref<80x128xf32, #tpu.memory_space<vmem_shared>>
          %dma_wait3A_131 = arith.constant 0 : i32
          %dma_wait3A_132 = arith.constant 0 : i32
          %dma_wait3A_133 = tpu.memref_slice %arg11[%dma_wait3A_131, %dma_wait3A_132] : memref<80x128xf32, #tpu.memory_space<vmem>> -> memref<80x128xf32, #tpu.memory_space<vmem>>
          tpu.wait_dma2 semaphore(%run_scoped3A : memref<!tpu.dma_semaphore, #tpu.memory_space<semaphore_mem>>) src(%dma_wait3A_133 : memref<80x128xf32, #tpu.memory_space<vmem>>) dst(%dma_wait3A_130 : memref<80x128xf32, #tpu.memory_space<vmem_shared>>)
          tpu.yield
        }) : () -> ()
      } else {
      }
    }
    %scan3A_14 = arith.constant 8 : i32
    %barrier3A = arith.constant 0 : index
    tpu.barrier barrier_id(%barrier3A)
    %add3A_15 = arith.constant 0 : i32
    %add3A_16 = arith.addi %mul3A_2, %add3A_15 : i32
    %dma_start3A = arith.constant 0 : i32
    %dma_start3A_17 = arith.constant 0 : i32
    %dma_start3A_18 = tpu.memref_slice %arg3[%add3A_16, %dma_start3A, %dma_start3A_17] : memref<4000x2x80xi32, #tpu.memory_space<hbm>> -> memref<1x2x80xi32, #tpu.memory_space<hbm>>
    %dma_start3A_19 = tpu.memref_squeeze %dma_start3A_18 : memref<1x2x80xi32, #tpu.memory_space<hbm>> -> memref<2x80xi32, #tpu.memory_space<hbm>>
    %dma_start3A_20 = arith.constant 0 : i32
    %dma_start3A_21 = arith.constant 0 : i32
    %dma_start3A_22 = tpu.memref_slice %arg3[%add3A_16, %dma_start3A_20, %dma_start3A_21] : memref<4000x2x80xi32, #tpu.memory_space<hbm>> -> memref<1x2x80xi32, #tpu.memory_space<hbm>>
    %dma_start3A_23 = tpu.memref_squeeze %dma_start3A_22 : memref<1x2x80xi32, #tpu.memory_space<hbm>> -> memref<2x80xi32, #tpu.memory_space<hbm>>
    tpu.enqueue_dma source(%dma_start3A_23 : memref<2x80xi32, #tpu.memory_space<hbm>>) target(%arg5 : memref<2x80xi32, #tpu.memory_space<vmem>>) target_semaphore(%arg16 : memref<!tpu.dma_semaphore, #tpu.memory_space<semaphore_mem>>)
    %add3A_24 = arith.constant 1 : i32
    %add3A_25 = arith.addi %mul3A_2, %add3A_24 : i32
    %dma_start3A_26 = arith.constant 0 : i32
    %dma_start3A_27 = arith.constant 0 : i32
    %dma_start3A_28 = tpu.memref_slice %arg3[%add3A_25, %dma_start3A_26, %dma_start3A_27] : memref<4000x2x80xi32, #tpu.memory_space<hbm>> -> memref<1x2x80xi32, #tpu.memory_space<hbm>>
    %dma_start3A_29 = tpu.memref_squeeze %dma_start3A_28 : memref<1x2x80xi32, #tpu.memory_space<hbm>> -> memref<2x80xi32, #tpu.memory_space<hbm>>
    %dma_start3A_30 = arith.constant 0 : i32
    %dma_start3A_31 = arith.constant 0 : i32
    %dma_start3A_32 = tpu.memref_slice %arg3[%add3A_25, %dma_start3A_30, %dma_start3A_31] : memref<4000x2x80xi32, #tpu.memory_space<hbm>> -> memref<1x2x80xi32, #tpu.memory_space<hbm>>
    %dma_start3A_33 = tpu.memref_squeeze %dma_start3A_32 : memref<1x2x80xi32, #tpu.memory_space<hbm>> -> memref<2x80xi32, #tpu.memory_space<hbm>>
    tpu.enqueue_dma source(%dma_start3A_33 : memref<2x80xi32, #tpu.memory_space<hbm>>) target(%arg6 : memref<2x80xi32, #tpu.memory_space<vmem>>) target_semaphore(%arg17 : memref<!tpu.dma_semaphore, #tpu.memory_space<semaphore_mem>>)
    %add3A_34 = arith.constant 2 : i32
    %add3A_35 = arith.addi %mul3A_2, %add3A_34 : i32
    %dma_start3A_36 = arith.constant 0 : i32
    %dma_start3A_37 = arith.constant 0 : i32
    %dma_start3A_38 = tpu.memref_slice %arg3[%add3A_35, %dma_start3A_36, %dma_start3A_37] : memref<4000x2x80xi32, #tpu.memory_space<hbm>> -> memref<1x2x80xi32, #tpu.memory_space<hbm>>
    %dma_start3A_39 = tpu.memref_squeeze %dma_start3A_38 : memref<1x2x80xi32, #tpu.memory_space<hbm>> -> memref<2x80xi32, #tpu.memory_space<hbm>>
    %dma_start3A_40 = arith.constant 0 : i32
    %dma_start3A_41 = arith.constant 0 : i32
    %dma_start3A_42 = tpu.memref_slice %arg3[%add3A_35, %dma_start3A_40, %dma_start3A_41] : memref<4000x2x80xi32, #tpu.memory_space<hbm>> -> memref<1x2x80xi32, #tpu.memory_space<hbm>>
    %dma_start3A_43 = tpu.memref_squeeze %dma_start3A_42 : memref<1x2x80xi32, #tpu.memory_space<hbm>> -> memref<2x80xi32, #tpu.memory_space<hbm>>
    tpu.enqueue_dma source(%dma_start3A_43 : memref<2x80xi32, #tpu.memory_space<hbm>>) target(%arg7 : memref<2x80xi32, #tpu.memory_space<vmem>>) target_semaphore(%arg18 : memref<!tpu.dma_semaphore, #tpu.memory_space<semaphore_mem>>)
    %add3A_44 = arith.constant 3 : i32
    %add3A_45 = arith.addi %mul3A_2, %add3A_44 : i32
    %dma_start3A_46 = arith.constant 0 : i32
    %dma_start3A_47 = arith.constant 0 : i32
    %dma_start3A_48 = tpu.memref_slice %arg3[%add3A_45, %dma_start3A_46, %dma_start3A_47] : memref<4000x2x80xi32, #tpu.memory_space<hbm>> -> memref<1x2x80xi32, #tpu.memory_space<hbm>>
    %dma_start3A_49 = tpu.memref_squeeze %dma_start3A_48 : memref<1x2x80xi32, #tpu.memory_space<hbm>> -> memref<2x80xi32, #tpu.memory_space<hbm>>
    %dma_start3A_50 = arith.constant 0 : i32
    %dma_start3A_51 = arith.constant 0 : i32
    %dma_start3A_52 = tpu.memref_slice %arg3[%add3A_45, %dma_start3A_50, %dma_start3A_51] : memref<4000x2x80xi32, #tpu.memory_space<hbm>> -> memref<1x2x80xi32, #tpu.memory_space<hbm>>
    %dma_start3A_53 = tpu.memref_squeeze %dma_start3A_52 : memref<1x2x80xi32, #tpu.memory_space<hbm>> -> memref<2x80xi32, #tpu.memory_space<hbm>>
    tpu.enqueue_dma source(%dma_start3A_53 : memref<2x80xi32, #tpu.memory_space<hbm>>) target(%arg8 : memref<2x80xi32, #tpu.memory_space<vmem>>) target_semaphore(%arg19 : memref<!tpu.dma_semaphore, #tpu.memory_space<semaphore_mem>>)
    %add3A_54 = arith.constant 0 : i32
    %add3A_55 = arith.addi %mul3A_2, %add3A_54 : i32
    %dma_wait3A = arith.constant 0 : i32
    %dma_wait3A_56 = arith.constant 0 : i32
    %dma_wait3A_57 = tpu.memref_slice %arg3[%add3A_55, %dma_wait3A, %dma_wait3A_56] : memref<4000x2x80xi32, #tpu.memory_space<hbm>> -> memref<1x2x80xi32, #tpu.memory_space<hbm>>
    %dma_wait3A_58 = tpu.memref_squeeze %dma_wait3A_57 : memref<1x2x80xi32, #tpu.memory_space<hbm>> -> memref<2x80xi32, #tpu.memory_space<hbm>>
    %dma_wait3A_59 = arith.constant 0 : i32
    %dma_wait3A_60 = arith.constant 0 : i32
    %dma_wait3A_61 = tpu.memref_slice %arg3[%add3A_55, %dma_wait3A_59, %dma_wait3A_60] : memref<4000x2x80xi32, #tpu.memory_space<hbm>> -> memref<1x2x80xi32, #tpu.memory_space<hbm>>
    %dma_wait3A_62 = tpu.memref_squeeze %dma_wait3A_61 : memref<1x2x80xi32, #tpu.memory_space<hbm>> -> memref<2x80xi32, #tpu.memory_space<hbm>>
    tpu.wait_dma2 semaphore(%arg16 : memref<!tpu.dma_semaphore, #tpu.memory_space<semaphore_mem>>) src(%dma_wait3A_62 : memref<2x80xi32, #tpu.memory_space<hbm>>) dst(%arg5 : memref<2x80xi32, #tpu.memory_space<vmem>>)
    %dma_start3A_63 = arith.constant 0 : i32
    %dma_start3A_64 = arith.constant 0 : i32
    %dma_start3A_65 = tpu.memref_slice %arg5[%dma_start3A_63, %dma_start3A_64] : memref<2x80xi32, #tpu.memory_space<vmem>> -> memref<1x80xi32, #tpu.memory_space<vmem>>
    %dma_start3A_66 = tpu.memref_squeeze %dma_start3A_65 : memref<1x80xi32, #tpu.memory_space<vmem>> -> memref<80xi32, #tpu.memory_space<vmem>>
    %dma_start3A_67 = arith.constant 0 : i32
    %dma_start3A_68 = arith.constant 0 : i32
    %dma_start3A_69 = tpu.memref_slice %arg2[%dma_start3A_67, %dma_start3A_68] : memref<10000x128xf32, #tpu.memory_space<hbm>> -> memref<10000x128xf32, #tpu.memory_space<hbm>>
    tpu.enqueue_indirect_dma source(%dma_start3A_69 : memref<10000x128xf32, #tpu.memory_space<hbm>>) target(%arg11 : memref<80x128xf32, #tpu.memory_space<vmem>>) offsets(%dma_start3A_66 : memref<80xi32, #tpu.memory_space<vmem>>) semaphore(%arg20 : memref<!tpu.dma_semaphore, #tpu.memory_space<semaphore_mem>>)
    %add3A_70 = arith.constant 1 : i32
    %add3A_71 = arith.addi %mul3A_2, %add3A_70 : i32
    %dma_wait3A_72 = arith.constant 0 : i32
    %dma_wait3A_73 = arith.constant 0 : i32
    %dma_wait3A_74 = tpu.memref_slice %arg3[%add3A_71, %dma_wait3A_72, %dma_wait3A_73] : memref<4000x2x80xi32, #tpu.memory_space<hbm>> -> memref<1x2x80xi32, #tpu.memory_space<hbm>>
    %dma_wait3A_75 = tpu.memref_squeeze %dma_wait3A_74 : memref<1x2x80xi32, #tpu.memory_space<hbm>> -> memref<2x80xi32, #tpu.memory_space<hbm>>
    %dma_wait3A_76 = arith.constant 0 : i32
    %dma_wait3A_77 = arith.constant 0 : i32
    %dma_wait3A_78 = tpu.memref_slice %arg3[%add3A_71, %dma_wait3A_76, %dma_wait3A_77] : memref<4000x2x80xi32, #tpu.memory_space<hbm>> -> memref<1x2x80xi32, #tpu.memory_space<hbm>>
    %dma_wait3A_79 = tpu.memref_squeeze %dma_wait3A_78 : memref<1x2x80xi32, #tpu.memory_space<hbm>> -> memref<2x80xi32, #tpu.memory_space<hbm>>
    tpu.wait_dma2 semaphore(%arg17 : memref<!tpu.dma_semaphore, #tpu.memory_space<semaphore_mem>>) src(%dma_wait3A_79 : memref<2x80xi32, #tpu.memory_space<hbm>>) dst(%arg6 : memref<2x80xi32, #tpu.memory_space<vmem>>)
    %dma_start3A_80 = arith.constant 0 : i32
    %dma_start3A_81 = arith.constant 0 : i32
    %dma_start3A_82 = tpu.memref_slice %arg6[%dma_start3A_80, %dma_start3A_81] : memref<2x80xi32, #tpu.memory_space<vmem>> -> memref<1x80xi32, #tpu.memory_space<vmem>>
    %dma_start3A_83 = tpu.memref_squeeze %dma_start3A_82 : memref<1x80xi32, #tpu.memory_space<vmem>> -> memref<80xi32, #tpu.memory_space<vmem>>
    %dma_start3A_84 = arith.constant 0 : i32
    %dma_start3A_85 = arith.constant 0 : i32
    %dma_start3A_86 = tpu.memref_slice %arg2[%dma_start3A_84, %dma_start3A_85] : memref<10000x128xf32, #tpu.memory_space<hbm>> -> memref<10000x128xf32, #tpu.memory_space<hbm>>
    tpu.enqueue_indirect_dma source(%dma_start3A_86 : memref<10000x128xf32, #tpu.memory_space<hbm>>) target(%arg12 : memref<80x128xf32, #tpu.memory_space<vmem>>) offsets(%dma_start3A_83 : memref<80xi32, #tpu.memory_space<vmem>>) semaphore(%arg21 : memref<!tpu.dma_semaphore, #tpu.memory_space<semaphore_mem>>)
    %scan3A_87 = arith.constant 0 : i32
    %scan3A_88 = arith.constant 0 : i32
    %scan3A_89 = arith.constant 32 : i32
    %scan3A_90 = arith.addi %scan3A_88, %scan3A_89 : i32
    %scan3A_91 = arith.constant 1 : i32
    scf.for %scan3A_106 = %scan3A_88 to %scan3A_90 step %scan3A_91  : i32 {
      %mul3A_107 = arith.constant 4 : i32
      %mul3A_108 = arith.muli %mul3A_107, %scan3A_106 : i32
      %ge3A = arith.constant 2 : i32
      %ge3A_109 = arith.cmpi sge, %mul3A_108, %ge3A : i32
      %convert_element_type3A = arith.extui %ge3A_109 : i1 to i32
      %cond3A = arith.constant 0 : i32
      %cond3A_110 = arith.cmpi ne, %convert_element_type3A, %cond3A : i32
      scf.if %cond3A_110 {
        %dma_wait3A_198 = arith.constant 0 : i32
        %dma_wait3A_199 = arith.constant 0 : i32
        %dma_wait3A_200 = tpu.memref_slice %arg15[%dma_wait3A_198, %dma_wait3A_199] : memref<10000x128xf32, #tpu.memory_space<vmem_shared>> -> memref<10000x128xf32, #tpu.memory_space<vmem_shared>>
        tpu.wait_indirect_dma semaphore(%arg24 : memref<!tpu.dma_semaphore, #tpu.memory_space<semaphore_mem>>) src(%arg13 : memref<80x128xf32, #tpu.memory_space<vmem>>) dst(%dma_wait3A_200 : memref<10000x128xf32, #tpu.memory_space<vmem_shared>>)
      } else {
      }
      %add3A_111 = arith.constant 2 : i32
      %add3A_112 = arith.addi %mul3A_108, %add3A_111 : i32
      %lt3A = arith.constant 125 : i32
      %lt3A_113 = arith.cmpi slt, %add3A_112, %lt3A : i32
      %convert_element_type3A_114 = arith.extui %lt3A_113 : i1 to i32
      %cond3A_115 = arith.constant 0 : i32
      %cond3A_116 = arith.cmpi ne, %convert_element_type3A_114, %cond3A_115 : i32
      scf.if %cond3A_116 {
        %add3A_198 = arith.addi %mul3A_2, %mul3A_108 : i32
        %add3A_199 = arith.constant 2 : i32
        %add3A_200 = arith.addi %add3A_198, %add3A_199 : i32
        %dma_wait3A_201 = arith.constant 0 : i32
        %dma_wait3A_202 = arith.constant 0 : i32
        %dma_wait3A_203 = tpu.memref_slice %arg3[%add3A_200, %dma_wait3A_201, %dma_wait3A_202] : memref<4000x2x80xi32, #tpu.memory_space<hbm>> -> memref<1x2x80xi32, #tpu.memory_space<hbm>>
        %dma_wait3A_204 = tpu.memref_squeeze %dma_wait3A_203 : memref<1x2x80xi32, #tpu.memory_space<hbm>> -> memref<2x80xi32, #tpu.memory_space<hbm>>
        %dma_wait3A_205 = arith.constant 0 : i32
        %dma_wait3A_206 = arith.constant 0 : i32
        %dma_wait3A_207 = tpu.memref_slice %arg3[%add3A_200, %dma_wait3A_205, %dma_wait3A_206] : memref<4000x2x80xi32, #tpu.memory_space<hbm>> -> memref<1x2x80xi32, #tpu.memory_space<hbm>>
        %dma_wait3A_208 = tpu.memref_squeeze %dma_wait3A_207 : memref<1x2x80xi32, #tpu.memory_space<hbm>> -> memref<2x80xi32, #tpu.memory_space<hbm>>
        tpu.wait_dma2 semaphore(%arg18 : memref<!tpu.dma_semaphore, #tpu.memory_space<semaphore_mem>>) src(%dma_wait3A_208 : memref<2x80xi32, #tpu.memory_space<hbm>>) dst(%arg7 : memref<2x80xi32, #tpu.memory_space<vmem>>)
        %dma_start3A_209 = arith.constant 0 : i32
        %dma_start3A_210 = arith.constant 0 : i32
        %dma_start3A_211 = tpu.memref_slice %arg7[%dma_start3A_209, %dma_start3A_210] : memref<2x80xi32, #tpu.memory_space<vmem>> -> memref<1x80xi32, #tpu.memory_space<vmem>>
        %dma_start3A_212 = tpu.memref_squeeze %dma_start3A_211 : memref<1x80xi32, #tpu.memory_space<vmem>> -> memref<80xi32, #tpu.memory_space<vmem>>
        %dma_start3A_213 = arith.constant 0 : i32
        %dma_start3A_214 = arith.constant 0 : i32
        %dma_start3A_215 = tpu.memref_slice %arg2[%dma_start3A_213, %dma_start3A_214] : memref<10000x128xf32, #tpu.memory_space<hbm>> -> memref<10000x128xf32, #tpu.memory_space<hbm>>
        tpu.enqueue_indirect_dma source(%dma_start3A_215 : memref<10000x128xf32, #tpu.memory_space<hbm>>) target(%arg13 : memref<80x128xf32, #tpu.memory_space<vmem>>) offsets(%dma_start3A_212 : memref<80xi32, #tpu.memory_space<vmem>>) semaphore(%arg22 : memref<!tpu.dma_semaphore, #tpu.memory_space<semaphore_mem>>)
      } else {
      }
      %dma_wait3A_117 = arith.constant 0 : i32
      %dma_wait3A_118 = arith.constant 0 : i32
      %dma_wait3A_119 = tpu.memref_slice %arg5[%dma_wait3A_117, %dma_wait3A_118] : memref<2x80xi32, #tpu.memory_space<vmem>> -> memref<1x80xi32, #tpu.memory_space<vmem>>
      %dma_wait3A_120 = tpu.memref_squeeze %dma_wait3A_119 : memref<1x80xi32, #tpu.memory_space<vmem>> -> memref<80xi32, #tpu.memory_space<vmem>>
      %dma_wait3A_121 = arith.constant 0 : i32
      %dma_wait3A_122 = arith.constant 0 : i32
      %dma_wait3A_123 = tpu.memref_slice %arg2[%dma_wait3A_121, %dma_wait3A_122] : memref<10000x128xf32, #tpu.memory_space<hbm>> -> memref<10000x128xf32, #tpu.memory_space<hbm>>
      tpu.wait_indirect_dma semaphore(%arg20 : memref<!tpu.dma_semaphore, #tpu.memory_space<semaphore_mem>>) src(%dma_wait3A_123 : memref<10000x128xf32, #tpu.memory_space<hbm>>) dst(%arg11 : memref<80x128xf32, #tpu.memory_space<vmem>>)
      %get3A = arith.constant 1 : i32
      %get3A_124 = arith.index_cast %get3A : i32 to index
      %get3A_125 = arith.constant 0 : index
      %get3A_126 = tpu.vector_load %arg5[%get3A_124, %get3A_125] {strides = array<i32>} : memref<2x80xi32, #tpu.memory_space<vmem>>, vector<1x16xi32>,
      %get3A_127 = vector.shape_cast %get3A_126 : vector<1x16xi32> to vector<16xi32>
      %swap3A = arith.constant 0 : index
      %swap3A_128 = tpu.vector_load %arg9[%swap3A] {strides = array<i32>} : memref<80xi32, #tpu.memory_space<vmem>>, vector<16xi32>,
      %swap3A_129 = vector.shape_cast %swap3A_128 : vector<16xi32> to vector<16xi32>
      %swap3A_130 = vector.shape_cast %get3A_127 : vector<16xi32> to vector<16xi32>
      tpu.vector_store %arg9[%swap3A], %swap3A_130 {strides = array<i32>} : memref<80xi32, #tpu.memory_space<vmem>>, vector<16xi32>,
      %get3A_131 = arith.constant 1 : i32
      %get3A_132 = arith.index_cast %get3A_131 : i32 to index
      %get3A_133 = arith.constant 16 : index
      %get3A_134 = tpu.vector_load %arg5[%get3A_132, %get3A_133] {strides = array<i32>} : memref<2x80xi32, #tpu.memory_space<vmem>>, vector<1x16xi32>,
      %get3A_135 = vector.shape_cast %get3A_134 : vector<1x16xi32> to vector<16xi32>
      %swap3A_136 = arith.constant 16 : index
      %swap3A_137 = tpu.vector_load %arg9[%swap3A_136] {strides = array<i32>} : memref<80xi32, #tpu.memory_space<vmem>>, vector<16xi32>,
      %swap3A_138 = vector.shape_cast %swap3A_137 : vector<16xi32> to vector<16xi32>
      %swap3A_139 = vector.shape_cast %get3A_135 : vector<16xi32> to vector<16xi32>
      tpu.vector_store %arg9[%swap3A_136], %swap3A_139 {strides = array<i32>} : memref<80xi32, #tpu.memory_space<vmem>>, vector<16xi32>,
      %get3A_140 = arith.constant 1 : i32
      %get3A_141 = arith.index_cast %get3A_140 : i32 to index
      %get3A_142 = arith.constant 32 : index
      %get3A_143 = tpu.vector_load %arg5[%get3A_141, %get3A_142] {strides = array<i32>} : memref<2x80xi32, #tpu.memory_space<vmem>>, vector<1x16xi32>,
      %get3A_144 = vector.shape_cast %get3A_143 : vector<1x16xi32> to vector<16xi32>
      %swap3A_145 = arith.constant 32 : index
      %swap3A_146 = tpu.vector_load %arg9[%swap3A_145] {strides = array<i32>} : memref<80xi32, #tpu.memory_space<vmem>>, vector<16xi32>,
      %swap3A_147 = vector.shape_cast %swap3A_146 : vector<16xi32> to vector<16xi32>
      %swap3A_148 = vector.shape_cast %get3A_144 : vector<16xi32> to vector<16xi32>
      tpu.vector_store %arg9[%swap3A_145], %swap3A_148 {strides = array<i32>} : memref<80xi32, #tpu.memory_space<vmem>>, vector<16xi32>,
      %get3A_149 = arith.constant 1 : i32
      %get3A_150 = arith.index_cast %get3A_149 : i32 to index
      %get3A_151 = arith.constant 48 : index
      %get3A_152 = tpu.vector_load %arg5[%get3A_150, %get3A_151] {strides = array<i32>} : memref<2x80xi32, #tpu.memory_space<vmem>>, vector<1x16xi32>,
      %get3A_153 = vector.shape_cast %get3A_152 : vector<1x16xi32> to vector<16xi32>
      %swap3A_154 = arith.constant 48 : index
      %swap3A_155 = tpu.vector_load %arg9[%swap3A_154] {strides = array<i32>} : memref<80xi32, #tpu.memory_space<vmem>>, vector<16xi32>,
      %swap3A_156 = vector.shape_cast %swap3A_155 : vector<16xi32> to vector<16xi32>
      %swap3A_157 = vector.shape_cast %get3A_153 : vector<16xi32> to vector<16xi32>
      tpu.vector_store %arg9[%swap3A_154], %swap3A_157 {strides = array<i32>} : memref<80xi32, #tpu.memory_space<vmem>>, vector<16xi32>,
      %get3A_158 = arith.constant 1 : i32
      %get3A_159 = arith.index_cast %get3A_158 : i32 to index
      %get3A_160 = arith.constant 64 : index
      %get3A_161 = tpu.vector_load %arg5[%get3A_159, %get3A_160] {strides = array<i32>} : memref<2x80xi32, #tpu.memory_space<vmem>>, vector<1x16xi32>,
      %get3A_162 = vector.shape_cast %get3A_161 : vector<1x16xi32> to vector<16xi32>
      %swap3A_163 = arith.constant 64 : index
      %swap3A_164 = tpu.vector_load %arg9[%swap3A_163] {strides = array<i32>} : memref<80xi32, #tpu.memory_space<vmem>>, vector<16xi32>,
      %swap3A_165 = vector.shape_cast %swap3A_164 : vector<16xi32> to vector<16xi32>
      %swap3A_166 = vector.shape_cast %get3A_162 : vector<16xi32> to vector<16xi32>
      tpu.vector_store %arg9[%swap3A_163], %swap3A_166 {strides = array<i32>} : memref<80xi32, #tpu.memory_space<vmem>>, vector<16xi32>,
      %dma_start3A_167 = arith.constant 0 : i32
      %dma_start3A_168 = arith.constant 0 : i32
      %dma_start3A_169 = tpu.memref_slice %arg15[%dma_start3A_167, %dma_start3A_168] : memref<10000x128xf32, #tpu.memory_space<vmem_shared>> -> memref<10000x128xf32, #tpu.memory_space<vmem_shared>>
      tpu.enqueue_indirect_dma source(%arg11 : memref<80x128xf32, #tpu.memory_space<vmem>>) target(%dma_start3A_169 : memref<10000x128xf32, #tpu.memory_space<vmem_shared>>) offsets(%arg9 : memref<80xi32, #tpu.memory_space<vmem>>) semaphore(%arg24 : memref<!tpu.dma_semaphore, #tpu.memory_space<semaphore_mem>>) {add = true}
      %add3A_170 = arith.constant 4 : i32
      %add3A_171 = arith.addi %mul3A_108, %add3A_170 : i32
      %lt3A_172 = arith.constant 125 : i32
      %lt3A_173 = arith.cmpi slt, %add3A_171, %lt3A_172 : i32
      %convert_element_type3A_174 = arith.extui %lt3A_173 : i1 to i32
      %cond3A_175 = arith.constant 0 : i32
      %cond3A_176 = arith.cmpi ne, %convert_element_type3A_174, %cond3A_175 : i32
      scf.if %cond3A_176 {
        %add3A_198 = arith.addi %mul3A_2, %mul3A_108 : i32
        %add3A_199 = arith.constant 4 : i32
        %add3A_200 = arith.addi %add3A_198, %add3A_199 : i32
        %dma_start3A_201 = arith.constant 0 : i32
        %dma_start3A_202 = arith.constant 0 : i32
        %dma_start3A_203 = tpu.memref_slice %arg3[%add3A_200, %dma_start3A_201, %dma_start3A_202] : memref<4000x2x80xi32, #tpu.memory_space<hbm>> -> memref<1x2x80xi32, #tpu.memory_space<hbm>>
        %dma_start3A_204 = tpu.memref_squeeze %dma_start3A_203 : memref<1x2x80xi32, #tpu.memory_space<hbm>> -> memref<2x80xi32, #tpu.memory_space<hbm>>
        %dma_start3A_205 = arith.constant 0 : i32
        %dma_start3A_206 = arith.constant 0 : i32
        %dma_start3A_207 = tpu.memref_slice %arg3[%add3A_200, %dma_start3A_205, %dma_start3A_206] : memref<4000x2x80xi32, #tpu.memory_space<hbm>> -> memref<1x2x80xi32, #tpu.memory_space<hbm>>
        %dma_start3A_208 = tpu.memref_squeeze %dma_start3A_207 : memref<1x2x80xi32, #tpu.memory_space<hbm>> -> memref<2x80xi32, #tpu.memory_space<hbm>>
        tpu.enqueue_dma source(%dma_start3A_208 : memref<2x80xi32, #tpu.memory_space<hbm>>) target(%arg5 : memref<2x80xi32, #tpu.memory_space<vmem>>) target_semaphore(%arg16 : memref<!tpu.dma_semaphore, #tpu.memory_space<semaphore_mem>>)
      } else {
      }
      %add3A_177 = arith.constant 1 : i32
      %add3A_178 = arith.addi %mul3A_108, %add3A_177 : i32
      %lt3A_179 = arith.constant 125 : i32
      %lt3A_180 = arith.cmpi slt, %add3A_178, %lt3A_179 : i32
      %convert_element_type3A_181 = arith.extui %lt3A_180 : i1 to i32
      %cond3A_182 = arith.constant 0 : i32
      %cond3A_183 = arith.cmpi ne, %convert_element_type3A_181, %cond3A_182 : i32
      scf.if %cond3A_183 {
        %add3A_198 = arith.constant 1 : i32
        %add3A_199 = arith.addi %mul3A_108, %add3A_198 : i32
        %ge3A_200 = arith.constant 2 : i32
        %ge3A_201 = arith.cmpi sge, %add3A_199, %ge3A_200 : i32
        %convert_element_type3A_202 = arith.extui %ge3A_201 : i1 to i32
        %cond3A_203 = arith.constant 0 : i32
        %cond3A_204 = arith.cmpi ne, %convert_element_type3A_202, %cond3A_203 : i32
        scf.if %cond3A_204 {
          %dma_wait3A_274 = arith.constant 0 : i32
          %dma_wait3A_275 = arith.constant 0 : i32
          %dma_wait3A_276 = tpu.memref_slice %arg15[%dma_wait3A_274, %dma_wait3A_275] : memref<10000x128xf32, #tpu.memory_space<vmem_shared>> -> memref<10000x128xf32, #tpu.memory_space<vmem_shared>>
          tpu.wait_indirect_dma semaphore(%arg25 : memref<!tpu.dma_semaphore, #tpu.memory_space<semaphore_mem>>) src(%arg14 : memref<80x128xf32, #tpu.memory_space<vmem>>) dst(%dma_wait3A_276 : memref<10000x128xf32, #tpu.memory_space<vmem_shared>>)
        } else {
        }
        %add3A_205 = arith.constant 2 : i32
        %add3A_206 = arith.addi %add3A_199, %add3A_205 : i32
        %lt3A_207 = arith.constant 125 : i32
        %lt3A_208 = arith.cmpi slt, %add3A_206, %lt3A_207 : i32
        %convert_element_type3A_209 = arith.extui %lt3A_208 : i1 to i32
        %cond3A_210 = arith.constant 0 : i32
        %cond3A_211 = arith.cmpi ne, %convert_element_type3A_209, %cond3A_210 : i32
        scf.if %cond3A_211 {
          %add3A_274 = arith.addi %mul3A_2, %add3A_199 : i32
          %add3A_275 = arith.constant 2 : i32
          %add3A_276 = arith.addi %add3A_274, %add3A_275 : i32
          %dma_wait3A_277 = arith.constant 0 : i32
          %dma_wait3A_278 = arith.constant 0 : i32
          %dma_wait3A_279 = tpu.memref_slice %arg3[%add3A_276, %dma_wait3A_277, %dma_wait3A_278] : memref<4000x2x80xi32, #tpu.memory_space<hbm>> -> memref<1x2x80xi32, #tpu.memory_space<hbm>>
          %dma_wait3A_280 = tpu.memref_squeeze %dma_wait3A_279 : memref<1x2x80xi32, #tpu.memory_space<hbm>> -> memref<2x80xi32, #tpu.memory_space<hbm>>
          %dma_wait3A_281 = arith.constant 0 : i32
          %dma_wait3A_282 = arith.constant 0 : i32
          %dma_wait3A_283 = tpu.memref_slice %arg3[%add3A_276, %dma_wait3A_281, %dma_wait3A_282] : memref<4000x2x80xi32, #tpu.memory_space<hbm>> -> memref<1x2x80xi32, #tpu.memory_space<hbm>>
          %dma_wait3A_284 = tpu.memref_squeeze %dma_wait3A_283 : memref<1x2x80xi32, #tpu.memory_space<hbm>> -> memref<2x80xi32, #tpu.memory_space<hbm>>
          tpu.wait_dma2 semaphore(%arg19 : memref<!tpu.dma_semaphore, #tpu.memory_space<semaphore_mem>>) src(%dma_wait3A_284 : memref<2x80xi32, #tpu.memory_space<hbm>>) dst(%arg8 : memref<2x80xi32, #tpu.memory_space<vmem>>)
          %dma_start3A_285 = arith.constant 0 : i32
          %dma_start3A_286 = arith.constant 0 : i32
          %dma_start3A_287 = tpu.memref_slice %arg8[%dma_start3A_285, %dma_start3A_286] : memref<2x80xi32, #tpu.memory_space<vmem>> -> memref<1x80xi32, #tpu.memory_space<vmem>>
          %dma_start3A_288 = tpu.memref_squeeze %dma_start3A_287 : memref<1x80xi32, #tpu.memory_space<vmem>> -> memref<80xi32, #tpu.memory_space<vmem>>
          %dma_start3A_289 = arith.constant 0 : i32
          %dma_start3A_290 = arith.constant 0 : i32
          %dma_start3A_291 = tpu.memref_slice %arg2[%dma_start3A_289, %dma_start3A_290] : memref<10000x128xf32, #tpu.memory_space<hbm>> -> memref<10000x128xf32, #tpu.memory_space<hbm>>
          tpu.enqueue_indirect_dma source(%dma_start3A_291 : memref<10000x128xf32, #tpu.memory_space<hbm>>) target(%arg14 : memref<80x128xf32, #tpu.memory_space<vmem>>) offsets(%dma_start3A_288 : memref<80xi32, #tpu.memory_space<vmem>>) semaphore(%arg23 : memref<!tpu.dma_semaphore, #tpu.memory_space<semaphore_mem>>)
        } else {
        }
        %dma_wait3A_212 = arith.constant 0 : i32
        %dma_wait3A_213 = arith.constant 0 : i32
        %dma_wait3A_214 = tpu.memref_slice %arg6[%dma_wait3A_212, %dma_wait3A_213] : memref<2x80xi32, #tpu.memory_space<vmem>> -> memref<1x80xi32, #tpu.memory_space<vmem>>
        %dma_wait3A_215 = tpu.memref_squeeze %dma_wait3A_214 : memref<1x80xi32, #tpu.memory_space<vmem>> -> memref<80xi32, #tpu.memory_space<vmem>>
        %dma_wait3A_216 = arith.constant 0 : i32
        %dma_wait3A_217 = arith.constant 0 : i32
        %dma_wait3A_218 = tpu.memref_slice %arg2[%dma_wait3A_216, %dma_wait3A_217] : memref<10000x128xf32, #tpu.memory_space<hbm>> -> memref<10000x128xf32, #tpu.memory_space<hbm>>
        tpu.wait_indirect_dma semaphore(%arg21 : memref<!tpu.dma_semaphore, #tpu.memory_space<semaphore_mem>>) src(%dma_wait3A_218 : memref<10000x128xf32, #tpu.memory_space<hbm>>) dst(%arg12 : memref<80x128xf32, #tpu.memory_space<vmem>>)
        %get3A_219 = arith.constant 1 : i32
        %get3A_220 = arith.index_cast %get3A_219 : i32 to index
        %get3A_221 = arith.constant 0 : index
        %get3A_222 = tpu.vector_load %arg6[%get3A_220, %get3A_221] {strides = array<i32>} : memref<2x80xi32, #tpu.memory_space<vmem>>, vector<1x16xi32>,
        %get3A_223 = vector.shape_cast %get3A_222 : vector<1x16xi32> to vector<16xi32>
        %swap3A_224 = arith.constant 0 : index
        %swap3A_225 = tpu.vector_load %arg10[%swap3A_224] {strides = array<i32>} : memref<80xi32, #tpu.memory_space<vmem>>, vector<16xi32>,
        %swap3A_226 = vector.shape_cast %swap3A_225 : vector<16xi32> to vector<16xi32>
        %swap3A_227 = vector.shape_cast %get3A_223 : vector<16xi32> to vector<16xi32>
        tpu.vector_store %arg10[%swap3A_224], %swap3A_227 {strides = array<i32>} : memref<80xi32, #tpu.memory_space<vmem>>, vector<16xi32>,
        %get3A_228 = arith.constant 1 : i32
        %get3A_229 = arith.index_cast %get3A_228 : i32 to index
        %get3A_230 = arith.constant 16 : index
        %get3A_231 = tpu.vector_load %arg6[%get3A_229, %get3A_230] {strides = array<i32>} : memref<2x80xi32, #tpu.memory_space<vmem>>, vector<1x16xi32>,
        %get3A_232 = vector.shape_cast %get3A_231 : vector<1x16xi32> to vector<16xi32>
        %swap3A_233 = arith.constant 16 : index
        %swap3A_234 = tpu.vector_load %arg10[%swap3A_233] {strides = array<i32>} : memref<80xi32, #tpu.memory_space<vmem>>, vector<16xi32>,
        %swap3A_235 = vector.shape_cast %swap3A_234 : vector<16xi32> to vector<16xi32>
        %swap3A_236 = vector.shape_cast %get3A_232 : vector<16xi32> to vector<16xi32>
        tpu.vector_store %arg10[%swap3A_233], %swap3A_236 {strides = array<i32>} : memref<80xi32, #tpu.memory_space<vmem>>, vector<16xi32>,
        %get3A_237 = arith.constant 1 : i32
        %get3A_238 = arith.index_cast %get3A_237 : i32 to index
        %get3A_239 = arith.constant 32 : index
        %get3A_240 = tpu.vector_load %arg6[%get3A_238, %get3A_239] {strides = array<i32>} : memref<2x80xi32, #tpu.memory_space<vmem>>, vector<1x16xi32>,
        %get3A_241 = vector.shape_cast %get3A_240 : vector<1x16xi32> to vector<16xi32>
        %swap3A_242 = arith.constant 32 : index
        %swap3A_243 = tpu.vector_load %arg10[%swap3A_242] {strides = array<i32>} : memref<80xi32, #tpu.memory_space<vmem>>, vector<16xi32>,
        %swap3A_244 = vector.shape_cast %swap3A_243 : vector<16xi32> to vector<16xi32>
        %swap3A_245 = vector.shape_cast %get3A_241 : vector<16xi32> to vector<16xi32>
        tpu.vector_store %arg10[%swap3A_242], %swap3A_245 {strides = array<i32>} : memref<80xi32, #tpu.memory_space<vmem>>, vector<16xi32>,
        %get3A_246 = arith.constant 1 : i32
        %get3A_247 = arith.index_cast %get3A_246 : i32 to index
        %get3A_248 = arith.constant 48 : index
        %get3A_249 = tpu.vector_load %arg6[%get3A_247, %get3A_248] {strides = array<i32>} : memref<2x80xi32, #tpu.memory_space<vmem>>, vector<1x16xi32>,
        %get3A_250 = vector.shape_cast %get3A_249 : vector<1x16xi32> to vector<16xi32>
        %swap3A_251 = arith.constant 48 : index
        %swap3A_252 = tpu.vector_load %arg10[%swap3A_251] {strides = array<i32>} : memref<80xi32, #tpu.memory_space<vmem>>, vector<16xi32>,
        %swap3A_253 = vector.shape_cast %swap3A_252 : vector<16xi32> to vector<16xi32>
        %swap3A_254 = vector.shape_cast %get3A_250 : vector<16xi32> to vector<16xi32>
        tpu.vector_store %arg10[%swap3A_251], %swap3A_254 {strides = array<i32>} : memref<80xi32, #tpu.memory_space<vmem>>, vector<16xi32>,
        %get3A_255 = arith.constant 1 : i32
        %get3A_256 = arith.index_cast %get3A_255 : i32 to index
        %get3A_257 = arith.constant 64 : index
        %get3A_258 = tpu.vector_load %arg6[%get3A_256, %get3A_257] {strides = array<i32>} : memref<2x80xi32, #tpu.memory_space<vmem>>, vector<1x16xi32>,
        %get3A_259 = vector.shape_cast %get3A_258 : vector<1x16xi32> to vector<16xi32>
        %swap3A_260 = arith.constant 64 : index
        %swap3A_261 = tpu.vector_load %arg10[%swap3A_260] {strides = array<i32>} : memref<80xi32, #tpu.memory_space<vmem>>, vector<16xi32>,
        %swap3A_262 = vector.shape_cast %swap3A_261 : vector<16xi32> to vector<16xi32>
        %swap3A_263 = vector.shape_cast %get3A_259 : vector<16xi32> to vector<16xi32>
        tpu.vector_store %arg10[%swap3A_260], %swap3A_263 {strides = array<i32>} : memref<80xi32, #tpu.memory_space<vmem>>, vector<16xi32>,
        %dma_start3A_264 = arith.constant 0 : i32
        %dma_start3A_265 = arith.constant 0 : i32
        %dma_start3A_266 = tpu.memref_slice %arg15[%dma_start3A_264, %dma_start3A_265] : memref<10000x128xf32, #tpu.memory_space<vmem_shared>> -> memref<10000x128xf32, #tpu.memory_space<vmem_shared>>
        tpu.enqueue_indirect_dma source(%arg12 : memref<80x128xf32, #tpu.memory_space<vmem>>) target(%dma_start3A_266 : memref<10000x128xf32, #tpu.memory_space<vmem_shared>>) offsets(%arg10 : memref<80xi32, #tpu.memory_space<vmem>>) semaphore(%arg25 : memref<!tpu.dma_semaphore, #tpu.memory_space<semaphore_mem>>) {add = true}
        %add3A_267 = arith.constant 4 : i32
        %add3A_268 = arith.addi %add3A_199, %add3A_267 : i32
        %lt3A_269 = arith.constant 125 : i32
        %lt3A_270 = arith.cmpi slt, %add3A_268, %lt3A_269 : i32
        %convert_element_type3A_271 = arith.extui %lt3A_270 : i1 to i32
        %cond3A_272 = arith.constant 0 : i32
        %cond3A_273 = arith.cmpi ne, %convert_element_type3A_271, %cond3A_272 : i32
        scf.if %cond3A_273 {
          %add3A_274 = arith.addi %mul3A_2, %add3A_199 : i32
          %add3A_275 = arith.constant 4 : i32
          %add3A_276 = arith.addi %add3A_274, %add3A_275 : i32
          %dma_start3A_277 = arith.constant 0 : i32
          %dma_start3A_278 = arith.constant 0 : i32
          %dma_start3A_279 = tpu.memref_slice %arg3[%add3A_276, %dma_start3A_277, %dma_start3A_278] : memref<4000x2x80xi32, #tpu.memory_space<hbm>> -> memref<1x2x80xi32, #tpu.memory_space<hbm>>
          %dma_start3A_280 = tpu.memref_squeeze %dma_start3A_279 : memref<1x2x80xi32, #tpu.memory_space<hbm>> -> memref<2x80xi32, #tpu.memory_space<hbm>>
          %dma_start3A_281 = arith.constant 0 : i32
          %dma_start3A_282 = arith.constant 0 : i32
          %dma_start3A_283 = tpu.memref_slice %arg3[%add3A_276, %dma_start3A_281, %dma_start3A_282] : memref<4000x2x80xi32, #tpu.memory_space<hbm>> -> memref<1x2x80xi32, #tpu.memory_space<hbm>>
          %dma_start3A_284 = tpu.memref_squeeze %dma_start3A_283 : memref<1x2x80xi32, #tpu.memory_space<hbm>> -> memref<2x80xi32, #tpu.memory_space<hbm>>
          tpu.enqueue_dma source(%dma_start3A_284 : memref<2x80xi32, #tpu.memory_space<hbm>>) target(%arg6 : memref<2x80xi32, #tpu.memory_space<vmem>>) target_semaphore(%arg17 : memref<!tpu.dma_semaphore, #tpu.memory_space<semaphore_mem>>)
        } else {
        }
      } else {
      }
      %add3A_184 = arith.constant 2 : i32
      %add3A_185 = arith.addi %mul3A_108, %add3A_184 : i32
      %lt3A_186 = arith.constant 125 : i32
      %lt3A_187 = arith.cmpi slt, %add3A_185, %lt3A_186 : i32
      %convert_element_type3A_188 = arith.extui %lt3A_187 : i1 to i32
      %cond3A_189 = arith.constant 0 : i32
      %cond3A_190 = arith.cmpi ne, %convert_element_type3A_188, %cond3A_189 : i32
      scf.if %cond3A_190 {
        %add3A_198 = arith.constant 2 : i32
        %add3A_199 = arith.addi %mul3A_108, %add3A_198 : i32
        %ge3A_200 = arith.constant 2 : i32
        %ge3A_201 = arith.cmpi sge, %add3A_199, %ge3A_200 : i32
        %convert_element_type3A_202 = arith.extui %ge3A_201 : i1 to i32
        %cond3A_203 = arith.constant 0 : i32
        %cond3A_204 = arith.cmpi ne, %convert_element_type3A_202, %cond3A_203 : i32
        scf.if %cond3A_204 {
          %dma_wait3A_274 = arith.constant 0 : i32
          %dma_wait3A_275 = arith.constant 0 : i32
          %dma_wait3A_276 = tpu.memref_slice %arg15[%dma_wait3A_274, %dma_wait3A_275] : memref<10000x128xf32, #tpu.memory_space<vmem_shared>> -> memref<10000x128xf32, #tpu.memory_space<vmem_shared>>
          tpu.wait_indirect_dma semaphore(%arg24 : memref<!tpu.dma_semaphore, #tpu.memory_space<semaphore_mem>>) src(%arg11 : memref<80x128xf32, #tpu.memory_space<vmem>>) dst(%dma_wait3A_276 : memref<10000x128xf32, #tpu.memory_space<vmem_shared>>)
        } else {
        }
        %add3A_205 = arith.constant 2 : i32
        %add3A_206 = arith.addi %add3A_199, %add3A_205 : i32
        %lt3A_207 = arith.constant 125 : i32
        %lt3A_208 = arith.cmpi slt, %add3A_206, %lt3A_207 : i32
        %convert_element_type3A_209 = arith.extui %lt3A_208 : i1 to i32
        %cond3A_210 = arith.constant 0 : i32
        %cond3A_211 = arith.cmpi ne, %convert_element_type3A_209, %cond3A_210 : i32
        scf.if %cond3A_211 {
          %add3A_274 = arith.addi %mul3A_2, %add3A_199 : i32
          %add3A_275 = arith.constant 2 : i32
          %add3A_276 = arith.addi %add3A_274, %add3A_275 : i32
          %dma_wait3A_277 = arith.constant 0 : i32
          %dma_wait3A_278 = arith.constant 0 : i32
          %dma_wait3A_279 = tpu.memref_slice %arg3[%add3A_276, %dma_wait3A_277, %dma_wait3A_278] : memref<4000x2x80xi32, #tpu.memory_space<hbm>> -> memref<1x2x80xi32, #tpu.memory_space<hbm>>
          %dma_wait3A_280 = tpu.memref_squeeze %dma_wait3A_279 : memref<1x2x80xi32, #tpu.memory_space<hbm>> -> memref<2x80xi32, #tpu.memory_space<hbm>>
          %dma_wait3A_281 = arith.constant 0 : i32
          %dma_wait3A_282 = arith.constant 0 : i32
          %dma_wait3A_283 = tpu.memref_slice %arg3[%add3A_276, %dma_wait3A_281, %dma_wait3A_282] : memref<4000x2x80xi32, #tpu.memory_space<hbm>> -> memref<1x2x80xi32, #tpu.memory_space<hbm>>
          %dma_wait3A_284 = tpu.memref_squeeze %dma_wait3A_283 : memref<1x2x80xi32, #tpu.memory_space<hbm>> -> memref<2x80xi32, #tpu.memory_space<hbm>>
          tpu.wait_dma2 semaphore(%arg16 : memref<!tpu.dma_semaphore, #tpu.memory_space<semaphore_mem>>) src(%dma_wait3A_284 : memref<2x80xi32, #tpu.memory_space<hbm>>) dst(%arg5 : memref<2x80xi32, #tpu.memory_space<vmem>>)
          %dma_start3A_285 = arith.constant 0 : i32
          %dma_start3A_286 = arith.constant 0 : i32
          %dma_start3A_287 = tpu.memref_slice %arg5[%dma_start3A_285, %dma_start3A_286] : memref<2x80xi32, #tpu.memory_space<vmem>> -> memref<1x80xi32, #tpu.memory_space<vmem>>
          %dma_start3A_288 = tpu.memref_squeeze %dma_start3A_287 : memref<1x80xi32, #tpu.memory_space<vmem>> -> memref<80xi32, #tpu.memory_space<vmem>>
          %dma_start3A_289 = arith.constant 0 : i32
          %dma_start3A_290 = arith.constant 0 : i32
          %dma_start3A_291 = tpu.memref_slice %arg2[%dma_start3A_289, %dma_start3A_290] : memref<10000x128xf32, #tpu.memory_space<hbm>> -> memref<10000x128xf32, #tpu.memory_space<hbm>>
          tpu.enqueue_indirect_dma source(%dma_start3A_291 : memref<10000x128xf32, #tpu.memory_space<hbm>>) target(%arg11 : memref<80x128xf32, #tpu.memory_space<vmem>>) offsets(%dma_start3A_288 : memref<80xi32, #tpu.memory_space<vmem>>) semaphore(%arg20 : memref<!tpu.dma_semaphore, #tpu.memory_space<semaphore_mem>>)
        } else {
        }
        %dma_wait3A_212 = arith.constant 0 : i32
        %dma_wait3A_213 = arith.constant 0 : i32
        %dma_wait3A_214 = tpu.memref_slice %arg7[%dma_wait3A_212, %dma_wait3A_213] : memref<2x80xi32, #tpu.memory_space<vmem>> -> memref<1x80xi32, #tpu.memory_space<vmem>>
        %dma_wait3A_215 = tpu.memref_squeeze %dma_wait3A_214 : memref<1x80xi32, #tpu.memory_space<vmem>> -> memref<80xi32, #tpu.memory_space<vmem>>
        %dma_wait3A_216 = arith.constant 0 : i32
        %dma_wait3A_217 = arith.constant 0 : i32
        %dma_wait3A_218 = tpu.memref_slice %arg2[%dma_wait3A_216, %dma_wait3A_217] : memref<10000x128xf32, #tpu.memory_space<hbm>> -> memref<10000x128xf32, #tpu.memory_space<hbm>>
        tpu.wait_indirect_dma semaphore(%arg22 : memref<!tpu.dma_semaphore, #tpu.memory_space<semaphore_mem>>) src(%dma_wait3A_218 : memref<10000x128xf32, #tpu.memory_space<hbm>>) dst(%arg13 : memref<80x128xf32, #tpu.memory_space<vmem>>)
        %get3A_219 = arith.constant 1 : i32
        %get3A_220 = arith.index_cast %get3A_219 : i32 to index
        %get3A_221 = arith.constant 0 : index
        %get3A_222 = tpu.vector_load %arg7[%get3A_220, %get3A_221] {strides = array<i32>} : memref<2x80xi32, #tpu.memory_space<vmem>>, vector<1x16xi32>,
        %get3A_223 = vector.shape_cast %get3A_222 : vector<1x16xi32> to vector<16xi32>
        %swap3A_224 = arith.constant 0 : index
        %swap3A_225 = tpu.vector_load %arg9[%swap3A_224] {strides = array<i32>} : memref<80xi32, #tpu.memory_space<vmem>>, vector<16xi32>,
        %swap3A_226 = vector.shape_cast %swap3A_225 : vector<16xi32> to vector<16xi32>
        %swap3A_227 = vector.shape_cast %get3A_223 : vector<16xi32> to vector<16xi32>
        tpu.vector_store %arg9[%swap3A_224], %swap3A_227 {strides = array<i32>} : memref<80xi32, #tpu.memory_space<vmem>>, vector<16xi32>,
        %get3A_228 = arith.constant 1 : i32
        %get3A_229 = arith.index_cast %get3A_228 : i32 to index
        %get3A_230 = arith.constant 16 : index
        %get3A_231 = tpu.vector_load %arg7[%get3A_229, %get3A_230] {strides = array<i32>} : memref<2x80xi32, #tpu.memory_space<vmem>>, vector<1x16xi32>,
        %get3A_232 = vector.shape_cast %get3A_231 : vector<1x16xi32> to vector<16xi32>
        %swap3A_233 = arith.constant 16 : index
        %swap3A_234 = tpu.vector_load %arg9[%swap3A_233] {strides = array<i32>} : memref<80xi32, #tpu.memory_space<vmem>>, vector<16xi32>,
        %swap3A_235 = vector.shape_cast %swap3A_234 : vector<16xi32> to vector<16xi32>
        %swap3A_236 = vector.shape_cast %get3A_232 : vector<16xi32> to vector<16xi32>
        tpu.vector_store %arg9[%swap3A_233], %swap3A_236 {strides = array<i32>} : memref<80xi32, #tpu.memory_space<vmem>>, vector<16xi32>,
        %get3A_237 = arith.constant 1 : i32
        %get3A_238 = arith.index_cast %get3A_237 : i32 to index
        %get3A_239 = arith.constant 32 : index
        %get3A_240 = tpu.vector_load %arg7[%get3A_238, %get3A_239] {strides = array<i32>} : memref<2x80xi32, #tpu.memory_space<vmem>>, vector<1x16xi32>,
        %get3A_241 = vector.shape_cast %get3A_240 : vector<1x16xi32> to vector<16xi32>
        %swap3A_242 = arith.constant 32 : index
        %swap3A_243 = tpu.vector_load %arg9[%swap3A_242] {strides = array<i32>} : memref<80xi32, #tpu.memory_space<vmem>>, vector<16xi32>,
        %swap3A_244 = vector.shape_cast %swap3A_243 : vector<16xi32> to vector<16xi32>
        %swap3A_245 = vector.shape_cast %get3A_241 : vector<16xi32> to vector<16xi32>
        tpu.vector_store %arg9[%swap3A_242], %swap3A_245 {strides = array<i32>} : memref<80xi32, #tpu.memory_space<vmem>>, vector<16xi32>,
        %get3A_246 = arith.constant 1 : i32
        %get3A_247 = arith.index_cast %get3A_246 : i32 to index
        %get3A_248 = arith.constant 48 : index
        %get3A_249 = tpu.vector_load %arg7[%get3A_247, %get3A_248] {strides = array<i32>} : memref<2x80xi32, #tpu.memory_space<vmem>>, vector<1x16xi32>,
        %get3A_250 = vector.shape_cast %get3A_249 : vector<1x16xi32> to vector<16xi32>
        %swap3A_251 = arith.constant 48 : index
        %swap3A_252 = tpu.vector_load %arg9[%swap3A_251] {strides = array<i32>} : memref<80xi32, #tpu.memory_space<vmem>>, vector<16xi32>,
        %swap3A_253 = vector.shape_cast %swap3A_252 : vector<16xi32> to vector<16xi32>
        %swap3A_254 = vector.shape_cast %get3A_250 : vector<16xi32> to vector<16xi32>
        tpu.vector_store %arg9[%swap3A_251], %swap3A_254 {strides = array<i32>} : memref<80xi32, #tpu.memory_space<vmem>>, vector<16xi32>,
        %get3A_255 = arith.constant 1 : i32
        %get3A_256 = arith.index_cast %get3A_255 : i32 to index
        %get3A_257 = arith.constant 64 : index
        %get3A_258 = tpu.vector_load %arg7[%get3A_256, %get3A_257] {strides = array<i32>} : memref<2x80xi32, #tpu.memory_space<vmem>>, vector<1x16xi32>,
        %get3A_259 = vector.shape_cast %get3A_258 : vector<1x16xi32> to vector<16xi32>
        %swap3A_260 = arith.constant 64 : index
        %swap3A_261 = tpu.vector_load %arg9[%swap3A_260] {strides = array<i32>} : memref<80xi32, #tpu.memory_space<vmem>>, vector<16xi32>,
        %swap3A_262 = vector.shape_cast %swap3A_261 : vector<16xi32> to vector<16xi32>
        %swap3A_263 = vector.shape_cast %get3A_259 : vector<16xi32> to vector<16xi32>
        tpu.vector_store %arg9[%swap3A_260], %swap3A_263 {strides = array<i32>} : memref<80xi32, #tpu.memory_space<vmem>>, vector<16xi32>,
        %dma_start3A_264 = arith.constant 0 : i32
        %dma_start3A_265 = arith.constant 0 : i32
        %dma_start3A_266 = tpu.memref_slice %arg15[%dma_start3A_264, %dma_start3A_265] : memref<10000x128xf32, #tpu.memory_space<vmem_shared>> -> memref<10000x128xf32, #tpu.memory_space<vmem_shared>>
        tpu.enqueue_indirect_dma source(%arg13 : memref<80x128xf32, #tpu.memory_space<vmem>>) target(%dma_start3A_266 : memref<10000x128xf32, #tpu.memory_space<vmem_shared>>) offsets(%arg9 : memref<80xi32, #tpu.memory_space<vmem>>) semaphore(%arg24 : memref<!tpu.dma_semaphore, #tpu.memory_space<semaphore_mem>>) {add = true}
        %add3A_267 = arith.constant 4 : i32
        %add3A_268 = arith.addi %add3A_199, %add3A_267 : i32
        %lt3A_269 = arith.constant 125 : i32
        %lt3A_270 = arith.cmpi slt, %add3A_268, %lt3A_269 : i32
        %convert_element_type3A_271 = arith.extui %lt3A_270 : i1 to i32
        %cond3A_272 = arith.constant 0 : i32
        %cond3A_273 = arith.cmpi ne, %convert_element_type3A_271, %cond3A_272 : i32
        scf.if %cond3A_273 {
          %add3A_274 = arith.addi %mul3A_2, %add3A_199 : i32
          %add3A_275 = arith.constant 4 : i32
          %add3A_276 = arith.addi %add3A_274, %add3A_275 : i32
          %dma_start3A_277 = arith.constant 0 : i32
          %dma_start3A_278 = arith.constant 0 : i32
          %dma_start3A_279 = tpu.memref_slice %arg3[%add3A_276, %dma_start3A_277, %dma_start3A_278] : memref<4000x2x80xi32, #tpu.memory_space<hbm>> -> memref<1x2x80xi32, #tpu.memory_space<hbm>>
          %dma_start3A_280 = tpu.memref_squeeze %dma_start3A_279 : memref<1x2x80xi32, #tpu.memory_space<hbm>> -> memref<2x80xi32, #tpu.memory_space<hbm>>
          %dma_start3A_281 = arith.constant 0 : i32
          %dma_start3A_282 = arith.constant 0 : i32
          %dma_start3A_283 = tpu.memref_slice %arg3[%add3A_276, %dma_start3A_281, %dma_start3A_282] : memref<4000x2x80xi32, #tpu.memory_space<hbm>> -> memref<1x2x80xi32, #tpu.memory_space<hbm>>
          %dma_start3A_284 = tpu.memref_squeeze %dma_start3A_283 : memref<1x2x80xi32, #tpu.memory_space<hbm>> -> memref<2x80xi32, #tpu.memory_space<hbm>>
          tpu.enqueue_dma source(%dma_start3A_284 : memref<2x80xi32, #tpu.memory_space<hbm>>) target(%arg7 : memref<2x80xi32, #tpu.memory_space<vmem>>) target_semaphore(%arg18 : memref<!tpu.dma_semaphore, #tpu.memory_space<semaphore_mem>>)
        } else {
        }
      } else {
      }
      %add3A_191 = arith.constant 3 : i32
      %add3A_192 = arith.addi %mul3A_108, %add3A_191 : i32
      %lt3A_193 = arith.constant 125 : i32
      %lt3A_194 = arith.cmpi slt, %add3A_192, %lt3A_193 : i32
      %convert_element_type3A_195 = arith.extui %lt3A_194 : i1 to i32
      %cond3A_196 = arith.constant 0 : i32
      %cond3A_197 = arith.cmpi ne, %convert_element_type3A_195, %cond3A_196 : i32
      scf.if %cond3A_197 {
        %add3A_198 = arith.constant 3 : i32
        %add3A_199 = arith.addi %mul3A_108, %add3A_198 : i32
        %ge3A_200 = arith.constant 2 : i32
        %ge3A_201 = arith.cmpi sge, %add3A_199, %ge3A_200 : i32
        %convert_element_type3A_202 = arith.extui %ge3A_201 : i1 to i32
        %cond3A_203 = arith.constant 0 : i32
        %cond3A_204 = arith.cmpi ne, %convert_element_type3A_202, %cond3A_203 : i32
        scf.if %cond3A_204 {
          %dma_wait3A_274 = arith.constant 0 : i32
          %dma_wait3A_275 = arith.constant 0 : i32
          %dma_wait3A_276 = tpu.memref_slice %arg15[%dma_wait3A_274, %dma_wait3A_275] : memref<10000x128xf32, #tpu.memory_space<vmem_shared>> -> memref<10000x128xf32, #tpu.memory_space<vmem_shared>>
          tpu.wait_indirect_dma semaphore(%arg25 : memref<!tpu.dma_semaphore, #tpu.memory_space<semaphore_mem>>) src(%arg12 : memref<80x128xf32, #tpu.memory_space<vmem>>) dst(%dma_wait3A_276 : memref<10000x128xf32, #tpu.memory_space<vmem_shared>>)
        } else {
        }
        %add3A_205 = arith.constant 2 : i32
        %add3A_206 = arith.addi %add3A_199, %add3A_205 : i32
        %lt3A_207 = arith.constant 125 : i32
        %lt3A_208 = arith.cmpi slt, %add3A_206, %lt3A_207 : i32
        %convert_element_type3A_209 = arith.extui %lt3A_208 : i1 to i32
        %cond3A_210 = arith.constant 0 : i32
        %cond3A_211 = arith.cmpi ne, %convert_element_type3A_209, %cond3A_210 : i32
        scf.if %cond3A_211 {
          %add3A_274 = arith.addi %mul3A_2, %add3A_199 : i32
          %add3A_275 = arith.constant 2 : i32
          %add3A_276 = arith.addi %add3A_274, %add3A_275 : i32
          %dma_wait3A_277 = arith.constant 0 : i32
          %dma_wait3A_278 = arith.constant 0 : i32
          %dma_wait3A_279 = tpu.memref_slice %arg3[%add3A_276, %dma_wait3A_277, %dma_wait3A_278] : memref<4000x2x80xi32, #tpu.memory_space<hbm>> -> memref<1x2x80xi32, #tpu.memory_space<hbm>>
          %dma_wait3A_280 = tpu.memref_squeeze %dma_wait3A_279 : memref<1x2x80xi32, #tpu.memory_space<hbm>> -> memref<2x80xi32, #tpu.memory_space<hbm>>
          %dma_wait3A_281 = arith.constant 0 : i32
          %dma_wait3A_282 = arith.constant 0 : i32
          %dma_wait3A_283 = tpu.memref_slice %arg3[%add3A_276, %dma_wait3A_281, %dma_wait3A_282] : memref<4000x2x80xi32, #tpu.memory_space<hbm>> -> memref<1x2x80xi32, #tpu.memory_space<hbm>>
          %dma_wait3A_284 = tpu.memref_squeeze %dma_wait3A_283 : memref<1x2x80xi32, #tpu.memory_space<hbm>> -> memref<2x80xi32, #tpu.memory_space<hbm>>
          tpu.wait_dma2 semaphore(%arg17 : memref<!tpu.dma_semaphore, #tpu.memory_space<semaphore_mem>>) src(%dma_wait3A_284 : memref<2x80xi32, #tpu.memory_space<hbm>>) dst(%arg6 : memref<2x80xi32, #tpu.memory_space<vmem>>)
          %dma_start3A_285 = arith.constant 0 : i32
          %dma_start3A_286 = arith.constant 0 : i32
          %dma_start3A_287 = tpu.memref_slice %arg6[%dma_start3A_285, %dma_start3A_286] : memref<2x80xi32, #tpu.memory_space<vmem>> -> memref<1x80xi32, #tpu.memory_space<vmem>>
          %dma_start3A_288 = tpu.memref_squeeze %dma_start3A_287 : memref<1x80xi32, #tpu.memory_space<vmem>> -> memref<80xi32, #tpu.memory_space<vmem>>
          %dma_start3A_289 = arith.constant 0 : i32
          %dma_start3A_290 = arith.constant 0 : i32
          %dma_start3A_291 = tpu.memref_slice %arg2[%dma_start3A_289, %dma_start3A_290] : memref<10000x128xf32, #tpu.memory_space<hbm>> -> memref<10000x128xf32, #tpu.memory_space<hbm>>
          tpu.enqueue_indirect_dma source(%dma_start3A_291 : memref<10000x128xf32, #tpu.memory_space<hbm>>) target(%arg12 : memref<80x128xf32, #tpu.memory_space<vmem>>) offsets(%dma_start3A_288 : memref<80xi32, #tpu.memory_space<vmem>>) semaphore(%arg21 : memref<!tpu.dma_semaphore, #tpu.memory_space<semaphore_mem>>)
        } else {
        }
        %dma_wait3A_212 = arith.constant 0 : i32
        %dma_wait3A_213 = arith.constant 0 : i32
        %dma_wait3A_214 = tpu.memref_slice %arg8[%dma_wait3A_212, %dma_wait3A_213] : memref<2x80xi32, #tpu.memory_space<vmem>> -> memref<1x80xi32, #tpu.memory_space<vmem>>
        %dma_wait3A_215 = tpu.memref_squeeze %dma_wait3A_214 : memref<1x80xi32, #tpu.memory_space<vmem>> -> memref<80xi32, #tpu.memory_space<vmem>>
        %dma_wait3A_216 = arith.constant 0 : i32
        %dma_wait3A_217 = arith.constant 0 : i32
        %dma_wait3A_218 = tpu.memref_slice %arg2[%dma_wait3A_216, %dma_wait3A_217] : memref<10000x128xf32, #tpu.memory_space<hbm>> -> memref<10000x128xf32, #tpu.memory_space<hbm>>
        tpu.wait_indirect_dma semaphore(%arg23 : memref<!tpu.dma_semaphore, #tpu.memory_space<semaphore_mem>>) src(%dma_wait3A_218 : memref<10000x128xf32, #tpu.memory_space<hbm>>) dst(%arg14 : memref<80x128xf32, #tpu.memory_space<vmem>>)
        %get3A_219 = arith.constant 1 : i32
        %get3A_220 = arith.index_cast %get3A_219 : i32 to index
        %get3A_221 = arith.constant 0 : index
        %get3A_222 = tpu.vector_load %arg8[%get3A_220, %get3A_221] {strides = array<i32>} : memref<2x80xi32, #tpu.memory_space<vmem>>, vector<1x16xi32>,
        %get3A_223 = vector.shape_cast %get3A_222 : vector<1x16xi32> to vector<16xi32>
        %swap3A_224 = arith.constant 0 : index
        %swap3A_225 = tpu.vector_load %arg10[%swap3A_224] {strides = array<i32>} : memref<80xi32, #tpu.memory_space<vmem>>, vector<16xi32>,
        %swap3A_226 = vector.shape_cast %swap3A_225 : vector<16xi32> to vector<16xi32>
        %swap3A_227 = vector.shape_cast %get3A_223 : vector<16xi32> to vector<16xi32>
        tpu.vector_store %arg10[%swap3A_224], %swap3A_227 {strides = array<i32>} : memref<80xi32, #tpu.memory_space<vmem>>, vector<16xi32>,
        %get3A_228 = arith.constant 1 : i32
        %get3A_229 = arith.index_cast %get3A_228 : i32 to index
        %get3A_230 = arith.constant 16 : index
        %get3A_231 = tpu.vector_load %arg8[%get3A_229, %get3A_230] {strides = array<i32>} : memref<2x80xi32, #tpu.memory_space<vmem>>, vector<1x16xi32>,
        %get3A_232 = vector.shape_cast %get3A_231 : vector<1x16xi32> to vector<16xi32>
        %swap3A_233 = arith.constant 16 : index
        %swap3A_234 = tpu.vector_load %arg10[%swap3A_233] {strides = array<i32>} : memref<80xi32, #tpu.memory_space<vmem>>, vector<16xi32>,
        %swap3A_235 = vector.shape_cast %swap3A_234 : vector<16xi32> to vector<16xi32>
        %swap3A_236 = vector.shape_cast %get3A_232 : vector<16xi32> to vector<16xi32>
        tpu.vector_store %arg10[%swap3A_233], %swap3A_236 {strides = array<i32>} : memref<80xi32, #tpu.memory_space<vmem>>, vector<16xi32>,
        %get3A_237 = arith.constant 1 : i32
        %get3A_238 = arith.index_cast %get3A_237 : i32 to index
        %get3A_239 = arith.constant 32 : index
        %get3A_240 = tpu.vector_load %arg8[%get3A_238, %get3A_239] {strides = array<i32>} : memref<2x80xi32, #tpu.memory_space<vmem>>, vector<1x16xi32>,
        %get3A_241 = vector.shape_cast %get3A_240 : vector<1x16xi32> to vector<16xi32>
        %swap3A_242 = arith.constant 32 : index
        %swap3A_243 = tpu.vector_load %arg10[%swap3A_242] {strides = array<i32>} : memref<80xi32, #tpu.memory_space<vmem>>, vector<16xi32>,
        %swap3A_244 = vector.shape_cast %swap3A_243 : vector<16xi32> to vector<16xi32>
        %swap3A_245 = vector.shape_cast %get3A_241 : vector<16xi32> to vector<16xi32>
        tpu.vector_store %arg10[%swap3A_242], %swap3A_245 {strides = array<i32>} : memref<80xi32, #tpu.memory_space<vmem>>, vector<16xi32>,
        %get3A_246 = arith.constant 1 : i32
        %get3A_247 = arith.index_cast %get3A_246 : i32 to index
        %get3A_248 = arith.constant 48 : index
        %get3A_249 = tpu.vector_load %arg8[%get3A_247, %get3A_248] {strides = array<i32>} : memref<2x80xi32, #tpu.memory_space<vmem>>, vector<1x16xi32>,
        %get3A_250 = vector.shape_cast %get3A_249 : vector<1x16xi32> to vector<16xi32>
        %swap3A_251 = arith.constant 48 : index
        %swap3A_252 = tpu.vector_load %arg10[%swap3A_251] {strides = array<i32>} : memref<80xi32, #tpu.memory_space<vmem>>, vector<16xi32>,
        %swap3A_253 = vector.shape_cast %swap3A_252 : vector<16xi32> to vector<16xi32>
        %swap3A_254 = vector.shape_cast %get3A_250 : vector<16xi32> to vector<16xi32>
        tpu.vector_store %arg10[%swap3A_251], %swap3A_254 {strides = array<i32>} : memref<80xi32, #tpu.memory_space<vmem>>, vector<16xi32>,
        %get3A_255 = arith.constant 1 : i32
        %get3A_256 = arith.index_cast %get3A_255 : i32 to index
        %get3A_257 = arith.constant 64 : index
        %get3A_258 = tpu.vector_load %arg8[%get3A_256, %get3A_257] {strides = array<i32>} : memref<2x80xi32, #tpu.memory_space<vmem>>, vector<1x16xi32>,
        %get3A_259 = vector.shape_cast %get3A_258 : vector<1x16xi32> to vector<16xi32>
        %swap3A_260 = arith.constant 64 : index
        %swap3A_261 = tpu.vector_load %arg10[%swap3A_260] {strides = array<i32>} : memref<80xi32, #tpu.memory_space<vmem>>, vector<16xi32>,
        %swap3A_262 = vector.shape_cast %swap3A_261 : vector<16xi32> to vector<16xi32>
        %swap3A_263 = vector.shape_cast %get3A_259 : vector<16xi32> to vector<16xi32>
        tpu.vector_store %arg10[%swap3A_260], %swap3A_263 {strides = array<i32>} : memref<80xi32, #tpu.memory_space<vmem>>, vector<16xi32>,
        %dma_start3A_264 = arith.constant 0 : i32
        %dma_start3A_265 = arith.constant 0 : i32
        %dma_start3A_266 = tpu.memref_slice %arg15[%dma_start3A_264, %dma_start3A_265] : memref<10000x128xf32, #tpu.memory_space<vmem_shared>> -> memref<10000x128xf32, #tpu.memory_space<vmem_shared>>
        tpu.enqueue_indirect_dma source(%arg14 : memref<80x128xf32, #tpu.memory_space<vmem>>) target(%dma_start3A_266 : memref<10000x128xf32, #tpu.memory_space<vmem_shared>>) offsets(%arg10 : memref<80xi32, #tpu.memory_space<vmem>>) semaphore(%arg25 : memref<!tpu.dma_semaphore, #tpu.memory_space<semaphore_mem>>) {add = true}
        %add3A_267 = arith.constant 4 : i32
        %add3A_268 = arith.addi %add3A_199, %add3A_267 : i32
        %lt3A_269 = arith.constant 125 : i32
        %lt3A_270 = arith.cmpi slt, %add3A_268, %lt3A_269 : i32
        %convert_element_type3A_271 = arith.extui %lt3A_270 : i1 to i32
        %cond3A_272 = arith.constant 0 : i32
        %cond3A_273 = arith.cmpi ne, %convert_element_type3A_271, %cond3A_272 : i32
        scf.if %cond3A_273 {
          %add3A_274 = arith.addi %mul3A_2, %add3A_199 : i32
          %add3A_275 = arith.constant 4 : i32
          %add3A_276 = arith.addi %add3A_274, %add3A_275 : i32
          %dma_start3A_277 = arith.constant 0 : i32
          %dma_start3A_278 = arith.constant 0 : i32
          %dma_start3A_279 = tpu.memref_slice %arg3[%add3A_276, %dma_start3A_277, %dma_start3A_278] : memref<4000x2x80xi32, #tpu.memory_space<hbm>> -> memref<1x2x80xi32, #tpu.memory_space<hbm>>
          %dma_start3A_280 = tpu.memref_squeeze %dma_start3A_279 : memref<1x2x80xi32, #tpu.memory_space<hbm>> -> memref<2x80xi32, #tpu.memory_space<hbm>>
          %dma_start3A_281 = arith.constant 0 : i32
          %dma_start3A_282 = arith.constant 0 : i32
          %dma_start3A_283 = tpu.memref_slice %arg3[%add3A_276, %dma_start3A_281, %dma_start3A_282] : memref<4000x2x80xi32, #tpu.memory_space<hbm>> -> memref<1x2x80xi32, #tpu.memory_space<hbm>>
          %dma_start3A_284 = tpu.memref_squeeze %dma_start3A_283 : memref<1x2x80xi32, #tpu.memory_space<hbm>> -> memref<2x80xi32, #tpu.memory_space<hbm>>
          tpu.enqueue_dma source(%dma_start3A_284 : memref<2x80xi32, #tpu.memory_space<hbm>>) target(%arg8 : memref<2x80xi32, #tpu.memory_space<vmem>>) target_semaphore(%arg19 : memref<!tpu.dma_semaphore, #tpu.memory_space<semaphore_mem>>)
        } else {
        }
      } else {
      }
    }
    %scan3A_92 = arith.constant 32 : i32
    %dma_wait3A_93 = arith.constant 0 : i32
    %dma_wait3A_94 = arith.constant 0 : i32
    %dma_wait3A_95 = tpu.memref_slice %arg15[%dma_wait3A_93, %dma_wait3A_94] : memref<10000x128xf32, #tpu.memory_space<vmem_shared>> -> memref<10000x128xf32, #tpu.memory_space<vmem_shared>>
    tpu.wait_indirect_dma semaphore(%arg25 : memref<!tpu.dma_semaphore, #tpu.memory_space<semaphore_mem>>) src(%arg14 : memref<80x128xf32, #tpu.memory_space<vmem>>) dst(%dma_wait3A_95 : memref<10000x128xf32, #tpu.memory_space<vmem_shared>>)
    %dma_wait3A_96 = arith.constant 0 : i32
    %dma_wait3A_97 = arith.constant 0 : i32
    %dma_wait3A_98 = tpu.memref_slice %arg15[%dma_wait3A_96, %dma_wait3A_97] : memref<10000x128xf32, #tpu.memory_space<vmem_shared>> -> memref<10000x128xf32, #tpu.memory_space<vmem_shared>>
    tpu.wait_indirect_dma semaphore(%arg24 : memref<!tpu.dma_semaphore, #tpu.memory_space<semaphore_mem>>) src(%arg11 : memref<80x128xf32, #tpu.memory_space<vmem>>) dst(%dma_wait3A_98 : memref<10000x128xf32, #tpu.memory_space<vmem_shared>>)
    %barrier3A_99 = arith.constant 0 : index
    tpu.barrier barrier_id(%barrier3A_99)
    %scan3A_100 = arith.constant 0 : i32
    %scan3A_101 = arith.constant 0 : i32
    %scan3A_102 = arith.constant 8 : i32
    %scan3A_103 = arith.addi %scan3A_101, %scan3A_102 : i32
    %scan3A_104 = arith.constant 1 : i32
    scf.for %scan3A_106 = %scan3A_101 to %scan3A_103 step %scan3A_104  : i32 {
      %mul3A_107 = arith.constant 16 : i32
      %mul3A_108 = arith.muli %mul3A_107, %scan3A_106 : i32
      %add3A_109 = arith.addi %arg1, %mul3A_108 : i32
      %lt3A = arith.constant 125 : i32
      %lt3A_110 = arith.cmpi slt, %add3A_109, %lt3A : i32
      %convert_element_type3A = arith.extui %lt3A_110 : i1 to i32
      %cond3A = arith.constant 0 : i32
      %cond3A_111 = arith.cmpi ne, %convert_element_type3A, %cond3A : i32
      scf.if %cond3A_111 {
        %mul3A_112 = arith.constant 80 : i32
        %mul3A_113 = arith.muli %add3A_109, %mul3A_112 : i32
        "tpu.region"() ({
          %run_scoped3A = tpu.sem_alloc : memref<!tpu.dma_semaphore, #tpu.memory_space<semaphore_mem>>
          %dma_start3A_116 = arith.constant 0 : i32
          %dma_start3A_117 = arith.constant 0 : i32
          %dma_start3A_118 = tpu.memref_slice %arg11[%dma_start3A_116, %dma_start3A_117] : memref<80x128xf32, #tpu.memory_space<vmem>> -> memref<80x128xf32, #tpu.memory_space<vmem>>
          %dma_start3A_119 = arith.constant 0 : i32
          %dma_start3A_120 = tpu.memref_slice %arg15[%mul3A_113, %dma_start3A_119] : memref<10000x128xf32, #tpu.memory_space<vmem_shared>> -> memref<80x128xf32, #tpu.memory_space<vmem_shared>>
          %dma_start3A_121 = arith.constant 0 : i32
          %dma_start3A_122 = arith.constant 0 : i32
          %dma_start3A_123 = tpu.memref_slice %arg11[%dma_start3A_121, %dma_start3A_122] : memref<80x128xf32, #tpu.memory_space<vmem>> -> memref<80x128xf32, #tpu.memory_space<vmem>>
          %dma_start3A_124 = arith.constant 0 : i32
          %dma_start3A_125 = tpu.memref_slice %arg15[%mul3A_113, %dma_start3A_124] : memref<10000x128xf32, #tpu.memory_space<vmem_shared>> -> memref<80x128xf32, #tpu.memory_space<vmem_shared>>
          tpu.enqueue_dma source(%dma_start3A_125 : memref<80x128xf32, #tpu.memory_space<vmem_shared>>) target(%dma_start3A_123 : memref<80x128xf32, #tpu.memory_space<vmem>>) target_semaphore(%run_scoped3A : memref<!tpu.dma_semaphore, #tpu.memory_space<semaphore_mem>>)
          %dma_wait3A_126 = arith.constant 0 : i32
          %dma_wait3A_127 = arith.constant 0 : i32
          %dma_wait3A_128 = tpu.memref_slice %arg11[%dma_wait3A_126, %dma_wait3A_127] : memref<80x128xf32, #tpu.memory_space<vmem>> -> memref<80x128xf32, #tpu.memory_space<vmem>>
          %dma_wait3A_129 = arith.constant 0 : i32
          %dma_wait3A_130 = tpu.memref_slice %arg15[%mul3A_113, %dma_wait3A_129] : memref<10000x128xf32, #tpu.memory_space<vmem_shared>> -> memref<80x128xf32, #tpu.memory_space<vmem_shared>>
          %dma_wait3A_131 = arith.constant 0 : i32
          %dma_wait3A_132 = arith.constant 0 : i32
          %dma_wait3A_133 = tpu.memref_slice %arg11[%dma_wait3A_131, %dma_wait3A_132] : memref<80x128xf32, #tpu.memory_space<vmem>> -> memref<80x128xf32, #tpu.memory_space<vmem>>
          %dma_wait3A_134 = arith.constant 0 : i32
          %dma_wait3A_135 = tpu.memref_slice %arg15[%mul3A_113, %dma_wait3A_134] : memref<10000x128xf32, #tpu.memory_space<vmem_shared>> -> memref<80x128xf32, #tpu.memory_space<vmem_shared>>
          tpu.wait_dma2 semaphore(%run_scoped3A : memref<!tpu.dma_semaphore, #tpu.memory_space<semaphore_mem>>) src(%dma_wait3A_135 : memref<80x128xf32, #tpu.memory_space<vmem_shared>>) dst(%dma_wait3A_133 : memref<80x128xf32, #tpu.memory_space<vmem>>)
          tpu.yield
        }) : () -> ()
        %mul3A_114 = arith.constant 80 : i32
        %mul3A_115 = arith.muli %add3A_109, %mul3A_114 : i32
        "tpu.region"() ({
          %run_scoped3A = tpu.sem_alloc : memref<!tpu.dma_semaphore, #tpu.memory_space<semaphore_mem>>
          %dma_start3A_116 = arith.constant 0 : i32
          %dma_start3A_117 = arith.constant 0 : i32
          %dma_start3A_118 = tpu.memref_slice %arg11[%dma_start3A_116, %dma_start3A_117] : memref<80x128xf32, #tpu.memory_space<vmem>> -> memref<80x128xf32, #tpu.memory_space<vmem>>
          %dma_start3A_119 = arith.constant 0 : i32
          %dma_start3A_120 = arith.constant 0 : i32
          %dma_start3A_121 = tpu.memref_slice %arg4[%arg0, %dma_start3A_119, %dma_start3A_120] : memref<2x10000x128xf32, #tpu.memory_space<hbm>> -> memref<1x10000x128xf32, #tpu.memory_space<hbm>>
          %dma_start3A_122 = tpu.memref_squeeze %dma_start3A_121 : memref<1x10000x128xf32, #tpu.memory_space<hbm>> -> memref<10000x128xf32, #tpu.memory_space<hbm>>
          %dma_start3A_123 = arith.constant 0 : i32
          %dma_start3A_124 = tpu.memref_slice %dma_start3A_122[%mul3A_115, %dma_start3A_123] : memref<10000x128xf32, #tpu.memory_space<hbm>> -> memref<80x128xf32, #tpu.memory_space<hbm>>
          %dma_start3A_125 = arith.constant 0 : i32
          %dma_start3A_126 = arith.constant 0 : i32
          %dma_start3A_127 = tpu.memref_slice %arg4[%arg0, %dma_start3A_125, %dma_start3A_126] : memref<2x10000x128xf32, #tpu.memory_space<hbm>> -> memref<1x10000x128xf32, #tpu.memory_space<hbm>>
          %dma_start3A_128 = tpu.memref_squeeze %dma_start3A_127 : memref<1x10000x128xf32, #tpu.memory_space<hbm>> -> memref<10000x128xf32, #tpu.memory_space<hbm>>
          %dma_start3A_129 = arith.constant 0 : i32
          %dma_start3A_130 = tpu.memref_slice %dma_start3A_128[%mul3A_115, %dma_start3A_129] : memref<10000x128xf32, #tpu.memory_space<hbm>> -> memref<80x128xf32, #tpu.memory_space<hbm>>
          %dma_start3A_131 = arith.constant 0 : i32
          %dma_start3A_132 = arith.constant 0 : i32
          %dma_start3A_133 = tpu.memref_slice %arg11[%dma_start3A_131, %dma_start3A_132] : memref<80x128xf32, #tpu.memory_space<vmem>> -> memref<80x128xf32, #tpu.memory_space<vmem>>
          tpu.enqueue_dma source(%dma_start3A_133 : memref<80x128xf32, #tpu.memory_space<vmem>>) target(%dma_start3A_130 : memref<80x128xf32, #tpu.memory_space<hbm>>) target_semaphore(%run_scoped3A : memref<!tpu.dma_semaphore, #tpu.memory_space<semaphore_mem>>)
          %dma_wait3A_134 = arith.constant 0 : i32
          %dma_wait3A_135 = arith.constant 0 : i32
          %dma_wait3A_136 = tpu.memref_slice %arg11[%dma_wait3A_134, %dma_wait3A_135] : memref<80x128xf32, #tpu.memory_space<vmem>> -> memref<80x128xf32, #tpu.memory_space<vmem>>
          %dma_wait3A_137 = arith.constant 0 : i32
          %dma_wait3A_138 = arith.constant 0 : i32
          %dma_wait3A_139 = tpu.memref_slice %arg4[%arg0, %dma_wait3A_137, %dma_wait3A_138] : memref<2x10000x128xf32, #tpu.memory_space<hbm>> -> memref<1x10000x128xf32, #tpu.memory_space<hbm>>
          %dma_wait3A_140 = tpu.memref_squeeze %dma_wait3A_139 : memref<1x10000x128xf32, #tpu.memory_space<hbm>> -> memref<10000x128xf32, #tpu.memory_space<hbm>>
          %dma_wait3A_141 = arith.constant 0 : i32
          %dma_wait3A_142 = tpu.memref_slice %dma_wait3A_140[%mul3A_115, %dma_wait3A_141] : memref<10000x128xf32, #tpu.memory_space<hbm>> -> memref<80x128xf32, #tpu.memory_space<hbm>>
          %dma_wait3A_143 = arith.constant 0 : i32
          %dma_wait3A_144 = arith.constant 0 : i32
          %dma_wait3A_145 = tpu.memref_slice %arg4[%arg0, %dma_wait3A_143, %dma_wait3A_144] : memref<2x10000x128xf32, #tpu.memory_space<hbm>> -> memref<1x10000x128xf32, #tpu.memory_space<hbm>>
          %dma_wait3A_146 = tpu.memref_squeeze %dma_wait3A_145 : memref<1x10000x128xf32, #tpu.memory_space<hbm>> -> memref<10000x128xf32, #tpu.memory_space<hbm>>
          %dma_wait3A_147 = arith.constant 0 : i32
          %dma_wait3A_148 = tpu.memref_slice %dma_wait3A_146[%mul3A_115, %dma_wait3A_147] : memref<10000x128xf32, #tpu.memory_space<hbm>> -> memref<80x128xf32, #tpu.memory_space<hbm>>
          %dma_wait3A_149 = arith.constant 0 : i32
          %dma_wait3A_150 = arith.constant 0 : i32
          %dma_wait3A_151 = tpu.memref_slice %arg11[%dma_wait3A_149, %dma_wait3A_150] : memref<80x128xf32, #tpu.memory_space<vmem>> -> memref<80x128xf32, #tpu.memory_space<vmem>>
          tpu.wait_dma2 semaphore(%run_scoped3A : memref<!tpu.dma_semaphore, #tpu.memory_space<semaphore_mem>>) src(%dma_wait3A_151 : memref<80x128xf32, #tpu.memory_space<vmem>>) dst(%dma_wait3A_148 : memref<80x128xf32, #tpu.memory_space<hbm>>)
          tpu.yield
        }) : () -> ()
      } else {
      }
    }
    %scan3A_105 = arith.constant 8 : i32
    return
  }
}

#map = affine_map<(d0, d1) -> (0, 0)>
#map1 = affine_map<(d0, d1) -> (0, 0, 0)>
module attributes {stable_mosaic.version = 14 : i64} {
  func.func @seg_sum(%arg0: i32, %arg1: i32, %arg2: memref<10000x128xf32, #tpu.memory_space<hbm>>, %arg3: memref<4000x2x80xi32, #tpu.memory_space<hbm>>, %arg4: memref<2x10000x128xf32, #tpu.memory_space<hbm>>, %arg5: memref<2x80xi32, #tpu.memory_space<vmem>>, %arg6: memref<2x80xi32, #tpu.memory_space<vmem>>, %arg7: memref<2x80xi32, #tpu.memory_space<vmem>>, %arg8: memref<2x80xi32, #tpu.memory_space<vmem>>, %arg9: memref<80xi32, #tpu.memory_space<vmem>>, %arg10: memref<80xi32, #tpu.memory_space<vmem>>, %arg11: memref<80x128xf32, #tpu.memory_space<vmem>>, %arg12: memref<80x128xf32, #tpu.memory_space<vmem>>, %arg13: memref<80x128xf32, #tpu.memory_space<vmem>>, %arg14: memref<80x128xf32, #tpu.memory_space<vmem>>, %arg15: memref<10000x128xf32, #tpu.memory_space<vmem_shared>>, %arg16: memref<!tpu.dma_semaphore, #tpu.memory_space<semaphore_mem>>, %arg17: memref<!tpu.dma_semaphore, #tpu.memory_space<semaphore_mem>>, %arg18: memref<!tpu.dma_semaphore, #tpu.memory_space<semaphore_mem>>, %arg19: memref<!tpu.dma_semaphore, #tpu.memory_space<semaphore_mem>>, %arg20: memref<!tpu.dma_semaphore, #tpu.memory_space<semaphore_mem>>, %arg21: memref<!tpu.dma_semaphore, #tpu.memory_space<semaphore_mem>>, %arg22: memref<!tpu.dma_semaphore, #tpu.memory_space<semaphore_mem>>, %arg23: memref<!tpu.dma_semaphore, #tpu.memory_space<semaphore_mem>>, %arg24: memref<!tpu.dma_semaphore, #tpu.memory_space<semaphore_mem>>, %arg25: memref<!tpu.dma_semaphore, #tpu.memory_space<semaphore_mem>>) attributes {dimension_semantics = [#tpu.dimension_semantics<core_parallel>, #tpu.dimension_semantics<subcore_parallel>], iteration_bounds = array<i64: 2, 16>, scalar_prefetch = 0 : i64, scratch_operands = 21 : i64, tpu.core_type = #tpu.core_type<sc_vector_subcore>, window_params = [{transform_indices = #map}, {transform_indices = #map1}, {transform_indices = #map1}]} {
    %mul3A = arith.constant 2 : i32
    %mul3A_0 = arith.muli %arg1, %mul3A : i32
    %add3A = arith.addi %mul3A_0, %arg0 : i32
    %mul3A_1 = arith.constant 125 : i32
    %mul3A_2 = arith.muli %add3A, %mul3A_1 : i32
    %broadcast_in_dim3A = arith.constant 0.000000e+00 : f32
    %broadcast_in_dim3A_3 = vector.broadcast %broadcast_in_dim3A : f32 to vector<16xf32>
    %scan3A = arith.constant 0 : i32
    %scan3A_4 = arith.constant 0 : i32
    %scan3A_5 = arith.constant 80 : i32
    %scan3A_6 = arith.addi %scan3A_4, %scan3A_5 : i32
    %scan3A_7 = arith.constant 1 : i32
    scf.for %scan3A_106 = %scan3A_4 to %scan3A_6 step %scan3A_7  : i32 {
      %scan3A_107 = arith.constant 0 : i32
      %scan3A_108 = arith.constant 8 : i32
      %scan3A_109 = arith.addi %scan3A_107, %scan3A_108 : i32
      %scan3A_110 = arith.constant 1 : i32
      scf.for %scan3A_112 = %scan3A_107 to %scan3A_109 step %scan3A_110  : i32 {
        %mul3A_113 = arith.constant 16 : i32
        %mul3A_114 = arith.muli %scan3A_112, %mul3A_113 : i32
        %swap3A = arith.index_cast %scan3A_106 : i32 to index
        %swap3A_115 = arith.index_cast %mul3A_114 : i32 to index
        %swap3A_116 = tpu.vector_load %arg11[%swap3A, %swap3A_115] {strides = array<i32>} : memref<80x128xf32, #tpu.memory_space<vmem>>, vector<1x16xf32>,
        %swap3A_117 = vector.shape_cast %swap3A_116 : vector<1x16xf32> to vector<16xf32>
        %swap3A_118 = vector.shape_cast %broadcast_in_dim3A_3 : vector<16xf32> to vector<1x16xf32>
        tpu.vector_store %arg11[%swap3A, %swap3A_115], %swap3A_118 {strides = array<i32>} : memref<80x128xf32, #tpu.memory_space<vmem>>, vector<1x16xf32>,
      }
      %scan3A_111 = arith.constant 8 : i32
    }
    %scan3A_8 = arith.constant 80 : i32
    %scan3A_9 = arith.constant 0 : i32
    %scan3A_10 = arith.constant 0 : i32
    %scan3A_11 = arith.constant 8 : i32
    %scan3A_12 = arith.addi %scan3A_10, %scan3A_11 : i32
    %scan3A_13 = arith.constant 1 : i32
    scf.for %scan3A_106 = %scan3A_10 to %scan3A_12 step %scan3A_13  : i32 {
      %mul3A_107 = arith.constant 16 : i32
      %mul3A_108 = arith.muli %mul3A_107, %scan3A_106 : i32
      %add3A_109 = arith.addi %arg1, %mul3A_108 : i32
      %lt3A = arith.constant 125 : i32
      %lt3A_110 = arith.cmpi slt, %add3A_109, %lt3A : i32
      %convert_element_type3A = arith.extui %lt3A_110 : i1 to i32
      %cond3A = arith.constant 0 : i32
      %cond3A_111 = arith.cmpi ne, %convert_element_type3A, %cond3A : i32
      scf.if %cond3A_111 {
        %mul3A_112 = arith.constant 80 : i32
        %mul3A_113 = arith.muli %add3A_109, %mul3A_112 : i32
        "tpu.region"() ({
          %run_scoped3A = tpu.sem_alloc : memref<!tpu.dma_semaphore, #tpu.memory_space<semaphore_mem>>
          %dma_start3A_114 = arith.constant 0 : i32
          %dma_start3A_115 = arith.constant 0 : i32
          %dma_start3A_116 = tpu.memref_slice %arg11[%dma_start3A_114, %dma_start3A_115] : memref<80x128xf32, #tpu.memory_space<vmem>> -> memref<80x128xf32, #tpu.memory_space<vmem>>
          %dma_start3A_117 = arith.constant 0 : i32
          %dma_start3A_118 = tpu.memref_slice %arg15[%mul3A_113, %dma_start3A_117] : memref<10000x128xf32, #tpu.memory_space<vmem_shared>> -> memref<80x128xf32, #tpu.memory_space<vmem_shared>>
          %dma_start3A_119 = arith.constant 0 : i32
          %dma_start3A_120 = tpu.memref_slice %arg15[%mul3A_113, %dma_start3A_119] : memref<10000x128xf32, #tpu.memory_space<vmem_shared>> -> memref<80x128xf32, #tpu.memory_space<vmem_shared>>
          %dma_start3A_121 = arith.constant 0 : i32
          %dma_start3A_122 = arith.constant 0 : i32
          %dma_start3A_123 = tpu.memref_slice %arg11[%dma_start3A_121, %dma_start3A_122] : memref<80x128xf32, #tpu.memory_space<vmem>> -> memref<80x128xf32, #tpu.memory_space<vmem>>
          tpu.enqueue_dma source(%dma_start3A_123 : memref<80x128xf32, #tpu.memory_space<vmem>>) target(%dma_start3A_120 : memref<80x128xf32, #tpu.memory_space<vmem_shared>>) target_semaphore(%run_scoped3A : memref<!tpu.dma_semaphore, #tpu.memory_space<semaphore_mem>>)
          %dma_wait3A_124 = arith.constant 0 : i32
          %dma_wait3A_125 = arith.constant 0 : i32
          %dma_wait3A_126 = tpu.memref_slice %arg11[%dma_wait3A_124, %dma_wait3A_125] : memref<80x128xf32, #tpu.memory_space<vmem>> -> memref<80x128xf32, #tpu.memory_space<vmem>>
          %dma_wait3A_127 = arith.constant 0 : i32
          %dma_wait3A_128 = tpu.memref_slice %arg15[%mul3A_113, %dma_wait3A_127] : memref<10000x128xf32, #tpu.memory_space<vmem_shared>> -> memref<80x128xf32, #tpu.memory_space<vmem_shared>>
          %dma_wait3A_129 = arith.constant 0 : i32
          %dma_wait3A_130 = tpu.memref_slice %arg15[%mul3A_113, %dma_wait3A_129] : memref<10000x128xf32, #tpu.memory_space<vmem_shared>> -> memref<80x128xf32, #tpu.memory_space<vmem_shared>>
          %dma_wait3A_131 = arith.constant 0 : i32
          %dma_wait3A_132 = arith.constant 0 : i32
          %dma_wait3A_133 = tpu.memref_slice %arg11[%dma_wait3A_131, %dma_wait3A_132] : memref<80x128xf32, #tpu.memory_space<vmem>> -> memref<80x128xf32, #tpu.memory_space<vmem>>
          tpu.wait_dma2 semaphore(%run_scoped3A : memref<!tpu.dma_semaphore, #tpu.memory_space<semaphore_mem>>) src(%dma_wait3A_133 : memref<80x128xf32, #tpu.memory_space<vmem>>) dst(%dma_wait3A_130 : memref<80x128xf32, #tpu.memory_space<vmem_shared>>)
          tpu.yield
        }) : () -> ()
      } else {
      }
    }
    %scan3A_14 = arith.constant 8 : i32
    %barrier3A = arith.constant 0 : index
    tpu.barrier barrier_id(%barrier3A)
    %add3A_15 = arith.constant 0 : i32
    %add3A_16 = arith.addi %mul3A_2, %add3A_15 : i32
    %dma_start3A = arith.constant 0 : i32
    %dma_start3A_17 = arith.constant 0 : i32
    %dma_start3A_18 = tpu.memref_slice %arg3[%add3A_16, %dma_start3A, %dma_start3A_17] : memref<4000x2x80xi32, #tpu.memory_space<hbm>> -> memref<1x2x80xi32, #tpu.memory_space<hbm>>
    %dma_start3A_19 = tpu.memref_squeeze %dma_start3A_18 : memref<1x2x80xi32, #tpu.memory_space<hbm>> -> memref<2x80xi32, #tpu.memory_space<hbm>>
    %dma_start3A_20 = arith.constant 0 : i32
    %dma_start3A_21 = arith.constant 0 : i32
    %dma_start3A_22 = tpu.memref_slice %arg3[%add3A_16, %dma_start3A_20, %dma_start3A_21] : memref<4000x2x80xi32, #tpu.memory_space<hbm>> -> memref<1x2x80xi32, #tpu.memory_space<hbm>>
    %dma_start3A_23 = tpu.memref_squeeze %dma_start3A_22 : memref<1x2x80xi32, #tpu.memory_space<hbm>> -> memref<2x80xi32, #tpu.memory_space<hbm>>
    tpu.enqueue_dma source(%dma_start3A_23 : memref<2x80xi32, #tpu.memory_space<hbm>>) target(%arg5 : memref<2x80xi32, #tpu.memory_space<vmem>>) target_semaphore(%arg16 : memref<!tpu.dma_semaphore, #tpu.memory_space<semaphore_mem>>)
    %add3A_24 = arith.constant 1 : i32
    %add3A_25 = arith.addi %mul3A_2, %add3A_24 : i32
    %dma_start3A_26 = arith.constant 0 : i32
    %dma_start3A_27 = arith.constant 0 : i32
    %dma_start3A_28 = tpu.memref_slice %arg3[%add3A_25, %dma_start3A_26, %dma_start3A_27] : memref<4000x2x80xi32, #tpu.memory_space<hbm>> -> memref<1x2x80xi32, #tpu.memory_space<hbm>>
    %dma_start3A_29 = tpu.memref_squeeze %dma_start3A_28 : memref<1x2x80xi32, #tpu.memory_space<hbm>> -> memref<2x80xi32, #tpu.memory_space<hbm>>
    %dma_start3A_30 = arith.constant 0 : i32
    %dma_start3A_31 = arith.constant 0 : i32
    %dma_start3A_32 = tpu.memref_slice %arg3[%add3A_25, %dma_start3A_30, %dma_start3A_31] : memref<4000x2x80xi32, #tpu.memory_space<hbm>> -> memref<1x2x80xi32, #tpu.memory_space<hbm>>
    %dma_start3A_33 = tpu.memref_squeeze %dma_start3A_32 : memref<1x2x80xi32, #tpu.memory_space<hbm>> -> memref<2x80xi32, #tpu.memory_space<hbm>>
    tpu.enqueue_dma source(%dma_start3A_33 : memref<2x80xi32, #tpu.memory_space<hbm>>) target(%arg6 : memref<2x80xi32, #tpu.memory_space<vmem>>) target_semaphore(%arg17 : memref<!tpu.dma_semaphore, #tpu.memory_space<semaphore_mem>>)
    %add3A_34 = arith.constant 2 : i32
    %add3A_35 = arith.addi %mul3A_2, %add3A_34 : i32
    %dma_start3A_36 = arith.constant 0 : i32
    %dma_start3A_37 = arith.constant 0 : i32
    %dma_start3A_38 = tpu.memref_slice %arg3[%add3A_35, %dma_start3A_36, %dma_start3A_37] : memref<4000x2x80xi32, #tpu.memory_space<hbm>> -> memref<1x2x80xi32, #tpu.memory_space<hbm>>
    %dma_start3A_39 = tpu.memref_squeeze %dma_start3A_38 : memref<1x2x80xi32, #tpu.memory_space<hbm>> -> memref<2x80xi32, #tpu.memory_space<hbm>>
    %dma_start3A_40 = arith.constant 0 : i32
    %dma_start3A_41 = arith.constant 0 : i32
    %dma_start3A_42 = tpu.memref_slice %arg3[%add3A_35, %dma_start3A_40, %dma_start3A_41] : memref<4000x2x80xi32, #tpu.memory_space<hbm>> -> memref<1x2x80xi32, #tpu.memory_space<hbm>>
    %dma_start3A_43 = tpu.memref_squeeze %dma_start3A_42 : memref<1x2x80xi32, #tpu.memory_space<hbm>> -> memref<2x80xi32, #tpu.memory_space<hbm>>
    tpu.enqueue_dma source(%dma_start3A_43 : memref<2x80xi32, #tpu.memory_space<hbm>>) target(%arg7 : memref<2x80xi32, #tpu.memory_space<vmem>>) target_semaphore(%arg18 : memref<!tpu.dma_semaphore, #tpu.memory_space<semaphore_mem>>)
    %add3A_44 = arith.constant 3 : i32
    %add3A_45 = arith.addi %mul3A_2, %add3A_44 : i32
    %dma_start3A_46 = arith.constant 0 : i32
    %dma_start3A_47 = arith.constant 0 : i32
    %dma_start3A_48 = tpu.memref_slice %arg3[%add3A_45, %dma_start3A_46, %dma_start3A_47] : memref<4000x2x80xi32, #tpu.memory_space<hbm>> -> memref<1x2x80xi32, #tpu.memory_space<hbm>>
    %dma_start3A_49 = tpu.memref_squeeze %dma_start3A_48 : memref<1x2x80xi32, #tpu.memory_space<hbm>> -> memref<2x80xi32, #tpu.memory_space<hbm>>
    %dma_start3A_50 = arith.constant 0 : i32
    %dma_start3A_51 = arith.constant 0 : i32
    %dma_start3A_52 = tpu.memref_slice %arg3[%add3A_45, %dma_start3A_50, %dma_start3A_51] : memref<4000x2x80xi32, #tpu.memory_space<hbm>> -> memref<1x2x80xi32, #tpu.memory_space<hbm>>
    %dma_start3A_53 = tpu.memref_squeeze %dma_start3A_52 : memref<1x2x80xi32, #tpu.memory_space<hbm>> -> memref<2x80xi32, #tpu.memory_space<hbm>>
    tpu.enqueue_dma source(%dma_start3A_53 : memref<2x80xi32, #tpu.memory_space<hbm>>) target(%arg8 : memref<2x80xi32, #tpu.memory_space<vmem>>) target_semaphore(%arg19 : memref<!tpu.dma_semaphore, #tpu.memory_space<semaphore_mem>>)
    %add3A_54 = arith.constant 0 : i32
    %add3A_55 = arith.addi %mul3A_2, %add3A_54 : i32
    %dma_wait3A = arith.constant 0 : i32
    %dma_wait3A_56 = arith.constant 0 : i32
    %dma_wait3A_57 = tpu.memref_slice %arg3[%add3A_55, %dma_wait3A, %dma_wait3A_56] : memref<4000x2x80xi32, #tpu.memory_space<hbm>> -> memref<1x2x80xi32, #tpu.memory_space<hbm>>
    %dma_wait3A_58 = tpu.memref_squeeze %dma_wait3A_57 : memref<1x2x80xi32, #tpu.memory_space<hbm>> -> memref<2x80xi32, #tpu.memory_space<hbm>>
    %dma_wait3A_59 = arith.constant 0 : i32
    %dma_wait3A_60 = arith.constant 0 : i32
    %dma_wait3A_61 = tpu.memref_slice %arg3[%add3A_55, %dma_wait3A_59, %dma_wait3A_60] : memref<4000x2x80xi32, #tpu.memory_space<hbm>> -> memref<1x2x80xi32, #tpu.memory_space<hbm>>
    %dma_wait3A_62 = tpu.memref_squeeze %dma_wait3A_61 : memref<1x2x80xi32, #tpu.memory_space<hbm>> -> memref<2x80xi32, #tpu.memory_space<hbm>>
    tpu.wait_dma2 semaphore(%arg16 : memref<!tpu.dma_semaphore, #tpu.memory_space<semaphore_mem>>) src(%dma_wait3A_62 : memref<2x80xi32, #tpu.memory_space<hbm>>) dst(%arg5 : memref<2x80xi32, #tpu.memory_space<vmem>>)
    %dma_start3A_63 = arith.constant 0 : i32
    %dma_start3A_64 = arith.constant 0 : i32
    %dma_start3A_65 = tpu.memref_slice %arg5[%dma_start3A_63, %dma_start3A_64] : memref<2x80xi32, #tpu.memory_space<vmem>> -> memref<1x80xi32, #tpu.memory_space<vmem>>
    %dma_start3A_66 = tpu.memref_squeeze %dma_start3A_65 : memref<1x80xi32, #tpu.memory_space<vmem>> -> memref<80xi32, #tpu.memory_space<vmem>>
    %dma_start3A_67 = arith.constant 0 : i32
    %dma_start3A_68 = arith.constant 0 : i32
    %dma_start3A_69 = tpu.memref_slice %arg2[%dma_start3A_67, %dma_start3A_68] : memref<10000x128xf32, #tpu.memory_space<hbm>> -> memref<10000x128xf32, #tpu.memory_space<hbm>>
    tpu.enqueue_indirect_dma source(%dma_start3A_69 : memref<10000x128xf32, #tpu.memory_space<hbm>>) target(%arg11 : memref<80x128xf32, #tpu.memory_space<vmem>>) offsets(%dma_start3A_66 : memref<80xi32, #tpu.memory_space<vmem>>) semaphore(%arg20 : memref<!tpu.dma_semaphore, #tpu.memory_space<semaphore_mem>>)
    %add3A_70 = arith.constant 1 : i32
    %add3A_71 = arith.addi %mul3A_2, %add3A_70 : i32
    %dma_wait3A_72 = arith.constant 0 : i32
    %dma_wait3A_73 = arith.constant 0 : i32
    %dma_wait3A_74 = tpu.memref_slice %arg3[%add3A_71, %dma_wait3A_72, %dma_wait3A_73] : memref<4000x2x80xi32, #tpu.memory_space<hbm>> -> memref<1x2x80xi32, #tpu.memory_space<hbm>>
    %dma_wait3A_75 = tpu.memref_squeeze %dma_wait3A_74 : memref<1x2x80xi32, #tpu.memory_space<hbm>> -> memref<2x80xi32, #tpu.memory_space<hbm>>
    %dma_wait3A_76 = arith.constant 0 : i32
    %dma_wait3A_77 = arith.constant 0 : i32
    %dma_wait3A_78 = tpu.memref_slice %arg3[%add3A_71, %dma_wait3A_76, %dma_wait3A_77] : memref<4000x2x80xi32, #tpu.memory_space<hbm>> -> memref<1x2x80xi32, #tpu.memory_space<hbm>>
    %dma_wait3A_79 = tpu.memref_squeeze %dma_wait3A_78 : memref<1x2x80xi32, #tpu.memory_space<hbm>> -> memref<2x80xi32, #tpu.memory_space<hbm>>
    tpu.wait_dma2 semaphore(%arg17 : memref<!tpu.dma_semaphore, #tpu.memory_space<semaphore_mem>>) src(%dma_wait3A_79 : memref<2x80xi32, #tpu.memory_space<hbm>>) dst(%arg6 : memref<2x80xi32, #tpu.memory_space<vmem>>)
    %dma_start3A_80 = arith.constant 0 : i32
    %dma_start3A_81 = arith.constant 0 : i32
    %dma_start3A_82 = tpu.memref_slice %arg6[%dma_start3A_80, %dma_start3A_81] : memref<2x80xi32, #tpu.memory_space<vmem>> -> memref<1x80xi32, #tpu.memory_space<vmem>>
    %dma_start3A_83 = tpu.memref_squeeze %dma_start3A_82 : memref<1x80xi32, #tpu.memory_space<vmem>> -> memref<80xi32, #tpu.memory_space<vmem>>
    %dma_start3A_84 = arith.constant 0 : i32
    %dma_start3A_85 = arith.constant 0 : i32
    %dma_start3A_86 = tpu.memref_slice %arg2[%dma_start3A_84, %dma_start3A_85] : memref<10000x128xf32, #tpu.memory_space<hbm>> -> memref<10000x128xf32, #tpu.memory_space<hbm>>
    tpu.enqueue_indirect_dma source(%dma_start3A_86 : memref<10000x128xf32, #tpu.memory_space<hbm>>) target(%arg12 : memref<80x128xf32, #tpu.memory_space<vmem>>) offsets(%dma_start3A_83 : memref<80xi32, #tpu.memory_space<vmem>>) semaphore(%arg21 : memref<!tpu.dma_semaphore, #tpu.memory_space<semaphore_mem>>)
    %scan3A_87 = arith.constant 0 : i32
    %scan3A_88 = arith.constant 0 : i32
    %scan3A_89 = arith.constant 32 : i32
    %scan3A_90 = arith.addi %scan3A_88, %scan3A_89 : i32
    %scan3A_91 = arith.constant 1 : i32
    scf.for %scan3A_106 = %scan3A_88 to %scan3A_90 step %scan3A_91  : i32 {
      %mul3A_107 = arith.constant 4 : i32
      %mul3A_108 = arith.muli %mul3A_107, %scan3A_106 : i32
      %ge3A = arith.constant 2 : i32
      %ge3A_109 = arith.cmpi sge, %mul3A_108, %ge3A : i32
      %convert_element_type3A = arith.extui %ge3A_109 : i1 to i32
      %cond3A = arith.constant 0 : i32
      %cond3A_110 = arith.cmpi ne, %convert_element_type3A, %cond3A : i32
      scf.if %cond3A_110 {
        %dma_wait3A_198 = arith.constant 0 : i32
        %dma_wait3A_199 = arith.constant 0 : i32
        %dma_wait3A_200 = tpu.memref_slice %arg15[%dma_wait3A_198, %dma_wait3A_199] : memref<10000x128xf32, #tpu.memory_space<vmem_shared>> -> memref<10000x128xf32, #tpu.memory_space<vmem_shared>>
        tpu.wait_indirect_dma semaphore(%arg24 : memref<!tpu.dma_semaphore, #tpu.memory_space<semaphore_mem>>) src(%arg13 : memref<80x128xf32, #tpu.memory_space<vmem>>) dst(%dma_wait3A_200 : memref<10000x128xf32, #tpu.memory_space<vmem_shared>>)
      } else {
      }
      %add3A_111 = arith.constant 2 : i32
      %add3A_112 = arith.addi %mul3A_108, %add3A_111 : i32
      %lt3A = arith.constant 125 : i32
      %lt3A_113 = arith.cmpi slt, %add3A_112, %lt3A : i32
      %convert_element_type3A_114 = arith.extui %lt3A_113 : i1 to i32
      %cond3A_115 = arith.constant 0 : i32
      %cond3A_116 = arith.cmpi ne, %convert_element_type3A_114, %cond3A_115 : i32
      scf.if %cond3A_116 {
        %add3A_198 = arith.addi %mul3A_2, %mul3A_108 : i32
        %add3A_199 = arith.constant 2 : i32
        %add3A_200 = arith.addi %add3A_198, %add3A_199 : i32
        %dma_wait3A_201 = arith.constant 0 : i32
        %dma_wait3A_202 = arith.constant 0 : i32
        %dma_wait3A_203 = tpu.memref_slice %arg3[%add3A_200, %dma_wait3A_201, %dma_wait3A_202] : memref<4000x2x80xi32, #tpu.memory_space<hbm>> -> memref<1x2x80xi32, #tpu.memory_space<hbm>>
        %dma_wait3A_204 = tpu.memref_squeeze %dma_wait3A_203 : memref<1x2x80xi32, #tpu.memory_space<hbm>> -> memref<2x80xi32, #tpu.memory_space<hbm>>
        %dma_wait3A_205 = arith.constant 0 : i32
        %dma_wait3A_206 = arith.constant 0 : i32
        %dma_wait3A_207 = tpu.memref_slice %arg3[%add3A_200, %dma_wait3A_205, %dma_wait3A_206] : memref<4000x2x80xi32, #tpu.memory_space<hbm>> -> memref<1x2x80xi32, #tpu.memory_space<hbm>>
        %dma_wait3A_208 = tpu.memref_squeeze %dma_wait3A_207 : memref<1x2x80xi32, #tpu.memory_space<hbm>> -> memref<2x80xi32, #tpu.memory_space<hbm>>
        tpu.wait_dma2 semaphore(%arg18 : memref<!tpu.dma_semaphore, #tpu.memory_space<semaphore_mem>>) src(%dma_wait3A_208 : memref<2x80xi32, #tpu.memory_space<hbm>>) dst(%arg7 : memref<2x80xi32, #tpu.memory_space<vmem>>)
        %dma_start3A_209 = arith.constant 0 : i32
        %dma_start3A_210 = arith.constant 0 : i32
        %dma_start3A_211 = tpu.memref_slice %arg7[%dma_start3A_209, %dma_start3A_210] : memref<2x80xi32, #tpu.memory_space<vmem>> -> memref<1x80xi32, #tpu.memory_space<vmem>>
        %dma_start3A_212 = tpu.memref_squeeze %dma_start3A_211 : memref<1x80xi32, #tpu.memory_space<vmem>> -> memref<80xi32, #tpu.memory_space<vmem>>
        %dma_start3A_213 = arith.constant 0 : i32
        %dma_start3A_214 = arith.constant 0 : i32
        %dma_start3A_215 = tpu.memref_slice %arg2[%dma_start3A_213, %dma_start3A_214] : memref<10000x128xf32, #tpu.memory_space<hbm>> -> memref<10000x128xf32, #tpu.memory_space<hbm>>
        tpu.enqueue_indirect_dma source(%dma_start3A_215 : memref<10000x128xf32, #tpu.memory_space<hbm>>) target(%arg13 : memref<80x128xf32, #tpu.memory_space<vmem>>) offsets(%dma_start3A_212 : memref<80xi32, #tpu.memory_space<vmem>>) semaphore(%arg22 : memref<!tpu.dma_semaphore, #tpu.memory_space<semaphore_mem>>)
      } else {
      }
      %dma_wait3A_117 = arith.constant 0 : i32
      %dma_wait3A_118 = arith.constant 0 : i32
      %dma_wait3A_119 = tpu.memref_slice %arg5[%dma_wait3A_117, %dma_wait3A_118] : memref<2x80xi32, #tpu.memory_space<vmem>> -> memref<1x80xi32, #tpu.memory_space<vmem>>
      %dma_wait3A_120 = tpu.memref_squeeze %dma_wait3A_119 : memref<1x80xi32, #tpu.memory_space<vmem>> -> memref<80xi32, #tpu.memory_space<vmem>>
      %dma_wait3A_121 = arith.constant 0 : i32
      %dma_wait3A_122 = arith.constant 0 : i32
      %dma_wait3A_123 = tpu.memref_slice %arg2[%dma_wait3A_121, %dma_wait3A_122] : memref<10000x128xf32, #tpu.memory_space<hbm>> -> memref<10000x128xf32, #tpu.memory_space<hbm>>
      tpu.wait_indirect_dma semaphore(%arg20 : memref<!tpu.dma_semaphore, #tpu.memory_space<semaphore_mem>>) src(%dma_wait3A_123 : memref<10000x128xf32, #tpu.memory_space<hbm>>) dst(%arg11 : memref<80x128xf32, #tpu.memory_space<vmem>>)
      %get3A = arith.constant 1 : i32
      %get3A_124 = arith.index_cast %get3A : i32 to index
      %get3A_125 = arith.constant 0 : index
      %get3A_126 = tpu.vector_load %arg5[%get3A_124, %get3A_125] {strides = array<i32>} : memref<2x80xi32, #tpu.memory_space<vmem>>, vector<1x16xi32>,
      %get3A_127 = vector.shape_cast %get3A_126 : vector<1x16xi32> to vector<16xi32>
      %swap3A = arith.constant 0 : index
      %swap3A_128 = tpu.vector_load %arg9[%swap3A] {strides = array<i32>} : memref<80xi32, #tpu.memory_space<vmem>>, vector<16xi32>,
      %swap3A_129 = vector.shape_cast %swap3A_128 : vector<16xi32> to vector<16xi32>
      %swap3A_130 = vector.shape_cast %get3A_127 : vector<16xi32> to vector<16xi32>
      tpu.vector_store %arg9[%swap3A], %swap3A_130 {strides = array<i32>} : memref<80xi32, #tpu.memory_space<vmem>>, vector<16xi32>,
      %get3A_131 = arith.constant 1 : i32
      %get3A_132 = arith.index_cast %get3A_131 : i32 to index
      %get3A_133 = arith.constant 16 : index
      %get3A_134 = tpu.vector_load %arg5[%get3A_132, %get3A_133] {strides = array<i32>} : memref<2x80xi32, #tpu.memory_space<vmem>>, vector<1x16xi32>,
      %get3A_135 = vector.shape_cast %get3A_134 : vector<1x16xi32> to vector<16xi32>
      %swap3A_136 = arith.constant 16 : index
      %swap3A_137 = tpu.vector_load %arg9[%swap3A_136] {strides = array<i32>} : memref<80xi32, #tpu.memory_space<vmem>>, vector<16xi32>,
      %swap3A_138 = vector.shape_cast %swap3A_137 : vector<16xi32> to vector<16xi32>
      %swap3A_139 = vector.shape_cast %get3A_135 : vector<16xi32> to vector<16xi32>
      tpu.vector_store %arg9[%swap3A_136], %swap3A_139 {strides = array<i32>} : memref<80xi32, #tpu.memory_space<vmem>>, vector<16xi32>,
      %get3A_140 = arith.constant 1 : i32
      %get3A_141 = arith.index_cast %get3A_140 : i32 to index
      %get3A_142 = arith.constant 32 : index
      %get3A_143 = tpu.vector_load %arg5[%get3A_141, %get3A_142] {strides = array<i32>} : memref<2x80xi32, #tpu.memory_space<vmem>>, vector<1x16xi32>,
      %get3A_144 = vector.shape_cast %get3A_143 : vector<1x16xi32> to vector<16xi32>
      %swap3A_145 = arith.constant 32 : index
      %swap3A_146 = tpu.vector_load %arg9[%swap3A_145] {strides = array<i32>} : memref<80xi32, #tpu.memory_space<vmem>>, vector<16xi32>,
      %swap3A_147 = vector.shape_cast %swap3A_146 : vector<16xi32> to vector<16xi32>
      %swap3A_148 = vector.shape_cast %get3A_144 : vector<16xi32> to vector<16xi32>
      tpu.vector_store %arg9[%swap3A_145], %swap3A_148 {strides = array<i32>} : memref<80xi32, #tpu.memory_space<vmem>>, vector<16xi32>,
      %get3A_149 = arith.constant 1 : i32
      %get3A_150 = arith.index_cast %get3A_149 : i32 to index
      %get3A_151 = arith.constant 48 : index
      %get3A_152 = tpu.vector_load %arg5[%get3A_150, %get3A_151] {strides = array<i32>} : memref<2x80xi32, #tpu.memory_space<vmem>>, vector<1x16xi32>,
      %get3A_153 = vector.shape_cast %get3A_152 : vector<1x16xi32> to vector<16xi32>
      %swap3A_154 = arith.constant 48 : index
      %swap3A_155 = tpu.vector_load %arg9[%swap3A_154] {strides = array<i32>} : memref<80xi32, #tpu.memory_space<vmem>>, vector<16xi32>,
      %swap3A_156 = vector.shape_cast %swap3A_155 : vector<16xi32> to vector<16xi32>
      %swap3A_157 = vector.shape_cast %get3A_153 : vector<16xi32> to vector<16xi32>
      tpu.vector_store %arg9[%swap3A_154], %swap3A_157 {strides = array<i32>} : memref<80xi32, #tpu.memory_space<vmem>>, vector<16xi32>,
      %get3A_158 = arith.constant 1 : i32
      %get3A_159 = arith.index_cast %get3A_158 : i32 to index
      %get3A_160 = arith.constant 64 : index
      %get3A_161 = tpu.vector_load %arg5[%get3A_159, %get3A_160] {strides = array<i32>} : memref<2x80xi32, #tpu.memory_space<vmem>>, vector<1x16xi32>,
      %get3A_162 = vector.shape_cast %get3A_161 : vector<1x16xi32> to vector<16xi32>
      %swap3A_163 = arith.constant 64 : index
      %swap3A_164 = tpu.vector_load %arg9[%swap3A_163] {strides = array<i32>} : memref<80xi32, #tpu.memory_space<vmem>>, vector<16xi32>,
      %swap3A_165 = vector.shape_cast %swap3A_164 : vector<16xi32> to vector<16xi32>
      %swap3A_166 = vector.shape_cast %get3A_162 : vector<16xi32> to vector<16xi32>
      tpu.vector_store %arg9[%swap3A_163], %swap3A_166 {strides = array<i32>} : memref<80xi32, #tpu.memory_space<vmem>>, vector<16xi32>,
      %dma_start3A_167 = arith.constant 0 : i32
      %dma_start3A_168 = arith.constant 0 : i32
      %dma_start3A_169 = tpu.memref_slice %arg15[%dma_start3A_167, %dma_start3A_168] : memref<10000x128xf32, #tpu.memory_space<vmem_shared>> -> memref<10000x128xf32, #tpu.memory_space<vmem_shared>>
      tpu.enqueue_indirect_dma source(%arg11 : memref<80x128xf32, #tpu.memory_space<vmem>>) target(%dma_start3A_169 : memref<10000x128xf32, #tpu.memory_space<vmem_shared>>) offsets(%arg9 : memref<80xi32, #tpu.memory_space<vmem>>) semaphore(%arg24 : memref<!tpu.dma_semaphore, #tpu.memory_space<semaphore_mem>>) {add = true}
      %add3A_170 = arith.constant 4 : i32
      %add3A_171 = arith.addi %mul3A_108, %add3A_170 : i32
      %lt3A_172 = arith.constant 125 : i32
      %lt3A_173 = arith.cmpi slt, %add3A_171, %lt3A_172 : i32
      %convert_element_type3A_174 = arith.extui %lt3A_173 : i1 to i32
      %cond3A_175 = arith.constant 0 : i32
      %cond3A_176 = arith.cmpi ne, %convert_element_type3A_174, %cond3A_175 : i32
      scf.if %cond3A_176 {
        %add3A_198 = arith.addi %mul3A_2, %mul3A_108 : i32
        %add3A_199 = arith.constant 4 : i32
        %add3A_200 = arith.addi %add3A_198, %add3A_199 : i32
        %dma_start3A_201 = arith.constant 0 : i32
        %dma_start3A_202 = arith.constant 0 : i32
        %dma_start3A_203 = tpu.memref_slice %arg3[%add3A_200, %dma_start3A_201, %dma_start3A_202] : memref<4000x2x80xi32, #tpu.memory_space<hbm>> -> memref<1x2x80xi32, #tpu.memory_space<hbm>>
        %dma_start3A_204 = tpu.memref_squeeze %dma_start3A_203 : memref<1x2x80xi32, #tpu.memory_space<hbm>> -> memref<2x80xi32, #tpu.memory_space<hbm>>
        %dma_start3A_205 = arith.constant 0 : i32
        %dma_start3A_206 = arith.constant 0 : i32
        %dma_start3A_207 = tpu.memref_slice %arg3[%add3A_200, %dma_start3A_205, %dma_start3A_206] : memref<4000x2x80xi32, #tpu.memory_space<hbm>> -> memref<1x2x80xi32, #tpu.memory_space<hbm>>
        %dma_start3A_208 = tpu.memref_squeeze %dma_start3A_207 : memref<1x2x80xi32, #tpu.memory_space<hbm>> -> memref<2x80xi32, #tpu.memory_space<hbm>>
        tpu.enqueue_dma source(%dma_start3A_208 : memref<2x80xi32, #tpu.memory_space<hbm>>) target(%arg5 : memref<2x80xi32, #tpu.memory_space<vmem>>) target_semaphore(%arg16 : memref<!tpu.dma_semaphore, #tpu.memory_space<semaphore_mem>>)
      } else {
      }
      %add3A_177 = arith.constant 1 : i32
      %add3A_178 = arith.addi %mul3A_108, %add3A_177 : i32
      %lt3A_179 = arith.constant 125 : i32
      %lt3A_180 = arith.cmpi slt, %add3A_178, %lt3A_179 : i32
      %convert_element_type3A_181 = arith.extui %lt3A_180 : i1 to i32
      %cond3A_182 = arith.constant 0 : i32
      %cond3A_183 = arith.cmpi ne, %convert_element_type3A_181, %cond3A_182 : i32
      scf.if %cond3A_183 {
        %add3A_198 = arith.constant 1 : i32
        %add3A_199 = arith.addi %mul3A_108, %add3A_198 : i32
        %ge3A_200 = arith.constant 2 : i32
        %ge3A_201 = arith.cmpi sge, %add3A_199, %ge3A_200 : i32
        %convert_element_type3A_202 = arith.extui %ge3A_201 : i1 to i32
        %cond3A_203 = arith.constant 0 : i32
        %cond3A_204 = arith.cmpi ne, %convert_element_type3A_202, %cond3A_203 : i32
        scf.if %cond3A_204 {
          %dma_wait3A_274 = arith.constant 0 : i32
          %dma_wait3A_275 = arith.constant 0 : i32
          %dma_wait3A_276 = tpu.memref_slice %arg15[%dma_wait3A_274, %dma_wait3A_275] : memref<10000x128xf32, #tpu.memory_space<vmem_shared>> -> memref<10000x128xf32, #tpu.memory_space<vmem_shared>>
          tpu.wait_indirect_dma semaphore(%arg25 : memref<!tpu.dma_semaphore, #tpu.memory_space<semaphore_mem>>) src(%arg14 : memref<80x128xf32, #tpu.memory_space<vmem>>) dst(%dma_wait3A_276 : memref<10000x128xf32, #tpu.memory_space<vmem_shared>>)
        } else {
        }
        %add3A_205 = arith.constant 2 : i32
        %add3A_206 = arith.addi %add3A_199, %add3A_205 : i32
        %lt3A_207 = arith.constant 125 : i32
        %lt3A_208 = arith.cmpi slt, %add3A_206, %lt3A_207 : i32
        %convert_element_type3A_209 = arith.extui %lt3A_208 : i1 to i32
        %cond3A_210 = arith.constant 0 : i32
        %cond3A_211 = arith.cmpi ne, %convert_element_type3A_209, %cond3A_210 : i32
        scf.if %cond3A_211 {
          %add3A_274 = arith.addi %mul3A_2, %add3A_199 : i32
          %add3A_275 = arith.constant 2 : i32
          %add3A_276 = arith.addi %add3A_274, %add3A_275 : i32
          %dma_wait3A_277 = arith.constant 0 : i32
          %dma_wait3A_278 = arith.constant 0 : i32
          %dma_wait3A_279 = tpu.memref_slice %arg3[%add3A_276, %dma_wait3A_277, %dma_wait3A_278] : memref<4000x2x80xi32, #tpu.memory_space<hbm>> -> memref<1x2x80xi32, #tpu.memory_space<hbm>>
          %dma_wait3A_280 = tpu.memref_squeeze %dma_wait3A_279 : memref<1x2x80xi32, #tpu.memory_space<hbm>> -> memref<2x80xi32, #tpu.memory_space<hbm>>
          %dma_wait3A_281 = arith.constant 0 : i32
          %dma_wait3A_282 = arith.constant 0 : i32
          %dma_wait3A_283 = tpu.memref_slice %arg3[%add3A_276, %dma_wait3A_281, %dma_wait3A_282] : memref<4000x2x80xi32, #tpu.memory_space<hbm>> -> memref<1x2x80xi32, #tpu.memory_space<hbm>>
          %dma_wait3A_284 = tpu.memref_squeeze %dma_wait3A_283 : memref<1x2x80xi32, #tpu.memory_space<hbm>> -> memref<2x80xi32, #tpu.memory_space<hbm>>
          tpu.wait_dma2 semaphore(%arg19 : memref<!tpu.dma_semaphore, #tpu.memory_space<semaphore_mem>>) src(%dma_wait3A_284 : memref<2x80xi32, #tpu.memory_space<hbm>>) dst(%arg8 : memref<2x80xi32, #tpu.memory_space<vmem>>)
          %dma_start3A_285 = arith.constant 0 : i32
          %dma_start3A_286 = arith.constant 0 : i32
          %dma_start3A_287 = tpu.memref_slice %arg8[%dma_start3A_285, %dma_start3A_286] : memref<2x80xi32, #tpu.memory_space<vmem>> -> memref<1x80xi32, #tpu.memory_space<vmem>>
          %dma_start3A_288 = tpu.memref_squeeze %dma_start3A_287 : memref<1x80xi32, #tpu.memory_space<vmem>> -> memref<80xi32, #tpu.memory_space<vmem>>
          %dma_start3A_289 = arith.constant 0 : i32
          %dma_start3A_290 = arith.constant 0 : i32
          %dma_start3A_291 = tpu.memref_slice %arg2[%dma_start3A_289, %dma_start3A_290] : memref<10000x128xf32, #tpu.memory_space<hbm>> -> memref<10000x128xf32, #tpu.memory_space<hbm>>
          tpu.enqueue_indirect_dma source(%dma_start3A_291 : memref<10000x128xf32, #tpu.memory_space<hbm>>) target(%arg14 : memref<80x128xf32, #tpu.memory_space<vmem>>) offsets(%dma_start3A_288 : memref<80xi32, #tpu.memory_space<vmem>>) semaphore(%arg23 : memref<!tpu.dma_semaphore, #tpu.memory_space<semaphore_mem>>)
        } else {
        }
        %dma_wait3A_212 = arith.constant 0 : i32
        %dma_wait3A_213 = arith.constant 0 : i32
        %dma_wait3A_214 = tpu.memref_slice %arg6[%dma_wait3A_212, %dma_wait3A_213] : memref<2x80xi32, #tpu.memory_space<vmem>> -> memref<1x80xi32, #tpu.memory_space<vmem>>
        %dma_wait3A_215 = tpu.memref_squeeze %dma_wait3A_214 : memref<1x80xi32, #tpu.memory_space<vmem>> -> memref<80xi32, #tpu.memory_space<vmem>>
        %dma_wait3A_216 = arith.constant 0 : i32
        %dma_wait3A_217 = arith.constant 0 : i32
        %dma_wait3A_218 = tpu.memref_slice %arg2[%dma_wait3A_216, %dma_wait3A_217] : memref<10000x128xf32, #tpu.memory_space<hbm>> -> memref<10000x128xf32, #tpu.memory_space<hbm>>
        tpu.wait_indirect_dma semaphore(%arg21 : memref<!tpu.dma_semaphore, #tpu.memory_space<semaphore_mem>>) src(%dma_wait3A_218 : memref<10000x128xf32, #tpu.memory_space<hbm>>) dst(%arg12 : memref<80x128xf32, #tpu.memory_space<vmem>>)
        %get3A_219 = arith.constant 1 : i32
        %get3A_220 = arith.index_cast %get3A_219 : i32 to index
        %get3A_221 = arith.constant 0 : index
        %get3A_222 = tpu.vector_load %arg6[%get3A_220, %get3A_221] {strides = array<i32>} : memref<2x80xi32, #tpu.memory_space<vmem>>, vector<1x16xi32>,
        %get3A_223 = vector.shape_cast %get3A_222 : vector<1x16xi32> to vector<16xi32>
        %swap3A_224 = arith.constant 0 : index
        %swap3A_225 = tpu.vector_load %arg10[%swap3A_224] {strides = array<i32>} : memref<80xi32, #tpu.memory_space<vmem>>, vector<16xi32>,
        %swap3A_226 = vector.shape_cast %swap3A_225 : vector<16xi32> to vector<16xi32>
        %swap3A_227 = vector.shape_cast %get3A_223 : vector<16xi32> to vector<16xi32>
        tpu.vector_store %arg10[%swap3A_224], %swap3A_227 {strides = array<i32>} : memref<80xi32, #tpu.memory_space<vmem>>, vector<16xi32>,
        %get3A_228 = arith.constant 1 : i32
        %get3A_229 = arith.index_cast %get3A_228 : i32 to index
        %get3A_230 = arith.constant 16 : index
        %get3A_231 = tpu.vector_load %arg6[%get3A_229, %get3A_230] {strides = array<i32>} : memref<2x80xi32, #tpu.memory_space<vmem>>, vector<1x16xi32>,
        %get3A_232 = vector.shape_cast %get3A_231 : vector<1x16xi32> to vector<16xi32>
        %swap3A_233 = arith.constant 16 : index
        %swap3A_234 = tpu.vector_load %arg10[%swap3A_233] {strides = array<i32>} : memref<80xi32, #tpu.memory_space<vmem>>, vector<16xi32>,
        %swap3A_235 = vector.shape_cast %swap3A_234 : vector<16xi32> to vector<16xi32>
        %swap3A_236 = vector.shape_cast %get3A_232 : vector<16xi32> to vector<16xi32>
        tpu.vector_store %arg10[%swap3A_233], %swap3A_236 {strides = array<i32>} : memref<80xi32, #tpu.memory_space<vmem>>, vector<16xi32>,
        %get3A_237 = arith.constant 1 : i32
        %get3A_238 = arith.index_cast %get3A_237 : i32 to index
        %get3A_239 = arith.constant 32 : index
        %get3A_240 = tpu.vector_load %arg6[%get3A_238, %get3A_239] {strides = array<i32>} : memref<2x80xi32, #tpu.memory_space<vmem>>, vector<1x16xi32>,
        %get3A_241 = vector.shape_cast %get3A_240 : vector<1x16xi32> to vector<16xi32>
        %swap3A_242 = arith.constant 32 : index
        %swap3A_243 = tpu.vector_load %arg10[%swap3A_242] {strides = array<i32>} : memref<80xi32, #tpu.memory_space<vmem>>, vector<16xi32>,
        %swap3A_244 = vector.shape_cast %swap3A_243 : vector<16xi32> to vector<16xi32>
        %swap3A_245 = vector.shape_cast %get3A_241 : vector<16xi32> to vector<16xi32>
        tpu.vector_store %arg10[%swap3A_242], %swap3A_245 {strides = array<i32>} : memref<80xi32, #tpu.memory_space<vmem>>, vector<16xi32>,
        %get3A_246 = arith.constant 1 : i32
        %get3A_247 = arith.index_cast %get3A_246 : i32 to index
        %get3A_248 = arith.constant 48 : index
        %get3A_249 = tpu.vector_load %arg6[%get3A_247, %get3A_248] {strides = array<i32>} : memref<2x80xi32, #tpu.memory_space<vmem>>, vector<1x16xi32>,
        %get3A_250 = vector.shape_cast %get3A_249 : vector<1x16xi32> to vector<16xi32>
        %swap3A_251 = arith.constant 48 : index
        %swap3A_252 = tpu.vector_load %arg10[%swap3A_251] {strides = array<i32>} : memref<80xi32, #tpu.memory_space<vmem>>, vector<16xi32>,
        %swap3A_253 = vector.shape_cast %swap3A_252 : vector<16xi32> to vector<16xi32>
        %swap3A_254 = vector.shape_cast %get3A_250 : vector<16xi32> to vector<16xi32>
        tpu.vector_store %arg10[%swap3A_251], %swap3A_254 {strides = array<i32>} : memref<80xi32, #tpu.memory_space<vmem>>, vector<16xi32>,
        %get3A_255 = arith.constant 1 : i32
        %get3A_256 = arith.index_cast %get3A_255 : i32 to index
        %get3A_257 = arith.constant 64 : index
        %get3A_258 = tpu.vector_load %arg6[%get3A_256, %get3A_257] {strides = array<i32>} : memref<2x80xi32, #tpu.memory_space<vmem>>, vector<1x16xi32>,
        %get3A_259 = vector.shape_cast %get3A_258 : vector<1x16xi32> to vector<16xi32>
        %swap3A_260 = arith.constant 64 : index
        %swap3A_261 = tpu.vector_load %arg10[%swap3A_260] {strides = array<i32>} : memref<80xi32, #tpu.memory_space<vmem>>, vector<16xi32>,
        %swap3A_262 = vector.shape_cast %swap3A_261 : vector<16xi32> to vector<16xi32>
        %swap3A_263 = vector.shape_cast %get3A_259 : vector<16xi32> to vector<16xi32>
        tpu.vector_store %arg10[%swap3A_260], %swap3A_263 {strides = array<i32>} : memref<80xi32, #tpu.memory_space<vmem>>, vector<16xi32>,
        %dma_start3A_264 = arith.constant 0 : i32
        %dma_start3A_265 = arith.constant 0 : i32
        %dma_start3A_266 = tpu.memref_slice %arg15[%dma_start3A_264, %dma_start3A_265] : memref<10000x128xf32, #tpu.memory_space<vmem_shared>> -> memref<10000x128xf32, #tpu.memory_space<vmem_shared>>
        tpu.enqueue_indirect_dma source(%arg12 : memref<80x128xf32, #tpu.memory_space<vmem>>) target(%dma_start3A_266 : memref<10000x128xf32, #tpu.memory_space<vmem_shared>>) offsets(%arg10 : memref<80xi32, #tpu.memory_space<vmem>>) semaphore(%arg25 : memref<!tpu.dma_semaphore, #tpu.memory_space<semaphore_mem>>) {add = true}
        %add3A_267 = arith.constant 4 : i32
        %add3A_268 = arith.addi %add3A_199, %add3A_267 : i32
        %lt3A_269 = arith.constant 125 : i32
        %lt3A_270 = arith.cmpi slt, %add3A_268, %lt3A_269 : i32
        %convert_element_type3A_271 = arith.extui %lt3A_270 : i1 to i32
        %cond3A_272 = arith.constant 0 : i32
        %cond3A_273 = arith.cmpi ne, %convert_element_type3A_271, %cond3A_272 : i32
        scf.if %cond3A_273 {
          %add3A_274 = arith.addi %mul3A_2, %add3A_199 : i32
          %add3A_275 = arith.constant 4 : i32
          %add3A_276 = arith.addi %add3A_274, %add3A_275 : i32
          %dma_start3A_277 = arith.constant 0 : i32
          %dma_start3A_278 = arith.constant 0 : i32
          %dma_start3A_279 = tpu.memref_slice %arg3[%add3A_276, %dma_start3A_277, %dma_start3A_278] : memref<4000x2x80xi32, #tpu.memory_space<hbm>> -> memref<1x2x80xi32, #tpu.memory_space<hbm>>
          %dma_start3A_280 = tpu.memref_squeeze %dma_start3A_279 : memref<1x2x80xi32, #tpu.memory_space<hbm>> -> memref<2x80xi32, #tpu.memory_space<hbm>>
          %dma_start3A_281 = arith.constant 0 : i32
          %dma_start3A_282 = arith.constant 0 : i32
          %dma_start3A_283 = tpu.memref_slice %arg3[%add3A_276, %dma_start3A_281, %dma_start3A_282] : memref<4000x2x80xi32, #tpu.memory_space<hbm>> -> memref<1x2x80xi32, #tpu.memory_space<hbm>>
          %dma_start3A_284 = tpu.memref_squeeze %dma_start3A_283 : memref<1x2x80xi32, #tpu.memory_space<hbm>> -> memref<2x80xi32, #tpu.memory_space<hbm>>
          tpu.enqueue_dma source(%dma_start3A_284 : memref<2x80xi32, #tpu.memory_space<hbm>>) target(%arg6 : memref<2x80xi32, #tpu.memory_space<vmem>>) target_semaphore(%arg17 : memref<!tpu.dma_semaphore, #tpu.memory_space<semaphore_mem>>)
        } else {
        }
      } else {
      }
      %add3A_184 = arith.constant 2 : i32
      %add3A_185 = arith.addi %mul3A_108, %add3A_184 : i32
      %lt3A_186 = arith.constant 125 : i32
      %lt3A_187 = arith.cmpi slt, %add3A_185, %lt3A_186 : i32
      %convert_element_type3A_188 = arith.extui %lt3A_187 : i1 to i32
      %cond3A_189 = arith.constant 0 : i32
      %cond3A_190 = arith.cmpi ne, %convert_element_type3A_188, %cond3A_189 : i32
      scf.if %cond3A_190 {
        %add3A_198 = arith.constant 2 : i32
        %add3A_199 = arith.addi %mul3A_108, %add3A_198 : i32
        %ge3A_200 = arith.constant 2 : i32
        %ge3A_201 = arith.cmpi sge, %add3A_199, %ge3A_200 : i32
        %convert_element_type3A_202 = arith.extui %ge3A_201 : i1 to i32
        %cond3A_203 = arith.constant 0 : i32
        %cond3A_204 = arith.cmpi ne, %convert_element_type3A_202, %cond3A_203 : i32
        scf.if %cond3A_204 {
          %dma_wait3A_274 = arith.constant 0 : i32
          %dma_wait3A_275 = arith.constant 0 : i32
          %dma_wait3A_276 = tpu.memref_slice %arg15[%dma_wait3A_274, %dma_wait3A_275] : memref<10000x128xf32, #tpu.memory_space<vmem_shared>> -> memref<10000x128xf32, #tpu.memory_space<vmem_shared>>
          tpu.wait_indirect_dma semaphore(%arg24 : memref<!tpu.dma_semaphore, #tpu.memory_space<semaphore_mem>>) src(%arg11 : memref<80x128xf32, #tpu.memory_space<vmem>>) dst(%dma_wait3A_276 : memref<10000x128xf32, #tpu.memory_space<vmem_shared>>)
        } else {
        }
        %add3A_205 = arith.constant 2 : i32
        %add3A_206 = arith.addi %add3A_199, %add3A_205 : i32
        %lt3A_207 = arith.constant 125 : i32
        %lt3A_208 = arith.cmpi slt, %add3A_206, %lt3A_207 : i32
        %convert_element_type3A_209 = arith.extui %lt3A_208 : i1 to i32
        %cond3A_210 = arith.constant 0 : i32
        %cond3A_211 = arith.cmpi ne, %convert_element_type3A_209, %cond3A_210 : i32
        scf.if %cond3A_211 {
          %add3A_274 = arith.addi %mul3A_2, %add3A_199 : i32
          %add3A_275 = arith.constant 2 : i32
          %add3A_276 = arith.addi %add3A_274, %add3A_275 : i32
          %dma_wait3A_277 = arith.constant 0 : i32
          %dma_wait3A_278 = arith.constant 0 : i32
          %dma_wait3A_279 = tpu.memref_slice %arg3[%add3A_276, %dma_wait3A_277, %dma_wait3A_278] : memref<4000x2x80xi32, #tpu.memory_space<hbm>> -> memref<1x2x80xi32, #tpu.memory_space<hbm>>
          %dma_wait3A_280 = tpu.memref_squeeze %dma_wait3A_279 : memref<1x2x80xi32, #tpu.memory_space<hbm>> -> memref<2x80xi32, #tpu.memory_space<hbm>>
          %dma_wait3A_281 = arith.constant 0 : i32
          %dma_wait3A_282 = arith.constant 0 : i32
          %dma_wait3A_283 = tpu.memref_slice %arg3[%add3A_276, %dma_wait3A_281, %dma_wait3A_282] : memref<4000x2x80xi32, #tpu.memory_space<hbm>> -> memref<1x2x80xi32, #tpu.memory_space<hbm>>
          %dma_wait3A_284 = tpu.memref_squeeze %dma_wait3A_283 : memref<1x2x80xi32, #tpu.memory_space<hbm>> -> memref<2x80xi32, #tpu.memory_space<hbm>>
          tpu.wait_dma2 semaphore(%arg16 : memref<!tpu.dma_semaphore, #tpu.memory_space<semaphore_mem>>) src(%dma_wait3A_284 : memref<2x80xi32, #tpu.memory_space<hbm>>) dst(%arg5 : memref<2x80xi32, #tpu.memory_space<vmem>>)
          %dma_start3A_285 = arith.constant 0 : i32
          %dma_start3A_286 = arith.constant 0 : i32
          %dma_start3A_287 = tpu.memref_slice %arg5[%dma_start3A_285, %dma_start3A_286] : memref<2x80xi32, #tpu.memory_space<vmem>> -> memref<1x80xi32, #tpu.memory_space<vmem>>
          %dma_start3A_288 = tpu.memref_squeeze %dma_start3A_287 : memref<1x80xi32, #tpu.memory_space<vmem>> -> memref<80xi32, #tpu.memory_space<vmem>>
          %dma_start3A_289 = arith.constant 0 : i32
          %dma_start3A_290 = arith.constant 0 : i32
          %dma_start3A_291 = tpu.memref_slice %arg2[%dma_start3A_289, %dma_start3A_290] : memref<10000x128xf32, #tpu.memory_space<hbm>> -> memref<10000x128xf32, #tpu.memory_space<hbm>>
          tpu.enqueue_indirect_dma source(%dma_start3A_291 : memref<10000x128xf32, #tpu.memory_space<hbm>>) target(%arg11 : memref<80x128xf32, #tpu.memory_space<vmem>>) offsets(%dma_start3A_288 : memref<80xi32, #tpu.memory_space<vmem>>) semaphore(%arg20 : memref<!tpu.dma_semaphore, #tpu.memory_space<semaphore_mem>>)
        } else {
        }
        %dma_wait3A_212 = arith.constant 0 : i32
        %dma_wait3A_213 = arith.constant 0 : i32
        %dma_wait3A_214 = tpu.memref_slice %arg7[%dma_wait3A_212, %dma_wait3A_213] : memref<2x80xi32, #tpu.memory_space<vmem>> -> memref<1x80xi32, #tpu.memory_space<vmem>>
        %dma_wait3A_215 = tpu.memref_squeeze %dma_wait3A_214 : memref<1x80xi32, #tpu.memory_space<vmem>> -> memref<80xi32, #tpu.memory_space<vmem>>
        %dma_wait3A_216 = arith.constant 0 : i32
        %dma_wait3A_217 = arith.constant 0 : i32
        %dma_wait3A_218 = tpu.memref_slice %arg2[%dma_wait3A_216, %dma_wait3A_217] : memref<10000x128xf32, #tpu.memory_space<hbm>> -> memref<10000x128xf32, #tpu.memory_space<hbm>>
        tpu.wait_indirect_dma semaphore(%arg22 : memref<!tpu.dma_semaphore, #tpu.memory_space<semaphore_mem>>) src(%dma_wait3A_218 : memref<10000x128xf32, #tpu.memory_space<hbm>>) dst(%arg13 : memref<80x128xf32, #tpu.memory_space<vmem>>)
        %get3A_219 = arith.constant 1 : i32
        %get3A_220 = arith.index_cast %get3A_219 : i32 to index
        %get3A_221 = arith.constant 0 : index
        %get3A_222 = tpu.vector_load %arg7[%get3A_220, %get3A_221] {strides = array<i32>} : memref<2x80xi32, #tpu.memory_space<vmem>>, vector<1x16xi32>,
        %get3A_223 = vector.shape_cast %get3A_222 : vector<1x16xi32> to vector<16xi32>
        %swap3A_224 = arith.constant 0 : index
        %swap3A_225 = tpu.vector_load %arg9[%swap3A_224] {strides = array<i32>} : memref<80xi32, #tpu.memory_space<vmem>>, vector<16xi32>,
        %swap3A_226 = vector.shape_cast %swap3A_225 : vector<16xi32> to vector<16xi32>
        %swap3A_227 = vector.shape_cast %get3A_223 : vector<16xi32> to vector<16xi32>
        tpu.vector_store %arg9[%swap3A_224], %swap3A_227 {strides = array<i32>} : memref<80xi32, #tpu.memory_space<vmem>>, vector<16xi32>,
        %get3A_228 = arith.constant 1 : i32
        %get3A_229 = arith.index_cast %get3A_228 : i32 to index
        %get3A_230 = arith.constant 16 : index
        %get3A_231 = tpu.vector_load %arg7[%get3A_229, %get3A_230] {strides = array<i32>} : memref<2x80xi32, #tpu.memory_space<vmem>>, vector<1x16xi32>,
        %get3A_232 = vector.shape_cast %get3A_231 : vector<1x16xi32> to vector<16xi32>
        %swap3A_233 = arith.constant 16 : index
        %swap3A_234 = tpu.vector_load %arg9[%swap3A_233] {strides = array<i32>} : memref<80xi32, #tpu.memory_space<vmem>>, vector<16xi32>,
        %swap3A_235 = vector.shape_cast %swap3A_234 : vector<16xi32> to vector<16xi32>
        %swap3A_236 = vector.shape_cast %get3A_232 : vector<16xi32> to vector<16xi32>
        tpu.vector_store %arg9[%swap3A_233], %swap3A_236 {strides = array<i32>} : memref<80xi32, #tpu.memory_space<vmem>>, vector<16xi32>,
        %get3A_237 = arith.constant 1 : i32
        %get3A_238 = arith.index_cast %get3A_237 : i32 to index
        %get3A_239 = arith.constant 32 : index
        %get3A_240 = tpu.vector_load %arg7[%get3A_238, %get3A_239] {strides = array<i32>} : memref<2x80xi32, #tpu.memory_space<vmem>>, vector<1x16xi32>,
        %get3A_241 = vector.shape_cast %get3A_240 : vector<1x16xi32> to vector<16xi32>
        %swap3A_242 = arith.constant 32 : index
        %swap3A_243 = tpu.vector_load %arg9[%swap3A_242] {strides = array<i32>} : memref<80xi32, #tpu.memory_space<vmem>>, vector<16xi32>,
        %swap3A_244 = vector.shape_cast %swap3A_243 : vector<16xi32> to vector<16xi32>
        %swap3A_245 = vector.shape_cast %get3A_241 : vector<16xi32> to vector<16xi32>
        tpu.vector_store %arg9[%swap3A_242], %swap3A_245 {strides = array<i32>} : memref<80xi32, #tpu.memory_space<vmem>>, vector<16xi32>,
        %get3A_246 = arith.constant 1 : i32
        %get3A_247 = arith.index_cast %get3A_246 : i32 to index
        %get3A_248 = arith.constant 48 : index
        %get3A_249 = tpu.vector_load %arg7[%get3A_247, %get3A_248] {strides = array<i32>} : memref<2x80xi32, #tpu.memory_space<vmem>>, vector<1x16xi32>,
        %get3A_250 = vector.shape_cast %get3A_249 : vector<1x16xi32> to vector<16xi32>
        %swap3A_251 = arith.constant 48 : index
        %swap3A_252 = tpu.vector_load %arg9[%swap3A_251] {strides = array<i32>} : memref<80xi32, #tpu.memory_space<vmem>>, vector<16xi32>,
        %swap3A_253 = vector.shape_cast %swap3A_252 : vector<16xi32> to vector<16xi32>
        %swap3A_254 = vector.shape_cast %get3A_250 : vector<16xi32> to vector<16xi32>
        tpu.vector_store %arg9[%swap3A_251], %swap3A_254 {strides = array<i32>} : memref<80xi32, #tpu.memory_space<vmem>>, vector<16xi32>,
        %get3A_255 = arith.constant 1 : i32
        %get3A_256 = arith.index_cast %get3A_255 : i32 to index
        %get3A_257 = arith.constant 64 : index
        %get3A_258 = tpu.vector_load %arg7[%get3A_256, %get3A_257] {strides = array<i32>} : memref<2x80xi32, #tpu.memory_space<vmem>>, vector<1x16xi32>,
        %get3A_259 = vector.shape_cast %get3A_258 : vector<1x16xi32> to vector<16xi32>
        %swap3A_260 = arith.constant 64 : index
        %swap3A_261 = tpu.vector_load %arg9[%swap3A_260] {strides = array<i32>} : memref<80xi32, #tpu.memory_space<vmem>>, vector<16xi32>,
        %swap3A_262 = vector.shape_cast %swap3A_261 : vector<16xi32> to vector<16xi32>
        %swap3A_263 = vector.shape_cast %get3A_259 : vector<16xi32> to vector<16xi32>
        tpu.vector_store %arg9[%swap3A_260], %swap3A_263 {strides = array<i32>} : memref<80xi32, #tpu.memory_space<vmem>>, vector<16xi32>,
        %dma_start3A_264 = arith.constant 0 : i32
        %dma_start3A_265 = arith.constant 0 : i32
        %dma_start3A_266 = tpu.memref_slice %arg15[%dma_start3A_264, %dma_start3A_265] : memref<10000x128xf32, #tpu.memory_space<vmem_shared>> -> memref<10000x128xf32, #tpu.memory_space<vmem_shared>>
        tpu.enqueue_indirect_dma source(%arg13 : memref<80x128xf32, #tpu.memory_space<vmem>>) target(%dma_start3A_266 : memref<10000x128xf32, #tpu.memory_space<vmem_shared>>) offsets(%arg9 : memref<80xi32, #tpu.memory_space<vmem>>) semaphore(%arg24 : memref<!tpu.dma_semaphore, #tpu.memory_space<semaphore_mem>>) {add = true}
        %add3A_267 = arith.constant 4 : i32
        %add3A_268 = arith.addi %add3A_199, %add3A_267 : i32
        %lt3A_269 = arith.constant 125 : i32
        %lt3A_270 = arith.cmpi slt, %add3A_268, %lt3A_269 : i32
        %convert_element_type3A_271 = arith.extui %lt3A_270 : i1 to i32
        %cond3A_272 = arith.constant 0 : i32
        %cond3A_273 = arith.cmpi ne, %convert_element_type3A_271, %cond3A_272 : i32
        scf.if %cond3A_273 {
          %add3A_274 = arith.addi %mul3A_2, %add3A_199 : i32
          %add3A_275 = arith.constant 4 : i32
          %add3A_276 = arith.addi %add3A_274, %add3A_275 : i32
          %dma_start3A_277 = arith.constant 0 : i32
          %dma_start3A_278 = arith.constant 0 : i32
          %dma_start3A_279 = tpu.memref_slice %arg3[%add3A_276, %dma_start3A_277, %dma_start3A_278] : memref<4000x2x80xi32, #tpu.memory_space<hbm>> -> memref<1x2x80xi32, #tpu.memory_space<hbm>>
          %dma_start3A_280 = tpu.memref_squeeze %dma_start3A_279 : memref<1x2x80xi32, #tpu.memory_space<hbm>> -> memref<2x80xi32, #tpu.memory_space<hbm>>
          %dma_start3A_281 = arith.constant 0 : i32
          %dma_start3A_282 = arith.constant 0 : i32
          %dma_start3A_283 = tpu.memref_slice %arg3[%add3A_276, %dma_start3A_281, %dma_start3A_282] : memref<4000x2x80xi32, #tpu.memory_space<hbm>> -> memref<1x2x80xi32, #tpu.memory_space<hbm>>
          %dma_start3A_284 = tpu.memref_squeeze %dma_start3A_283 : memref<1x2x80xi32, #tpu.memory_space<hbm>> -> memref<2x80xi32, #tpu.memory_space<hbm>>
          tpu.enqueue_dma source(%dma_start3A_284 : memref<2x80xi32, #tpu.memory_space<hbm>>) target(%arg7 : memref<2x80xi32, #tpu.memory_space<vmem>>) target_semaphore(%arg18 : memref<!tpu.dma_semaphore, #tpu.memory_space<semaphore_mem>>)
        } else {
        }
      } else {
      }
      %add3A_191 = arith.constant 3 : i32
      %add3A_192 = arith.addi %mul3A_108, %add3A_191 : i32
      %lt3A_193 = arith.constant 125 : i32
      %lt3A_194 = arith.cmpi slt, %add3A_192, %lt3A_193 : i32
      %convert_element_type3A_195 = arith.extui %lt3A_194 : i1 to i32
      %cond3A_196 = arith.constant 0 : i32
      %cond3A_197 = arith.cmpi ne, %convert_element_type3A_195, %cond3A_196 : i32
      scf.if %cond3A_197 {
        %add3A_198 = arith.constant 3 : i32
        %add3A_199 = arith.addi %mul3A_108, %add3A_198 : i32
        %ge3A_200 = arith.constant 2 : i32
        %ge3A_201 = arith.cmpi sge, %add3A_199, %ge3A_200 : i32
        %convert_element_type3A_202 = arith.extui %ge3A_201 : i1 to i32
        %cond3A_203 = arith.constant 0 : i32
        %cond3A_204 = arith.cmpi ne, %convert_element_type3A_202, %cond3A_203 : i32
        scf.if %cond3A_204 {
          %dma_wait3A_274 = arith.constant 0 : i32
          %dma_wait3A_275 = arith.constant 0 : i32
          %dma_wait3A_276 = tpu.memref_slice %arg15[%dma_wait3A_274, %dma_wait3A_275] : memref<10000x128xf32, #tpu.memory_space<vmem_shared>> -> memref<10000x128xf32, #tpu.memory_space<vmem_shared>>
          tpu.wait_indirect_dma semaphore(%arg25 : memref<!tpu.dma_semaphore, #tpu.memory_space<semaphore_mem>>) src(%arg12 : memref<80x128xf32, #tpu.memory_space<vmem>>) dst(%dma_wait3A_276 : memref<10000x128xf32, #tpu.memory_space<vmem_shared>>)
        } else {
        }
        %add3A_205 = arith.constant 2 : i32
        %add3A_206 = arith.addi %add3A_199, %add3A_205 : i32
        %lt3A_207 = arith.constant 125 : i32
        %lt3A_208 = arith.cmpi slt, %add3A_206, %lt3A_207 : i32
        %convert_element_type3A_209 = arith.extui %lt3A_208 : i1 to i32
        %cond3A_210 = arith.constant 0 : i32
        %cond3A_211 = arith.cmpi ne, %convert_element_type3A_209, %cond3A_210 : i32
        scf.if %cond3A_211 {
          %add3A_274 = arith.addi %mul3A_2, %add3A_199 : i32
          %add3A_275 = arith.constant 2 : i32
          %add3A_276 = arith.addi %add3A_274, %add3A_275 : i32
          %dma_wait3A_277 = arith.constant 0 : i32
          %dma_wait3A_278 = arith.constant 0 : i32
          %dma_wait3A_279 = tpu.memref_slice %arg3[%add3A_276, %dma_wait3A_277, %dma_wait3A_278] : memref<4000x2x80xi32, #tpu.memory_space<hbm>> -> memref<1x2x80xi32, #tpu.memory_space<hbm>>
          %dma_wait3A_280 = tpu.memref_squeeze %dma_wait3A_279 : memref<1x2x80xi32, #tpu.memory_space<hbm>> -> memref<2x80xi32, #tpu.memory_space<hbm>>
          %dma_wait3A_281 = arith.constant 0 : i32
          %dma_wait3A_282 = arith.constant 0 : i32
          %dma_wait3A_283 = tpu.memref_slice %arg3[%add3A_276, %dma_wait3A_281, %dma_wait3A_282] : memref<4000x2x80xi32, #tpu.memory_space<hbm>> -> memref<1x2x80xi32, #tpu.memory_space<hbm>>
          %dma_wait3A_284 = tpu.memref_squeeze %dma_wait3A_283 : memref<1x2x80xi32, #tpu.memory_space<hbm>> -> memref<2x80xi32, #tpu.memory_space<hbm>>
          tpu.wait_dma2 semaphore(%arg17 : memref<!tpu.dma_semaphore, #tpu.memory_space<semaphore_mem>>) src(%dma_wait3A_284 : memref<2x80xi32, #tpu.memory_space<hbm>>) dst(%arg6 : memref<2x80xi32, #tpu.memory_space<vmem>>)
          %dma_start3A_285 = arith.constant 0 : i32
          %dma_start3A_286 = arith.constant 0 : i32
          %dma_start3A_287 = tpu.memref_slice %arg6[%dma_start3A_285, %dma_start3A_286] : memref<2x80xi32, #tpu.memory_space<vmem>> -> memref<1x80xi32, #tpu.memory_space<vmem>>
          %dma_start3A_288 = tpu.memref_squeeze %dma_start3A_287 : memref<1x80xi32, #tpu.memory_space<vmem>> -> memref<80xi32, #tpu.memory_space<vmem>>
          %dma_start3A_289 = arith.constant 0 : i32
          %dma_start3A_290 = arith.constant 0 : i32
          %dma_start3A_291 = tpu.memref_slice %arg2[%dma_start3A_289, %dma_start3A_290] : memref<10000x128xf32, #tpu.memory_space<hbm>> -> memref<10000x128xf32, #tpu.memory_space<hbm>>
          tpu.enqueue_indirect_dma source(%dma_start3A_291 : memref<10000x128xf32, #tpu.memory_space<hbm>>) target(%arg12 : memref<80x128xf32, #tpu.memory_space<vmem>>) offsets(%dma_start3A_288 : memref<80xi32, #tpu.memory_space<vmem>>) semaphore(%arg21 : memref<!tpu.dma_semaphore, #tpu.memory_space<semaphore_mem>>)
        } else {
        }
        %dma_wait3A_212 = arith.constant 0 : i32
        %dma_wait3A_213 = arith.constant 0 : i32
        %dma_wait3A_214 = tpu.memref_slice %arg8[%dma_wait3A_212, %dma_wait3A_213] : memref<2x80xi32, #tpu.memory_space<vmem>> -> memref<1x80xi32, #tpu.memory_space<vmem>>
        %dma_wait3A_215 = tpu.memref_squeeze %dma_wait3A_214 : memref<1x80xi32, #tpu.memory_space<vmem>> -> memref<80xi32, #tpu.memory_space<vmem>>
        %dma_wait3A_216 = arith.constant 0 : i32
        %dma_wait3A_217 = arith.constant 0 : i32
        %dma_wait3A_218 = tpu.memref_slice %arg2[%dma_wait3A_216, %dma_wait3A_217] : memref<10000x128xf32, #tpu.memory_space<hbm>> -> memref<10000x128xf32, #tpu.memory_space<hbm>>
        tpu.wait_indirect_dma semaphore(%arg23 : memref<!tpu.dma_semaphore, #tpu.memory_space<semaphore_mem>>) src(%dma_wait3A_218 : memref<10000x128xf32, #tpu.memory_space<hbm>>) dst(%arg14 : memref<80x128xf32, #tpu.memory_space<vmem>>)
        %get3A_219 = arith.constant 1 : i32
        %get3A_220 = arith.index_cast %get3A_219 : i32 to index
        %get3A_221 = arith.constant 0 : index
        %get3A_222 = tpu.vector_load %arg8[%get3A_220, %get3A_221] {strides = array<i32>} : memref<2x80xi32, #tpu.memory_space<vmem>>, vector<1x16xi32>,
        %get3A_223 = vector.shape_cast %get3A_222 : vector<1x16xi32> to vector<16xi32>
        %swap3A_224 = arith.constant 0 : index
        %swap3A_225 = tpu.vector_load %arg10[%swap3A_224] {strides = array<i32>} : memref<80xi32, #tpu.memory_space<vmem>>, vector<16xi32>,
        %swap3A_226 = vector.shape_cast %swap3A_225 : vector<16xi32> to vector<16xi32>
        %swap3A_227 = vector.shape_cast %get3A_223 : vector<16xi32> to vector<16xi32>
        tpu.vector_store %arg10[%swap3A_224], %swap3A_227 {strides = array<i32>} : memref<80xi32, #tpu.memory_space<vmem>>, vector<16xi32>,
        %get3A_228 = arith.constant 1 : i32
        %get3A_229 = arith.index_cast %get3A_228 : i32 to index
        %get3A_230 = arith.constant 16 : index
        %get3A_231 = tpu.vector_load %arg8[%get3A_229, %get3A_230] {strides = array<i32>} : memref<2x80xi32, #tpu.memory_space<vmem>>, vector<1x16xi32>,
        %get3A_232 = vector.shape_cast %get3A_231 : vector<1x16xi32> to vector<16xi32>
        %swap3A_233 = arith.constant 16 : index
        %swap3A_234 = tpu.vector_load %arg10[%swap3A_233] {strides = array<i32>} : memref<80xi32, #tpu.memory_space<vmem>>, vector<16xi32>,
        %swap3A_235 = vector.shape_cast %swap3A_234 : vector<16xi32> to vector<16xi32>
        %swap3A_236 = vector.shape_cast %get3A_232 : vector<16xi32> to vector<16xi32>
        tpu.vector_store %arg10[%swap3A_233], %swap3A_236 {strides = array<i32>} : memref<80xi32, #tpu.memory_space<vmem>>, vector<16xi32>,
        %get3A_237 = arith.constant 1 : i32
        %get3A_238 = arith.index_cast %get3A_237 : i32 to index
        %get3A_239 = arith.constant 32 : index
        %get3A_240 = tpu.vector_load %arg8[%get3A_238, %get3A_239] {strides = array<i32>} : memref<2x80xi32, #tpu.memory_space<vmem>>, vector<1x16xi32>,
        %get3A_241 = vector.shape_cast %get3A_240 : vector<1x16xi32> to vector<16xi32>
        %swap3A_242 = arith.constant 32 : index
        %swap3A_243 = tpu.vector_load %arg10[%swap3A_242] {strides = array<i32>} : memref<80xi32, #tpu.memory_space<vmem>>, vector<16xi32>,
        %swap3A_244 = vector.shape_cast %swap3A_243 : vector<16xi32> to vector<16xi32>
        %swap3A_245 = vector.shape_cast %get3A_241 : vector<16xi32> to vector<16xi32>
        tpu.vector_store %arg10[%swap3A_242], %swap3A_245 {strides = array<i32>} : memref<80xi32, #tpu.memory_space<vmem>>, vector<16xi32>,
        %get3A_246 = arith.constant 1 : i32
        %get3A_247 = arith.index_cast %get3A_246 : i32 to index
        %get3A_248 = arith.constant 48 : index
        %get3A_249 = tpu.vector_load %arg8[%get3A_247, %get3A_248] {strides = array<i32>} : memref<2x80xi32, #tpu.memory_space<vmem>>, vector<1x16xi32>,
        %get3A_250 = vector.shape_cast %get3A_249 : vector<1x16xi32> to vector<16xi32>
        %swap3A_251 = arith.constant 48 : index
        %swap3A_252 = tpu.vector_load %arg10[%swap3A_251] {strides = array<i32>} : memref<80xi32, #tpu.memory_space<vmem>>, vector<16xi32>,
        %swap3A_253 = vector.shape_cast %swap3A_252 : vector<16xi32> to vector<16xi32>
        %swap3A_254 = vector.shape_cast %get3A_250 : vector<16xi32> to vector<16xi32>
        tpu.vector_store %arg10[%swap3A_251], %swap3A_254 {strides = array<i32>} : memref<80xi32, #tpu.memory_space<vmem>>, vector<16xi32>,
        %get3A_255 = arith.constant 1 : i32
        %get3A_256 = arith.index_cast %get3A_255 : i32 to index
        %get3A_257 = arith.constant 64 : index
        %get3A_258 = tpu.vector_load %arg8[%get3A_256, %get3A_257] {strides = array<i32>} : memref<2x80xi32, #tpu.memory_space<vmem>>, vector<1x16xi32>,
        %get3A_259 = vector.shape_cast %get3A_258 : vector<1x16xi32> to vector<16xi32>
        %swap3A_260 = arith.constant 64 : index
        %swap3A_261 = tpu.vector_load %arg10[%swap3A_260] {strides = array<i32>} : memref<80xi32, #tpu.memory_space<vmem>>, vector<16xi32>,
        %swap3A_262 = vector.shape_cast %swap3A_261 : vector<16xi32> to vector<16xi32>
        %swap3A_263 = vector.shape_cast %get3A_259 : vector<16xi32> to vector<16xi32>
        tpu.vector_store %arg10[%swap3A_260], %swap3A_263 {strides = array<i32>} : memref<80xi32, #tpu.memory_space<vmem>>, vector<16xi32>,
        %dma_start3A_264 = arith.constant 0 : i32
        %dma_start3A_265 = arith.constant 0 : i32
        %dma_start3A_266 = tpu.memref_slice %arg15[%dma_start3A_264, %dma_start3A_265] : memref<10000x128xf32, #tpu.memory_space<vmem_shared>> -> memref<10000x128xf32, #tpu.memory_space<vmem_shared>>
        tpu.enqueue_indirect_dma source(%arg14 : memref<80x128xf32, #tpu.memory_space<vmem>>) target(%dma_start3A_266 : memref<10000x128xf32, #tpu.memory_space<vmem_shared>>) offsets(%arg10 : memref<80xi32, #tpu.memory_space<vmem>>) semaphore(%arg25 : memref<!tpu.dma_semaphore, #tpu.memory_space<semaphore_mem>>) {add = true}
        %add3A_267 = arith.constant 4 : i32
        %add3A_268 = arith.addi %add3A_199, %add3A_267 : i32
        %lt3A_269 = arith.constant 125 : i32
        %lt3A_270 = arith.cmpi slt, %add3A_268, %lt3A_269 : i32
        %convert_element_type3A_271 = arith.extui %lt3A_270 : i1 to i32
        %cond3A_272 = arith.constant 0 : i32
        %cond3A_273 = arith.cmpi ne, %convert_element_type3A_271, %cond3A_272 : i32
        scf.if %cond3A_273 {
          %add3A_274 = arith.addi %mul3A_2, %add3A_199 : i32
          %add3A_275 = arith.constant 4 : i32
          %add3A_276 = arith.addi %add3A_274, %add3A_275 : i32
          %dma_start3A_277 = arith.constant 0 : i32
          %dma_start3A_278 = arith.constant 0 : i32
          %dma_start3A_279 = tpu.memref_slice %arg3[%add3A_276, %dma_start3A_277, %dma_start3A_278] : memref<4000x2x80xi32, #tpu.memory_space<hbm>> -> memref<1x2x80xi32, #tpu.memory_space<hbm>>
          %dma_start3A_280 = tpu.memref_squeeze %dma_start3A_279 : memref<1x2x80xi32, #tpu.memory_space<hbm>> -> memref<2x80xi32, #tpu.memory_space<hbm>>
          %dma_start3A_281 = arith.constant 0 : i32
          %dma_start3A_282 = arith.constant 0 : i32
          %dma_start3A_283 = tpu.memref_slice %arg3[%add3A_276, %dma_start3A_281, %dma_start3A_282] : memref<4000x2x80xi32, #tpu.memory_space<hbm>> -> memref<1x2x80xi32, #tpu.memory_space<hbm>>
          %dma_start3A_284 = tpu.memref_squeeze %dma_start3A_283 : memref<1x2x80xi32, #tpu.memory_space<hbm>> -> memref<2x80xi32, #tpu.memory_space<hbm>>
          tpu.enqueue_dma source(%dma_start3A_284 : memref<2x80xi32, #tpu.memory_space<hbm>>) target(%arg8 : memref<2x80xi32, #tpu.memory_space<vmem>>) target_semaphore(%arg19 : memref<!tpu.dma_semaphore, #tpu.memory_space<semaphore_mem>>)
        } else {
        }
      } else {
      }
    }
    %scan3A_92 = arith.constant 32 : i32
    %dma_wait3A_93 = arith.constant 0 : i32
    %dma_wait3A_94 = arith.constant 0 : i32
    %dma_wait3A_95 = tpu.memref_slice %arg15[%dma_wait3A_93, %dma_wait3A_94] : memref<10000x128xf32, #tpu.memory_space<vmem_shared>> -> memref<10000x128xf32, #tpu.memory_space<vmem_shared>>
    tpu.wait_indirect_dma semaphore(%arg25 : memref<!tpu.dma_semaphore, #tpu.memory_space<semaphore_mem>>) src(%arg14 : memref<80x128xf32, #tpu.memory_space<vmem>>) dst(%dma_wait3A_95 : memref<10000x128xf32, #tpu.memory_space<vmem_shared>>)
    %dma_wait3A_96 = arith.constant 0 : i32
    %dma_wait3A_97 = arith.constant 0 : i32
    %dma_wait3A_98 = tpu.memref_slice %arg15[%dma_wait3A_96, %dma_wait3A_97] : memref<10000x128xf32, #tpu.memory_space<vmem_shared>> -> memref<10000x128xf32, #tpu.memory_space<vmem_shared>>
    tpu.wait_indirect_dma semaphore(%arg24 : memref<!tpu.dma_semaphore, #tpu.memory_space<semaphore_mem>>) src(%arg11 : memref<80x128xf32, #tpu.memory_space<vmem>>) dst(%dma_wait3A_98 : memref<10000x128xf32, #tpu.memory_space<vmem_shared>>)
    %barrier3A_99 = arith.constant 0 : index
    tpu.barrier barrier_id(%barrier3A_99)
    %scan3A_100 = arith.constant 0 : i32
    %scan3A_101 = arith.constant 0 : i32
    %scan3A_102 = arith.constant 8 : i32
    %scan3A_103 = arith.addi %scan3A_101, %scan3A_102 : i32
    %scan3A_104 = arith.constant 1 : i32
    scf.for %scan3A_106 = %scan3A_101 to %scan3A_103 step %scan3A_104  : i32 {
      %mul3A_107 = arith.constant 16 : i32
      %mul3A_108 = arith.muli %mul3A_107, %scan3A_106 : i32
      %add3A_109 = arith.addi %arg1, %mul3A_108 : i32
      %lt3A = arith.constant 125 : i32
      %lt3A_110 = arith.cmpi slt, %add3A_109, %lt3A : i32
      %convert_element_type3A = arith.extui %lt3A_110 : i1 to i32
      %cond3A = arith.constant 0 : i32
      %cond3A_111 = arith.cmpi ne, %convert_element_type3A, %cond3A : i32
      scf.if %cond3A_111 {
        %mul3A_112 = arith.constant 80 : i32
        %mul3A_113 = arith.muli %add3A_109, %mul3A_112 : i32
        "tpu.region"() ({
          %run_scoped3A = tpu.sem_alloc : memref<!tpu.dma_semaphore, #tpu.memory_space<semaphore_mem>>
          %dma_start3A_116 = arith.constant 0 : i32
          %dma_start3A_117 = arith.constant 0 : i32
          %dma_start3A_118 = tpu.memref_slice %arg11[%dma_start3A_116, %dma_start3A_117] : memref<80x128xf32, #tpu.memory_space<vmem>> -> memref<80x128xf32, #tpu.memory_space<vmem>>
          %dma_start3A_119 = arith.constant 0 : i32
          %dma_start3A_120 = tpu.memref_slice %arg15[%mul3A_113, %dma_start3A_119] : memref<10000x128xf32, #tpu.memory_space<vmem_shared>> -> memref<80x128xf32, #tpu.memory_space<vmem_shared>>
          %dma_start3A_121 = arith.constant 0 : i32
          %dma_start3A_122 = arith.constant 0 : i32
          %dma_start3A_123 = tpu.memref_slice %arg11[%dma_start3A_121, %dma_start3A_122] : memref<80x128xf32, #tpu.memory_space<vmem>> -> memref<80x128xf32, #tpu.memory_space<vmem>>
          %dma_start3A_124 = arith.constant 0 : i32
          %dma_start3A_125 = tpu.memref_slice %arg15[%mul3A_113, %dma_start3A_124] : memref<10000x128xf32, #tpu.memory_space<vmem_shared>> -> memref<80x128xf32, #tpu.memory_space<vmem_shared>>
          tpu.enqueue_dma source(%dma_start3A_125 : memref<80x128xf32, #tpu.memory_space<vmem_shared>>) target(%dma_start3A_123 : memref<80x128xf32, #tpu.memory_space<vmem>>) target_semaphore(%run_scoped3A : memref<!tpu.dma_semaphore, #tpu.memory_space<semaphore_mem>>)
          %dma_wait3A_126 = arith.constant 0 : i32
          %dma_wait3A_127 = arith.constant 0 : i32
          %dma_wait3A_128 = tpu.memref_slice %arg11[%dma_wait3A_126, %dma_wait3A_127] : memref<80x128xf32, #tpu.memory_space<vmem>> -> memref<80x128xf32, #tpu.memory_space<vmem>>
          %dma_wait3A_129 = arith.constant 0 : i32
          %dma_wait3A_130 = tpu.memref_slice %arg15[%mul3A_113, %dma_wait3A_129] : memref<10000x128xf32, #tpu.memory_space<vmem_shared>> -> memref<80x128xf32, #tpu.memory_space<vmem_shared>>
          %dma_wait3A_131 = arith.constant 0 : i32
          %dma_wait3A_132 = arith.constant 0 : i32
          %dma_wait3A_133 = tpu.memref_slice %arg11[%dma_wait3A_131, %dma_wait3A_132] : memref<80x128xf32, #tpu.memory_space<vmem>> -> memref<80x128xf32, #tpu.memory_space<vmem>>
          %dma_wait3A_134 = arith.constant 0 : i32
          %dma_wait3A_135 = tpu.memref_slice %arg15[%mul3A_113, %dma_wait3A_134] : memref<10000x128xf32, #tpu.memory_space<vmem_shared>> -> memref<80x128xf32, #tpu.memory_space<vmem_shared>>
          tpu.wait_dma2 semaphore(%run_scoped3A : memref<!tpu.dma_semaphore, #tpu.memory_space<semaphore_mem>>) src(%dma_wait3A_135 : memref<80x128xf32, #tpu.memory_space<vmem_shared>>) dst(%dma_wait3A_133 : memref<80x128xf32, #tpu.memory_space<vmem>>)
          tpu.yield
        }) : () -> ()
        %mul3A_114 = arith.constant 80 : i32
        %mul3A_115 = arith.muli %add3A_109, %mul3A_114 : i32
        "tpu.region"() ({
          %run_scoped3A = tpu.sem_alloc : memref<!tpu.dma_semaphore, #tpu.memory_space<semaphore_mem>>
          %dma_start3A_116 = arith.constant 0 : i32
          %dma_start3A_117 = arith.constant 0 : i32
          %dma_start3A_118 = tpu.memref_slice %arg11[%dma_start3A_116, %dma_start3A_117] : memref<80x128xf32, #tpu.memory_space<vmem>> -> memref<80x128xf32, #tpu.memory_space<vmem>>
          %dma_start3A_119 = arith.constant 0 : i32
          %dma_start3A_120 = arith.constant 0 : i32
          %dma_start3A_121 = tpu.memref_slice %arg4[%arg0, %dma_start3A_119, %dma_start3A_120] : memref<2x10000x128xf32, #tpu.memory_space<hbm>> -> memref<1x10000x128xf32, #tpu.memory_space<hbm>>
          %dma_start3A_122 = tpu.memref_squeeze %dma_start3A_121 : memref<1x10000x128xf32, #tpu.memory_space<hbm>> -> memref<10000x128xf32, #tpu.memory_space<hbm>>
          %dma_start3A_123 = arith.constant 0 : i32
          %dma_start3A_124 = tpu.memref_slice %dma_start3A_122[%mul3A_115, %dma_start3A_123] : memref<10000x128xf32, #tpu.memory_space<hbm>> -> memref<80x128xf32, #tpu.memory_space<hbm>>
          %dma_start3A_125 = arith.constant 0 : i32
          %dma_start3A_126 = arith.constant 0 : i32
          %dma_start3A_127 = tpu.memref_slice %arg4[%arg0, %dma_start3A_125, %dma_start3A_126] : memref<2x10000x128xf32, #tpu.memory_space<hbm>> -> memref<1x10000x128xf32, #tpu.memory_space<hbm>>
          %dma_start3A_128 = tpu.memref_squeeze %dma_start3A_127 : memref<1x10000x128xf32, #tpu.memory_space<hbm>> -> memref<10000x128xf32, #tpu.memory_space<hbm>>
          %dma_start3A_129 = arith.constant 0 : i32
          %dma_start3A_130 = tpu.memref_slice %dma_start3A_128[%mul3A_115, %dma_start3A_129] : memref<10000x128xf32, #tpu.memory_space<hbm>> -> memref<80x128xf32, #tpu.memory_space<hbm>>
          %dma_start3A_131 = arith.constant 0 : i32
          %dma_start3A_132 = arith.constant 0 : i32
          %dma_start3A_133 = tpu.memref_slice %arg11[%dma_start3A_131, %dma_start3A_132] : memref<80x128xf32, #tpu.memory_space<vmem>> -> memref<80x128xf32, #tpu.memory_space<vmem>>
          tpu.enqueue_dma source(%dma_start3A_133 : memref<80x128xf32, #tpu.memory_space<vmem>>) target(%dma_start3A_130 : memref<80x128xf32, #tpu.memory_space<hbm>>) target_semaphore(%run_scoped3A : memref<!tpu.dma_semaphore, #tpu.memory_space<semaphore_mem>>)
          %dma_wait3A_134 = arith.constant 0 : i32
          %dma_wait3A_135 = arith.constant 0 : i32
          %dma_wait3A_136 = tpu.memref_slice %arg11[%dma_wait3A_134, %dma_wait3A_135] : memref<80x128xf32, #tpu.memory_space<vmem>> -> memref<80x128xf32, #tpu.memory_space<vmem>>
          %dma_wait3A_137 = arith.constant 0 : i32
          %dma_wait3A_138 = arith.constant 0 : i32
          %dma_wait3A_139 = tpu.memref_slice %arg4[%arg0, %dma_wait3A_137, %dma_wait3A_138] : memref<2x10000x128xf32, #tpu.memory_space<hbm>> -> memref<1x10000x128xf32, #tpu.memory_space<hbm>>
          %dma_wait3A_140 = tpu.memref_squeeze %dma_wait3A_139 : memref<1x10000x128xf32, #tpu.memory_space<hbm>> -> memref<10000x128xf32, #tpu.memory_space<hbm>>
          %dma_wait3A_141 = arith.constant 0 : i32
          %dma_wait3A_142 = tpu.memref_slice %dma_wait3A_140[%mul3A_115, %dma_wait3A_141] : memref<10000x128xf32, #tpu.memory_space<hbm>> -> memref<80x128xf32, #tpu.memory_space<hbm>>
          %dma_wait3A_143 = arith.constant 0 : i32
          %dma_wait3A_144 = arith.constant 0 : i32
          %dma_wait3A_145 = tpu.memref_slice %arg4[%arg0, %dma_wait3A_143, %dma_wait3A_144] : memref<2x10000x128xf32, #tpu.memory_space<hbm>> -> memref<1x10000x128xf32, #tpu.memory_space<hbm>>
          %dma_wait3A_146 = tpu.memref_squeeze %dma_wait3A_145 : memref<1x10000x128xf32, #tpu.memory_space<hbm>> -> memref<10000x128xf32, #tpu.memory_space<hbm>>
          %dma_wait3A_147 = arith.constant 0 : i32
          %dma_wait3A_148 = tpu.memref_slice %dma_wait3A_146[%mul3A_115, %dma_wait3A_147] : memref<10000x128xf32, #tpu.memory_space<hbm>> -> memref<80x128xf32, #tpu.memory_space<hbm>>
          %dma_wait3A_149 = arith.constant 0 : i32
          %dma_wait3A_150 = arith.constant 0 : i32
          %dma_wait3A_151 = tpu.memref_slice %arg11[%dma_wait3A_149, %dma_wait3A_150] : memref<80x128xf32, #tpu.memory_space<vmem>> -> memref<80x128xf32, #tpu.memory_space<vmem>>
          tpu.wait_dma2 semaphore(%run_scoped3A : memref<!tpu.dma_semaphore, #tpu.memory_space<semaphore_mem>>) src(%dma_wait3A_151 : memref<80x128xf32, #tpu.memory_space<vmem>>) dst(%dma_wait3A_148 : memref<80x128xf32, #tpu.memory_space<hbm>>)
          tpu.yield
        }) : () -> ()
      } else {
      }
    }
    %scan3A_105 = arith.constant 8 : i32
    return
  }
}

#map = affine_map<(d0, d1) -> (0, 0)>
#map1 = affine_map<(d0, d1) -> (0, 0, 0)>
module attributes {stable_mosaic.version = 14 : i64} {
  func.func @seg_sum(%arg0: i32, %arg1: i32, %arg2: memref<10000x128xf32, #tpu.memory_space<hbm>>, %arg3: memref<4000x2x80xi32, #tpu.memory_space<hbm>>, %arg4: memref<2x10000x128xf32, #tpu.memory_space<hbm>>, %arg5: memref<2x80xi32, #tpu.memory_space<vmem>>, %arg6: memref<2x80xi32, #tpu.memory_space<vmem>>, %arg7: memref<2x80xi32, #tpu.memory_space<vmem>>, %arg8: memref<2x80xi32, #tpu.memory_space<vmem>>, %arg9: memref<80xi32, #tpu.memory_space<vmem>>, %arg10: memref<80xi32, #tpu.memory_space<vmem>>, %arg11: memref<80x128xf32, #tpu.memory_space<vmem>>, %arg12: memref<80x128xf32, #tpu.memory_space<vmem>>, %arg13: memref<80x128xf32, #tpu.memory_space<vmem>>, %arg14: memref<80x128xf32, #tpu.memory_space<vmem>>, %arg15: memref<10000x128xf32, #tpu.memory_space<vmem_shared>>, %arg16: memref<!tpu.dma_semaphore, #tpu.memory_space<semaphore_mem>>, %arg17: memref<!tpu.dma_semaphore, #tpu.memory_space<semaphore_mem>>, %arg18: memref<!tpu.dma_semaphore, #tpu.memory_space<semaphore_mem>>, %arg19: memref<!tpu.dma_semaphore, #tpu.memory_space<semaphore_mem>>, %arg20: memref<!tpu.dma_semaphore, #tpu.memory_space<semaphore_mem>>, %arg21: memref<!tpu.dma_semaphore, #tpu.memory_space<semaphore_mem>>, %arg22: memref<!tpu.dma_semaphore, #tpu.memory_space<semaphore_mem>>, %arg23: memref<!tpu.dma_semaphore, #tpu.memory_space<semaphore_mem>>, %arg24: memref<!tpu.dma_semaphore, #tpu.memory_space<semaphore_mem>>, %arg25: memref<!tpu.dma_semaphore, #tpu.memory_space<semaphore_mem>>) attributes {dimension_semantics = [#tpu.dimension_semantics<core_parallel>, #tpu.dimension_semantics<subcore_parallel>], iteration_bounds = array<i64: 2, 16>, scalar_prefetch = 0 : i64, scratch_operands = 21 : i64, tpu.core_type = #tpu.core_type<sc_vector_subcore>, window_params = [{transform_indices = #map}, {transform_indices = #map1}, {transform_indices = #map1}]} {
    %mul3A = arith.constant 2 : i32
    %mul3A_0 = arith.muli %arg1, %mul3A : i32
    %add3A = arith.addi %mul3A_0, %arg0 : i32
    %mul3A_1 = arith.constant 125 : i32
    %mul3A_2 = arith.muli %add3A, %mul3A_1 : i32
    %broadcast_in_dim3A = arith.constant 0.000000e+00 : f32
    %broadcast_in_dim3A_3 = vector.broadcast %broadcast_in_dim3A : f32 to vector<16xf32>
    %scan3A = arith.constant 0 : i32
    %scan3A_4 = arith.constant 0 : i32
    %scan3A_5 = arith.constant 80 : i32
    %scan3A_6 = arith.addi %scan3A_4, %scan3A_5 : i32
    %scan3A_7 = arith.constant 1 : i32
    scf.for %scan3A_106 = %scan3A_4 to %scan3A_6 step %scan3A_7  : i32 {
      %scan3A_107 = arith.constant 0 : i32
      %scan3A_108 = arith.constant 8 : i32
      %scan3A_109 = arith.addi %scan3A_107, %scan3A_108 : i32
      %scan3A_110 = arith.constant 1 : i32
      scf.for %scan3A_112 = %scan3A_107 to %scan3A_109 step %scan3A_110  : i32 {
        %mul3A_113 = arith.constant 16 : i32
        %mul3A_114 = arith.muli %scan3A_112, %mul3A_113 : i32
        %swap3A = arith.index_cast %scan3A_106 : i32 to index
        %swap3A_115 = arith.index_cast %mul3A_114 : i32 to index
        %swap3A_116 = tpu.vector_load %arg11[%swap3A, %swap3A_115] {strides = array<i32>} : memref<80x128xf32, #tpu.memory_space<vmem>>, vector<1x16xf32>,
        %swap3A_117 = vector.shape_cast %swap3A_116 : vector<1x16xf32> to vector<16xf32>
        %swap3A_118 = vector.shape_cast %broadcast_in_dim3A_3 : vector<16xf32> to vector<1x16xf32>
        tpu.vector_store %arg11[%swap3A, %swap3A_115], %swap3A_118 {strides = array<i32>} : memref<80x128xf32, #tpu.memory_space<vmem>>, vector<1x16xf32>,
      }
      %scan3A_111 = arith.constant 8 : i32
    }
    %scan3A_8 = arith.constant 80 : i32
    %scan3A_9 = arith.constant 0 : i32
    %scan3A_10 = arith.constant 0 : i32
    %scan3A_11 = arith.constant 8 : i32
    %scan3A_12 = arith.addi %scan3A_10, %scan3A_11 : i32
    %scan3A_13 = arith.constant 1 : i32
    scf.for %scan3A_106 = %scan3A_10 to %scan3A_12 step %scan3A_13  : i32 {
      %mul3A_107 = arith.constant 16 : i32
      %mul3A_108 = arith.muli %mul3A_107, %scan3A_106 : i32
      %add3A_109 = arith.addi %arg1, %mul3A_108 : i32
      %lt3A = arith.constant 125 : i32
      %lt3A_110 = arith.cmpi slt, %add3A_109, %lt3A : i32
      %convert_element_type3A = arith.extui %lt3A_110 : i1 to i32
      %cond3A = arith.constant 0 : i32
      %cond3A_111 = arith.cmpi ne, %convert_element_type3A, %cond3A : i32
      scf.if %cond3A_111 {
        %mul3A_112 = arith.constant 80 : i32
        %mul3A_113 = arith.muli %add3A_109, %mul3A_112 : i32
        "tpu.region"() ({
          %run_scoped3A = tpu.sem_alloc : memref<!tpu.dma_semaphore, #tpu.memory_space<semaphore_mem>>
          %dma_start3A_114 = arith.constant 0 : i32
          %dma_start3A_115 = arith.constant 0 : i32
          %dma_start3A_116 = tpu.memref_slice %arg11[%dma_start3A_114, %dma_start3A_115] : memref<80x128xf32, #tpu.memory_space<vmem>> -> memref<80x128xf32, #tpu.memory_space<vmem>>
          %dma_start3A_117 = arith.constant 0 : i32
          %dma_start3A_118 = tpu.memref_slice %arg15[%mul3A_113, %dma_start3A_117] : memref<10000x128xf32, #tpu.memory_space<vmem_shared>> -> memref<80x128xf32, #tpu.memory_space<vmem_shared>>
          %dma_start3A_119 = arith.constant 0 : i32
          %dma_start3A_120 = tpu.memref_slice %arg15[%mul3A_113, %dma_start3A_119] : memref<10000x128xf32, #tpu.memory_space<vmem_shared>> -> memref<80x128xf32, #tpu.memory_space<vmem_shared>>
          %dma_start3A_121 = arith.constant 0 : i32
          %dma_start3A_122 = arith.constant 0 : i32
          %dma_start3A_123 = tpu.memref_slice %arg11[%dma_start3A_121, %dma_start3A_122] : memref<80x128xf32, #tpu.memory_space<vmem>> -> memref<80x128xf32, #tpu.memory_space<vmem>>
          tpu.enqueue_dma source(%dma_start3A_123 : memref<80x128xf32, #tpu.memory_space<vmem>>) target(%dma_start3A_120 : memref<80x128xf32, #tpu.memory_space<vmem_shared>>) target_semaphore(%run_scoped3A : memref<!tpu.dma_semaphore, #tpu.memory_space<semaphore_mem>>)
          %dma_wait3A_124 = arith.constant 0 : i32
          %dma_wait3A_125 = arith.constant 0 : i32
          %dma_wait3A_126 = tpu.memref_slice %arg11[%dma_wait3A_124, %dma_wait3A_125] : memref<80x128xf32, #tpu.memory_space<vmem>> -> memref<80x128xf32, #tpu.memory_space<vmem>>
          %dma_wait3A_127 = arith.constant 0 : i32
          %dma_wait3A_128 = tpu.memref_slice %arg15[%mul3A_113, %dma_wait3A_127] : memref<10000x128xf32, #tpu.memory_space<vmem_shared>> -> memref<80x128xf32, #tpu.memory_space<vmem_shared>>
          %dma_wait3A_129 = arith.constant 0 : i32
          %dma_wait3A_130 = tpu.memref_slice %arg15[%mul3A_113, %dma_wait3A_129] : memref<10000x128xf32, #tpu.memory_space<vmem_shared>> -> memref<80x128xf32, #tpu.memory_space<vmem_shared>>
          %dma_wait3A_131 = arith.constant 0 : i32
          %dma_wait3A_132 = arith.constant 0 : i32
          %dma_wait3A_133 = tpu.memref_slice %arg11[%dma_wait3A_131, %dma_wait3A_132] : memref<80x128xf32, #tpu.memory_space<vmem>> -> memref<80x128xf32, #tpu.memory_space<vmem>>
          tpu.wait_dma2 semaphore(%run_scoped3A : memref<!tpu.dma_semaphore, #tpu.memory_space<semaphore_mem>>) src(%dma_wait3A_133 : memref<80x128xf32, #tpu.memory_space<vmem>>) dst(%dma_wait3A_130 : memref<80x128xf32, #tpu.memory_space<vmem_shared>>)
          tpu.yield
        }) : () -> ()
      } else {
      }
    }
    %scan3A_14 = arith.constant 8 : i32
    %barrier3A = arith.constant 0 : index
    tpu.barrier barrier_id(%barrier3A)
    %add3A_15 = arith.constant 0 : i32
    %add3A_16 = arith.addi %mul3A_2, %add3A_15 : i32
    %dma_start3A = arith.constant 0 : i32
    %dma_start3A_17 = arith.constant 0 : i32
    %dma_start3A_18 = tpu.memref_slice %arg3[%add3A_16, %dma_start3A, %dma_start3A_17] : memref<4000x2x80xi32, #tpu.memory_space<hbm>> -> memref<1x2x80xi32, #tpu.memory_space<hbm>>
    %dma_start3A_19 = tpu.memref_squeeze %dma_start3A_18 : memref<1x2x80xi32, #tpu.memory_space<hbm>> -> memref<2x80xi32, #tpu.memory_space<hbm>>
    %dma_start3A_20 = arith.constant 0 : i32
    %dma_start3A_21 = arith.constant 0 : i32
    %dma_start3A_22 = tpu.memref_slice %arg3[%add3A_16, %dma_start3A_20, %dma_start3A_21] : memref<4000x2x80xi32, #tpu.memory_space<hbm>> -> memref<1x2x80xi32, #tpu.memory_space<hbm>>
    %dma_start3A_23 = tpu.memref_squeeze %dma_start3A_22 : memref<1x2x80xi32, #tpu.memory_space<hbm>> -> memref<2x80xi32, #tpu.memory_space<hbm>>
    tpu.enqueue_dma source(%dma_start3A_23 : memref<2x80xi32, #tpu.memory_space<hbm>>) target(%arg5 : memref<2x80xi32, #tpu.memory_space<vmem>>) target_semaphore(%arg16 : memref<!tpu.dma_semaphore, #tpu.memory_space<semaphore_mem>>)
    %add3A_24 = arith.constant 1 : i32
    %add3A_25 = arith.addi %mul3A_2, %add3A_24 : i32
    %dma_start3A_26 = arith.constant 0 : i32
    %dma_start3A_27 = arith.constant 0 : i32
    %dma_start3A_28 = tpu.memref_slice %arg3[%add3A_25, %dma_start3A_26, %dma_start3A_27] : memref<4000x2x80xi32, #tpu.memory_space<hbm>> -> memref<1x2x80xi32, #tpu.memory_space<hbm>>
    %dma_start3A_29 = tpu.memref_squeeze %dma_start3A_28 : memref<1x2x80xi32, #tpu.memory_space<hbm>> -> memref<2x80xi32, #tpu.memory_space<hbm>>
    %dma_start3A_30 = arith.constant 0 : i32
    %dma_start3A_31 = arith.constant 0 : i32
    %dma_start3A_32 = tpu.memref_slice %arg3[%add3A_25, %dma_start3A_30, %dma_start3A_31] : memref<4000x2x80xi32, #tpu.memory_space<hbm>> -> memref<1x2x80xi32, #tpu.memory_space<hbm>>
    %dma_start3A_33 = tpu.memref_squeeze %dma_start3A_32 : memref<1x2x80xi32, #tpu.memory_space<hbm>> -> memref<2x80xi32, #tpu.memory_space<hbm>>
    tpu.enqueue_dma source(%dma_start3A_33 : memref<2x80xi32, #tpu.memory_space<hbm>>) target(%arg6 : memref<2x80xi32, #tpu.memory_space<vmem>>) target_semaphore(%arg17 : memref<!tpu.dma_semaphore, #tpu.memory_space<semaphore_mem>>)
    %add3A_34 = arith.constant 2 : i32
    %add3A_35 = arith.addi %mul3A_2, %add3A_34 : i32
    %dma_start3A_36 = arith.constant 0 : i32
    %dma_start3A_37 = arith.constant 0 : i32
    %dma_start3A_38 = tpu.memref_slice %arg3[%add3A_35, %dma_start3A_36, %dma_start3A_37] : memref<4000x2x80xi32, #tpu.memory_space<hbm>> -> memref<1x2x80xi32, #tpu.memory_space<hbm>>
    %dma_start3A_39 = tpu.memref_squeeze %dma_start3A_38 : memref<1x2x80xi32, #tpu.memory_space<hbm>> -> memref<2x80xi32, #tpu.memory_space<hbm>>
    %dma_start3A_40 = arith.constant 0 : i32
    %dma_start3A_41 = arith.constant 0 : i32
    %dma_start3A_42 = tpu.memref_slice %arg3[%add3A_35, %dma_start3A_40, %dma_start3A_41] : memref<4000x2x80xi32, #tpu.memory_space<hbm>> -> memref<1x2x80xi32, #tpu.memory_space<hbm>>
    %dma_start3A_43 = tpu.memref_squeeze %dma_start3A_42 : memref<1x2x80xi32, #tpu.memory_space<hbm>> -> memref<2x80xi32, #tpu.memory_space<hbm>>
    tpu.enqueue_dma source(%dma_start3A_43 : memref<2x80xi32, #tpu.memory_space<hbm>>) target(%arg7 : memref<2x80xi32, #tpu.memory_space<vmem>>) target_semaphore(%arg18 : memref<!tpu.dma_semaphore, #tpu.memory_space<semaphore_mem>>)
    %add3A_44 = arith.constant 3 : i32
    %add3A_45 = arith.addi %mul3A_2, %add3A_44 : i32
    %dma_start3A_46 = arith.constant 0 : i32
    %dma_start3A_47 = arith.constant 0 : i32
    %dma_start3A_48 = tpu.memref_slice %arg3[%add3A_45, %dma_start3A_46, %dma_start3A_47] : memref<4000x2x80xi32, #tpu.memory_space<hbm>> -> memref<1x2x80xi32, #tpu.memory_space<hbm>>
    %dma_start3A_49 = tpu.memref_squeeze %dma_start3A_48 : memref<1x2x80xi32, #tpu.memory_space<hbm>> -> memref<2x80xi32, #tpu.memory_space<hbm>>
    %dma_start3A_50 = arith.constant 0 : i32
    %dma_start3A_51 = arith.constant 0 : i32
    %dma_start3A_52 = tpu.memref_slice %arg3[%add3A_45, %dma_start3A_50, %dma_start3A_51] : memref<4000x2x80xi32, #tpu.memory_space<hbm>> -> memref<1x2x80xi32, #tpu.memory_space<hbm>>
    %dma_start3A_53 = tpu.memref_squeeze %dma_start3A_52 : memref<1x2x80xi32, #tpu.memory_space<hbm>> -> memref<2x80xi32, #tpu.memory_space<hbm>>
    tpu.enqueue_dma source(%dma_start3A_53 : memref<2x80xi32, #tpu.memory_space<hbm>>) target(%arg8 : memref<2x80xi32, #tpu.memory_space<vmem>>) target_semaphore(%arg19 : memref<!tpu.dma_semaphore, #tpu.memory_space<semaphore_mem>>)
    %add3A_54 = arith.constant 0 : i32
    %add3A_55 = arith.addi %mul3A_2, %add3A_54 : i32
    %dma_wait3A = arith.constant 0 : i32
    %dma_wait3A_56 = arith.constant 0 : i32
    %dma_wait3A_57 = tpu.memref_slice %arg3[%add3A_55, %dma_wait3A, %dma_wait3A_56] : memref<4000x2x80xi32, #tpu.memory_space<hbm>> -> memref<1x2x80xi32, #tpu.memory_space<hbm>>
    %dma_wait3A_58 = tpu.memref_squeeze %dma_wait3A_57 : memref<1x2x80xi32, #tpu.memory_space<hbm>> -> memref<2x80xi32, #tpu.memory_space<hbm>>
    %dma_wait3A_59 = arith.constant 0 : i32
    %dma_wait3A_60 = arith.constant 0 : i32
    %dma_wait3A_61 = tpu.memref_slice %arg3[%add3A_55, %dma_wait3A_59, %dma_wait3A_60] : memref<4000x2x80xi32, #tpu.memory_space<hbm>> -> memref<1x2x80xi32, #tpu.memory_space<hbm>>
    %dma_wait3A_62 = tpu.memref_squeeze %dma_wait3A_61 : memref<1x2x80xi32, #tpu.memory_space<hbm>> -> memref<2x80xi32, #tpu.memory_space<hbm>>
    tpu.wait_dma2 semaphore(%arg16 : memref<!tpu.dma_semaphore, #tpu.memory_space<semaphore_mem>>) src(%dma_wait3A_62 : memref<2x80xi32, #tpu.memory_space<hbm>>) dst(%arg5 : memref<2x80xi32, #tpu.memory_space<vmem>>)
    %dma_start3A_63 = arith.constant 0 : i32
    %dma_start3A_64 = arith.constant 0 : i32
    %dma_start3A_65 = tpu.memref_slice %arg5[%dma_start3A_63, %dma_start3A_64] : memref<2x80xi32, #tpu.memory_space<vmem>> -> memref<1x80xi32, #tpu.memory_space<vmem>>
    %dma_start3A_66 = tpu.memref_squeeze %dma_start3A_65 : memref<1x80xi32, #tpu.memory_space<vmem>> -> memref<80xi32, #tpu.memory_space<vmem>>
    %dma_start3A_67 = arith.constant 0 : i32
    %dma_start3A_68 = arith.constant 0 : i32
    %dma_start3A_69 = tpu.memref_slice %arg2[%dma_start3A_67, %dma_start3A_68] : memref<10000x128xf32, #tpu.memory_space<hbm>> -> memref<10000x128xf32, #tpu.memory_space<hbm>>
    tpu.enqueue_indirect_dma source(%dma_start3A_69 : memref<10000x128xf32, #tpu.memory_space<hbm>>) target(%arg11 : memref<80x128xf32, #tpu.memory_space<vmem>>) offsets(%dma_start3A_66 : memref<80xi32, #tpu.memory_space<vmem>>) semaphore(%arg20 : memref<!tpu.dma_semaphore, #tpu.memory_space<semaphore_mem>>)
    %add3A_70 = arith.constant 1 : i32
    %add3A_71 = arith.addi %mul3A_2, %add3A_70 : i32
    %dma_wait3A_72 = arith.constant 0 : i32
    %dma_wait3A_73 = arith.constant 0 : i32
    %dma_wait3A_74 = tpu.memref_slice %arg3[%add3A_71, %dma_wait3A_72, %dma_wait3A_73] : memref<4000x2x80xi32, #tpu.memory_space<hbm>> -> memref<1x2x80xi32, #tpu.memory_space<hbm>>
    %dma_wait3A_75 = tpu.memref_squeeze %dma_wait3A_74 : memref<1x2x80xi32, #tpu.memory_space<hbm>> -> memref<2x80xi32, #tpu.memory_space<hbm>>
    %dma_wait3A_76 = arith.constant 0 : i32
    %dma_wait3A_77 = arith.constant 0 : i32
    %dma_wait3A_78 = tpu.memref_slice %arg3[%add3A_71, %dma_wait3A_76, %dma_wait3A_77] : memref<4000x2x80xi32, #tpu.memory_space<hbm>> -> memref<1x2x80xi32, #tpu.memory_space<hbm>>
    %dma_wait3A_79 = tpu.memref_squeeze %dma_wait3A_78 : memref<1x2x80xi32, #tpu.memory_space<hbm>> -> memref<2x80xi32, #tpu.memory_space<hbm>>
    tpu.wait_dma2 semaphore(%arg17 : memref<!tpu.dma_semaphore, #tpu.memory_space<semaphore_mem>>) src(%dma_wait3A_79 : memref<2x80xi32, #tpu.memory_space<hbm>>) dst(%arg6 : memref<2x80xi32, #tpu.memory_space<vmem>>)
    %dma_start3A_80 = arith.constant 0 : i32
    %dma_start3A_81 = arith.constant 0 : i32
    %dma_start3A_82 = tpu.memref_slice %arg6[%dma_start3A_80, %dma_start3A_81] : memref<2x80xi32, #tpu.memory_space<vmem>> -> memref<1x80xi32, #tpu.memory_space<vmem>>
    %dma_start3A_83 = tpu.memref_squeeze %dma_start3A_82 : memref<1x80xi32, #tpu.memory_space<vmem>> -> memref<80xi32, #tpu.memory_space<vmem>>
    %dma_start3A_84 = arith.constant 0 : i32
    %dma_start3A_85 = arith.constant 0 : i32
    %dma_start3A_86 = tpu.memref_slice %arg2[%dma_start3A_84, %dma_start3A_85] : memref<10000x128xf32, #tpu.memory_space<hbm>> -> memref<10000x128xf32, #tpu.memory_space<hbm>>
    tpu.enqueue_indirect_dma source(%dma_start3A_86 : memref<10000x128xf32, #tpu.memory_space<hbm>>) target(%arg12 : memref<80x128xf32, #tpu.memory_space<vmem>>) offsets(%dma_start3A_83 : memref<80xi32, #tpu.memory_space<vmem>>) semaphore(%arg21 : memref<!tpu.dma_semaphore, #tpu.memory_space<semaphore_mem>>)
    %scan3A_87 = arith.constant 0 : i32
    %scan3A_88 = arith.constant 0 : i32
    %scan3A_89 = arith.constant 32 : i32
    %scan3A_90 = arith.addi %scan3A_88, %scan3A_89 : i32
    %scan3A_91 = arith.constant 1 : i32
    scf.for %scan3A_106 = %scan3A_88 to %scan3A_90 step %scan3A_91  : i32 {
      %mul3A_107 = arith.constant 4 : i32
      %mul3A_108 = arith.muli %mul3A_107, %scan3A_106 : i32
      %ge3A = arith.constant 2 : i32
      %ge3A_109 = arith.cmpi sge, %mul3A_108, %ge3A : i32
      %convert_element_type3A = arith.extui %ge3A_109 : i1 to i32
      %cond3A = arith.constant 0 : i32
      %cond3A_110 = arith.cmpi ne, %convert_element_type3A, %cond3A : i32
      scf.if %cond3A_110 {
        %dma_wait3A_198 = arith.constant 0 : i32
        %dma_wait3A_199 = arith.constant 0 : i32
        %dma_wait3A_200 = tpu.memref_slice %arg15[%dma_wait3A_198, %dma_wait3A_199] : memref<10000x128xf32, #tpu.memory_space<vmem_shared>> -> memref<10000x128xf32, #tpu.memory_space<vmem_shared>>
        tpu.wait_indirect_dma semaphore(%arg24 : memref<!tpu.dma_semaphore, #tpu.memory_space<semaphore_mem>>) src(%arg13 : memref<80x128xf32, #tpu.memory_space<vmem>>) dst(%dma_wait3A_200 : memref<10000x128xf32, #tpu.memory_space<vmem_shared>>)
      } else {
      }
      %add3A_111 = arith.constant 2 : i32
      %add3A_112 = arith.addi %mul3A_108, %add3A_111 : i32
      %lt3A = arith.constant 125 : i32
      %lt3A_113 = arith.cmpi slt, %add3A_112, %lt3A : i32
      %convert_element_type3A_114 = arith.extui %lt3A_113 : i1 to i32
      %cond3A_115 = arith.constant 0 : i32
      %cond3A_116 = arith.cmpi ne, %convert_element_type3A_114, %cond3A_115 : i32
      scf.if %cond3A_116 {
        %add3A_198 = arith.addi %mul3A_2, %mul3A_108 : i32
        %add3A_199 = arith.constant 2 : i32
        %add3A_200 = arith.addi %add3A_198, %add3A_199 : i32
        %dma_wait3A_201 = arith.constant 0 : i32
        %dma_wait3A_202 = arith.constant 0 : i32
        %dma_wait3A_203 = tpu.memref_slice %arg3[%add3A_200, %dma_wait3A_201, %dma_wait3A_202] : memref<4000x2x80xi32, #tpu.memory_space<hbm>> -> memref<1x2x80xi32, #tpu.memory_space<hbm>>
        %dma_wait3A_204 = tpu.memref_squeeze %dma_wait3A_203 : memref<1x2x80xi32, #tpu.memory_space<hbm>> -> memref<2x80xi32, #tpu.memory_space<hbm>>
        %dma_wait3A_205 = arith.constant 0 : i32
        %dma_wait3A_206 = arith.constant 0 : i32
        %dma_wait3A_207 = tpu.memref_slice %arg3[%add3A_200, %dma_wait3A_205, %dma_wait3A_206] : memref<4000x2x80xi32, #tpu.memory_space<hbm>> -> memref<1x2x80xi32, #tpu.memory_space<hbm>>
        %dma_wait3A_208 = tpu.memref_squeeze %dma_wait3A_207 : memref<1x2x80xi32, #tpu.memory_space<hbm>> -> memref<2x80xi32, #tpu.memory_space<hbm>>
        tpu.wait_dma2 semaphore(%arg18 : memref<!tpu.dma_semaphore, #tpu.memory_space<semaphore_mem>>) src(%dma_wait3A_208 : memref<2x80xi32, #tpu.memory_space<hbm>>) dst(%arg7 : memref<2x80xi32, #tpu.memory_space<vmem>>)
        %dma_start3A_209 = arith.constant 0 : i32
        %dma_start3A_210 = arith.constant 0 : i32
        %dma_start3A_211 = tpu.memref_slice %arg7[%dma_start3A_209, %dma_start3A_210] : memref<2x80xi32, #tpu.memory_space<vmem>> -> memref<1x80xi32, #tpu.memory_space<vmem>>
        %dma_start3A_212 = tpu.memref_squeeze %dma_start3A_211 : memref<1x80xi32, #tpu.memory_space<vmem>> -> memref<80xi32, #tpu.memory_space<vmem>>
        %dma_start3A_213 = arith.constant 0 : i32
        %dma_start3A_214 = arith.constant 0 : i32
        %dma_start3A_215 = tpu.memref_slice %arg2[%dma_start3A_213, %dma_start3A_214] : memref<10000x128xf32, #tpu.memory_space<hbm>> -> memref<10000x128xf32, #tpu.memory_space<hbm>>
        tpu.enqueue_indirect_dma source(%dma_start3A_215 : memref<10000x128xf32, #tpu.memory_space<hbm>>) target(%arg13 : memref<80x128xf32, #tpu.memory_space<vmem>>) offsets(%dma_start3A_212 : memref<80xi32, #tpu.memory_space<vmem>>) semaphore(%arg22 : memref<!tpu.dma_semaphore, #tpu.memory_space<semaphore_mem>>)
      } else {
      }
      %dma_wait3A_117 = arith.constant 0 : i32
      %dma_wait3A_118 = arith.constant 0 : i32
      %dma_wait3A_119 = tpu.memref_slice %arg5[%dma_wait3A_117, %dma_wait3A_118] : memref<2x80xi32, #tpu.memory_space<vmem>> -> memref<1x80xi32, #tpu.memory_space<vmem>>
      %dma_wait3A_120 = tpu.memref_squeeze %dma_wait3A_119 : memref<1x80xi32, #tpu.memory_space<vmem>> -> memref<80xi32, #tpu.memory_space<vmem>>
      %dma_wait3A_121 = arith.constant 0 : i32
      %dma_wait3A_122 = arith.constant 0 : i32
      %dma_wait3A_123 = tpu.memref_slice %arg2[%dma_wait3A_121, %dma_wait3A_122] : memref<10000x128xf32, #tpu.memory_space<hbm>> -> memref<10000x128xf32, #tpu.memory_space<hbm>>
      tpu.wait_indirect_dma semaphore(%arg20 : memref<!tpu.dma_semaphore, #tpu.memory_space<semaphore_mem>>) src(%dma_wait3A_123 : memref<10000x128xf32, #tpu.memory_space<hbm>>) dst(%arg11 : memref<80x128xf32, #tpu.memory_space<vmem>>)
      %get3A = arith.constant 1 : i32
      %get3A_124 = arith.index_cast %get3A : i32 to index
      %get3A_125 = arith.constant 0 : index
      %get3A_126 = tpu.vector_load %arg5[%get3A_124, %get3A_125] {strides = array<i32>} : memref<2x80xi32, #tpu.memory_space<vmem>>, vector<1x16xi32>,
      %get3A_127 = vector.shape_cast %get3A_126 : vector<1x16xi32> to vector<16xi32>
      %swap3A = arith.constant 0 : index
      %swap3A_128 = tpu.vector_load %arg9[%swap3A] {strides = array<i32>} : memref<80xi32, #tpu.memory_space<vmem>>, vector<16xi32>,
      %swap3A_129 = vector.shape_cast %swap3A_128 : vector<16xi32> to vector<16xi32>
      %swap3A_130 = vector.shape_cast %get3A_127 : vector<16xi32> to vector<16xi32>
      tpu.vector_store %arg9[%swap3A], %swap3A_130 {strides = array<i32>} : memref<80xi32, #tpu.memory_space<vmem>>, vector<16xi32>,
      %get3A_131 = arith.constant 1 : i32
      %get3A_132 = arith.index_cast %get3A_131 : i32 to index
      %get3A_133 = arith.constant 16 : index
      %get3A_134 = tpu.vector_load %arg5[%get3A_132, %get3A_133] {strides = array<i32>} : memref<2x80xi32, #tpu.memory_space<vmem>>, vector<1x16xi32>,
      %get3A_135 = vector.shape_cast %get3A_134 : vector<1x16xi32> to vector<16xi32>
      %swap3A_136 = arith.constant 16 : index
      %swap3A_137 = tpu.vector_load %arg9[%swap3A_136] {strides = array<i32>} : memref<80xi32, #tpu.memory_space<vmem>>, vector<16xi32>,
      %swap3A_138 = vector.shape_cast %swap3A_137 : vector<16xi32> to vector<16xi32>
      %swap3A_139 = vector.shape_cast %get3A_135 : vector<16xi32> to vector<16xi32>
      tpu.vector_store %arg9[%swap3A_136], %swap3A_139 {strides = array<i32>} : memref<80xi32, #tpu.memory_space<vmem>>, vector<16xi32>,
      %get3A_140 = arith.constant 1 : i32
      %get3A_141 = arith.index_cast %get3A_140 : i32 to index
      %get3A_142 = arith.constant 32 : index
      %get3A_143 = tpu.vector_load %arg5[%get3A_141, %get3A_142] {strides = array<i32>} : memref<2x80xi32, #tpu.memory_space<vmem>>, vector<1x16xi32>,
      %get3A_144 = vector.shape_cast %get3A_143 : vector<1x16xi32> to vector<16xi32>
      %swap3A_145 = arith.constant 32 : index
      %swap3A_146 = tpu.vector_load %arg9[%swap3A_145] {strides = array<i32>} : memref<80xi32, #tpu.memory_space<vmem>>, vector<16xi32>,
      %swap3A_147 = vector.shape_cast %swap3A_146 : vector<16xi32> to vector<16xi32>
      %swap3A_148 = vector.shape_cast %get3A_144 : vector<16xi32> to vector<16xi32>
      tpu.vector_store %arg9[%swap3A_145], %swap3A_148 {strides = array<i32>} : memref<80xi32, #tpu.memory_space<vmem>>, vector<16xi32>,
      %get3A_149 = arith.constant 1 : i32
      %get3A_150 = arith.index_cast %get3A_149 : i32 to index
      %get3A_151 = arith.constant 48 : index
      %get3A_152 = tpu.vector_load %arg5[%get3A_150, %get3A_151] {strides = array<i32>} : memref<2x80xi32, #tpu.memory_space<vmem>>, vector<1x16xi32>,
      %get3A_153 = vector.shape_cast %get3A_152 : vector<1x16xi32> to vector<16xi32>
      %swap3A_154 = arith.constant 48 : index
      %swap3A_155 = tpu.vector_load %arg9[%swap3A_154] {strides = array<i32>} : memref<80xi32, #tpu.memory_space<vmem>>, vector<16xi32>,
      %swap3A_156 = vector.shape_cast %swap3A_155 : vector<16xi32> to vector<16xi32>
      %swap3A_157 = vector.shape_cast %get3A_153 : vector<16xi32> to vector<16xi32>
      tpu.vector_store %arg9[%swap3A_154], %swap3A_157 {strides = array<i32>} : memref<80xi32, #tpu.memory_space<vmem>>, vector<16xi32>,
      %get3A_158 = arith.constant 1 : i32
      %get3A_159 = arith.index_cast %get3A_158 : i32 to index
      %get3A_160 = arith.constant 64 : index
      %get3A_161 = tpu.vector_load %arg5[%get3A_159, %get3A_160] {strides = array<i32>} : memref<2x80xi32, #tpu.memory_space<vmem>>, vector<1x16xi32>,
      %get3A_162 = vector.shape_cast %get3A_161 : vector<1x16xi32> to vector<16xi32>
      %swap3A_163 = arith.constant 64 : index
      %swap3A_164 = tpu.vector_load %arg9[%swap3A_163] {strides = array<i32>} : memref<80xi32, #tpu.memory_space<vmem>>, vector<16xi32>,
      %swap3A_165 = vector.shape_cast %swap3A_164 : vector<16xi32> to vector<16xi32>
      %swap3A_166 = vector.shape_cast %get3A_162 : vector<16xi32> to vector<16xi32>
      tpu.vector_store %arg9[%swap3A_163], %swap3A_166 {strides = array<i32>} : memref<80xi32, #tpu.memory_space<vmem>>, vector<16xi32>,
      %dma_start3A_167 = arith.constant 0 : i32
      %dma_start3A_168 = arith.constant 0 : i32
      %dma_start3A_169 = tpu.memref_slice %arg15[%dma_start3A_167, %dma_start3A_168] : memref<10000x128xf32, #tpu.memory_space<vmem_shared>> -> memref<10000x128xf32, #tpu.memory_space<vmem_shared>>
      tpu.enqueue_indirect_dma source(%arg11 : memref<80x128xf32, #tpu.memory_space<vmem>>) target(%dma_start3A_169 : memref<10000x128xf32, #tpu.memory_space<vmem_shared>>) offsets(%arg9 : memref<80xi32, #tpu.memory_space<vmem>>) semaphore(%arg24 : memref<!tpu.dma_semaphore, #tpu.memory_space<semaphore_mem>>) {add = true}
      %add3A_170 = arith.constant 4 : i32
      %add3A_171 = arith.addi %mul3A_108, %add3A_170 : i32
      %lt3A_172 = arith.constant 125 : i32
      %lt3A_173 = arith.cmpi slt, %add3A_171, %lt3A_172 : i32
      %convert_element_type3A_174 = arith.extui %lt3A_173 : i1 to i32
      %cond3A_175 = arith.constant 0 : i32
      %cond3A_176 = arith.cmpi ne, %convert_element_type3A_174, %cond3A_175 : i32
      scf.if %cond3A_176 {
        %add3A_198 = arith.addi %mul3A_2, %mul3A_108 : i32
        %add3A_199 = arith.constant 4 : i32
        %add3A_200 = arith.addi %add3A_198, %add3A_199 : i32
        %dma_start3A_201 = arith.constant 0 : i32
        %dma_start3A_202 = arith.constant 0 : i32
        %dma_start3A_203 = tpu.memref_slice %arg3[%add3A_200, %dma_start3A_201, %dma_start3A_202] : memref<4000x2x80xi32, #tpu.memory_space<hbm>> -> memref<1x2x80xi32, #tpu.memory_space<hbm>>
        %dma_start3A_204 = tpu.memref_squeeze %dma_start3A_203 : memref<1x2x80xi32, #tpu.memory_space<hbm>> -> memref<2x80xi32, #tpu.memory_space<hbm>>
        %dma_start3A_205 = arith.constant 0 : i32
        %dma_start3A_206 = arith.constant 0 : i32
        %dma_start3A_207 = tpu.memref_slice %arg3[%add3A_200, %dma_start3A_205, %dma_start3A_206] : memref<4000x2x80xi32, #tpu.memory_space<hbm>> -> memref<1x2x80xi32, #tpu.memory_space<hbm>>
        %dma_start3A_208 = tpu.memref_squeeze %dma_start3A_207 : memref<1x2x80xi32, #tpu.memory_space<hbm>> -> memref<2x80xi32, #tpu.memory_space<hbm>>
        tpu.enqueue_dma source(%dma_start3A_208 : memref<2x80xi32, #tpu.memory_space<hbm>>) target(%arg5 : memref<2x80xi32, #tpu.memory_space<vmem>>) target_semaphore(%arg16 : memref<!tpu.dma_semaphore, #tpu.memory_space<semaphore_mem>>)
      } else {
      }
      %add3A_177 = arith.constant 1 : i32
      %add3A_178 = arith.addi %mul3A_108, %add3A_177 : i32
      %lt3A_179 = arith.constant 125 : i32
      %lt3A_180 = arith.cmpi slt, %add3A_178, %lt3A_179 : i32
      %convert_element_type3A_181 = arith.extui %lt3A_180 : i1 to i32
      %cond3A_182 = arith.constant 0 : i32
      %cond3A_183 = arith.cmpi ne, %convert_element_type3A_181, %cond3A_182 : i32
      scf.if %cond3A_183 {
        %add3A_198 = arith.constant 1 : i32
        %add3A_199 = arith.addi %mul3A_108, %add3A_198 : i32
        %ge3A_200 = arith.constant 2 : i32
        %ge3A_201 = arith.cmpi sge, %add3A_199, %ge3A_200 : i32
        %convert_element_type3A_202 = arith.extui %ge3A_201 : i1 to i32
        %cond3A_203 = arith.constant 0 : i32
        %cond3A_204 = arith.cmpi ne, %convert_element_type3A_202, %cond3A_203 : i32
        scf.if %cond3A_204 {
          %dma_wait3A_274 = arith.constant 0 : i32
          %dma_wait3A_275 = arith.constant 0 : i32
          %dma_wait3A_276 = tpu.memref_slice %arg15[%dma_wait3A_274, %dma_wait3A_275] : memref<10000x128xf32, #tpu.memory_space<vmem_shared>> -> memref<10000x128xf32, #tpu.memory_space<vmem_shared>>
          tpu.wait_indirect_dma semaphore(%arg25 : memref<!tpu.dma_semaphore, #tpu.memory_space<semaphore_mem>>) src(%arg14 : memref<80x128xf32, #tpu.memory_space<vmem>>) dst(%dma_wait3A_276 : memref<10000x128xf32, #tpu.memory_space<vmem_shared>>)
        } else {
        }
        %add3A_205 = arith.constant 2 : i32
        %add3A_206 = arith.addi %add3A_199, %add3A_205 : i32
        %lt3A_207 = arith.constant 125 : i32
        %lt3A_208 = arith.cmpi slt, %add3A_206, %lt3A_207 : i32
        %convert_element_type3A_209 = arith.extui %lt3A_208 : i1 to i32
        %cond3A_210 = arith.constant 0 : i32
        %cond3A_211 = arith.cmpi ne, %convert_element_type3A_209, %cond3A_210 : i32
        scf.if %cond3A_211 {
          %add3A_274 = arith.addi %mul3A_2, %add3A_199 : i32
          %add3A_275 = arith.constant 2 : i32
          %add3A_276 = arith.addi %add3A_274, %add3A_275 : i32
          %dma_wait3A_277 = arith.constant 0 : i32
          %dma_wait3A_278 = arith.constant 0 : i32
          %dma_wait3A_279 = tpu.memref_slice %arg3[%add3A_276, %dma_wait3A_277, %dma_wait3A_278] : memref<4000x2x80xi32, #tpu.memory_space<hbm>> -> memref<1x2x80xi32, #tpu.memory_space<hbm>>
          %dma_wait3A_280 = tpu.memref_squeeze %dma_wait3A_279 : memref<1x2x80xi32, #tpu.memory_space<hbm>> -> memref<2x80xi32, #tpu.memory_space<hbm>>
          %dma_wait3A_281 = arith.constant 0 : i32
          %dma_wait3A_282 = arith.constant 0 : i32
          %dma_wait3A_283 = tpu.memref_slice %arg3[%add3A_276, %dma_wait3A_281, %dma_wait3A_282] : memref<4000x2x80xi32, #tpu.memory_space<hbm>> -> memref<1x2x80xi32, #tpu.memory_space<hbm>>
          %dma_wait3A_284 = tpu.memref_squeeze %dma_wait3A_283 : memref<1x2x80xi32, #tpu.memory_space<hbm>> -> memref<2x80xi32, #tpu.memory_space<hbm>>
          tpu.wait_dma2 semaphore(%arg19 : memref<!tpu.dma_semaphore, #tpu.memory_space<semaphore_mem>>) src(%dma_wait3A_284 : memref<2x80xi32, #tpu.memory_space<hbm>>) dst(%arg8 : memref<2x80xi32, #tpu.memory_space<vmem>>)
          %dma_start3A_285 = arith.constant 0 : i32
          %dma_start3A_286 = arith.constant 0 : i32
          %dma_start3A_287 = tpu.memref_slice %arg8[%dma_start3A_285, %dma_start3A_286] : memref<2x80xi32, #tpu.memory_space<vmem>> -> memref<1x80xi32, #tpu.memory_space<vmem>>
          %dma_start3A_288 = tpu.memref_squeeze %dma_start3A_287 : memref<1x80xi32, #tpu.memory_space<vmem>> -> memref<80xi32, #tpu.memory_space<vmem>>
          %dma_start3A_289 = arith.constant 0 : i32
          %dma_start3A_290 = arith.constant 0 : i32
          %dma_start3A_291 = tpu.memref_slice %arg2[%dma_start3A_289, %dma_start3A_290] : memref<10000x128xf32, #tpu.memory_space<hbm>> -> memref<10000x128xf32, #tpu.memory_space<hbm>>
          tpu.enqueue_indirect_dma source(%dma_start3A_291 : memref<10000x128xf32, #tpu.memory_space<hbm>>) target(%arg14 : memref<80x128xf32, #tpu.memory_space<vmem>>) offsets(%dma_start3A_288 : memref<80xi32, #tpu.memory_space<vmem>>) semaphore(%arg23 : memref<!tpu.dma_semaphore, #tpu.memory_space<semaphore_mem>>)
        } else {
        }
        %dma_wait3A_212 = arith.constant 0 : i32
        %dma_wait3A_213 = arith.constant 0 : i32
        %dma_wait3A_214 = tpu.memref_slice %arg6[%dma_wait3A_212, %dma_wait3A_213] : memref<2x80xi32, #tpu.memory_space<vmem>> -> memref<1x80xi32, #tpu.memory_space<vmem>>
        %dma_wait3A_215 = tpu.memref_squeeze %dma_wait3A_214 : memref<1x80xi32, #tpu.memory_space<vmem>> -> memref<80xi32, #tpu.memory_space<vmem>>
        %dma_wait3A_216 = arith.constant 0 : i32
        %dma_wait3A_217 = arith.constant 0 : i32
        %dma_wait3A_218 = tpu.memref_slice %arg2[%dma_wait3A_216, %dma_wait3A_217] : memref<10000x128xf32, #tpu.memory_space<hbm>> -> memref<10000x128xf32, #tpu.memory_space<hbm>>
        tpu.wait_indirect_dma semaphore(%arg21 : memref<!tpu.dma_semaphore, #tpu.memory_space<semaphore_mem>>) src(%dma_wait3A_218 : memref<10000x128xf32, #tpu.memory_space<hbm>>) dst(%arg12 : memref<80x128xf32, #tpu.memory_space<vmem>>)
        %get3A_219 = arith.constant 1 : i32
        %get3A_220 = arith.index_cast %get3A_219 : i32 to index
        %get3A_221 = arith.constant 0 : index
        %get3A_222 = tpu.vector_load %arg6[%get3A_220, %get3A_221] {strides = array<i32>} : memref<2x80xi32, #tpu.memory_space<vmem>>, vector<1x16xi32>,
        %get3A_223 = vector.shape_cast %get3A_222 : vector<1x16xi32> to vector<16xi32>
        %swap3A_224 = arith.constant 0 : index
        %swap3A_225 = tpu.vector_load %arg10[%swap3A_224] {strides = array<i32>} : memref<80xi32, #tpu.memory_space<vmem>>, vector<16xi32>,
        %swap3A_226 = vector.shape_cast %swap3A_225 : vector<16xi32> to vector<16xi32>
        %swap3A_227 = vector.shape_cast %get3A_223 : vector<16xi32> to vector<16xi32>
        tpu.vector_store %arg10[%swap3A_224], %swap3A_227 {strides = array<i32>} : memref<80xi32, #tpu.memory_space<vmem>>, vector<16xi32>,
        %get3A_228 = arith.constant 1 : i32
        %get3A_229 = arith.index_cast %get3A_228 : i32 to index
        %get3A_230 = arith.constant 16 : index
        %get3A_231 = tpu.vector_load %arg6[%get3A_229, %get3A_230] {strides = array<i32>} : memref<2x80xi32, #tpu.memory_space<vmem>>, vector<1x16xi32>,
        %get3A_232 = vector.shape_cast %get3A_231 : vector<1x16xi32> to vector<16xi32>
        %swap3A_233 = arith.constant 16 : index
        %swap3A_234 = tpu.vector_load %arg10[%swap3A_233] {strides = array<i32>} : memref<80xi32, #tpu.memory_space<vmem>>, vector<16xi32>,
        %swap3A_235 = vector.shape_cast %swap3A_234 : vector<16xi32> to vector<16xi32>
        %swap3A_236 = vector.shape_cast %get3A_232 : vector<16xi32> to vector<16xi32>
        tpu.vector_store %arg10[%swap3A_233], %swap3A_236 {strides = array<i32>} : memref<80xi32, #tpu.memory_space<vmem>>, vector<16xi32>,
        %get3A_237 = arith.constant 1 : i32
        %get3A_238 = arith.index_cast %get3A_237 : i32 to index
        %get3A_239 = arith.constant 32 : index
        %get3A_240 = tpu.vector_load %arg6[%get3A_238, %get3A_239] {strides = array<i32>} : memref<2x80xi32, #tpu.memory_space<vmem>>, vector<1x16xi32>,
        %get3A_241 = vector.shape_cast %get3A_240 : vector<1x16xi32> to vector<16xi32>
        %swap3A_242 = arith.constant 32 : index
        %swap3A_243 = tpu.vector_load %arg10[%swap3A_242] {strides = array<i32>} : memref<80xi32, #tpu.memory_space<vmem>>, vector<16xi32>,
        %swap3A_244 = vector.shape_cast %swap3A_243 : vector<16xi32> to vector<16xi32>
        %swap3A_245 = vector.shape_cast %get3A_241 : vector<16xi32> to vector<16xi32>
        tpu.vector_store %arg10[%swap3A_242], %swap3A_245 {strides = array<i32>} : memref<80xi32, #tpu.memory_space<vmem>>, vector<16xi32>,
        %get3A_246 = arith.constant 1 : i32
        %get3A_247 = arith.index_cast %get3A_246 : i32 to index
        %get3A_248 = arith.constant 48 : index
        %get3A_249 = tpu.vector_load %arg6[%get3A_247, %get3A_248] {strides = array<i32>} : memref<2x80xi32, #tpu.memory_space<vmem>>, vector<1x16xi32>,
        %get3A_250 = vector.shape_cast %get3A_249 : vector<1x16xi32> to vector<16xi32>
        %swap3A_251 = arith.constant 48 : index
        %swap3A_252 = tpu.vector_load %arg10[%swap3A_251] {strides = array<i32>} : memref<80xi32, #tpu.memory_space<vmem>>, vector<16xi32>,
        %swap3A_253 = vector.shape_cast %swap3A_252 : vector<16xi32> to vector<16xi32>
        %swap3A_254 = vector.shape_cast %get3A_250 : vector<16xi32> to vector<16xi32>
        tpu.vector_store %arg10[%swap3A_251], %swap3A_254 {strides = array<i32>} : memref<80xi32, #tpu.memory_space<vmem>>, vector<16xi32>,
        %get3A_255 = arith.constant 1 : i32
        %get3A_256 = arith.index_cast %get3A_255 : i32 to index
        %get3A_257 = arith.constant 64 : index
        %get3A_258 = tpu.vector_load %arg6[%get3A_256, %get3A_257] {strides = array<i32>} : memref<2x80xi32, #tpu.memory_space<vmem>>, vector<1x16xi32>,
        %get3A_259 = vector.shape_cast %get3A_258 : vector<1x16xi32> to vector<16xi32>
        %swap3A_260 = arith.constant 64 : index
        %swap3A_261 = tpu.vector_load %arg10[%swap3A_260] {strides = array<i32>} : memref<80xi32, #tpu.memory_space<vmem>>, vector<16xi32>,
        %swap3A_262 = vector.shape_cast %swap3A_261 : vector<16xi32> to vector<16xi32>
        %swap3A_263 = vector.shape_cast %get3A_259 : vector<16xi32> to vector<16xi32>
        tpu.vector_store %arg10[%swap3A_260], %swap3A_263 {strides = array<i32>} : memref<80xi32, #tpu.memory_space<vmem>>, vector<16xi32>,
        %dma_start3A_264 = arith.constant 0 : i32
        %dma_start3A_265 = arith.constant 0 : i32
        %dma_start3A_266 = tpu.memref_slice %arg15[%dma_start3A_264, %dma_start3A_265] : memref<10000x128xf32, #tpu.memory_space<vmem_shared>> -> memref<10000x128xf32, #tpu.memory_space<vmem_shared>>
        tpu.enqueue_indirect_dma source(%arg12 : memref<80x128xf32, #tpu.memory_space<vmem>>) target(%dma_start3A_266 : memref<10000x128xf32, #tpu.memory_space<vmem_shared>>) offsets(%arg10 : memref<80xi32, #tpu.memory_space<vmem>>) semaphore(%arg25 : memref<!tpu.dma_semaphore, #tpu.memory_space<semaphore_mem>>) {add = true}
        %add3A_267 = arith.constant 4 : i32
        %add3A_268 = arith.addi %add3A_199, %add3A_267 : i32
        %lt3A_269 = arith.constant 125 : i32
        %lt3A_270 = arith.cmpi slt, %add3A_268, %lt3A_269 : i32
        %convert_element_type3A_271 = arith.extui %lt3A_270 : i1 to i32
        %cond3A_272 = arith.constant 0 : i32
        %cond3A_273 = arith.cmpi ne, %convert_element_type3A_271, %cond3A_272 : i32
        scf.if %cond3A_273 {
          %add3A_274 = arith.addi %mul3A_2, %add3A_199 : i32
          %add3A_275 = arith.constant 4 : i32
          %add3A_276 = arith.addi %add3A_274, %add3A_275 : i32
          %dma_start3A_277 = arith.constant 0 : i32
          %dma_start3A_278 = arith.constant 0 : i32
          %dma_start3A_279 = tpu.memref_slice %arg3[%add3A_276, %dma_start3A_277, %dma_start3A_278] : memref<4000x2x80xi32, #tpu.memory_space<hbm>> -> memref<1x2x80xi32, #tpu.memory_space<hbm>>
          %dma_start3A_280 = tpu.memref_squeeze %dma_start3A_279 : memref<1x2x80xi32, #tpu.memory_space<hbm>> -> memref<2x80xi32, #tpu.memory_space<hbm>>
          %dma_start3A_281 = arith.constant 0 : i32
          %dma_start3A_282 = arith.constant 0 : i32
          %dma_start3A_283 = tpu.memref_slice %arg3[%add3A_276, %dma_start3A_281, %dma_start3A_282] : memref<4000x2x80xi32, #tpu.memory_space<hbm>> -> memref<1x2x80xi32, #tpu.memory_space<hbm>>
          %dma_start3A_284 = tpu.memref_squeeze %dma_start3A_283 : memref<1x2x80xi32, #tpu.memory_space<hbm>> -> memref<2x80xi32, #tpu.memory_space<hbm>>
          tpu.enqueue_dma source(%dma_start3A_284 : memref<2x80xi32, #tpu.memory_space<hbm>>) target(%arg6 : memref<2x80xi32, #tpu.memory_space<vmem>>) target_semaphore(%arg17 : memref<!tpu.dma_semaphore, #tpu.memory_space<semaphore_mem>>)
        } else {
        }
      } else {
      }
      %add3A_184 = arith.constant 2 : i32
      %add3A_185 = arith.addi %mul3A_108, %add3A_184 : i32
      %lt3A_186 = arith.constant 125 : i32
      %lt3A_187 = arith.cmpi slt, %add3A_185, %lt3A_186 : i32
      %convert_element_type3A_188 = arith.extui %lt3A_187 : i1 to i32
      %cond3A_189 = arith.constant 0 : i32
      %cond3A_190 = arith.cmpi ne, %convert_element_type3A_188, %cond3A_189 : i32
      scf.if %cond3A_190 {
        %add3A_198 = arith.constant 2 : i32
        %add3A_199 = arith.addi %mul3A_108, %add3A_198 : i32
        %ge3A_200 = arith.constant 2 : i32
        %ge3A_201 = arith.cmpi sge, %add3A_199, %ge3A_200 : i32
        %convert_element_type3A_202 = arith.extui %ge3A_201 : i1 to i32
        %cond3A_203 = arith.constant 0 : i32
        %cond3A_204 = arith.cmpi ne, %convert_element_type3A_202, %cond3A_203 : i32
        scf.if %cond3A_204 {
          %dma_wait3A_274 = arith.constant 0 : i32
          %dma_wait3A_275 = arith.constant 0 : i32
          %dma_wait3A_276 = tpu.memref_slice %arg15[%dma_wait3A_274, %dma_wait3A_275] : memref<10000x128xf32, #tpu.memory_space<vmem_shared>> -> memref<10000x128xf32, #tpu.memory_space<vmem_shared>>
          tpu.wait_indirect_dma semaphore(%arg24 : memref<!tpu.dma_semaphore, #tpu.memory_space<semaphore_mem>>) src(%arg11 : memref<80x128xf32, #tpu.memory_space<vmem>>) dst(%dma_wait3A_276 : memref<10000x128xf32, #tpu.memory_space<vmem_shared>>)
        } else {
        }
        %add3A_205 = arith.constant 2 : i32
        %add3A_206 = arith.addi %add3A_199, %add3A_205 : i32
        %lt3A_207 = arith.constant 125 : i32
        %lt3A_208 = arith.cmpi slt, %add3A_206, %lt3A_207 : i32
        %convert_element_type3A_209 = arith.extui %lt3A_208 : i1 to i32
        %cond3A_210 = arith.constant 0 : i32
        %cond3A_211 = arith.cmpi ne, %convert_element_type3A_209, %cond3A_210 : i32
        scf.if %cond3A_211 {
          %add3A_274 = arith.addi %mul3A_2, %add3A_199 : i32
          %add3A_275 = arith.constant 2 : i32
          %add3A_276 = arith.addi %add3A_274, %add3A_275 : i32
          %dma_wait3A_277 = arith.constant 0 : i32
          %dma_wait3A_278 = arith.constant 0 : i32
          %dma_wait3A_279 = tpu.memref_slice %arg3[%add3A_276, %dma_wait3A_277, %dma_wait3A_278] : memref<4000x2x80xi32, #tpu.memory_space<hbm>> -> memref<1x2x80xi32, #tpu.memory_space<hbm>>
          %dma_wait3A_280 = tpu.memref_squeeze %dma_wait3A_279 : memref<1x2x80xi32, #tpu.memory_space<hbm>> -> memref<2x80xi32, #tpu.memory_space<hbm>>
          %dma_wait3A_281 = arith.constant 0 : i32
          %dma_wait3A_282 = arith.constant 0 : i32
          %dma_wait3A_283 = tpu.memref_slice %arg3[%add3A_276, %dma_wait3A_281, %dma_wait3A_282] : memref<4000x2x80xi32, #tpu.memory_space<hbm>> -> memref<1x2x80xi32, #tpu.memory_space<hbm>>
          %dma_wait3A_284 = tpu.memref_squeeze %dma_wait3A_283 : memref<1x2x80xi32, #tpu.memory_space<hbm>> -> memref<2x80xi32, #tpu.memory_space<hbm>>
          tpu.wait_dma2 semaphore(%arg16 : memref<!tpu.dma_semaphore, #tpu.memory_space<semaphore_mem>>) src(%dma_wait3A_284 : memref<2x80xi32, #tpu.memory_space<hbm>>) dst(%arg5 : memref<2x80xi32, #tpu.memory_space<vmem>>)
          %dma_start3A_285 = arith.constant 0 : i32
          %dma_start3A_286 = arith.constant 0 : i32
          %dma_start3A_287 = tpu.memref_slice %arg5[%dma_start3A_285, %dma_start3A_286] : memref<2x80xi32, #tpu.memory_space<vmem>> -> memref<1x80xi32, #tpu.memory_space<vmem>>
          %dma_start3A_288 = tpu.memref_squeeze %dma_start3A_287 : memref<1x80xi32, #tpu.memory_space<vmem>> -> memref<80xi32, #tpu.memory_space<vmem>>
          %dma_start3A_289 = arith.constant 0 : i32
          %dma_start3A_290 = arith.constant 0 : i32
          %dma_start3A_291 = tpu.memref_slice %arg2[%dma_start3A_289, %dma_start3A_290] : memref<10000x128xf32, #tpu.memory_space<hbm>> -> memref<10000x128xf32, #tpu.memory_space<hbm>>
          tpu.enqueue_indirect_dma source(%dma_start3A_291 : memref<10000x128xf32, #tpu.memory_space<hbm>>) target(%arg11 : memref<80x128xf32, #tpu.memory_space<vmem>>) offsets(%dma_start3A_288 : memref<80xi32, #tpu.memory_space<vmem>>) semaphore(%arg20 : memref<!tpu.dma_semaphore, #tpu.memory_space<semaphore_mem>>)
        } else {
        }
        %dma_wait3A_212 = arith.constant 0 : i32
        %dma_wait3A_213 = arith.constant 0 : i32
        %dma_wait3A_214 = tpu.memref_slice %arg7[%dma_wait3A_212, %dma_wait3A_213] : memref<2x80xi32, #tpu.memory_space<vmem>> -> memref<1x80xi32, #tpu.memory_space<vmem>>
        %dma_wait3A_215 = tpu.memref_squeeze %dma_wait3A_214 : memref<1x80xi32, #tpu.memory_space<vmem>> -> memref<80xi32, #tpu.memory_space<vmem>>
        %dma_wait3A_216 = arith.constant 0 : i32
        %dma_wait3A_217 = arith.constant 0 : i32
        %dma_wait3A_218 = tpu.memref_slice %arg2[%dma_wait3A_216, %dma_wait3A_217] : memref<10000x128xf32, #tpu.memory_space<hbm>> -> memref<10000x128xf32, #tpu.memory_space<hbm>>
        tpu.wait_indirect_dma semaphore(%arg22 : memref<!tpu.dma_semaphore, #tpu.memory_space<semaphore_mem>>) src(%dma_wait3A_218 : memref<10000x128xf32, #tpu.memory_space<hbm>>) dst(%arg13 : memref<80x128xf32, #tpu.memory_space<vmem>>)
        %get3A_219 = arith.constant 1 : i32
        %get3A_220 = arith.index_cast %get3A_219 : i32 to index
        %get3A_221 = arith.constant 0 : index
        %get3A_222 = tpu.vector_load %arg7[%get3A_220, %get3A_221] {strides = array<i32>} : memref<2x80xi32, #tpu.memory_space<vmem>>, vector<1x16xi32>,
        %get3A_223 = vector.shape_cast %get3A_222 : vector<1x16xi32> to vector<16xi32>
        %swap3A_224 = arith.constant 0 : index
        %swap3A_225 = tpu.vector_load %arg9[%swap3A_224] {strides = array<i32>} : memref<80xi32, #tpu.memory_space<vmem>>, vector<16xi32>,
        %swap3A_226 = vector.shape_cast %swap3A_225 : vector<16xi32> to vector<16xi32>
        %swap3A_227 = vector.shape_cast %get3A_223 : vector<16xi32> to vector<16xi32>
        tpu.vector_store %arg9[%swap3A_224], %swap3A_227 {strides = array<i32>} : memref<80xi32, #tpu.memory_space<vmem>>, vector<16xi32>,
        %get3A_228 = arith.constant 1 : i32
        %get3A_229 = arith.index_cast %get3A_228 : i32 to index
        %get3A_230 = arith.constant 16 : index
        %get3A_231 = tpu.vector_load %arg7[%get3A_229, %get3A_230] {strides = array<i32>} : memref<2x80xi32, #tpu.memory_space<vmem>>, vector<1x16xi32>,
        %get3A_232 = vector.shape_cast %get3A_231 : vector<1x16xi32> to vector<16xi32>
        %swap3A_233 = arith.constant 16 : index
        %swap3A_234 = tpu.vector_load %arg9[%swap3A_233] {strides = array<i32>} : memref<80xi32, #tpu.memory_space<vmem>>, vector<16xi32>,
        %swap3A_235 = vector.shape_cast %swap3A_234 : vector<16xi32> to vector<16xi32>
        %swap3A_236 = vector.shape_cast %get3A_232 : vector<16xi32> to vector<16xi32>
        tpu.vector_store %arg9[%swap3A_233], %swap3A_236 {strides = array<i32>} : memref<80xi32, #tpu.memory_space<vmem>>, vector<16xi32>,
        %get3A_237 = arith.constant 1 : i32
        %get3A_238 = arith.index_cast %get3A_237 : i32 to index
        %get3A_239 = arith.constant 32 : index
        %get3A_240 = tpu.vector_load %arg7[%get3A_238, %get3A_239] {strides = array<i32>} : memref<2x80xi32, #tpu.memory_space<vmem>>, vector<1x16xi32>,
        %get3A_241 = vector.shape_cast %get3A_240 : vector<1x16xi32> to vector<16xi32>
        %swap3A_242 = arith.constant 32 : index
        %swap3A_243 = tpu.vector_load %arg9[%swap3A_242] {strides = array<i32>} : memref<80xi32, #tpu.memory_space<vmem>>, vector<16xi32>,
        %swap3A_244 = vector.shape_cast %swap3A_243 : vector<16xi32> to vector<16xi32>
        %swap3A_245 = vector.shape_cast %get3A_241 : vector<16xi32> to vector<16xi32>
        tpu.vector_store %arg9[%swap3A_242], %swap3A_245 {strides = array<i32>} : memref<80xi32, #tpu.memory_space<vmem>>, vector<16xi32>,
        %get3A_246 = arith.constant 1 : i32
        %get3A_247 = arith.index_cast %get3A_246 : i32 to index
        %get3A_248 = arith.constant 48 : index
        %get3A_249 = tpu.vector_load %arg7[%get3A_247, %get3A_248] {strides = array<i32>} : memref<2x80xi32, #tpu.memory_space<vmem>>, vector<1x16xi32>,
        %get3A_250 = vector.shape_cast %get3A_249 : vector<1x16xi32> to vector<16xi32>
        %swap3A_251 = arith.constant 48 : index
        %swap3A_252 = tpu.vector_load %arg9[%swap3A_251] {strides = array<i32>} : memref<80xi32, #tpu.memory_space<vmem>>, vector<16xi32>,
        %swap3A_253 = vector.shape_cast %swap3A_252 : vector<16xi32> to vector<16xi32>
        %swap3A_254 = vector.shape_cast %get3A_250 : vector<16xi32> to vector<16xi32>
        tpu.vector_store %arg9[%swap3A_251], %swap3A_254 {strides = array<i32>} : memref<80xi32, #tpu.memory_space<vmem>>, vector<16xi32>,
        %get3A_255 = arith.constant 1 : i32
        %get3A_256 = arith.index_cast %get3A_255 : i32 to index
        %get3A_257 = arith.constant 64 : index
        %get3A_258 = tpu.vector_load %arg7[%get3A_256, %get3A_257] {strides = array<i32>} : memref<2x80xi32, #tpu.memory_space<vmem>>, vector<1x16xi32>,
        %get3A_259 = vector.shape_cast %get3A_258 : vector<1x16xi32> to vector<16xi32>
        %swap3A_260 = arith.constant 64 : index
        %swap3A_261 = tpu.vector_load %arg9[%swap3A_260] {strides = array<i32>} : memref<80xi32, #tpu.memory_space<vmem>>, vector<16xi32>,
        %swap3A_262 = vector.shape_cast %swap3A_261 : vector<16xi32> to vector<16xi32>
        %swap3A_263 = vector.shape_cast %get3A_259 : vector<16xi32> to vector<16xi32>
        tpu.vector_store %arg9[%swap3A_260], %swap3A_263 {strides = array<i32>} : memref<80xi32, #tpu.memory_space<vmem>>, vector<16xi32>,
        %dma_start3A_264 = arith.constant 0 : i32
        %dma_start3A_265 = arith.constant 0 : i32
        %dma_start3A_266 = tpu.memref_slice %arg15[%dma_start3A_264, %dma_start3A_265] : memref<10000x128xf32, #tpu.memory_space<vmem_shared>> -> memref<10000x128xf32, #tpu.memory_space<vmem_shared>>
        tpu.enqueue_indirect_dma source(%arg13 : memref<80x128xf32, #tpu.memory_space<vmem>>) target(%dma_start3A_266 : memref<10000x128xf32, #tpu.memory_space<vmem_shared>>) offsets(%arg9 : memref<80xi32, #tpu.memory_space<vmem>>) semaphore(%arg24 : memref<!tpu.dma_semaphore, #tpu.memory_space<semaphore_mem>>) {add = true}
        %add3A_267 = arith.constant 4 : i32
        %add3A_268 = arith.addi %add3A_199, %add3A_267 : i32
        %lt3A_269 = arith.constant 125 : i32
        %lt3A_270 = arith.cmpi slt, %add3A_268, %lt3A_269 : i32
        %convert_element_type3A_271 = arith.extui %lt3A_270 : i1 to i32
        %cond3A_272 = arith.constant 0 : i32
        %cond3A_273 = arith.cmpi ne, %convert_element_type3A_271, %cond3A_272 : i32
        scf.if %cond3A_273 {
          %add3A_274 = arith.addi %mul3A_2, %add3A_199 : i32
          %add3A_275 = arith.constant 4 : i32
          %add3A_276 = arith.addi %add3A_274, %add3A_275 : i32
          %dma_start3A_277 = arith.constant 0 : i32
          %dma_start3A_278 = arith.constant 0 : i32
          %dma_start3A_279 = tpu.memref_slice %arg3[%add3A_276, %dma_start3A_277, %dma_start3A_278] : memref<4000x2x80xi32, #tpu.memory_space<hbm>> -> memref<1x2x80xi32, #tpu.memory_space<hbm>>
          %dma_start3A_280 = tpu.memref_squeeze %dma_start3A_279 : memref<1x2x80xi32, #tpu.memory_space<hbm>> -> memref<2x80xi32, #tpu.memory_space<hbm>>
          %dma_start3A_281 = arith.constant 0 : i32
          %dma_start3A_282 = arith.constant 0 : i32
          %dma_start3A_283 = tpu.memref_slice %arg3[%add3A_276, %dma_start3A_281, %dma_start3A_282] : memref<4000x2x80xi32, #tpu.memory_space<hbm>> -> memref<1x2x80xi32, #tpu.memory_space<hbm>>
          %dma_start3A_284 = tpu.memref_squeeze %dma_start3A_283 : memref<1x2x80xi32, #tpu.memory_space<hbm>> -> memref<2x80xi32, #tpu.memory_space<hbm>>
          tpu.enqueue_dma source(%dma_start3A_284 : memref<2x80xi32, #tpu.memory_space<hbm>>) target(%arg7 : memref<2x80xi32, #tpu.memory_space<vmem>>) target_semaphore(%arg18 : memref<!tpu.dma_semaphore, #tpu.memory_space<semaphore_mem>>)
        } else {
        }
      } else {
      }
      %add3A_191 = arith.constant 3 : i32
      %add3A_192 = arith.addi %mul3A_108, %add3A_191 : i32
      %lt3A_193 = arith.constant 125 : i32
      %lt3A_194 = arith.cmpi slt, %add3A_192, %lt3A_193 : i32
      %convert_element_type3A_195 = arith.extui %lt3A_194 : i1 to i32
      %cond3A_196 = arith.constant 0 : i32
      %cond3A_197 = arith.cmpi ne, %convert_element_type3A_195, %cond3A_196 : i32
      scf.if %cond3A_197 {
        %add3A_198 = arith.constant 3 : i32
        %add3A_199 = arith.addi %mul3A_108, %add3A_198 : i32
        %ge3A_200 = arith.constant 2 : i32
        %ge3A_201 = arith.cmpi sge, %add3A_199, %ge3A_200 : i32
        %convert_element_type3A_202 = arith.extui %ge3A_201 : i1 to i32
        %cond3A_203 = arith.constant 0 : i32
        %cond3A_204 = arith.cmpi ne, %convert_element_type3A_202, %cond3A_203 : i32
        scf.if %cond3A_204 {
          %dma_wait3A_274 = arith.constant 0 : i32
          %dma_wait3A_275 = arith.constant 0 : i32
          %dma_wait3A_276 = tpu.memref_slice %arg15[%dma_wait3A_274, %dma_wait3A_275] : memref<10000x128xf32, #tpu.memory_space<vmem_shared>> -> memref<10000x128xf32, #tpu.memory_space<vmem_shared>>
          tpu.wait_indirect_dma semaphore(%arg25 : memref<!tpu.dma_semaphore, #tpu.memory_space<semaphore_mem>>) src(%arg12 : memref<80x128xf32, #tpu.memory_space<vmem>>) dst(%dma_wait3A_276 : memref<10000x128xf32, #tpu.memory_space<vmem_shared>>)
        } else {
        }
        %add3A_205 = arith.constant 2 : i32
        %add3A_206 = arith.addi %add3A_199, %add3A_205 : i32
        %lt3A_207 = arith.constant 125 : i32
        %lt3A_208 = arith.cmpi slt, %add3A_206, %lt3A_207 : i32
        %convert_element_type3A_209 = arith.extui %lt3A_208 : i1 to i32
        %cond3A_210 = arith.constant 0 : i32
        %cond3A_211 = arith.cmpi ne, %convert_element_type3A_209, %cond3A_210 : i32
        scf.if %cond3A_211 {
          %add3A_274 = arith.addi %mul3A_2, %add3A_199 : i32
          %add3A_275 = arith.constant 2 : i32
          %add3A_276 = arith.addi %add3A_274, %add3A_275 : i32
          %dma_wait3A_277 = arith.constant 0 : i32
          %dma_wait3A_278 = arith.constant 0 : i32
          %dma_wait3A_279 = tpu.memref_slice %arg3[%add3A_276, %dma_wait3A_277, %dma_wait3A_278] : memref<4000x2x80xi32, #tpu.memory_space<hbm>> -> memref<1x2x80xi32, #tpu.memory_space<hbm>>
          %dma_wait3A_280 = tpu.memref_squeeze %dma_wait3A_279 : memref<1x2x80xi32, #tpu.memory_space<hbm>> -> memref<2x80xi32, #tpu.memory_space<hbm>>
          %dma_wait3A_281 = arith.constant 0 : i32
          %dma_wait3A_282 = arith.constant 0 : i32
          %dma_wait3A_283 = tpu.memref_slice %arg3[%add3A_276, %dma_wait3A_281, %dma_wait3A_282] : memref<4000x2x80xi32, #tpu.memory_space<hbm>> -> memref<1x2x80xi32, #tpu.memory_space<hbm>>
          %dma_wait3A_284 = tpu.memref_squeeze %dma_wait3A_283 : memref<1x2x80xi32, #tpu.memory_space<hbm>> -> memref<2x80xi32, #tpu.memory_space<hbm>>
          tpu.wait_dma2 semaphore(%arg17 : memref<!tpu.dma_semaphore, #tpu.memory_space<semaphore_mem>>) src(%dma_wait3A_284 : memref<2x80xi32, #tpu.memory_space<hbm>>) dst(%arg6 : memref<2x80xi32, #tpu.memory_space<vmem>>)
          %dma_start3A_285 = arith.constant 0 : i32
          %dma_start3A_286 = arith.constant 0 : i32
          %dma_start3A_287 = tpu.memref_slice %arg6[%dma_start3A_285, %dma_start3A_286] : memref<2x80xi32, #tpu.memory_space<vmem>> -> memref<1x80xi32, #tpu.memory_space<vmem>>
          %dma_start3A_288 = tpu.memref_squeeze %dma_start3A_287 : memref<1x80xi32, #tpu.memory_space<vmem>> -> memref<80xi32, #tpu.memory_space<vmem>>
          %dma_start3A_289 = arith.constant 0 : i32
          %dma_start3A_290 = arith.constant 0 : i32
          %dma_start3A_291 = tpu.memref_slice %arg2[%dma_start3A_289, %dma_start3A_290] : memref<10000x128xf32, #tpu.memory_space<hbm>> -> memref<10000x128xf32, #tpu.memory_space<hbm>>
          tpu.enqueue_indirect_dma source(%dma_start3A_291 : memref<10000x128xf32, #tpu.memory_space<hbm>>) target(%arg12 : memref<80x128xf32, #tpu.memory_space<vmem>>) offsets(%dma_start3A_288 : memref<80xi32, #tpu.memory_space<vmem>>) semaphore(%arg21 : memref<!tpu.dma_semaphore, #tpu.memory_space<semaphore_mem>>)
        } else {
        }
        %dma_wait3A_212 = arith.constant 0 : i32
        %dma_wait3A_213 = arith.constant 0 : i32
        %dma_wait3A_214 = tpu.memref_slice %arg8[%dma_wait3A_212, %dma_wait3A_213] : memref<2x80xi32, #tpu.memory_space<vmem>> -> memref<1x80xi32, #tpu.memory_space<vmem>>
        %dma_wait3A_215 = tpu.memref_squeeze %dma_wait3A_214 : memref<1x80xi32, #tpu.memory_space<vmem>> -> memref<80xi32, #tpu.memory_space<vmem>>
        %dma_wait3A_216 = arith.constant 0 : i32
        %dma_wait3A_217 = arith.constant 0 : i32
        %dma_wait3A_218 = tpu.memref_slice %arg2[%dma_wait3A_216, %dma_wait3A_217] : memref<10000x128xf32, #tpu.memory_space<hbm>> -> memref<10000x128xf32, #tpu.memory_space<hbm>>
        tpu.wait_indirect_dma semaphore(%arg23 : memref<!tpu.dma_semaphore, #tpu.memory_space<semaphore_mem>>) src(%dma_wait3A_218 : memref<10000x128xf32, #tpu.memory_space<hbm>>) dst(%arg14 : memref<80x128xf32, #tpu.memory_space<vmem>>)
        %get3A_219 = arith.constant 1 : i32
        %get3A_220 = arith.index_cast %get3A_219 : i32 to index
        %get3A_221 = arith.constant 0 : index
        %get3A_222 = tpu.vector_load %arg8[%get3A_220, %get3A_221] {strides = array<i32>} : memref<2x80xi32, #tpu.memory_space<vmem>>, vector<1x16xi32>,
        %get3A_223 = vector.shape_cast %get3A_222 : vector<1x16xi32> to vector<16xi32>
        %swap3A_224 = arith.constant 0 : index
        %swap3A_225 = tpu.vector_load %arg10[%swap3A_224] {strides = array<i32>} : memref<80xi32, #tpu.memory_space<vmem>>, vector<16xi32>,
        %swap3A_226 = vector.shape_cast %swap3A_225 : vector<16xi32> to vector<16xi32>
        %swap3A_227 = vector.shape_cast %get3A_223 : vector<16xi32> to vector<16xi32>
        tpu.vector_store %arg10[%swap3A_224], %swap3A_227 {strides = array<i32>} : memref<80xi32, #tpu.memory_space<vmem>>, vector<16xi32>,
        %get3A_228 = arith.constant 1 : i32
        %get3A_229 = arith.index_cast %get3A_228 : i32 to index
        %get3A_230 = arith.constant 16 : index
        %get3A_231 = tpu.vector_load %arg8[%get3A_229, %get3A_230] {strides = array<i32>} : memref<2x80xi32, #tpu.memory_space<vmem>>, vector<1x16xi32>,
        %get3A_232 = vector.shape_cast %get3A_231 : vector<1x16xi32> to vector<16xi32>
        %swap3A_233 = arith.constant 16 : index
        %swap3A_234 = tpu.vector_load %arg10[%swap3A_233] {strides = array<i32>} : memref<80xi32, #tpu.memory_space<vmem>>, vector<16xi32>,
        %swap3A_235 = vector.shape_cast %swap3A_234 : vector<16xi32> to vector<16xi32>
        %swap3A_236 = vector.shape_cast %get3A_232 : vector<16xi32> to vector<16xi32>
        tpu.vector_store %arg10[%swap3A_233], %swap3A_236 {strides = array<i32>} : memref<80xi32, #tpu.memory_space<vmem>>, vector<16xi32>,
        %get3A_237 = arith.constant 1 : i32
        %get3A_238 = arith.index_cast %get3A_237 : i32 to index
        %get3A_239 = arith.constant 32 : index
        %get3A_240 = tpu.vector_load %arg8[%get3A_238, %get3A_239] {strides = array<i32>} : memref<2x80xi32, #tpu.memory_space<vmem>>, vector<1x16xi32>,
        %get3A_241 = vector.shape_cast %get3A_240 : vector<1x16xi32> to vector<16xi32>
        %swap3A_242 = arith.constant 32 : index
        %swap3A_243 = tpu.vector_load %arg10[%swap3A_242] {strides = array<i32>} : memref<80xi32, #tpu.memory_space<vmem>>, vector<16xi32>,
        %swap3A_244 = vector.shape_cast %swap3A_243 : vector<16xi32> to vector<16xi32>
        %swap3A_245 = vector.shape_cast %get3A_241 : vector<16xi32> to vector<16xi32>
        tpu.vector_store %arg10[%swap3A_242], %swap3A_245 {strides = array<i32>} : memref<80xi32, #tpu.memory_space<vmem>>, vector<16xi32>,
        %get3A_246 = arith.constant 1 : i32
        %get3A_247 = arith.index_cast %get3A_246 : i32 to index
        %get3A_248 = arith.constant 48 : index
        %get3A_249 = tpu.vector_load %arg8[%get3A_247, %get3A_248] {strides = array<i32>} : memref<2x80xi32, #tpu.memory_space<vmem>>, vector<1x16xi32>,
        %get3A_250 = vector.shape_cast %get3A_249 : vector<1x16xi32> to vector<16xi32>
        %swap3A_251 = arith.constant 48 : index
        %swap3A_252 = tpu.vector_load %arg10[%swap3A_251] {strides = array<i32>} : memref<80xi32, #tpu.memory_space<vmem>>, vector<16xi32>,
        %swap3A_253 = vector.shape_cast %swap3A_252 : vector<16xi32> to vector<16xi32>
        %swap3A_254 = vector.shape_cast %get3A_250 : vector<16xi32> to vector<16xi32>
        tpu.vector_store %arg10[%swap3A_251], %swap3A_254 {strides = array<i32>} : memref<80xi32, #tpu.memory_space<vmem>>, vector<16xi32>,
        %get3A_255 = arith.constant 1 : i32
        %get3A_256 = arith.index_cast %get3A_255 : i32 to index
        %get3A_257 = arith.constant 64 : index
        %get3A_258 = tpu.vector_load %arg8[%get3A_256, %get3A_257] {strides = array<i32>} : memref<2x80xi32, #tpu.memory_space<vmem>>, vector<1x16xi32>,
        %get3A_259 = vector.shape_cast %get3A_258 : vector<1x16xi32> to vector<16xi32>
        %swap3A_260 = arith.constant 64 : index
        %swap3A_261 = tpu.vector_load %arg10[%swap3A_260] {strides = array<i32>} : memref<80xi32, #tpu.memory_space<vmem>>, vector<16xi32>,
        %swap3A_262 = vector.shape_cast %swap3A_261 : vector<16xi32> to vector<16xi32>
        %swap3A_263 = vector.shape_cast %get3A_259 : vector<16xi32> to vector<16xi32>
        tpu.vector_store %arg10[%swap3A_260], %swap3A_263 {strides = array<i32>} : memref<80xi32, #tpu.memory_space<vmem>>, vector<16xi32>,
        %dma_start3A_264 = arith.constant 0 : i32
        %dma_start3A_265 = arith.constant 0 : i32
        %dma_start3A_266 = tpu.memref_slice %arg15[%dma_start3A_264, %dma_start3A_265] : memref<10000x128xf32, #tpu.memory_space<vmem_shared>> -> memref<10000x128xf32, #tpu.memory_space<vmem_shared>>
        tpu.enqueue_indirect_dma source(%arg14 : memref<80x128xf32, #tpu.memory_space<vmem>>) target(%dma_start3A_266 : memref<10000x128xf32, #tpu.memory_space<vmem_shared>>) offsets(%arg10 : memref<80xi32, #tpu.memory_space<vmem>>) semaphore(%arg25 : memref<!tpu.dma_semaphore, #tpu.memory_space<semaphore_mem>>) {add = true}
        %add3A_267 = arith.constant 4 : i32
        %add3A_268 = arith.addi %add3A_199, %add3A_267 : i32
        %lt3A_269 = arith.constant 125 : i32
        %lt3A_270 = arith.cmpi slt, %add3A_268, %lt3A_269 : i32
        %convert_element_type3A_271 = arith.extui %lt3A_270 : i1 to i32
        %cond3A_272 = arith.constant 0 : i32
        %cond3A_273 = arith.cmpi ne, %convert_element_type3A_271, %cond3A_272 : i32
        scf.if %cond3A_273 {
          %add3A_274 = arith.addi %mul3A_2, %add3A_199 : i32
          %add3A_275 = arith.constant 4 : i32
          %add3A_276 = arith.addi %add3A_274, %add3A_275 : i32
          %dma_start3A_277 = arith.constant 0 : i32
          %dma_start3A_278 = arith.constant 0 : i32
          %dma_start3A_279 = tpu.memref_slice %arg3[%add3A_276, %dma_start3A_277, %dma_start3A_278] : memref<4000x2x80xi32, #tpu.memory_space<hbm>> -> memref<1x2x80xi32, #tpu.memory_space<hbm>>
          %dma_start3A_280 = tpu.memref_squeeze %dma_start3A_279 : memref<1x2x80xi32, #tpu.memory_space<hbm>> -> memref<2x80xi32, #tpu.memory_space<hbm>>
          %dma_start3A_281 = arith.constant 0 : i32
          %dma_start3A_282 = arith.constant 0 : i32
          %dma_start3A_283 = tpu.memref_slice %arg3[%add3A_276, %dma_start3A_281, %dma_start3A_282] : memref<4000x2x80xi32, #tpu.memory_space<hbm>> -> memref<1x2x80xi32, #tpu.memory_space<hbm>>
          %dma_start3A_284 = tpu.memref_squeeze %dma_start3A_283 : memref<1x2x80xi32, #tpu.memory_space<hbm>> -> memref<2x80xi32, #tpu.memory_space<hbm>>
          tpu.enqueue_dma source(%dma_start3A_284 : memref<2x80xi32, #tpu.memory_space<hbm>>) target(%arg8 : memref<2x80xi32, #tpu.memory_space<vmem>>) target_semaphore(%arg19 : memref<!tpu.dma_semaphore, #tpu.memory_space<semaphore_mem>>)
        } else {
        }
      } else {
      }
    }
    %scan3A_92 = arith.constant 32 : i32
    %dma_wait3A_93 = arith.constant 0 : i32
    %dma_wait3A_94 = arith.constant 0 : i32
    %dma_wait3A_95 = tpu.memref_slice %arg15[%dma_wait3A_93, %dma_wait3A_94] : memref<10000x128xf32, #tpu.memory_space<vmem_shared>> -> memref<10000x128xf32, #tpu.memory_space<vmem_shared>>
    tpu.wait_indirect_dma semaphore(%arg25 : memref<!tpu.dma_semaphore, #tpu.memory_space<semaphore_mem>>) src(%arg14 : memref<80x128xf32, #tpu.memory_space<vmem>>) dst(%dma_wait3A_95 : memref<10000x128xf32, #tpu.memory_space<vmem_shared>>)
    %dma_wait3A_96 = arith.constant 0 : i32
    %dma_wait3A_97 = arith.constant 0 : i32
    %dma_wait3A_98 = tpu.memref_slice %arg15[%dma_wait3A_96, %dma_wait3A_97] : memref<10000x128xf32, #tpu.memory_space<vmem_shared>> -> memref<10000x128xf32, #tpu.memory_space<vmem_shared>>
    tpu.wait_indirect_dma semaphore(%arg24 : memref<!tpu.dma_semaphore, #tpu.memory_space<semaphore_mem>>) src(%arg11 : memref<80x128xf32, #tpu.memory_space<vmem>>) dst(%dma_wait3A_98 : memref<10000x128xf32, #tpu.memory_space<vmem_shared>>)
    %barrier3A_99 = arith.constant 0 : index
    tpu.barrier barrier_id(%barrier3A_99)
    %scan3A_100 = arith.constant 0 : i32
    %scan3A_101 = arith.constant 0 : i32
    %scan3A_102 = arith.constant 8 : i32
    %scan3A_103 = arith.addi %scan3A_101, %scan3A_102 : i32
    %scan3A_104 = arith.constant 1 : i32
    scf.for %scan3A_106 = %scan3A_101 to %scan3A_103 step %scan3A_104  : i32 {
      %mul3A_107 = arith.constant 16 : i32
      %mul3A_108 = arith.muli %mul3A_107, %scan3A_106 : i32
      %add3A_109 = arith.addi %arg1, %mul3A_108 : i32
      %lt3A = arith.constant 125 : i32
      %lt3A_110 = arith.cmpi slt, %add3A_109, %lt3A : i32
      %convert_element_type3A = arith.extui %lt3A_110 : i1 to i32
      %cond3A = arith.constant 0 : i32
      %cond3A_111 = arith.cmpi ne, %convert_element_type3A, %cond3A : i32
      scf.if %cond3A_111 {
        %mul3A_112 = arith.constant 80 : i32
        %mul3A_113 = arith.muli %add3A_109, %mul3A_112 : i32
        "tpu.region"() ({
          %run_scoped3A = tpu.sem_alloc : memref<!tpu.dma_semaphore, #tpu.memory_space<semaphore_mem>>
          %dma_start3A_116 = arith.constant 0 : i32
          %dma_start3A_117 = arith.constant 0 : i32
          %dma_start3A_118 = tpu.memref_slice %arg11[%dma_start3A_116, %dma_start3A_117] : memref<80x128xf32, #tpu.memory_space<vmem>> -> memref<80x128xf32, #tpu.memory_space<vmem>>
          %dma_start3A_119 = arith.constant 0 : i32
          %dma_start3A_120 = tpu.memref_slice %arg15[%mul3A_113, %dma_start3A_119] : memref<10000x128xf32, #tpu.memory_space<vmem_shared>> -> memref<80x128xf32, #tpu.memory_space<vmem_shared>>
          %dma_start3A_121 = arith.constant 0 : i32
          %dma_start3A_122 = arith.constant 0 : i32
          %dma_start3A_123 = tpu.memref_slice %arg11[%dma_start3A_121, %dma_start3A_122] : memref<80x128xf32, #tpu.memory_space<vmem>> -> memref<80x128xf32, #tpu.memory_space<vmem>>
          %dma_start3A_124 = arith.constant 0 : i32
          %dma_start3A_125 = tpu.memref_slice %arg15[%mul3A_113, %dma_start3A_124] : memref<10000x128xf32, #tpu.memory_space<vmem_shared>> -> memref<80x128xf32, #tpu.memory_space<vmem_shared>>
          tpu.enqueue_dma source(%dma_start3A_125 : memref<80x128xf32, #tpu.memory_space<vmem_shared>>) target(%dma_start3A_123 : memref<80x128xf32, #tpu.memory_space<vmem>>) target_semaphore(%run_scoped3A : memref<!tpu.dma_semaphore, #tpu.memory_space<semaphore_mem>>)
          %dma_wait3A_126 = arith.constant 0 : i32
          %dma_wait3A_127 = arith.constant 0 : i32
          %dma_wait3A_128 = tpu.memref_slice %arg11[%dma_wait3A_126, %dma_wait3A_127] : memref<80x128xf32, #tpu.memory_space<vmem>> -> memref<80x128xf32, #tpu.memory_space<vmem>>
          %dma_wait3A_129 = arith.constant 0 : i32
          %dma_wait3A_130 = tpu.memref_slice %arg15[%mul3A_113, %dma_wait3A_129] : memref<10000x128xf32, #tpu.memory_space<vmem_shared>> -> memref<80x128xf32, #tpu.memory_space<vmem_shared>>
          %dma_wait3A_131 = arith.constant 0 : i32
          %dma_wait3A_132 = arith.constant 0 : i32
          %dma_wait3A_133 = tpu.memref_slice %arg11[%dma_wait3A_131, %dma_wait3A_132] : memref<80x128xf32, #tpu.memory_space<vmem>> -> memref<80x128xf32, #tpu.memory_space<vmem>>
          %dma_wait3A_134 = arith.constant 0 : i32
          %dma_wait3A_135 = tpu.memref_slice %arg15[%mul3A_113, %dma_wait3A_134] : memref<10000x128xf32, #tpu.memory_space<vmem_shared>> -> memref<80x128xf32, #tpu.memory_space<vmem_shared>>
          tpu.wait_dma2 semaphore(%run_scoped3A : memref<!tpu.dma_semaphore, #tpu.memory_space<semaphore_mem>>) src(%dma_wait3A_135 : memref<80x128xf32, #tpu.memory_space<vmem_shared>>) dst(%dma_wait3A_133 : memref<80x128xf32, #tpu.memory_space<vmem>>)
          tpu.yield
        }) : () -> ()
        %mul3A_114 = arith.constant 80 : i32
        %mul3A_115 = arith.muli %add3A_109, %mul3A_114 : i32
        "tpu.region"() ({
          %run_scoped3A = tpu.sem_alloc : memref<!tpu.dma_semaphore, #tpu.memory_space<semaphore_mem>>
          %dma_start3A_116 = arith.constant 0 : i32
          %dma_start3A_117 = arith.constant 0 : i32
          %dma_start3A_118 = tpu.memref_slice %arg11[%dma_start3A_116, %dma_start3A_117] : memref<80x128xf32, #tpu.memory_space<vmem>> -> memref<80x128xf32, #tpu.memory_space<vmem>>
          %dma_start3A_119 = arith.constant 0 : i32
          %dma_start3A_120 = arith.constant 0 : i32
          %dma_start3A_121 = tpu.memref_slice %arg4[%arg0, %dma_start3A_119, %dma_start3A_120] : memref<2x10000x128xf32, #tpu.memory_space<hbm>> -> memref<1x10000x128xf32, #tpu.memory_space<hbm>>
          %dma_start3A_122 = tpu.memref_squeeze %dma_start3A_121 : memref<1x10000x128xf32, #tpu.memory_space<hbm>> -> memref<10000x128xf32, #tpu.memory_space<hbm>>
          %dma_start3A_123 = arith.constant 0 : i32
          %dma_start3A_124 = tpu.memref_slice %dma_start3A_122[%mul3A_115, %dma_start3A_123] : memref<10000x128xf32, #tpu.memory_space<hbm>> -> memref<80x128xf32, #tpu.memory_space<hbm>>
          %dma_start3A_125 = arith.constant 0 : i32
          %dma_start3A_126 = arith.constant 0 : i32
          %dma_start3A_127 = tpu.memref_slice %arg4[%arg0, %dma_start3A_125, %dma_start3A_126] : memref<2x10000x128xf32, #tpu.memory_space<hbm>> -> memref<1x10000x128xf32, #tpu.memory_space<hbm>>
          %dma_start3A_128 = tpu.memref_squeeze %dma_start3A_127 : memref<1x10000x128xf32, #tpu.memory_space<hbm>> -> memref<10000x128xf32, #tpu.memory_space<hbm>>
          %dma_start3A_129 = arith.constant 0 : i32
          %dma_start3A_130 = tpu.memref_slice %dma_start3A_128[%mul3A_115, %dma_start3A_129] : memref<10000x128xf32, #tpu.memory_space<hbm>> -> memref<80x128xf32, #tpu.memory_space<hbm>>
          %dma_start3A_131 = arith.constant 0 : i32
          %dma_start3A_132 = arith.constant 0 : i32
          %dma_start3A_133 = tpu.memref_slice %arg11[%dma_start3A_131, %dma_start3A_132] : memref<80x128xf32, #tpu.memory_space<vmem>> -> memref<80x128xf32, #tpu.memory_space<vmem>>
          tpu.enqueue_dma source(%dma_start3A_133 : memref<80x128xf32, #tpu.memory_space<vmem>>) target(%dma_start3A_130 : memref<80x128xf32, #tpu.memory_space<hbm>>) target_semaphore(%run_scoped3A : memref<!tpu.dma_semaphore, #tpu.memory_space<semaphore_mem>>)
          %dma_wait3A_134 = arith.constant 0 : i32
          %dma_wait3A_135 = arith.constant 0 : i32
          %dma_wait3A_136 = tpu.memref_slice %arg11[%dma_wait3A_134, %dma_wait3A_135] : memref<80x128xf32, #tpu.memory_space<vmem>> -> memref<80x128xf32, #tpu.memory_space<vmem>>
          %dma_wait3A_137 = arith.constant 0 : i32
          %dma_wait3A_138 = arith.constant 0 : i32
          %dma_wait3A_139 = tpu.memref_slice %arg4[%arg0, %dma_wait3A_137, %dma_wait3A_138] : memref<2x10000x128xf32, #tpu.memory_space<hbm>> -> memref<1x10000x128xf32, #tpu.memory_space<hbm>>
          %dma_wait3A_140 = tpu.memref_squeeze %dma_wait3A_139 : memref<1x10000x128xf32, #tpu.memory_space<hbm>> -> memref<10000x128xf32, #tpu.memory_space<hbm>>
          %dma_wait3A_141 = arith.constant 0 : i32
          %dma_wait3A_142 = tpu.memref_slice %dma_wait3A_140[%mul3A_115, %dma_wait3A_141] : memref<10000x128xf32, #tpu.memory_space<hbm>> -> memref<80x128xf32, #tpu.memory_space<hbm>>
          %dma_wait3A_143 = arith.constant 0 : i32
          %dma_wait3A_144 = arith.constant 0 : i32
          %dma_wait3A_145 = tpu.memref_slice %arg4[%arg0, %dma_wait3A_143, %dma_wait3A_144] : memref<2x10000x128xf32, #tpu.memory_space<hbm>> -> memref<1x10000x128xf32, #tpu.memory_space<hbm>>
          %dma_wait3A_146 = tpu.memref_squeeze %dma_wait3A_145 : memref<1x10000x128xf32, #tpu.memory_space<hbm>> -> memref<10000x128xf32, #tpu.memory_space<hbm>>
          %dma_wait3A_147 = arith.constant 0 : i32
          %dma_wait3A_148 = tpu.memref_slice %dma_wait3A_146[%mul3A_115, %dma_wait3A_147] : memref<10000x128xf32, #tpu.memory_space<hbm>> -> memref<80x128xf32, #tpu.memory_space<hbm>>
          %dma_wait3A_149 = arith.constant 0 : i32
          %dma_wait3A_150 = arith.constant 0 : i32
          %dma_wait3A_151 = tpu.memref_slice %arg11[%dma_wait3A_149, %dma_wait3A_150] : memref<80x128xf32, #tpu.memory_space<vmem>> -> memref<80x128xf32, #tpu.memory_space<vmem>>
          tpu.wait_dma2 semaphore(%run_scoped3A : memref<!tpu.dma_semaphore, #tpu.memory_space<semaphore_mem>>) src(%dma_wait3A_151 : memref<80x128xf32, #tpu.memory_space<vmem>>) dst(%dma_wait3A_148 : memref<80x128xf32, #tpu.memory_space<hbm>>)
          tpu.yield
        }) : () -> ()
      } else {
      }
    }
    %scan3A_105 = arith.constant 8 : i32
    return
  }
}

#map = affine_map<(d0, d1) -> (0, 0)>
#map1 = affine_map<(d0, d1) -> (0, 0, 0)>
module attributes {stable_mosaic.version = 14 : i64} {
  func.func @pool(%arg0: i32, %arg1: i32, %arg2: memref<10000x128xf32, #tpu.memory_space<hbm>>, %arg3: memref<125x1x80xi32, #tpu.memory_space<hbm>>, %arg4: memref<2x512x128xf32, #tpu.memory_space<hbm>>, %arg5: memref<2x512x128xf32, #tpu.memory_space<hbm>>, %arg6: memref<1x80xi32, #tpu.memory_space<vmem>>, %arg7: memref<80xi32, #tpu.memory_space<vmem>>, %arg8: memref<80x128xf32, #tpu.memory_space<vmem>>, %arg9: memref<80x128xf32, #tpu.memory_space<vmem>>, %arg10: memref<512x128xf32, #tpu.memory_space<vmem_shared>>, %arg11: memref<512x128xf32, #tpu.memory_space<vmem_shared>>) attributes {dimension_semantics = [#tpu.dimension_semantics<core_parallel>, #tpu.dimension_semantics<subcore_parallel>], iteration_bounds = array<i64: 2, 16>, scalar_prefetch = 0 : i64, scratch_operands = 6 : i64, tpu.core_type = #tpu.core_type<sc_vector_subcore>, window_params = [{transform_indices = #map}, {transform_indices = #map1}, {transform_indices = #map1}, {transform_indices = #map1}]} {
    %mul3A = arith.constant 2 : i32
    %mul3A_0 = arith.muli %arg1, %mul3A : i32
    %add3A = arith.addi %mul3A_0, %arg0 : i32
    %broadcast_in_dim3A = arith.constant 0.000000e+00 : f32
    %broadcast_in_dim3A_1 = vector.broadcast %broadcast_in_dim3A : f32 to vector<16xf32>
    %scan3A = arith.constant 0 : i32
    %scan3A_2 = arith.constant 0 : i32
    %scan3A_3 = arith.constant 80 : i32
    %scan3A_4 = arith.addi %scan3A_2, %scan3A_3 : i32
    %scan3A_5 = arith.constant 1 : i32
    scf.for %scan3A_38 = %scan3A_2 to %scan3A_4 step %scan3A_5  : i32 {
      %scan3A_39 = arith.constant 0 : i32
      %scan3A_40 = arith.constant 8 : i32
      %scan3A_41 = arith.addi %scan3A_39, %scan3A_40 : i32
      %scan3A_42 = arith.constant 1 : i32
      scf.for %scan3A_44 = %scan3A_39 to %scan3A_41 step %scan3A_42  : i32 {
        %mul3A_45 = arith.constant 16 : i32
        %mul3A_46 = arith.muli %scan3A_44, %mul3A_45 : i32
        %swap3A = arith.index_cast %scan3A_38 : i32 to index
        %swap3A_47 = arith.index_cast %mul3A_46 : i32 to index
        %swap3A_48 = tpu.vector_load %arg8[%swap3A, %swap3A_47] {strides = array<i32>} : memref<80x128xf32, #tpu.memory_space<vmem>>, vector<1x16xf32>,
        %swap3A_49 = vector.shape_cast %swap3A_48 : vector<1x16xf32> to vector<16xf32>
        %swap3A_50 = vector.shape_cast %broadcast_in_dim3A_1 : vector<16xf32> to vector<1x16xf32>
        tpu.vector_store %arg8[%swap3A, %swap3A_47], %swap3A_50 {strides = array<i32>} : memref<80x128xf32, #tpu.memory_space<vmem>>, vector<1x16xf32>,
      }
      %scan3A_43 = arith.constant 8 : i32
    }
    %scan3A_6 = arith.constant 80 : i32
    %broadcast_in_dim3A_7 = arith.constant 1.000000e+00 : f32
    %broadcast_in_dim3A_8 = vector.broadcast %broadcast_in_dim3A_7 : f32 to vector<16xf32>
    %scan3A_9 = arith.constant 0 : i32
    %scan3A_10 = arith.constant 0 : i32
    %scan3A_11 = arith.constant 80 : i32
    %scan3A_12 = arith.addi %scan3A_10, %scan3A_11 : i32
    %scan3A_13 = arith.constant 1 : i32
    scf.for %scan3A_38 = %scan3A_10 to %scan3A_12 step %scan3A_13  : i32 {
      %scan3A_39 = arith.constant 0 : i32
      %scan3A_40 = arith.constant 8 : i32
      %scan3A_41 = arith.addi %scan3A_39, %scan3A_40 : i32
      %scan3A_42 = arith.constant 1 : i32
      scf.for %scan3A_44 = %scan3A_39 to %scan3A_41 step %scan3A_42  : i32 {
        %mul3A_45 = arith.constant 16 : i32
        %mul3A_46 = arith.muli %scan3A_44, %mul3A_45 : i32
        %swap3A = arith.index_cast %scan3A_38 : i32 to index
        %swap3A_47 = arith.index_cast %mul3A_46 : i32 to index
        %swap3A_48 = tpu.vector_load %arg9[%swap3A, %swap3A_47] {strides = array<i32>} : memref<80x128xf32, #tpu.memory_space<vmem>>, vector<1x16xf32>,
        %swap3A_49 = vector.shape_cast %swap3A_48 : vector<1x16xf32> to vector<16xf32>
        %swap3A_50 = vector.shape_cast %broadcast_in_dim3A_8 : vector<16xf32> to vector<1x16xf32>
        tpu.vector_store %arg9[%swap3A, %swap3A_47], %swap3A_50 {strides = array<i32>} : memref<80x128xf32, #tpu.memory_space<vmem>>, vector<1x16xf32>,
      }
      %scan3A_43 = arith.constant 8 : i32
    }
    %scan3A_14 = arith.constant 80 : i32
    %lt3A = arith.constant 8 : i32
    %lt3A_15 = arith.cmpi slt, %arg1, %lt3A : i32
    %convert_element_type3A = arith.extui %lt3A_15 : i1 to i32
    %cond3A = arith.constant 0 : i32
    %cond3A_16 = arith.cmpi ne, %convert_element_type3A, %cond3A : i32
    scf.if %cond3A_16 {
      %mul3A_38 = arith.constant 64 : i32
      %mul3A_39 = arith.muli %arg1, %mul3A_38 : i32
      "tpu.region"() ({
        %run_scoped3A = tpu.sem_alloc : memref<!tpu.dma_semaphore, #tpu.memory_space<semaphore_mem>>
        %dma_start3A = arith.constant 0 : i32
        %dma_start3A_40 = arith.constant 0 : i32
        %dma_start3A_41 = tpu.memref_slice %arg8[%dma_start3A, %dma_start3A_40] : memref<80x128xf32, #tpu.memory_space<vmem>> -> memref<64x128xf32, #tpu.memory_space<vmem>>
        %dma_start3A_42 = arith.constant 0 : i32
        %dma_start3A_43 = tpu.memref_slice %arg10[%mul3A_39, %dma_start3A_42] : memref<512x128xf32, #tpu.memory_space<vmem_shared>> -> memref<64x128xf32, #tpu.memory_space<vmem_shared>>
        %dma_start3A_44 = arith.constant 0 : i32
        %dma_start3A_45 = tpu.memref_slice %arg10[%mul3A_39, %dma_start3A_44] : memref<512x128xf32, #tpu.memory_space<vmem_shared>> -> memref<64x128xf32, #tpu.memory_space<vmem_shared>>
        %dma_start3A_46 = arith.constant 0 : i32
        %dma_start3A_47 = arith.constant 0 : i32
        %dma_start3A_48 = tpu.memref_slice %arg8[%dma_start3A_46, %dma_start3A_47] : memref<80x128xf32, #tpu.memory_space<vmem>> -> memref<64x128xf32, #tpu.memory_space<vmem>>
        tpu.enqueue_dma source(%dma_start3A_48 : memref<64x128xf32, #tpu.memory_space<vmem>>) target(%dma_start3A_45 : memref<64x128xf32, #tpu.memory_space<vmem_shared>>) target_semaphore(%run_scoped3A : memref<!tpu.dma_semaphore, #tpu.memory_space<semaphore_mem>>)
        %dma_wait3A = arith.constant 0 : i32
        %dma_wait3A_49 = arith.constant 0 : i32
        %dma_wait3A_50 = tpu.memref_slice %arg8[%dma_wait3A, %dma_wait3A_49] : memref<80x128xf32, #tpu.memory_space<vmem>> -> memref<64x128xf32, #tpu.memory_space<vmem>>
        %dma_wait3A_51 = arith.constant 0 : i32
        %dma_wait3A_52 = tpu.memref_slice %arg10[%mul3A_39, %dma_wait3A_51] : memref<512x128xf32, #tpu.memory_space<vmem_shared>> -> memref<64x128xf32, #tpu.memory_space<vmem_shared>>
        %dma_wait3A_53 = arith.constant 0 : i32
        %dma_wait3A_54 = tpu.memref_slice %arg10[%mul3A_39, %dma_wait3A_53] : memref<512x128xf32, #tpu.memory_space<vmem_shared>> -> memref<64x128xf32, #tpu.memory_space<vmem_shared>>
        %dma_wait3A_55 = arith.constant 0 : i32
        %dma_wait3A_56 = arith.constant 0 : i32
        %dma_wait3A_57 = tpu.memref_slice %arg8[%dma_wait3A_55, %dma_wait3A_56] : memref<80x128xf32, #tpu.memory_space<vmem>> -> memref<64x128xf32, #tpu.memory_space<vmem>>
        tpu.wait_dma2 semaphore(%run_scoped3A : memref<!tpu.dma_semaphore, #tpu.memory_space<semaphore_mem>>) src(%dma_wait3A_57 : memref<64x128xf32, #tpu.memory_space<vmem>>) dst(%dma_wait3A_54 : memref<64x128xf32, #tpu.memory_space<vmem_shared>>)
        tpu.yield
      }) : () -> ()
    } else {
    }
    %ge3A = arith.constant 8 : i32
    %ge3A_17 = arith.cmpi sge, %arg1, %ge3A : i32
    %convert_element_type3A_18 = arith.extui %ge3A_17 : i1 to i32
    %cond3A_19 = arith.constant 0 : i32
    %cond3A_20 = arith.cmpi ne, %convert_element_type3A_18, %cond3A_19 : i32
    scf.if %cond3A_20 {
      %sub3A = arith.constant 8 : i32
      %sub3A_38 = arith.subi %arg1, %sub3A : i32
      %mul3A_39 = arith.constant 64 : i32
      %mul3A_40 = arith.muli %sub3A_38, %mul3A_39 : i32
      "tpu.region"() ({
        %run_scoped3A = tpu.sem_alloc : memref<!tpu.dma_semaphore, #tpu.memory_space<semaphore_mem>>
        %dma_start3A = arith.constant 0 : i32
        %dma_start3A_41 = arith.constant 0 : i32
        %dma_start3A_42 = tpu.memref_slice %arg8[%dma_start3A, %dma_start3A_41] : memref<80x128xf32, #tpu.memory_space<vmem>> -> memref<64x128xf32, #tpu.memory_space<vmem>>
        %dma_start3A_43 = arith.constant 0 : i32
        %dma_start3A_44 = tpu.memref_slice %arg11[%mul3A_40, %dma_start3A_43] : memref<512x128xf32, #tpu.memory_space<vmem_shared>> -> memref<64x128xf32, #tpu.memory_space<vmem_shared>>
        %dma_start3A_45 = arith.constant 0 : i32
        %dma_start3A_46 = tpu.memref_slice %arg11[%mul3A_40, %dma_start3A_45] : memref<512x128xf32, #tpu.memory_space<vmem_shared>> -> memref<64x128xf32, #tpu.memory_space<vmem_shared>>
        %dma_start3A_47 = arith.constant 0 : i32
        %dma_start3A_48 = arith.constant 0 : i32
        %dma_start3A_49 = tpu.memref_slice %arg8[%dma_start3A_47, %dma_start3A_48] : memref<80x128xf32, #tpu.memory_space<vmem>> -> memref<64x128xf32, #tpu.memory_space<vmem>>
        tpu.enqueue_dma source(%dma_start3A_49 : memref<64x128xf32, #tpu.memory_space<vmem>>) target(%dma_start3A_46 : memref<64x128xf32, #tpu.memory_space<vmem_shared>>) target_semaphore(%run_scoped3A : memref<!tpu.dma_semaphore, #tpu.memory_space<semaphore_mem>>)
        %dma_wait3A = arith.constant 0 : i32
        %dma_wait3A_50 = arith.constant 0 : i32
        %dma_wait3A_51 = tpu.memref_slice %arg8[%dma_wait3A, %dma_wait3A_50] : memref<80x128xf32, #tpu.memory_space<vmem>> -> memref<64x128xf32, #tpu.memory_space<vmem>>
        %dma_wait3A_52 = arith.constant 0 : i32
        %dma_wait3A_53 = tpu.memref_slice %arg11[%mul3A_40, %dma_wait3A_52] : memref<512x128xf32, #tpu.memory_space<vmem_shared>> -> memref<64x128xf32, #tpu.memory_space<vmem_shared>>
        %dma_wait3A_54 = arith.constant 0 : i32
        %dma_wait3A_55 = tpu.memref_slice %arg11[%mul3A_40, %dma_wait3A_54] : memref<512x128xf32, #tpu.memory_space<vmem_shared>> -> memref<64x128xf32, #tpu.memory_space<vmem_shared>>
        %dma_wait3A_56 = arith.constant 0 : i32
        %dma_wait3A_57 = arith.constant 0 : i32
        %dma_wait3A_58 = tpu.memref_slice %arg8[%dma_wait3A_56, %dma_wait3A_57] : memref<80x128xf32, #tpu.memory_space<vmem>> -> memref<64x128xf32, #tpu.memory_space<vmem>>
        tpu.wait_dma2 semaphore(%run_scoped3A : memref<!tpu.dma_semaphore, #tpu.memory_space<semaphore_mem>>) src(%dma_wait3A_58 : memref<64x128xf32, #tpu.memory_space<vmem>>) dst(%dma_wait3A_55 : memref<64x128xf32, #tpu.memory_space<vmem_shared>>)
        tpu.yield
      }) : () -> ()
    } else {
    }
    %barrier3A = arith.constant 0 : index
    tpu.barrier barrier_id(%barrier3A)
    %scan3A_21 = arith.constant 0 : i32
    %scan3A_22 = arith.constant 0 : i32
    %scan3A_23 = arith.constant 4 : i32
    %scan3A_24 = arith.addi %scan3A_22, %scan3A_23 : i32
    %scan3A_25 = arith.constant 1 : i32
    scf.for %scan3A_38 = %scan3A_22 to %scan3A_24 step %scan3A_25  : i32 {
      %mul3A_39 = arith.constant 32 : i32
      %mul3A_40 = arith.muli %mul3A_39, %scan3A_38 : i32
      %add3A_41 = arith.addi %add3A, %mul3A_40 : i32
      %lt3A_42 = arith.constant 125 : i32
      %lt3A_43 = arith.cmpi slt, %add3A_41, %lt3A_42 : i32
      %convert_element_type3A_44 = arith.extui %lt3A_43 : i1 to i32
      %cond3A_45 = arith.constant 0 : i32
      %cond3A_46 = arith.cmpi ne, %convert_element_type3A_44, %cond3A_45 : i32
      scf.if %cond3A_46 {
        %mul3A_47 = arith.constant 80 : i32
        %mul3A_48 = arith.muli %add3A_41, %mul3A_47 : i32
        "tpu.region"() ({
          %run_scoped3A = tpu.sem_alloc : memref<!tpu.dma_semaphore, #tpu.memory_space<semaphore_mem>>
          %dma_start3A = arith.constant 0 : i32
          %dma_start3A_92 = tpu.memref_slice %arg2[%mul3A_48, %dma_start3A] : memref<10000x128xf32, #tpu.memory_space<hbm>> -> memref<80x128xf32, #tpu.memory_space<hbm>>
          %dma_start3A_93 = arith.constant 0 : i32
          %dma_start3A_94 = tpu.memref_slice %arg2[%mul3A_48, %dma_start3A_93] : memref<10000x128xf32, #tpu.memory_space<hbm>> -> memref<80x128xf32, #tpu.memory_space<hbm>>
          tpu.enqueue_dma source(%dma_start3A_94 : memref<80x128xf32, #tpu.memory_space<hbm>>) target(%arg8 : memref<80x128xf32, #tpu.memory_space<vmem>>) target_semaphore(%run_scoped3A : memref<!tpu.dma_semaphore, #tpu.memory_space<semaphore_mem>>)
          %dma_wait3A = arith.constant 0 : i32
          %dma_wait3A_95 = tpu.memref_slice %arg2[%mul3A_48, %dma_wait3A] : memref<10000x128xf32, #tpu.memory_space<hbm>> -> memref<80x128xf32, #tpu.memory_space<hbm>>
          %dma_wait3A_96 = arith.constant 0 : i32
          %dma_wait3A_97 = tpu.memref_slice %arg2[%mul3A_48, %dma_wait3A_96] : memref<10000x128xf32, #tpu.memory_space<hbm>> -> memref<80x128xf32, #tpu.memory_space<hbm>>
          tpu.wait_dma2 semaphore(%run_scoped3A : memref<!tpu.dma_semaphore, #tpu.memory_space<semaphore_mem>>) src(%dma_wait3A_97 : memref<80x128xf32, #tpu.memory_space<hbm>>) dst(%arg8 : memref<80x128xf32, #tpu.memory_space<vmem>>)
          tpu.yield
        }) : () -> ()
        "tpu.region"() ({
          %run_scoped3A = tpu.sem_alloc : memref<!tpu.dma_semaphore, #tpu.memory_space<semaphore_mem>>
          %dma_start3A = arith.constant 0 : i32
          %dma_start3A_92 = arith.constant 0 : i32
          %dma_start3A_93 = tpu.memref_slice %arg3[%add3A_41, %dma_start3A, %dma_start3A_92] : memref<125x1x80xi32, #tpu.memory_space<hbm>> -> memref<1x1x80xi32, #tpu.memory_space<hbm>>
          %dma_start3A_94 = tpu.memref_squeeze %dma_start3A_93 : memref<1x1x80xi32, #tpu.memory_space<hbm>> -> memref<1x80xi32, #tpu.memory_space<hbm>>
          %dma_start3A_95 = arith.constant 0 : i32
          %dma_start3A_96 = arith.constant 0 : i32
          %dma_start3A_97 = tpu.memref_slice %arg3[%add3A_41, %dma_start3A_95, %dma_start3A_96] : memref<125x1x80xi32, #tpu.memory_space<hbm>> -> memref<1x1x80xi32, #tpu.memory_space<hbm>>
          %dma_start3A_98 = tpu.memref_squeeze %dma_start3A_97 : memref<1x1x80xi32, #tpu.memory_space<hbm>> -> memref<1x80xi32, #tpu.memory_space<hbm>>
          tpu.enqueue_dma source(%dma_start3A_98 : memref<1x80xi32, #tpu.memory_space<hbm>>) target(%arg6 : memref<1x80xi32, #tpu.memory_space<vmem>>) target_semaphore(%run_scoped3A : memref<!tpu.dma_semaphore, #tpu.memory_space<semaphore_mem>>)
          %dma_wait3A = arith.constant 0 : i32
          %dma_wait3A_99 = arith.constant 0 : i32
          %dma_wait3A_100 = tpu.memref_slice %arg3[%add3A_41, %dma_wait3A, %dma_wait3A_99] : memref<125x1x80xi32, #tpu.memory_space<hbm>> -> memref<1x1x80xi32, #tpu.memory_space<hbm>>
          %dma_wait3A_101 = tpu.memref_squeeze %dma_wait3A_100 : memref<1x1x80xi32, #tpu.memory_space<hbm>> -> memref<1x80xi32, #tpu.memory_space<hbm>>
          %dma_wait3A_102 = arith.constant 0 : i32
          %dma_wait3A_103 = arith.constant 0 : i32
          %dma_wait3A_104 = tpu.memref_slice %arg3[%add3A_41, %dma_wait3A_102, %dma_wait3A_103] : memref<125x1x80xi32, #tpu.memory_space<hbm>> -> memref<1x1x80xi32, #tpu.memory_space<hbm>>
          %dma_wait3A_105 = tpu.memref_squeeze %dma_wait3A_104 : memref<1x1x80xi32, #tpu.memory_space<hbm>> -> memref<1x80xi32, #tpu.memory_space<hbm>>
          tpu.wait_dma2 semaphore(%run_scoped3A : memref<!tpu.dma_semaphore, #tpu.memory_space<semaphore_mem>>) src(%dma_wait3A_105 : memref<1x80xi32, #tpu.memory_space<hbm>>) dst(%arg6 : memref<1x80xi32, #tpu.memory_space<vmem>>)
          tpu.yield
        }) : () -> ()
        %get3A = arith.constant 0 : i32
        %get3A_49 = arith.index_cast %get3A : i32 to index
        %get3A_50 = arith.constant 0 : index
        %get3A_51 = tpu.vector_load %arg6[%get3A_49, %get3A_50] {strides = array<i32>} : memref<1x80xi32, #tpu.memory_space<vmem>>, vector<1x16xi32>,
        %get3A_52 = vector.shape_cast %get3A_51 : vector<1x16xi32> to vector<16xi32>
        %swap3A = arith.constant 0 : index
        %swap3A_53 = tpu.vector_load %arg7[%swap3A] {strides = array<i32>} : memref<80xi32, #tpu.memory_space<vmem>>, vector<16xi32>,
        %swap3A_54 = vector.shape_cast %swap3A_53 : vector<16xi32> to vector<16xi32>
        %swap3A_55 = vector.shape_cast %get3A_52 : vector<16xi32> to vector<16xi32>
        tpu.vector_store %arg7[%swap3A], %swap3A_55 {strides = array<i32>} : memref<80xi32, #tpu.memory_space<vmem>>, vector<16xi32>,
        %get3A_56 = arith.constant 0 : i32
        %get3A_57 = arith.index_cast %get3A_56 : i32 to index
        %get3A_58 = arith.constant 16 : index
        %get3A_59 = tpu.vector_load %arg6[%get3A_57, %get3A_58] {strides = array<i32>} : memref<1x80xi32, #tpu.memory_space<vmem>>, vector<1x16xi32>,
        %get3A_60 = vector.shape_cast %get3A_59 : vector<1x16xi32> to vector<16xi32>
        %swap3A_61 = arith.constant 16 : index
        %swap3A_62 = tpu.vector_load %arg7[%swap3A_61] {strides = array<i32>} : memref<80xi32, #tpu.memory_space<vmem>>, vector<16xi32>,
        %swap3A_63 = vector.shape_cast %swap3A_62 : vector<16xi32> to vector<16xi32>
        %swap3A_64 = vector.shape_cast %get3A_60 : vector<16xi32> to vector<16xi32>
        tpu.vector_store %arg7[%swap3A_61], %swap3A_64 {strides = array<i32>} : memref<80xi32, #tpu.memory_space<vmem>>, vector<16xi32>,
        %get3A_65 = arith.constant 0 : i32
        %get3A_66 = arith.index_cast %get3A_65 : i32 to index
        %get3A_67 = arith.constant 32 : index
        %get3A_68 = tpu.vector_load %arg6[%get3A_66, %get3A_67] {strides = array<i32>} : memref<1x80xi32, #tpu.memory_space<vmem>>, vector<1x16xi32>,
        %get3A_69 = vector.shape_cast %get3A_68 : vector<1x16xi32> to vector<16xi32>
        %swap3A_70 = arith.constant 32 : index
        %swap3A_71 = tpu.vector_load %arg7[%swap3A_70] {strides = array<i32>} : memref<80xi32, #tpu.memory_space<vmem>>, vector<16xi32>,
        %swap3A_72 = vector.shape_cast %swap3A_71 : vector<16xi32> to vector<16xi32>
        %swap3A_73 = vector.shape_cast %get3A_69 : vector<16xi32> to vector<16xi32>
        tpu.vector_store %arg7[%swap3A_70], %swap3A_73 {strides = array<i32>} : memref<80xi32, #tpu.memory_space<vmem>>, vector<16xi32>,
        %get3A_74 = arith.constant 0 : i32
        %get3A_75 = arith.index_cast %get3A_74 : i32 to index
        %get3A_76 = arith.constant 48 : index
        %get3A_77 = tpu.vector_load %arg6[%get3A_75, %get3A_76] {strides = array<i32>} : memref<1x80xi32, #tpu.memory_space<vmem>>, vector<1x16xi32>,
        %get3A_78 = vector.shape_cast %get3A_77 : vector<1x16xi32> to vector<16xi32>
        %swap3A_79 = arith.constant 48 : index
        %swap3A_80 = tpu.vector_load %arg7[%swap3A_79] {strides = array<i32>} : memref<80xi32, #tpu.memory_space<vmem>>, vector<16xi32>,
        %swap3A_81 = vector.shape_cast %swap3A_80 : vector<16xi32> to vector<16xi32>
        %swap3A_82 = vector.shape_cast %get3A_78 : vector<16xi32> to vector<16xi32>
        tpu.vector_store %arg7[%swap3A_79], %swap3A_82 {strides = array<i32>} : memref<80xi32, #tpu.memory_space<vmem>>, vector<16xi32>,
        %get3A_83 = arith.constant 0 : i32
        %get3A_84 = arith.index_cast %get3A_83 : i32 to index
        %get3A_85 = arith.constant 64 : index
        %get3A_86 = tpu.vector_load %arg6[%get3A_84, %get3A_85] {strides = array<i32>} : memref<1x80xi32, #tpu.memory_space<vmem>>, vector<1x16xi32>,
        %get3A_87 = vector.shape_cast %get3A_86 : vector<1x16xi32> to vector<16xi32>
        %swap3A_88 = arith.constant 64 : index
        %swap3A_89 = tpu.vector_load %arg7[%swap3A_88] {strides = array<i32>} : memref<80xi32, #tpu.memory_space<vmem>>, vector<16xi32>,
        %swap3A_90 = vector.shape_cast %swap3A_89 : vector<16xi32> to vector<16xi32>
        %swap3A_91 = vector.shape_cast %get3A_87 : vector<16xi32> to vector<16xi32>
        tpu.vector_store %arg7[%swap3A_88], %swap3A_91 {strides = array<i32>} : memref<80xi32, #tpu.memory_space<vmem>>, vector<16xi32>,
        "tpu.region"() ({
          %run_scoped3A = tpu.sem_alloc : memref<!tpu.dma_semaphore, #tpu.memory_space<semaphore_mem>>
          %dma_start3A = arith.constant 0 : i32
          %dma_start3A_92 = arith.constant 0 : i32
          %dma_start3A_93 = tpu.memref_slice %arg10[%dma_start3A, %dma_start3A_92] : memref<512x128xf32, #tpu.memory_space<vmem_shared>> -> memref<512x128xf32, #tpu.memory_space<vmem_shared>>
          tpu.enqueue_indirect_dma source(%arg8 : memref<80x128xf32, #tpu.memory_space<vmem>>) target(%dma_start3A_93 : memref<512x128xf32, #tpu.memory_space<vmem_shared>>) offsets(%arg7 : memref<80xi32, #tpu.memory_space<vmem>>) semaphore(%run_scoped3A : memref<!tpu.dma_semaphore, #tpu.memory_space<semaphore_mem>>) {add = true}
          %dma_wait3A = arith.constant 0 : i32
          %dma_wait3A_94 = arith.constant 0 : i32
          %dma_wait3A_95 = tpu.memref_slice %arg10[%dma_wait3A, %dma_wait3A_94] : memref<512x128xf32, #tpu.memory_space<vmem_shared>> -> memref<512x128xf32, #tpu.memory_space<vmem_shared>>
          tpu.wait_indirect_dma semaphore(%run_scoped3A : memref<!tpu.dma_semaphore, #tpu.memory_space<semaphore_mem>>) src(%arg8 : memref<80x128xf32, #tpu.memory_space<vmem>>) dst(%dma_wait3A_95 : memref<512x128xf32, #tpu.memory_space<vmem_shared>>)
          tpu.yield
        }) : () -> ()
        "tpu.region"() ({
          %run_scoped3A = tpu.sem_alloc : memref<!tpu.dma_semaphore, #tpu.memory_space<semaphore_mem>>
          %dma_start3A = arith.constant 0 : i32
          %dma_start3A_92 = arith.constant 0 : i32
          %dma_start3A_93 = tpu.memref_slice %arg11[%dma_start3A, %dma_start3A_92] : memref<512x128xf32, #tpu.memory_space<vmem_shared>> -> memref<512x128xf32, #tpu.memory_space<vmem_shared>>
          tpu.enqueue_indirect_dma source(%arg9 : memref<80x128xf32, #tpu.memory_space<vmem>>) target(%dma_start3A_93 : memref<512x128xf32, #tpu.memory_space<vmem_shared>>) offsets(%arg7 : memref<80xi32, #tpu.memory_space<vmem>>) semaphore(%run_scoped3A : memref<!tpu.dma_semaphore, #tpu.memory_space<semaphore_mem>>) {add = true}
          %dma_wait3A = arith.constant 0 : i32
          %dma_wait3A_94 = arith.constant 0 : i32
          %dma_wait3A_95 = tpu.memref_slice %arg11[%dma_wait3A, %dma_wait3A_94] : memref<512x128xf32, #tpu.memory_space<vmem_shared>> -> memref<512x128xf32, #tpu.memory_space<vmem_shared>>
          tpu.wait_indirect_dma semaphore(%run_scoped3A : memref<!tpu.dma_semaphore, #tpu.memory_space<semaphore_mem>>) src(%arg9 : memref<80x128xf32, #tpu.memory_space<vmem>>) dst(%dma_wait3A_95 : memref<512x128xf32, #tpu.memory_space<vmem_shared>>)
          tpu.yield
        }) : () -> ()
      } else {
      }
    }
    %scan3A_26 = arith.constant 4 : i32
    %barrier3A_27 = arith.constant 0 : index
    tpu.barrier barrier_id(%barrier3A_27)
    %lt3A_28 = arith.constant 8 : i32
    %lt3A_29 = arith.cmpi slt, %arg1, %lt3A_28 : i32
    %convert_element_type3A_30 = arith.extui %lt3A_29 : i1 to i32
    %cond3A_31 = arith.constant 0 : i32
    %cond3A_32 = arith.cmpi ne, %convert_element_type3A_30, %cond3A_31 : i32
    scf.if %cond3A_32 {
      %mul3A_38 = arith.constant 64 : i32
      %mul3A_39 = arith.muli %arg1, %mul3A_38 : i32
      "tpu.region"() ({
        %run_scoped3A = tpu.sem_alloc : memref<!tpu.dma_semaphore, #tpu.memory_space<semaphore_mem>>
        %dma_start3A = arith.constant 0 : i32
        %dma_start3A_42 = arith.constant 0 : i32
        %dma_start3A_43 = tpu.memref_slice %arg8[%dma_start3A, %dma_start3A_42] : memref<80x128xf32, #tpu.memory_space<vmem>> -> memref<64x128xf32, #tpu.memory_space<vmem>>
        %dma_start3A_44 = arith.constant 0 : i32
        %dma_start3A_45 = tpu.memref_slice %arg10[%mul3A_39, %dma_start3A_44] : memref<512x128xf32, #tpu.memory_space<vmem_shared>> -> memref<64x128xf32, #tpu.memory_space<vmem_shared>>
        %dma_start3A_46 = arith.constant 0 : i32
        %dma_start3A_47 = arith.constant 0 : i32
        %dma_start3A_48 = tpu.memref_slice %arg8[%dma_start3A_46, %dma_start3A_47] : memref<80x128xf32, #tpu.memory_space<vmem>> -> memref<64x128xf32, #tpu.memory_space<vmem>>
        %dma_start3A_49 = arith.constant 0 : i32
        %dma_start3A_50 = tpu.memref_slice %arg10[%mul3A_39, %dma_start3A_49] : memref<512x128xf32, #tpu.memory_space<vmem_shared>> -> memref<64x128xf32, #tpu.memory_space<vmem_shared>>
        tpu.enqueue_dma source(%dma_start3A_50 : memref<64x128xf32, #tpu.memory_space<vmem_shared>>) target(%dma_start3A_48 : memref<64x128xf32, #tpu.memory_space<vmem>>) target_semaphore(%run_scoped3A : memref<!tpu.dma_semaphore, #tpu.memory_space<semaphore_mem>>)
        %dma_wait3A = arith.constant 0 : i32
        %dma_wait3A_51 = arith.constant 0 : i32
        %dma_wait3A_52 = tpu.memref_slice %arg8[%dma_wait3A, %dma_wait3A_51] : memref<80x128xf32, #tpu.memory_space<vmem>> -> memref<64x128xf32, #tpu.memory_space<vmem>>
        %dma_wait3A_53 = arith.constant 0 : i32
        %dma_wait3A_54 = tpu.memref_slice %arg10[%mul3A_39, %dma_wait3A_53] : memref<512x128xf32, #tpu.memory_space<vmem_shared>> -> memref<64x128xf32, #tpu.memory_space<vmem_shared>>
        %dma_wait3A_55 = arith.constant 0 : i32
        %dma_wait3A_56 = arith.constant 0 : i32
        %dma_wait3A_57 = tpu.memref_slice %arg8[%dma_wait3A_55, %dma_wait3A_56] : memref<80x128xf32, #tpu.memory_space<vmem>> -> memref<64x128xf32, #tpu.memory_space<vmem>>
        %dma_wait3A_58 = arith.constant 0 : i32
        %dma_wait3A_59 = tpu.memref_slice %arg10[%mul3A_39, %dma_wait3A_58] : memref<512x128xf32, #tpu.memory_space<vmem_shared>> -> memref<64x128xf32, #tpu.memory_space<vmem_shared>>
        tpu.wait_dma2 semaphore(%run_scoped3A : memref<!tpu.dma_semaphore, #tpu.memory_space<semaphore_mem>>) src(%dma_wait3A_59 : memref<64x128xf32, #tpu.memory_space<vmem_shared>>) dst(%dma_wait3A_57 : memref<64x128xf32, #tpu.memory_space<vmem>>)
        tpu.yield
      }) : () -> ()
      %mul3A_40 = arith.constant 64 : i32
      %mul3A_41 = arith.muli %arg1, %mul3A_40 : i32
      "tpu.region"() ({
        %run_scoped3A = tpu.sem_alloc : memref<!tpu.dma_semaphore, #tpu.memory_space<semaphore_mem>>
        %dma_start3A = arith.constant 0 : i32
        %dma_start3A_42 = arith.constant 0 : i32
        %dma_start3A_43 = tpu.memref_slice %arg8[%dma_start3A, %dma_start3A_42] : memref<80x128xf32, #tpu.memory_space<vmem>> -> memref<64x128xf32, #tpu.memory_space<vmem>>
        %dma_start3A_44 = arith.constant 0 : i32
        %dma_start3A_45 = arith.constant 0 : i32
        %dma_start3A_46 = tpu.memref_slice %arg4[%arg0, %dma_start3A_44, %dma_start3A_45] : memref<2x512x128xf32, #tpu.memory_space<hbm>> -> memref<1x512x128xf32, #tpu.memory_space<hbm>>
        %dma_start3A_47 = tpu.memref_squeeze %dma_start3A_46 : memref<1x512x128xf32, #tpu.memory_space<hbm>> -> memref<512x128xf32, #tpu.memory_space<hbm>>
        %dma_start3A_48 = arith.constant 0 : i32
        %dma_start3A_49 = tpu.memref_slice %dma_start3A_47[%mul3A_41, %dma_start3A_48] : memref<512x128xf32, #tpu.memory_space<hbm>> -> memref<64x128xf32, #tpu.memory_space<hbm>>
        %dma_start3A_50 = arith.constant 0 : i32
        %dma_start3A_51 = arith.constant 0 : i32
        %dma_start3A_52 = tpu.memref_slice %arg4[%arg0, %dma_start3A_50, %dma_start3A_51] : memref<2x512x128xf32, #tpu.memory_space<hbm>> -> memref<1x512x128xf32, #tpu.memory_space<hbm>>
        %dma_start3A_53 = tpu.memref_squeeze %dma_start3A_52 : memref<1x512x128xf32, #tpu.memory_space<hbm>> -> memref<512x128xf32, #tpu.memory_space<hbm>>
        %dma_start3A_54 = arith.constant 0 : i32
        %dma_start3A_55 = tpu.memref_slice %dma_start3A_53[%mul3A_41, %dma_start3A_54] : memref<512x128xf32, #tpu.memory_space<hbm>> -> memref<64x128xf32, #tpu.memory_space<hbm>>
        %dma_start3A_56 = arith.constant 0 : i32
        %dma_start3A_57 = arith.constant 0 : i32
        %dma_start3A_58 = tpu.memref_slice %arg8[%dma_start3A_56, %dma_start3A_57] : memref<80x128xf32, #tpu.memory_space<vmem>> -> memref<64x128xf32, #tpu.memory_space<vmem>>
        tpu.enqueue_dma source(%dma_start3A_58 : memref<64x128xf32, #tpu.memory_space<vmem>>) target(%dma_start3A_55 : memref<64x128xf32, #tpu.memory_space<hbm>>) target_semaphore(%run_scoped3A : memref<!tpu.dma_semaphore, #tpu.memory_space<semaphore_mem>>)
        %dma_wait3A = arith.constant 0 : i32
        %dma_wait3A_59 = arith.constant 0 : i32
        %dma_wait3A_60 = tpu.memref_slice %arg8[%dma_wait3A, %dma_wait3A_59] : memref<80x128xf32, #tpu.memory_space<vmem>> -> memref<64x128xf32, #tpu.memory_space<vmem>>
        %dma_wait3A_61 = arith.constant 0 : i32
        %dma_wait3A_62 = arith.constant 0 : i32
        %dma_wait3A_63 = tpu.memref_slice %arg4[%arg0, %dma_wait3A_61, %dma_wait3A_62] : memref<2x512x128xf32, #tpu.memory_space<hbm>> -> memref<1x512x128xf32, #tpu.memory_space<hbm>>
        %dma_wait3A_64 = tpu.memref_squeeze %dma_wait3A_63 : memref<1x512x128xf32, #tpu.memory_space<hbm>> -> memref<512x128xf32, #tpu.memory_space<hbm>>
        %dma_wait3A_65 = arith.constant 0 : i32
        %dma_wait3A_66 = tpu.memref_slice %dma_wait3A_64[%mul3A_41, %dma_wait3A_65] : memref<512x128xf32, #tpu.memory_space<hbm>> -> memref<64x128xf32, #tpu.memory_space<hbm>>
        %dma_wait3A_67 = arith.constant 0 : i32
        %dma_wait3A_68 = arith.constant 0 : i32
        %dma_wait3A_69 = tpu.memref_slice %arg4[%arg0, %dma_wait3A_67, %dma_wait3A_68] : memref<2x512x128xf32, #tpu.memory_space<hbm>> -> memref<1x512x128xf32, #tpu.memory_space<hbm>>
        %dma_wait3A_70 = tpu.memref_squeeze %dma_wait3A_69 : memref<1x512x128xf32, #tpu.memory_space<hbm>> -> memref<512x128xf32, #tpu.memory_space<hbm>>
        %dma_wait3A_71 = arith.constant 0 : i32
        %dma_wait3A_72 = tpu.memref_slice %dma_wait3A_70[%mul3A_41, %dma_wait3A_71] : memref<512x128xf32, #tpu.memory_space<hbm>> -> memref<64x128xf32, #tpu.memory_space<hbm>>
        %dma_wait3A_73 = arith.constant 0 : i32
        %dma_wait3A_74 = arith.constant 0 : i32
        %dma_wait3A_75 = tpu.memref_slice %arg8[%dma_wait3A_73, %dma_wait3A_74] : memref<80x128xf32, #tpu.memory_space<vmem>> -> memref<64x128xf32, #tpu.memory_space<vmem>>
        tpu.wait_dma2 semaphore(%run_scoped3A : memref<!tpu.dma_semaphore, #tpu.memory_space<semaphore_mem>>) src(%dma_wait3A_75 : memref<64x128xf32, #tpu.memory_space<vmem>>) dst(%dma_wait3A_72 : memref<64x128xf32, #tpu.memory_space<hbm>>)
        tpu.yield
      }) : () -> ()
    } else {
    }
    %ge3A_33 = arith.constant 8 : i32
    %ge3A_34 = arith.cmpi sge, %arg1, %ge3A_33 : i32
    %convert_element_type3A_35 = arith.extui %ge3A_34 : i1 to i32
    %cond3A_36 = arith.constant 0 : i32
    %cond3A_37 = arith.cmpi ne, %convert_element_type3A_35, %cond3A_36 : i32
    scf.if %cond3A_37 {
      %sub3A = arith.constant 8 : i32
      %sub3A_38 = arith.subi %arg1, %sub3A : i32
      %mul3A_39 = arith.constant 64 : i32
      %mul3A_40 = arith.muli %sub3A_38, %mul3A_39 : i32
      "tpu.region"() ({
        %run_scoped3A = tpu.sem_alloc : memref<!tpu.dma_semaphore, #tpu.memory_space<semaphore_mem>>
        %dma_start3A = arith.constant 0 : i32
        %dma_start3A_45 = arith.constant 0 : i32
        %dma_start3A_46 = tpu.memref_slice %arg8[%dma_start3A, %dma_start3A_45] : memref<80x128xf32, #tpu.memory_space<vmem>> -> memref<64x128xf32, #tpu.memory_space<vmem>>
        %dma_start3A_47 = arith.constant 0 : i32
        %dma_start3A_48 = tpu.memref_slice %arg11[%mul3A_40, %dma_start3A_47] : memref<512x128xf32, #tpu.memory_space<vmem_shared>> -> memref<64x128xf32, #tpu.memory_space<vmem_shared>>
        %dma_start3A_49 = arith.constant 0 : i32
        %dma_start3A_50 = arith.constant 0 : i32
        %dma_start3A_51 = tpu.memref_slice %arg8[%dma_start3A_49, %dma_start3A_50] : memref<80x128xf32, #tpu.memory_space<vmem>> -> memref<64x128xf32, #tpu.memory_space<vmem>>
        %dma_start3A_52 = arith.constant 0 : i32
        %dma_start3A_53 = tpu.memref_slice %arg11[%mul3A_40, %dma_start3A_52] : memref<512x128xf32, #tpu.memory_space<vmem_shared>> -> memref<64x128xf32, #tpu.memory_space<vmem_shared>>
        tpu.enqueue_dma source(%dma_start3A_53 : memref<64x128xf32, #tpu.memory_space<vmem_shared>>) target(%dma_start3A_51 : memref<64x128xf32, #tpu.memory_space<vmem>>) target_semaphore(%run_scoped3A : memref<!tpu.dma_semaphore, #tpu.memory_space<semaphore_mem>>)
        %dma_wait3A = arith.constant 0 : i32
        %dma_wait3A_54 = arith.constant 0 : i32
        %dma_wait3A_55 = tpu.memref_slice %arg8[%dma_wait3A, %dma_wait3A_54] : memref<80x128xf32, #tpu.memory_space<vmem>> -> memref<64x128xf32, #tpu.memory_space<vmem>>
        %dma_wait3A_56 = arith.constant 0 : i32
        %dma_wait3A_57 = tpu.memref_slice %arg11[%mul3A_40, %dma_wait3A_56] : memref<512x128xf32, #tpu.memory_space<vmem_shared>> -> memref<64x128xf32, #tpu.memory_space<vmem_shared>>
        %dma_wait3A_58 = arith.constant 0 : i32
        %dma_wait3A_59 = arith.constant 0 : i32
        %dma_wait3A_60 = tpu.memref_slice %arg8[%dma_wait3A_58, %dma_wait3A_59] : memref<80x128xf32, #tpu.memory_space<vmem>> -> memref<64x128xf32, #tpu.memory_space<vmem>>
        %dma_wait3A_61 = arith.constant 0 : i32
        %dma_wait3A_62 = tpu.memref_slice %arg11[%mul3A_40, %dma_wait3A_61] : memref<512x128xf32, #tpu.memory_space<vmem_shared>> -> memref<64x128xf32, #tpu.memory_space<vmem_shared>>
        tpu.wait_dma2 semaphore(%run_scoped3A : memref<!tpu.dma_semaphore, #tpu.memory_space<semaphore_mem>>) src(%dma_wait3A_62 : memref<64x128xf32, #tpu.memory_space<vmem_shared>>) dst(%dma_wait3A_60 : memref<64x128xf32, #tpu.memory_space<vmem>>)
        tpu.yield
      }) : () -> ()
      %sub3A_41 = arith.constant 8 : i32
      %sub3A_42 = arith.subi %arg1, %sub3A_41 : i32
      %mul3A_43 = arith.constant 64 : i32
      %mul3A_44 = arith.muli %sub3A_42, %mul3A_43 : i32
      "tpu.region"() ({
        %run_scoped3A = tpu.sem_alloc : memref<!tpu.dma_semaphore, #tpu.memory_space<semaphore_mem>>
        %dma_start3A = arith.constant 0 : i32
        %dma_start3A_45 = arith.constant 0 : i32
        %dma_start3A_46 = tpu.memref_slice %arg8[%dma_start3A, %dma_start3A_45] : memref<80x128xf32, #tpu.memory_space<vmem>> -> memref<64x128xf32, #tpu.memory_space<vmem>>
        %dma_start3A_47 = arith.constant 0 : i32
        %dma_start3A_48 = arith.constant 0 : i32
        %dma_start3A_49 = tpu.memref_slice %arg5[%arg0, %dma_start3A_47, %dma_start3A_48] : memref<2x512x128xf32, #tpu.memory_space<hbm>> -> memref<1x512x128xf32, #tpu.memory_space<hbm>>
        %dma_start3A_50 = tpu.memref_squeeze %dma_start3A_49 : memref<1x512x128xf32, #tpu.memory_space<hbm>> -> memref<512x128xf32, #tpu.memory_space<hbm>>
        %dma_start3A_51 = arith.constant 0 : i32
        %dma_start3A_52 = tpu.memref_slice %dma_start3A_50[%mul3A_44, %dma_start3A_51] : memref<512x128xf32, #tpu.memory_space<hbm>> -> memref<64x128xf32, #tpu.memory_space<hbm>>
        %dma_start3A_53 = arith.constant 0 : i32
        %dma_start3A_54 = arith.constant 0 : i32
        %dma_start3A_55 = tpu.memref_slice %arg5[%arg0, %dma_start3A_53, %dma_start3A_54] : memref<2x512x128xf32, #tpu.memory_space<hbm>> -> memref<1x512x128xf32, #tpu.memory_space<hbm>>
        %dma_start3A_56 = tpu.memref_squeeze %dma_start3A_55 : memref<1x512x128xf32, #tpu.memory_space<hbm>> -> memref<512x128xf32, #tpu.memory_space<hbm>>
        %dma_start3A_57 = arith.constant 0 : i32
        %dma_start3A_58 = tpu.memref_slice %dma_start3A_56[%mul3A_44, %dma_start3A_57] : memref<512x128xf32, #tpu.memory_space<hbm>> -> memref<64x128xf32, #tpu.memory_space<hbm>>
        %dma_start3A_59 = arith.constant 0 : i32
        %dma_start3A_60 = arith.constant 0 : i32
        %dma_start3A_61 = tpu.memref_slice %arg8[%dma_start3A_59, %dma_start3A_60] : memref<80x128xf32, #tpu.memory_space<vmem>> -> memref<64x128xf32, #tpu.memory_space<vmem>>
        tpu.enqueue_dma source(%dma_start3A_61 : memref<64x128xf32, #tpu.memory_space<vmem>>) target(%dma_start3A_58 : memref<64x128xf32, #tpu.memory_space<hbm>>) target_semaphore(%run_scoped3A : memref<!tpu.dma_semaphore, #tpu.memory_space<semaphore_mem>>)
        %dma_wait3A = arith.constant 0 : i32
        %dma_wait3A_62 = arith.constant 0 : i32
        %dma_wait3A_63 = tpu.memref_slice %arg8[%dma_wait3A, %dma_wait3A_62] : memref<80x128xf32, #tpu.memory_space<vmem>> -> memref<64x128xf32, #tpu.memory_space<vmem>>
        %dma_wait3A_64 = arith.constant 0 : i32
        %dma_wait3A_65 = arith.constant 0 : i32
        %dma_wait3A_66 = tpu.memref_slice %arg5[%arg0, %dma_wait3A_64, %dma_wait3A_65] : memref<2x512x128xf32, #tpu.memory_space<hbm>> -> memref<1x512x128xf32, #tpu.memory_space<hbm>>
        %dma_wait3A_67 = tpu.memref_squeeze %dma_wait3A_66 : memref<1x512x128xf32, #tpu.memory_space<hbm>> -> memref<512x128xf32, #tpu.memory_space<hbm>>
        %dma_wait3A_68 = arith.constant 0 : i32
        %dma_wait3A_69 = tpu.memref_slice %dma_wait3A_67[%mul3A_44, %dma_wait3A_68] : memref<512x128xf32, #tpu.memory_space<hbm>> -> memref<64x128xf32, #tpu.memory_space<hbm>>
        %dma_wait3A_70 = arith.constant 0 : i32
        %dma_wait3A_71 = arith.constant 0 : i32
        %dma_wait3A_72 = tpu.memref_slice %arg5[%arg0, %dma_wait3A_70, %dma_wait3A_71] : memref<2x512x128xf32, #tpu.memory_space<hbm>> -> memref<1x512x128xf32, #tpu.memory_space<hbm>>
        %dma_wait3A_73 = tpu.memref_squeeze %dma_wait3A_72 : memref<1x512x128xf32, #tpu.memory_space<hbm>> -> memref<512x128xf32, #tpu.memory_space<hbm>>
        %dma_wait3A_74 = arith.constant 0 : i32
        %dma_wait3A_75 = tpu.memref_slice %dma_wait3A_73[%mul3A_44, %dma_wait3A_74] : memref<512x128xf32, #tpu.memory_space<hbm>> -> memref<64x128xf32, #tpu.memory_space<hbm>>
        %dma_wait3A_76 = arith.constant 0 : i32
        %dma_wait3A_77 = arith.constant 0 : i32
        %dma_wait3A_78 = tpu.memref_slice %arg8[%dma_wait3A_76, %dma_wait3A_77] : memref<80x128xf32, #tpu.memory_space<vmem>> -> memref<64x128xf32, #tpu.memory_space<vmem>>
        tpu.wait_dma2 semaphore(%run_scoped3A : memref<!tpu.dma_semaphore, #tpu.memory_space<semaphore_mem>>) src(%dma_wait3A_78 : memref<64x128xf32, #tpu.memory_space<vmem>>) dst(%dma_wait3A_75 : memref<64x128xf32, #tpu.memory_space<hbm>>)
        tpu.yield
      }) : () -> ()
    } else {
    }
    return
  }
}

module attributes {stable_mosaic.version = 14 : i64} {
  func.func @body(%arg0: i32, %arg1: memref<400x128xf32, #tpu.memory_space<vmem>>, %arg2: memref<400x128xf32, #tpu.memory_space<vmem>>, %arg3: memref<400x128xf32, #tpu.memory_space<vmem>>, %arg4: memref<128x128xf32, #tpu.memory_space<vmem>>, %arg5: memref<1x128xf32, #tpu.memory_space<vmem>>, %arg6: memref<128x128xf32, #tpu.memory_space<vmem>>, %arg7: memref<1x128xf32, #tpu.memory_space<vmem>>, %arg8: memref<400x128xf32, #tpu.memory_space<vmem>>) attributes {dimension_semantics = [#tpu.dimension_semantics<arbitrary>], iteration_bounds = array<i64: 25>, scalar_prefetch = 0 : i64, scratch_operands = 0 : i64, tpu.core_type = #tpu.core_type<tc>, window_params = [{transform_indices = @transform_0, window_bounds = array<i64: 400, 128>}, {transform_indices = @transform_1, window_bounds = array<i64: 400, 128>}, {transform_indices = @transform_2, window_bounds = array<i64: 400, 128>}, {pipeline_mode = #tpu.pipeline_mode<synchronous>, transform_indices = @transform_3, window_bounds = array<i64: 128, 128>}, {pipeline_mode = #tpu.pipeline_mode<synchronous>, transform_indices = @transform_4, window_bounds = array<i64: 1, 128>}, {pipeline_mode = #tpu.pipeline_mode<synchronous>, transform_indices = @transform_5, window_bounds = array<i64: 128, 128>}, {pipeline_mode = #tpu.pipeline_mode<synchronous>, transform_indices = @transform_6, window_bounds = array<i64: 1, 128>}, {transform_indices = @transform_7, window_bounds = array<i64: 400, 128>}]} {
    %get3A = arith.constant 0 : index
    %get3A_0 = arith.constant 0 : index
    %get3A_1 = vector.load %arg1[%get3A, %get3A_0] : memref<400x128xf32, #tpu.memory_space<vmem>>, vector<400x128xf32>
    %get3A_2 = arith.constant 0 : index
    %get3A_3 = arith.constant 0 : index
    %get3A_4 = vector.load %arg2[%get3A_2, %get3A_3] : memref<400x128xf32, #tpu.memory_space<vmem>>, vector<400x128xf32>
    %add3A = arith.addf %get3A_1, %get3A_4 : vector<400x128xf32>
    %get3A_5 = arith.constant 0 : index
    %get3A_6 = arith.constant 0 : index
    %get3A_7 = vector.load %arg3[%get3A_5, %get3A_6] : memref<400x128xf32, #tpu.memory_space<vmem>>, vector<400x128xf32>
    %add3A_8 = arith.addf %add3A, %get3A_7 : vector<400x128xf32>
    %get3A_9 = arith.constant 0 : index
    %get3A_10 = arith.constant 0 : index
    %get3A_11 = vector.load %arg4[%get3A_9, %get3A_10] : memref<128x128xf32, #tpu.memory_space<vmem>>, vector<128x128xf32>
    %dot_general3A = arith.constant dense<0.000000e+00> : vector<400x128xf32>
    %dot_general3A_12 = tpu.matmul %add3A_8, %get3A_11, %dot_general3A {dimension_numbers = #tpu.dot_dimension_numbers<[1], [0], [0], [1], [0, 0, 1, 1], [], []>, transpose_lhs_hint = false} : vector<400x128xf32>, vector<128x128xf32>, vector<400x128xf32> -> vector<400x128xf32>
    %get3A_13 = arith.constant 0 : index
    %get3A_14 = arith.constant 0 : index
    %get3A_15 = vector.load %arg5[%get3A_13, %get3A_14] : memref<1x128xf32, #tpu.memory_space<vmem>>, vector<1x128xf32>
    %add3A_16 = vector.broadcast %get3A_15 : vector<1x128xf32> to vector<400x128xf32>
    %add3A_17 = arith.addf %dot_general3A_12, %add3A_16 : vector<400x128xf32>
    %max3A = arith.constant 0.000000e+00 : f32
    %max3A_18 = vector.broadcast %max3A : f32 to vector<400x128xf32>
    %max3A_19 = arith.maximumf %add3A_17, %max3A_18 : vector<400x128xf32>
    %get3A_20 = arith.constant 0 : index
    %get3A_21 = arith.constant 0 : index
    %get3A_22 = vector.load %arg6[%get3A_20, %get3A_21] : memref<128x128xf32, #tpu.memory_space<vmem>>, vector<128x128xf32>
    %dot_general3A_23 = arith.constant dense<0.000000e+00> : vector<400x128xf32>
    %dot_general3A_24 = tpu.matmul %max3A_19, %get3A_22, %dot_general3A_23 {dimension_numbers = #tpu.dot_dimension_numbers<[1], [0], [0], [1], [0, 0, 1, 1], [], []>, transpose_lhs_hint = false} : vector<400x128xf32>, vector<128x128xf32>, vector<400x128xf32> -> vector<400x128xf32>
    %get3A_25 = arith.constant 0 : index
    %get3A_26 = arith.constant 0 : index
    %get3A_27 = vector.load %arg7[%get3A_25, %get3A_26] : memref<1x128xf32, #tpu.memory_space<vmem>>, vector<1x128xf32>
    %add3A_28 = vector.broadcast %get3A_27 : vector<1x128xf32> to vector<400x128xf32>
    %add3A_29 = arith.addf %dot_general3A_24, %add3A_28 : vector<400x128xf32>
    %max3A_30 = arith.constant 0.000000e+00 : f32
    %max3A_31 = vector.broadcast %max3A_30 : f32 to vector<400x128xf32>
    %max3A_32 = arith.maximumf %add3A_29, %max3A_31 : vector<400x128xf32>
    %swap3A = arith.constant 0 : index
    %swap3A_33 = arith.constant 0 : index
    %swap3A_34 = vector.load %arg8[%swap3A, %swap3A_33] : memref<400x128xf32, #tpu.memory_space<vmem>>, vector<400x128xf32>
    tpu.vector_store %arg8[%swap3A, %swap3A_33], %max3A_32 {strides = array<i32>} : memref<400x128xf32, #tpu.memory_space<vmem>>, vector<400x128xf32>,
    return
  }
  func.func @transform_0(%arg0: i32) -> (i32, i32) {
    %c0_i32 = arith.constant 0 : i32
    %c0_i32_0 = arith.constant 0 : i32
    return %arg0, %c0_i32 : i32, i32
  }
  func.func @transform_1(%arg0: i32) -> (i32, i32) {
    %c0_i32 = arith.constant 0 : i32
    %c0_i32_0 = arith.constant 0 : i32
    return %arg0, %c0_i32 : i32, i32
  }
  func.func @transform_2(%arg0: i32) -> (i32, i32) {
    %c0_i32 = arith.constant 0 : i32
    %c0_i32_0 = arith.constant 0 : i32
    return %arg0, %c0_i32 : i32, i32
  }
  func.func @transform_3(%arg0: i32) -> (i32, i32) {
    %c0_i32 = arith.constant 0 : i32
    %c0_i32_0 = arith.constant 0 : i32
    %c0_i32_1 = arith.constant 0 : i32
    return %c0_i32, %c0_i32_0 : i32, i32
  }
  func.func @transform_4(%arg0: i32) -> (i32, i32) {
    %c0_i32 = arith.constant 0 : i32
    %c0_i32_0 = arith.constant 0 : i32
    %c0_i32_1 = arith.constant 0 : i32
    return %c0_i32, %c0_i32_0 : i32, i32
  }
  func.func @transform_5(%arg0: i32) -> (i32, i32) {
    %c0_i32 = arith.constant 0 : i32
    %c0_i32_0 = arith.constant 0 : i32
    %c0_i32_1 = arith.constant 0 : i32
    return %c0_i32, %c0_i32_0 : i32, i32
  }
  func.func @transform_6(%arg0: i32) -> (i32, i32) {
    %c0_i32 = arith.constant 0 : i32
    %c0_i32_0 = arith.constant 0 : i32
    %c0_i32_1 = arith.constant 0 : i32
    return %c0_i32, %c0_i32_0 : i32, i32
  }
  func.func @transform_7(%arg0: i32) -> (i32, i32) {
    %c0_i32 = arith.constant 0 : i32
    %c0_i32_0 = arith.constant 0 : i32
    return %arg0, %c0_i32 : i32, i32
  }
}

module attributes {stable_mosaic.version = 14 : i64} {
  func.func @body(%arg0: memref<512x128xf32, #tpu.memory_space<vmem>>, %arg1: memref<512x128xf32, #tpu.memory_space<vmem>>, %arg2: memref<512x128xf32, #tpu.memory_space<vmem>>, %arg3: memref<512x128xf32, #tpu.memory_space<vmem>>, %arg4: memref<128x128xf32, #tpu.memory_space<vmem>>, %arg5: memref<1x128xf32, #tpu.memory_space<vmem>>, %arg6: memref<128x1xf32, #tpu.memory_space<vmem>>, %arg7: memref<1x1xf32, #tpu.memory_space<vmem>>, %arg8: memref<512x1xf32, #tpu.memory_space<vmem>>) attributes {dimension_semantics = [], scalar_prefetch = 0 : i64, scratch_operands = 0 : i64, tpu.core_type = #tpu.core_type<tc>} {
    %get3A = arith.constant 0 : index
    %get3A_0 = arith.constant 0 : index
    %get3A_1 = vector.load %arg2[%get3A, %get3A_0] : memref<512x128xf32, #tpu.memory_space<vmem>>, vector<512x128xf32>
    %get3A_2 = arith.constant 0 : index
    %get3A_3 = arith.constant 0 : index
    %get3A_4 = vector.load %arg3[%get3A_2, %get3A_3] : memref<512x128xf32, #tpu.memory_space<vmem>>, vector<512x128xf32>
    %add3A = arith.addf %get3A_1, %get3A_4 : vector<512x128xf32>
    %max3A = arith.constant 1.000000e+00 : f32
    %max3A_5 = vector.broadcast %max3A : f32 to vector<512x128xf32>
    %max3A_6 = arith.maximumf %add3A, %max3A_5 : vector<512x128xf32>
    %get3A_7 = arith.constant 0 : index
    %get3A_8 = arith.constant 0 : index
    %get3A_9 = vector.load %arg0[%get3A_7, %get3A_8] : memref<512x128xf32, #tpu.memory_space<vmem>>, vector<512x128xf32>
    %get3A_10 = arith.constant 0 : index
    %get3A_11 = arith.constant 0 : index
    %get3A_12 = vector.load %arg1[%get3A_10, %get3A_11] : memref<512x128xf32, #tpu.memory_space<vmem>>, vector<512x128xf32>
    %add3A_13 = arith.addf %get3A_9, %get3A_12 : vector<512x128xf32>
    %div3A = arith.divf %add3A_13, %max3A_6 : vector<512x128xf32>
    %get3A_14 = arith.constant 0 : index
    %get3A_15 = arith.constant 0 : index
    %get3A_16 = vector.load %arg4[%get3A_14, %get3A_15] : memref<128x128xf32, #tpu.memory_space<vmem>>, vector<128x128xf32>
    %dot_general3A = arith.constant dense<0.000000e+00> : vector<512x128xf32>
    %dot_general3A_17 = tpu.matmul %div3A, %get3A_16, %dot_general3A {dimension_numbers = #tpu.dot_dimension_numbers<[1], [0], [0], [1], [0, 0, 1, 1], [], []>, transpose_lhs_hint = false} : vector<512x128xf32>, vector<128x128xf32>, vector<512x128xf32> -> vector<512x128xf32>
    %get3A_18 = arith.constant 0 : index
    %get3A_19 = arith.constant 0 : index
    %get3A_20 = vector.load %arg5[%get3A_18, %get3A_19] : memref<1x128xf32, #tpu.memory_space<vmem>>, vector<1x128xf32>
    %add3A_21 = vector.broadcast %get3A_20 : vector<1x128xf32> to vector<512x128xf32>
    %add3A_22 = arith.addf %dot_general3A_17, %add3A_21 : vector<512x128xf32>
    %max3A_23 = arith.constant 0.000000e+00 : f32
    %max3A_24 = vector.broadcast %max3A_23 : f32 to vector<512x128xf32>
    %max3A_25 = arith.maximumf %add3A_22, %max3A_24 : vector<512x128xf32>
    %get3A_26 = arith.constant 0 : index
    %get3A_27 = arith.constant 0 : index
    %get3A_28 = vector.load %arg6[%get3A_26, %get3A_27] : memref<128x1xf32, #tpu.memory_space<vmem>>, vector<128x1xf32>
    %dot_general3A_29 = arith.constant dense<0.000000e+00> : vector<512x1xf32>
    %dot_general3A_30 = tpu.matmul %max3A_25, %get3A_28, %dot_general3A_29 {dimension_numbers = #tpu.dot_dimension_numbers<[1], [0], [0], [1], [0, 0, 1, 1], [], []>, transpose_lhs_hint = false} : vector<512x128xf32>, vector<128x1xf32>, vector<512x1xf32> -> vector<512x1xf32>
    %get3A_31 = arith.constant 0 : index
    %get3A_32 = arith.constant 0 : index
    %get3A_33 = vector.load %arg7[%get3A_31, %get3A_32] : memref<1x1xf32, #tpu.memory_space<vmem>>, vector<1x1xf32>
    %add3A_34 = vector.broadcast %get3A_33 : vector<1x1xf32> to vector<512x1xf32>
    %add3A_35 = arith.addf %dot_general3A_30, %add3A_34 : vector<512x1xf32>
    %swap3A = arith.constant 0 : index
    %swap3A_36 = arith.constant 0 : index
    %swap3A_37 = vector.load %arg8[%swap3A, %swap3A_36] : memref<512x1xf32, #tpu.memory_space<vmem>>, vector<512x1xf32>
    tpu.vector_store %arg8[%swap3A, %swap3A_36], %add3A_35 {strides = array<i32>} : memref<512x1xf32, #tpu.memory_space<vmem>>, vector<512x1xf32>,
    return
  }
}

</mosaic_0001>

<sc_bundles>
// kernel: kernel.12.cloned.1.call-start
scs
__scs_entry_jumppad:
0x0: {  	(pc) =	sbr.rel $0x88, $3  }
0x1: {  	(tag) =	ssettag $0x0;
	lr =	simm.s32 $0x1  }
0x2: {  	[smem:$0x3F8A] =	sst lr;
	_ =	strace $0xD0000000  }
0x3: {  	_ = 	snop  }
0x4: {  	_ = 	snop  }
0x5: {  	_ = 	snop  }
0x6: {  	_ = 	snop  }
0x7: {  	_ = 	snop  }
__scs_overlays_trampoline_lowered:
0x8: {  	[smem:$0x3F99] =	sst s0  }
0x9: {  	[smem:$0x3F9A] =	sst s1  }
0xa: {  	[smem:$0x3F9B] =	sst s2  }
0xb: {  	[smem:$0x3F9C] =	sst s3  }
0xc: {  	[smem:$0x3F9D] =	sst s4  }
0xd: {  	[smem:$0x3F9E] =	sst s5  }
0xe: {  	[smem:$0x3F9F] =	sst s6  }
0xf: {  	[smem:$0x3FA0] =	sst s7  }
0x10: {  	[smem:$0x3FA1] =	sst s8  }
0x11: {  	[smem:$0x3FA2] =	sst s9;
	s0 =	simm.s32 @!p0 $0x0  }
0x12: {  	s1 =	sld [smem:$0x3F88];
	s0 =	simm.s32 @p0 $0x1  }
0x13: {  	[smem:$0x3FA3] =	sst s0;
	s0 =	simm.s32 @!p1 $0x0  }
0x14: {  	s2 =	sld [smem:$0x3F87];
	s0 =	simm.s32 @p1 $0x1  }
0x15: {  	[smem:$0x3FA4] =	sst s0;
	s0 =	simm.s32 @!p2 $0x0  }
0x16: {  	s3 =	sld [smem:$0x3FDB];
	s0 =	simm.s32 @p2 $0x1  }
0x17: {  	s4 =	simm.s32 $0x1BF5;
	[smem:$0x3FA6] =	sst s0  }
0x18: {  	s0 =	sld [smem:$0x3F89];
	_ =	swait.ge [sflag:s4], $0x0  }
0x19: {  	s7 =	sld [smem:$0x3F8A]  }
0x1a: {  	s8 =	sadd.s32 $0xFFFFE003, lr  }
0x1b: {  	s9 =	sadd.s32 $0xFFFFFEF7, lr;
	s5 =	simm.s32 $0xFFFFFFFF;
	p2 =	slt.u32 s8, $0xFFFFF086  }
0x1c: {  	p1 =	slt.u32 s9, $0xF7A;
	s5 =	simm.s32 @!p2 $0x0  }
0x1d: {  	s5 =	simm.s32 @p1 $0x1;
	p0 =	seq.s32 s7, s2  }
0x1e: {  	s7 =	smul.u32 @!p0 $0xF7A, s2;
	p2 =	seq.s32 @!p0 s5, $0x0  }
0x1f: {  	s9 =	smul.u32 $0xF7A, s1;
	s8 =	simm.s32 @!p0 $0x1BF5;
	p2 =	por !p2, p0  }
0x20: {  	[sflag:s8] =	ssyncset.s32 @!p0 $0xFFFFF086;
	s6 =	sadd.s32 @!p0 s3, s7;
	s7 =	simm.s32 @!p0 $0x108  }
0x21: {  	s3 =	sadd.s32 s3, s9;
	s6 =	sadd.s32 @!p0 $0x88, s6;
	s7 =	simm.s32 @p2 $0x1082  }
0x22: {  	[simem:s7], [sflag:s8] =	dma.local @!p0 [hbm:s6], $0xF7A  }
0x23: {  	s9 =	sor.u32 $0xD0000000, s2;
	s6 =	simm.s32 $0x108;
	_ =	swait.ge @!p0 [sflag:s8], $0x0  }
0x24: {  	s3 =	sadd.s32 $0x88, s3;
	s6 =	simm.s32 @!p1 $0x1082;
	[sflag:s4] =	ssyncset.s32 $0xFFFFF086  }
0x25: {  	[simem:s6], [sflag:s4] =	dma.local [hbm:s3], $0xF7A  }
0x26: {  	[smem:$0x3F8A] =	sst s1;
	(tag) =	ssettag s2;
	_ =	strace s9  }
0x27: {  	s1 =	sld [smem:$0x3F9A]  }
0x28: {  	s2 =	sld [smem:$0x3F9B]  }
0x29: {  	s4 =	sld [smem:$0x3F9D]  }
0x2a: {  	p0 =	seq.s32 s5, $0x0;
	s5 =	sld [smem:$0x3F9E]  }
0x2b: {  	s6 =	sld [smem:$0x3F9F]  }
0x2c: {  	s7 =	sld [smem:$0x3FA0]  }
0x2d: {  	s3 =	simm.s32 $0x108;
	s8 =	sld [smem:$0x3FA1]  }
0x2e: {  	s3 =	simm.s32 @!p0 $0x1082;
	s9 =	sld [smem:$0x3FA2]  }
0x2f: {  	lr =	sadd.s32 s0, s3;
	s0 =	sld [smem:$0x3F99]  }
0x30: {  	s3 =	sld [smem:$0x3F9C]  }
0x31: {  	[smem:$0x3FA5] =	sst s10  }
0x32: {  	s10 =	sld [smem:$0x3FA3];
	_ =	sdelay $0x3  }
0x33: {  	p0 =	seq.s32 s10, $0x1;
	s10 =	sld [smem:$0x3FA5];
	_ =	sdelay $0x3  }
0x34: {  	[smem:$0x3FA5] =	sst s10  }
0x35: {  	s10 =	sld [smem:$0x3FA4];
	_ =	sdelay $0x3  }
0x36: {  	p1 =	seq.s32 s10, $0x1;
	s10 =	sld [smem:$0x3FA5];
	_ =	sdelay $0x3  }
0x37: {  	[smem:$0x3FA5] =	sst s10  }
0x38: {  	s10 =	sld [smem:$0x3FA6]  }
0x39: {  	_ = 	snop;
	(pc) =	sbr.ind lr, $3  }
0x3a: {  	_ = 	snop  }
0x3b: {  	_ = 	snop  }
0x3c: {  	p2 =	seq.s32 s10, $0x1;
	s10 =	sld [smem:$0x3FA5]  }
0x3d: {  	_ =	shalt  }
0x3e: {  	_ =	shalt  }
0x3f: {  	_ =	shalt  }
0x40: {  	_ =	shalt  }
0x41: {  	_ =	shalt  }
0x42: {  	_ =	shalt  }
0x43: {  	_ =	shalt  }
0x44: {  	_ =	shalt  }
0x45: {  	_ =	shalt  }
0x46: {  	_ =	shalt  }
0x47: {  	_ =	shalt  }
0x48: {  	_ =	shalt  }
0x49: {  	_ =	shalt  }
0x4a: {  	_ =	shalt  }
0x4b: {  	_ =	shalt  }
0x4c: {  	_ =	shalt  }
0x4d: {  	_ =	shalt  }
0x4e: {  	_ =	shalt  }
0x4f: {  	_ =	shalt  }
0x50: {  	_ =	shalt  }
0x51: {  	_ =	shalt  }
0x52: {  	_ =	shalt  }
0x53: {  	_ =	shalt  }
0x54: {  	_ =	shalt  }
0x55: {  	_ =	shalt  }
0x56: {  	_ =	shalt  }
0x57: {  	_ =	shalt  }
0x58: {  	_ =	shalt  }
0x59: {  	_ =	shalt  }
0x5a: {  	_ =	shalt  }
0x5b: {  	_ =	shalt  }
0x5c: {  	_ =	shalt  }
0x5d: {  	_ =	shalt  }
0x5e: {  	_ =	shalt  }
0x5f: {  	_ =	shalt  }
0x60: {  	_ =	shalt  }
0x61: {  	_ =	shalt  }
0x62: {  	_ =	shalt  }
0x63: {  	_ =	shalt  }
0x64: {  	_ =	shalt  }
0x65: {  	_ =	shalt  }
0x66: {  	_ =	shalt  }
0x67: {  	_ =	shalt  }
0x68: {  	_ =	shalt  }
0x69: {  	_ =	shalt  }
0x6a: {  	_ =	shalt  }
0x6b: {  	_ =	shalt  }
0x6c: {  	_ =	shalt  }
0x6d: {  	_ =	shalt  }
0x6e: {  	_ =	shalt  }
0x6f: {  	_ =	shalt  }
0x70: {  	_ =	shalt  }
0x71: {  	_ =	shalt  }
0x72: {  	_ =	shalt  }
0x73: {  	_ =	shalt  }
0x74: {  	_ =	shalt  }
0x75: {  	_ =	shalt  }
0x76: {  	_ =	shalt  }
0x77: {  	_ =	shalt  }
0x78: {  	_ =	shalt  }
0x79: {  	_ =	shalt  }
0x7a: {  	_ =	shalt  }
0x7b: {  	_ =	shalt  }
0x7c: {  	_ =	shalt  }
0x7d: {  	_ =	shalt  }
0x7e: {  	_ =	shalt  }
0x7f: {  	_ =	shalt  }
0x80: {  	_ =	shalt  }
0x81: {  	_ =	shalt  }
0x82: {  	_ =	shalt  }
0x83: {  	_ =	shalt  }
0x84: {  	_ =	shalt  }
0x85: {  	_ =	shalt  }
0x86: {  	_ =	shalt  }
0x87: {  	_ =	shalt  }
.Lfunc_end0:
.L_simem_size_0:
called_computation_lowered:
.L_overlay_start_0:
0x88: {  	s2 =	sld [smem:$0x3FD9]  }
0x89: {  	s3 =	sld [smem:$0x3FFE];
	_ =	sdelay $0x1  }
0x8a: {  	s1 =	srdreg.scid  }
0x8b: {  	s0 =	sand.u32 $0x1, s1  }
0x8c: {  	s17 =	sshll.u32 s0, $0xA;
	s2 =	sadd.s32 s3, s2  }
0x8d: {  	s2 =	sadd.s32 s2, s17  }
0x8e: {  	[smem:$0x3FB1] =	sst s2  }
0x8f: {  	_ = 	snop  }
0x90: {  	s2 =	sld [smem:$0x3FC9];
	(tm) =	ssettm $0x1  }
0x91: {  	s18 =	sld [smem:$0x3FFB];
	_ =	sdelay $0x3  }
0x92: {  	_ =	strace s18  }
0x93: {  	s3 =	sld [smem:$0x3FFC];
	_ =	sdelay $0x3  }
0x94: {  	_ =	strace s3  }
0x95: {  	s3 =	sld [smem:$0x3FFD];
	_ =	sdelay $0x3  }
0x96: {  	_ =	strace s3  }
0x97: {  	_ =	strace $0x8FFFFFFF  }
0x98: {  	s19 =	sld [smem:$0x3FDB];
	_ =	sdelay $0x1  }
0x99: {  	s4 =	simm.s32 $_scs_section_size  }
0x9a: {  	s5 =	simm.s32 $_size__tile_overlayer_lowered;
	s6 =	simm.s32 $_tile_overlayer_lowered  }
0x9b: {  	s22 =	simm.s32 $0x1BFF;
	s21 =	sshll.u32 s6, $0x1;
	s3 =	sadd.s32 s4, s19  }
0x9c: {  	s7 =	simm.s32 $0x0;
	s20 =	sshll.u32 s5, $0x1;
	s5 =	sadd.s32 s21, s3  }
0x9d: {  	[timem:s7], [sflag:s22] =	dma.local [hbm:s5], s20  }
0x9e: {  	_ =	swait.ge [sflag:s22], s20  }
0x9f: {  	s4 =	ssub.s32 $0x0, s20;
	[sflag:s22] =	ssyncset.done $0x0  }
0xa0: {  	[sflag:s22] =	ssyncadd.s32 s4;
	_ =	sdelay $0x1  }
0xa1: {  	s23 =	simm.s32 $0x1B8B  }
0xa2: {  	_ =	swait.ge [sflag:s23], $0x1  }
0xa3: {  	[sflag:s23] =	ssyncset.done $0x0  }
0xa4: {  	s25 =	simm.s32 $0x1B8E;
	s24 =	sld [smem:$0x3FFE];
	[sflag:s23] =	ssyncadd.s32 $0xFFFFFFFF  }
0xa5: {  	s26 =	simm.s32 $execute0_lowered;
	[smem:$0x3FD2] =	sst s25  }
0xa6: {  	s5 =	sshll.u32 s26, $0x1;
	_ =	strace $0x80000046;
	[dreg:$0x1] =	wrdreg $0xFFFFFFFF  }
0xa7: {  	s28 =	simm.s32 $_size_execute0_lowered;
	s3 =	sadd.s32 s3, s5;
	[dreg:$0x0] =	wrdreg $0x0  }
0xa8: {  	s5 =	sshll.u32 s28, $0x1;
	[dreg:$0x2] =	wrdreg s3  }
0xa9: {  	[dreg:$0x3] =	wrdreg s5  }
0xaa: {  	[dreg:$0x4] =	wrdreg $0xC0  }
0xab: {  	_ =	task [dreg:s7], $0x5FFFF  }
0xac: {  	[dreg:$0x1] =	wrdreg $0xFFFFFFFF  }
0xad: {  	[dreg:$0x0] =	wrdreg $0x60  }
0xae: {  	[dreg:$0x2] =	wrdreg s2  }
0xaf: {  	[dreg:$0x3] =	wrdreg s24  }
0xb0: {  	[dreg:$0x4] =	wrdreg $0xA5000  }
0xb1: {  	[dreg:$0x5] =	wrdreg $0x9  }
0xb2: {  	_ =	task.clear_ibuf [dreg:s7], $0x6FFFF;
	_ =	strace $0x90000046  }
0xb3: {  	s29 =	simm.s32 $0x9;
	_ =	strace $0x80000048  }
0xb4: {  	_ =	swait.ge [sflag:s29], $0x1  }
0xb5: {  	[sflag:s29] =	ssyncadd.s32 $0xFFFFFFFF  }
0xb6: {  	_ =	strace $0x90000048  }
0xb7: {  	_ =	sfence  }
0xb8: {  	s30 =	sld [smem:$0x0];
	_ =	sdelay $0x2  }
0xb9: {  	s31 =	sshll.u32 s1, $0xD;
	s1 =	sshrl.u32 s1, $0x2  }
0xba: {  	s3 =	sand.u32 $0x4000, s31;
	s1 =	sadd.s32 s1, s30  }
0xbb: {  	s0 =	sor.u32 s3, s0;
	s1 =	sshll.u32 s1, $0x11  }
0xbc: {  	s0 =	sor.u32 s1, s0  }
0xbd: {  	s0 =	sadd.s32 $0x8F2B, s0  }
0xbe: {  	[sflag:s0] =	ssyncadd.remote.s32 $0x1  }
0xbf: {  	_ =	sfence.sel $0xFFFF  }
0xc0: {  	[dreg:$0x0] =	wrdreg $0xFFFFFFFF;
	(pc) =	sbr.abs _section_cstart, $3  }
0xc1: {  	[dreg:$0x1] =	wrdreg $0xFFFFFFFF  }
0xc2: {  	_ =	task.clear_ibuf [dreg:s7], $0x2FFFF;
	_ =	strace $0x9FFFFFFF  }
0xc3: {  	(tm) =	ssettm $0x7FFFFFFF  }
tec
execute0_lowered:
.L_overlay_start_1:
0x0: {  	(tag) =	ssettag $0x1  }
0x1: {  	s21 =	stileid.u32  }
0x2: {  	s0 =	srdreg.scid;
	s9 =	smul.u32 $0x500, s21  }
0x3: {  	s0 =	sand.u32 $0x1, s0;
	s26 =	smul.u32 $0x1F40, s21  }
0x4: {  	s8 =	sor.u32 $0x10, s21;
	s3 =	smul.u32 $0x27100, s0  }
0x5: {  	s2 =	rddreg [dreg:$0x0];
	s10 =	sor.u32 $0x20, s21;
	s11 =	smul.u32 $0x500, s8  }
0x6: {  	s6 =	rddreg [dreg:$0x1];
	s14 =	sor.u32 $0x30, s21;
	s13 =	smul.u32 $0x500, s10  }
0x7: {  	s30 =	simm.s32 $0x500;
	s16 =	sor.u32 $0x40, s21;
	s17 =	smul.u32 $0x500, s14  }
0x8: {  	s31 =	simm.s32 $0xB;
	s1 =	sshll.u32 s21, $0x1;
	s20 =	smul.u32 $0x500, s16  }
0x9: {  	s4 =	sor.u32 s0, s1;
	s15 =	ssub.s32 $0x2, s0;
	s0 =	smul.u32 $0xFA0, s0  }
0xa: {  	s12 =	sadd.s32 $0x7200, s6;
	s19 =	sor.u32 $0x50, s21;
	s1 =	smul.u32 $0x7D, s4  }
0xb: {  	s23 =	sor.u32 $0x60, s21;
	s24 =	sor.u32 $0x70, s21;
	s5 =	smul.u32 $0xFA0, s4  }
0xc: {  	p0 =	sgt.u32 s24, $0x7C;
	s7 =	smul.u32 $0x7D00, s4;
	s18 =	sshrl.u32 s15, $0x1  }
0xd: {  	s4 =	rddreg [dreg:$0x2];
	s3 =	sadd.s32 s3, s6;
	s15 =	ssub.s32 s15, s18  }
0xe: {  	s18 =	smul.u32 $0x500, s19;
	s5 =	sadd.s32 s12, s5;
	s25 =	sshrl.u32 s7, $0x3  }
0xf: {  	s7 =	sadd.s32 s26, s12;
	s3 =	sadd.s32 $0x26600, s3;
	[dreg:$0x4] =	wrdreg s5  }
0x10: {  	s5 =	sadd.s32 s12, s25;
	s12 =	smul.u32 $0x500, s23;
	s9 =	sadd.s32 s9, s3  }
0x11: {  	s0 =	sadd.s32 s0, s7;
	s11 =	sadd.s32 s11, s3;
	[dreg:$0x5] =	wrdreg s9  }
0x12: {  	s7 =	smul.u32 $0x500, s24;
	s22 =	sadd.s32 s13, s3;
	[dreg:$0x6] =	wrdreg s11  }
0x13: {  	s25 =	sadd.s32 s17, s3;
	s26 =	sadd.s32 s20, s3;
	[dreg:$0x7] =	wrdreg s22  }
0x14: {  	s17 =	smul.u32 $0xA000, s8;
	s8 =	simm.s32 $0x3;
	[dreg:$0x8] =	wrdreg s25  }
0x15: {  	[dreg:$0x9] =	wrdreg s26;
	s11 =	sadd.s32 s18, s3;
	s25 =	smul.u32 $0xA000, s21  }
0x16: {  	s22 =	sadd.s32 $0x20, s5;
	s26 =	sadd.s32 $0x40, s5;
	s9 =	smul.u32 $0xA000, s10  }
0x17: {  	s5 =	sadd.s32 $0x60, s5;
	[dreg:$0xa] =	wrdreg s11;
	s11 =	smul.u32 $0xA000, s14  }
0x18: {  	s18 =	sadd.s32 $0x7280, s6;
	s0 =	sadd.s32 $0xE0, s0;
	s14 =	smul.u32 $0xA000, s16  }
0x19: {  	s13 =	sadd.s32 s12, s3;
	s12 =	smax.u32 s15, $0x1;
	s15 =	smul.u32 $0xA000, s19  }
0x1a: {  	s3 =	sadd.s32 @!p0 s7, s3;
	s16 =	smul.u32 $0xA000, s23;
	[dreg:$0xb] =	wrdreg s13  }
0x1b: {  	s13 =	simm.s32 $0x0;
	[dreg:$0xc] =	wrdreg s3;
	s10 =	sshrl.u32 s25, $0x2  }
0x1c: {  	s3 =	sshrl.u32 s17, $0x2;
	[smem:$0x7FF] =	sst s13;
	s20 =	sadd.s32 s10, s4  }
0x1d: {  	s19 =	sadd.s32 s3, s4;
	s17 =	sshrl.u32 s11, $0x2;
	s6 =	sshrl.u32 s14, $0x2  }
0x1e: {  	s3 =	sshrl.u32 s16, $0x2;
	_ =	strace $0x80000047;
	[dreg:$0xd] =	wrdreg s22  }
0x1f: {  	s10 =	simm.s32 $0x5;
	s11 =	simm.s32 $0x400;
	[dreg:$0xe] =	wrdreg s26  }
0x20: {  	s14 =	simm.s32 $0x7;
	s16 =	simm.s32 $0xC;
	[dreg:$0xf] =	wrdreg s5  }
0x21: {  	[dreg:$0x10] =	wrdreg s12;
	s5 =	sshrl.u32 s9, $0x2;
	s22 =	smul.u32 $0xA000, s24  }
0x22: {  	s29 =	sadd.s32 s17, s4;
	s23 =	sadd.s32 s6, s4;
	s24 =	sshrl.u32 s15, $0x2  }
.Ltmp0:
0x23: {  	s26 =	sadd.s32 s3, s4;
	[dreg:$0x13] =	wrdreg s0;
	(pc) =	sbr.rel .LBB2_1-.Ltmp0, $4  }
0x24: {  	s0 =	simm.s32 $0x200;
	s6 =	simm.s32 $0x50;
	s9 =	simm.s32 $0x5500  }
0x25: {  	s12 =	simm.s32 $0x9;
	s17 =	simm.s32 $0x0;
	s21 =	sadd.s32 s5, s4  }
0x26: {  	[dreg:$0x11] =	wrdreg s23;
	s5 =	sadd.s32 s24, s4;
	s25 =	sshrl.u32 s22, $0x2  }
0x27: {  	v0 =	vimm.f32 $0.0e+00;
	[dreg:$0x12] =	wrdreg s5;
	s5 =	simm.s32 $0x1;
	s28 =	sadd.s32 s25, s4  }
.LBB2_13:
0x28: {  	s3 =	simm.s32 $0xA  }
0x29: {  	_ =	swait.ge [sflag:s3], $0x2800  }
0x2a: {  	[sflag:s3] =	ssyncset.done $0x0  }
0x2b: {  	[sflag:s3] =	ssyncadd.s32 $0xFFFFD800  }
0x2c: {  	_ =	swait.ge [sflag:s12], $0x2800  }
0x2d: {  	[sflag:s12] =	ssyncset.done $0x0  }
0x2e: {  	[sflag:s12] =	ssyncadd.s32 $0xFFFFD800  }
0x2f: {  	[bflag:$0x0] =	sbarrier.arrive $0xFFFF  }
0x30: {  	[tilespmem:s30], [sflag:$0xC] =	stream.linear.gather [spmem:s22], $0x2800, $0x38;
	[tilespmem:$0x1DD80] =	vst v63  }
0x31: {  	_ =	swait.ge [sflag:s16], $0x2800  }
0x32: {  	[sflag:s16] =	ssyncset.done $0x0  }
0x33: {  	s20 =	smov.u32 s22;
	s22 =	rddreg [dreg:$0x5];
	[sflag:s16] =	ssyncadd.s32 $0xFFFFD800  }
0x34: {  	[hbm4b:s22+s13] =	stream.linear.scatter [tilespmem:s30], [sflag:$0xB], $0x2800, $0x38;
	[tilespmem:$0x1DD80] =	vst v63  }
0x35: {  	_ =	swait.ge [sflag:s31], $0x2800  }
0x36: {  	[sflag:s31] =	ssyncset.done $0x0  }
0x37: {  	[sflag:s31] =	ssyncadd.s32 $0xFFFFD800  }
0x38: {  	[tilespmem:s30], [sflag:$0xC] =	stream.linear.gather [spmem:s23], $0x2800, $0x38;
	[tilespmem:$0x1DD80] =	vst v63  }
0x39: {  	_ =	swait.ge [sflag:s16], $0x2800  }
0x3a: {  	[sflag:s16] =	ssyncset.done $0x0  }
0x3b: {  	s19 =	smov.u32 s23;
	s23 =	rddreg [dreg:$0x6];
	[sflag:s16] =	ssyncadd.s32 $0xFFFFD800  }
0x3c: {  	[hbm4b:s23+s13] =	stream.linear.scatter [tilespmem:s30], [sflag:$0xB], $0x2800, $0x38;
	[tilespmem:$0x1DD80] =	vst v63  }
0x3d: {  	_ =	swait.ge [sflag:s31], $0x2800  }
0x3e: {  	[sflag:s31] =	ssyncset.done $0x0  }
0x3f: {  	[sflag:s31] =	ssyncadd.s32 $0xFFFFD800  }
0x40: {  	[tilespmem:s30], [sflag:$0xC] =	stream.linear.gather [spmem:s24], $0x2800, $0x38;
	[tilespmem:$0x1DD80] =	vst v63  }
0x41: {  	_ =	swait.ge [sflag:s16], $0x2800  }
0x42: {  	[sflag:s16] =	ssyncset.done $0x0  }
0x43: {  	s21 =	smov.u32 s24;
	s24 =	rddreg [dreg:$0x7];
	[sflag:s16] =	ssyncadd.s32 $0xFFFFD800  }
0x44: {  	[hbm4b:s24+s13] =	stream.linear.scatter [tilespmem:s30], [sflag:$0xB], $0x2800, $0x38;
	[tilespmem:$0x1DD80] =	vst v63  }
0x45: {  	_ =	swait.ge [sflag:s31], $0x2800  }
0x46: {  	[sflag:s31] =	ssyncset.done $0x0  }
0x47: {  	[sflag:s31] =	ssyncadd.s32 $0xFFFFD800  }
0x48: {  	[tilespmem:s30], [sflag:$0xC] =	stream.linear.gather [spmem:s25], $0x2800, $0x38;
	[tilespmem:$0x1DD80] =	vst v63  }
0x49: {  	_ =	swait.ge [sflag:s16], $0x2800  }
0x4a: {  	[sflag:s16] =	ssyncset.done $0x0  }
0x4b: {  	s29 =	smov.u32 s25;
	s25 =	rddreg [dreg:$0x8];
	[sflag:s16] =	ssyncadd.s32 $0xFFFFD800  }
0x4c: {  	[hbm4b:s25+s13] =	stream.linear.scatter [tilespmem:s30], [sflag:$0xB], $0x2800, $0x38;
	[tilespmem:$0x1DD80] =	vst v63  }
0x4d: {  	_ =	swait.ge [sflag:s31], $0x2800  }
0x4e: {  	[sflag:s31] =	ssyncset.done $0x0  }
0x4f: {  	s7 =	rddreg [dreg:$0x11];
	[sflag:s31] =	ssyncadd.s32 $0xFFFFD800  }
0x50: {  	[tilespmem:s30], [sflag:$0xC] =	stream.linear.gather [spmem:s7], $0x2800, $0x38;
	[tilespmem:$0x1DD80] =	vst v63  }
0x51: {  	_ =	swait.ge [sflag:s16], $0x2800  }
0x52: {  	[sflag:s16] =	ssyncset.done $0x0  }
0x53: {  	s15 =	rddreg [dreg:$0x9];
	[sflag:s16] =	ssyncadd.s32 $0xFFFFD800  }
0x54: {  	[hbm4b:s15+s13] =	stream.linear.scatter [tilespmem:s30], [sflag:$0xB], $0x2800, $0x38;
	[tilespmem:$0x1DD80] =	vst v63  }
0x55: {  	_ =	swait.ge [sflag:s31], $0x2800  }
0x56: {  	[sflag:s31] =	ssyncset.done $0x0  }
0x57: {  	s22 =	rddreg [dreg:$0x12];
	[sflag:s31] =	ssyncadd.s32 $0xFFFFD800  }
0x58: {  	[tilespmem:s30], [sflag:$0xC] =	stream.linear.gather [spmem:s22], $0x2800, $0x38;
	[tilespmem:$0x1DD80] =	vst v63  }
0x59: {  	_ =	swait.ge [sflag:s16], $0x2800  }
0x5a: {  	[sflag:s16] =	ssyncset.done $0x0  }
0x5b: {  	s23 =	rddreg [dreg:$0xa];
	[sflag:s16] =	ssyncadd.s32 $0xFFFFD800  }
0x5c: {  	[hbm4b:s23+s13] =	stream.linear.scatter [tilespmem:s30], [sflag:$0xB], $0x2800, $0x38;
	[tilespmem:$0x1DD80] =	vst v63  }
0x5d: {  	_ =	swait.ge [sflag:s31], $0x2800  }
0x5e: {  	[sflag:s31] =	ssyncset.done $0x0  }
0x5f: {  	[sflag:s31] =	ssyncadd.s32 $0xFFFFD800  }
0x60: {  	[tilespmem:s30], [sflag:$0xC] =	stream.linear.gather [spmem:s26], $0x2800, $0x38;
	[tilespmem:$0x1DD80] =	vst v63  }
0x61: {  	_ =	swait.ge [sflag:s16], $0x2800  }
0x62: {  	[sflag:s16] =	ssyncset.done $0x0  }
0x63: {  	s24 =	rddreg [dreg:$0xb];
	[sflag:s16] =	ssyncadd.s32 $0xFFFFD800  }
0x64: {  	[hbm4b:s24+s13] =	stream.linear.scatter [tilespmem:s30], [sflag:$0xB], $0x2800, $0x38;
	[tilespmem:$0x1DD80] =	vst v63  }
0x65: {  	_ =	swait.ge [sflag:s31], $0x2800  }
0x66: {  	[sflag:s31] =	ssyncset.done $0x0  }
0x67: {  	s3 =	simm.s32 @!p0 $0x500;
	s7 =	simm.s32 @!p0 $0xC;
	[sflag:s31] =	ssyncadd.s32 $0xFFFFD800  }
0x68: {  	[tilespmem:s3], [sflag:$0xC] =	stream.linear.gather @!p0 [spmem:s28], $0x2800, $0x38;
	[tilespmem:$0x1DD80] =	vst v63  }
0x69: {  	_ =	swait.ge @!p0 [sflag:s7], $0x2800  }
0x6a: {  	[sflag:s7] =	ssyncset.done @!p0 $0x0  }
0x6b: {  	s15 =	rddreg [dreg:$0xc];
	[sflag:s7] =	ssyncadd.s32 @!p0 $0xFFFFD800;
	s7 =	simm.s32 @!p0 $0x0  }
0x6c: {  	[hbm4b:s15+s7] =	stream.linear.scatter @!p0 [tilespmem:s3], [sflag:$0xB], $0x2800, $0x38;
	[tilespmem:$0x1DD80] =	vst v63  }
0x6d: {  	s3 =	simm.s32 @!p0 $0xB  }
0x6e: {  	_ =	swait.ge @!p0 [sflag:s3], $0x2800  }
0x6f: {  	s17 =	sadd.s32 $0x1, s17;
	s25 =	rddreg [dreg:$0x10]  }
0x70: {  	p1 =	sne.s32 s17, s25  }
.Ltmp1:
0x71: {  	_ = 	snop;
	(pc) =	sbr.rel @!p1 .LBB2_14-.Ltmp1, $3  }
0x72: {  	_ =	sdelay $0x1  }
0x73: {  	[sflag:s3] =	ssyncset.done @!p0 $0x0  }
0x74: {  	[sflag:s3] =	ssyncadd.s32 @!p0 $0xFFFFD800  }
.LBB2_1:
0x75: {  	s3 =	simm.s32 $0x70;
	s7 =	simm.s32 $0x3C0  }
.LBB2_2:
0x76: {  	p1 =	sne.s32 s7, $0x9FC0;
	[tilespmem:s3+$0x500] =	vst v0  }
0x77: {  	[tilespmem:s3+$0x490] =	vst v0  }
0x78: {  	[tilespmem:s3+$0x4A0] =	vst v0  }
.Ltmp2:
0x79: {  	[tilespmem:s3+$0x4B0] =	vst v0;
	(pc) =	sbr.rel @p1 .LBB2_2-.Ltmp2, $4  }
0x7a: {  	[tilespmem:s3+$0x4C0] =	vst v0  }
0x7b: {  	[tilespmem:s3+$0x4D0] =	vst v0  }
0x7c: {  	[tilespmem:s3+$0x4E0] =	vst v0  }
0x7d: {  	[tilespmem:s3+$0x4F0] =	vst v0;
	s3 =	sshra.s32 s7, $0x2;
	s7 =	sadd.s32 $0x200, s7  }
0x7e: {  	[tilespmem:s3+$0x500] =	vst v0  }
0x7f: {  	[tilespmem:s3+$0x490] =	vst v0  }
0x80: {  	[tilespmem:s3+$0x4A0] =	vst v0  }
0x81: {  	[tilespmem:s3+$0x4B0] =	vst v0  }
0x82: {  	[tilespmem:s3+$0x4C0] =	vst v0  }
0x83: {  	[tilespmem:s3+$0x4D0] =	vst v0  }
0x84: {  	[tilespmem:s3+$0x4E0] =	vst v0  }
0x85: {  	[tilespmem:s3+$0x4F0] =	vst v0  }
0x86: {  	[spmem:s20] =	stream.linear.scatter [tilespmem:s30], [sflag:$0xB], $0x2800, $0x38;
	[tilespmem:$0x1DD80] =	vst v63  }
0x87: {  	_ =	swait.ge [sflag:s31], $0x2800  }
0x88: {  	[sflag:s31] =	ssyncset.done $0x0  }
0x89: {  	[sflag:s31] =	ssyncadd.s32 $0xFFFFD800  }
0x8a: {  	[spmem:s19] =	stream.linear.scatter [tilespmem:s30], [sflag:$0xB], $0x2800, $0x38;
	[tilespmem:$0x1DD80] =	vst v63  }
0x8b: {  	_ =	swait.ge [sflag:s31], $0x2800  }
0x8c: {  	[sflag:s31] =	ssyncset.done $0x0  }
0x8d: {  	[sflag:s31] =	ssyncadd.s32 $0xFFFFD800  }
0x8e: {  	[spmem:s21] =	stream.linear.scatter [tilespmem:s30], [sflag:$0xB], $0x2800, $0x38;
	[tilespmem:$0x1DD80] =	vst v63  }
0x8f: {  	_ =	swait.ge [sflag:s31], $0x2800  }
0x90: {  	[sflag:s31] =	ssyncset.done $0x0  }
0x91: {  	[sflag:s31] =	ssyncadd.s32 $0xFFFFD800  }
0x92: {  	[spmem:s29] =	stream.linear.scatter [tilespmem:s30], [sflag:$0xB], $0x2800, $0x38;
	[tilespmem:$0x1DD80] =	vst v63  }
0x93: {  	_ =	swait.ge [sflag:s31], $0x2800  }
0x94: {  	[sflag:s31] =	ssyncset.done $0x0  }
0x95: {  	s22 =	smov.u32 s20;
	s20 =	rddreg [dreg:$0x11];
	[sflag:s31] =	ssyncadd.s32 $0xFFFFD800  }
0x96: {  	[spmem:s20] =	stream.linear.scatter [tilespmem:s30], [sflag:$0xB], $0x2800, $0x38;
	[tilespmem:$0x1DD80] =	vst v63  }
0x97: {  	_ =	swait.ge [sflag:s31], $0x2800  }
0x98: {  	[sflag:s31] =	ssyncset.done $0x0  }
0x99: {  	s24 =	smov.u32 s21;
	s21 =	rddreg [dreg:$0x12];
	[sflag:s31] =	ssyncadd.s32 $0xFFFFD800  }
0x9a: {  	[spmem:s21] =	stream.linear.scatter [tilespmem:s30], [sflag:$0xB], $0x2800, $0x38;
	[tilespmem:$0x1DD80] =	vst v63  }
0x9b: {  	_ =	swait.ge [sflag:s31], $0x2800  }
0x9c: {  	[sflag:s31] =	ssyncset.done $0x0  }
0x9d: {  	[sflag:s31] =	ssyncadd.s32 $0xFFFFD800  }
0x9e: {  	[spmem:s26] =	stream.linear.scatter [tilespmem:s30], [sflag:$0xB], $0x2800, $0x38;
	[tilespmem:$0x1DD80] =	vst v63  }
0x9f: {  	_ =	swait.ge [sflag:s31], $0x2800  }
0xa0: {  	[sflag:s31] =	ssyncset.done $0x0  }
0xa1: {  	s3 =	simm.s32 @!p0 $0x500;
	[sflag:s31] =	ssyncadd.s32 $0xFFFFD800  }
0xa2: {  	[spmem:s28] =	stream.linear.scatter @!p0 [tilespmem:s3], [sflag:$0xB], $0x2800, $0x38;
	[tilespmem:$0x1DD80] =	vst v63  }
0xa3: {  	s3 =	simm.s32 @!p0 $0xB  }
0xa4: {  	_ =	swait.ge @!p0 [sflag:s3], $0x2800  }
0xa5: {  	[sflag:s3] =	ssyncset.done @!p0 $0x0  }
0xa6: {  	[sflag:s3] =	ssyncadd.s32 @!p0 $0xFFFFD800  }
0xa7: {  	[bflag:$0x0] =	sbarrier.arrive $0xFFFF  }
0xa8: {  	s23 =	smov.u32 s19;
	s19 =	simm.s32 $0x0;
	s7 =	rddreg [dreg:$0x4]  }
0xa9: {  	[tilespmem:s19], [sflag:$0x1] =	stream.linear.gather [hbm4b:s7+s19], $0x100, $0x38;
	[tilespmem:$0x1DD80] =	vst v63  }
0xaa: {  	s15 =	rddreg [dreg:$0xd];
	s7 =	simm.s32 $0x100  }
0xab: {  	[tilespmem:s7], [sflag:$0x2] =	stream.linear.gather [hbm4b:s15+s19], $0x100, $0x38;
	[tilespmem:$0x1DD80] =	vst v63  }
0xac: {  	s20 =	rddreg [dreg:$0xe]  }
0xad: {  	[tilespmem:s0], [sflag:$0x3] =	stream.linear.gather [hbm4b:s20+s19], $0x100, $0x38;
	[tilespmem:$0x1DD80] =	vst v63  }
0xae: {  	s21 =	rddreg [dreg:$0xf];
	s15 =	simm.s32 $0x300  }
0xaf: {  	[tilespmem:s15], [sflag:$0x4] =	stream.linear.gather [hbm4b:s21+s19], $0x100, $0x38;
	[tilespmem:$0x1DD80] =	vst v63  }
0xb0: {  	_ =	swait.ge [sflag:s5], $0x100  }
0xb1: {  	[sflag:s5] =	ssyncset.done $0x0  }
0xb2: {  	[sflag:s5] =	ssyncadd.s32 $0xFFFFFF00  }
0xb3: {  	[tilespmem:s30], [sflag:$0x5] =	stream.indirect.gather [hbm4b:s2+s6], $0x80, s19, s6, $0xb8;
	[tilespmem:$0x1DD80] =	vst v63  }
.Ltmp3:
0xb4: {  	s20 =	simm.s32 $0x2;
	(pc) =	sbr.rel .LBB2_4-.Ltmp3, $4  }
0xb5: {  	_ =	swait.ge [sflag:s20], $0x100  }
0xb6: {  	s25 =	smov.u32 s29;
	s3 =	simm.s32 $0x3;
	[sflag:s20] =	ssyncset.done $0x0  }
0xb7: {  	s21 =	simm.s32 $0x2D00;
	s29 =	rddreg [dreg:$0x13];
	[sflag:s20] =	ssyncadd.s32 $0xFFFFFF00  }
0xb8: {  	[tilespmem:s21], [sflag:$0x6] =	stream.indirect.gather [hbm4b:s2+s6], $0x80, s7, s6, $0xb8;
	[tilespmem:$0x1DD80] =	vst v63  }
.LBB2_11:
0xb9: {  	_ =	swait.ge [sflag:s14], $0x2800  }
0xba: {  	[sflag:s14] =	ssyncset.done $0x0  }
0xbb: {  	[sflag:s14] =	ssyncadd.s32 $0xFFFFD800  }
0xbc: {  	v1 =	vld [tilespmem:$0x280]  }
0xbd: {  	v2 =	vld [tilespmem:$0x290]  }
0xbe: {  	v3 =	vld [tilespmem:$0x2A0]  }
0xbf: {  	v4 =	vld [tilespmem:$0x2B0]  }
0xc0: {  	v5 =	vld [tilespmem:$0x2C0]  }
0xc1: {  	[tilespmem:$0x400] =	vst v1  }
0xc2: {  	[tilespmem:$0x410] =	vst v2  }
0xc3: {  	p1 =	sgt.u32 s19, $0x1D;
	[tilespmem:$0x420] =	vst v3  }
0xc4: {  	s7 =	sadd.s32 @!p1 s1, s7;
	[tilespmem:$0x430] =	vst v4  }
0xc5: {  	s7 =	sshll.u32 @!p1 s7, $0x5;
	[tilespmem:$0x440] =	vst v5  }
0xc6: {  	[spmem:s4] =	stream.indirect.scatter.add.f32 [tilespmem:s9], [sflag:$0x9], $0x80, s11, s6, $0xb8;
	[tilespmem:$0x1DD80] =	vst v63  }
0xc7: {  	s15 =	simm.s32 @!p1 $0x0;
	s20 =	simm.s32 @!p1 $0x200;
	s7 =	sadd.s32 @!p1 s7, s18  }
0xc8: {  	[tilespmem:s20], [sflag:$0x3] =	stream.linear.gather @!p1 [hbm4b:s7+s15], $0x100, $0x38;
	[tilespmem:$0x1DD80] =	vst v63  }
.LBB2_12:
0xc9: {  	p1 =	sgt.u32 s3, $0x7C  }
0xca: {  	s7 =	simm.s32 @!p1 $0xA  }
0xcb: {  	p2 =	sgt.u32 @!p1 s19, $0x1D;
	_ =	swait.ge @!p1 [sflag:s7], $0x2800  }
0xcc: {  	p2 =	por p2, p1;
	[sflag:s7] =	ssyncset.done @!p1 $0x0  }
0xcd: {  	[sflag:s7] =	ssyncadd.s32 @!p1 $0xFFFFD800;
	s7 =	simm.s32 @!p2 $0x2  }
0xce: {  	_ =	swait.ge @!p2 [sflag:s7], $0x100  }
0xcf: {  	s15 =	simm.s32 @!p2 $0x100;
	[sflag:s7] =	ssyncset.done @!p2 $0x0  }
0xd0: {  	s20 =	simm.s32 @!p2 $0x2D00;
	[sflag:s7] =	ssyncadd.s32 @!p2 $0xFFFFFF00;
	s7 =	simm.s32 @!p2 $0x50  }
0xd1: {  	[tilespmem:s20], [sflag:$0x6] =	stream.indirect.gather @!p2 [hbm4b:s2+s7], $0x80, s15, s7, $0xb8;
	[tilespmem:$0x1DD80] =	vst v63  }
0xd2: {  	s7 =	simm.s32 @!p1 $0x8  }
0xd3: {  	_ =	swait.ge @!p1 [sflag:s7], $0x2800  }
0xd4: {  	[sflag:s7] =	ssyncset.done @!p1 $0x0  }
0xd5: {  	[sflag:s7] =	ssyncadd.s32 @!p1 $0xFFFFD800  }
0xd6: {  	v1 =	vld @!p1 [tilespmem:$0x380]  }
0xd7: {  	v2 =	vld @!p1 [tilespmem:$0x390]  }
0xd8: {  	v3 =	vld @!p1 [tilespmem:$0x3A0]  }
0xd9: {  	v4 =	vld @!p1 [tilespmem:$0x3B0]  }
0xda: {  	v5 =	vld @!p1 [tilespmem:$0x3C0]  }
0xdb: {  	[tilespmem:$0x480] =	vst @!p1 v1  }
0xdc: {  	[tilespmem:$0x490] =	vst @!p1 v2  }
0xdd: {  	[tilespmem:$0x4A0] =	vst @!p1 v3  }
0xde: {  	s3 =	sadd.s32 $0x4, s3;
	[tilespmem:$0x4B0] =	vst @!p1 v4  }
0xdf: {  	s15 =	simm.s32 @!p1 $0x480;
	s20 =	simm.s32 @!p1 $0x7D00;
	s7 =	simm.s32 @!p1 $0x50;
	[tilespmem:$0x4C0] =	vst @!p1 v5  }
0xe0: {  	[spmem:s4] =	stream.indirect.scatter.add.f32 @!p1 [tilespmem:s20], [sflag:$0xA], $0x80, s15, s7, $0xb8;
	[tilespmem:$0x1DD80] =	vst v63  }
0xe1: {  	p1 =	sne.s32 s3, $0x83  }
.Ltmp4:
0xe2: {  	_ = 	snop;
	(pc) =	sbr.rel @!p1 .LBB2_13-.Ltmp4, $4  }
0xe3: {  	_ = 	snop  }
0xe4: {  	s7 =	simm.s32 @!p2 $0x0;
	s15 =	simm.s32 @!p2 $0x300  }
0xe5: {  	[tilespmem:s15], [sflag:$0x4] =	stream.linear.gather @!p2 [hbm4b:s29+s7], $0x100, $0x38;
	[tilespmem:$0x1DD80] =	vst v63  }
0xe6: {  	s19 =	sadd.s32 $0x1, s19;
	s29 =	sadd.s32 $0x80, s29  }
.LBB2_4:
0xe7: {  	p2 =	seq.s32 s3, $0x3  }
0xe8: {  	s7 =	sadd.s32 @!p2 $0xFFFFFFFF, s3  }
0xe9: {  	p1 =	sgt.u32 @!p2 s7, $0x7C  }
0xea: {  	p3 =	por p2, !p1  }
.Ltmp5:
0xeb: {  	_ = 	snop;
	(pc) =	sbr.rel @!p3 .LBB2_6-.Ltmp5, $4  }
0xec: {  	s15 =	simm.s32 @!p2 $0x9  }
0xed: {  	_ =	swait.ge @!p2 [sflag:s15], $0x2800  }
0xee: {  	[sflag:s15] =	ssyncset.done @!p2 $0x0  }
0xef: {  	p1 =	por @!p2 $0x0, $0x0;
	[sflag:s15] =	ssyncadd.s32 @!p2 $0xFFFFD800  }
0xf0: {  	_ =	swait.ge [sflag:s8], $0x100  }
0xf1: {  	[sflag:s8] =	ssyncset.done $0x0  }
0xf2: {  	s7 =	simm.s32 @p2 $0x2;
	p1 =	por $0x1, $0x1;
	[sflag:s8] =	ssyncadd.s32 $0xFFFFFF00  }
0xf3: {  	[tilespmem:s9], [sflag:$0x7] =	stream.indirect.gather [hbm4b:s2+s6], $0x80, s0, s6, $0xb8;
	[tilespmem:$0x1DD80] =	vst v63  }
.LBB2_6:
0xf4: {  	_ =	swait.ge [sflag:s10], $0x2800  }
0xf5: {  	[sflag:s10] =	ssyncset.done $0x0  }
0xf6: {  	[sflag:s10] =	ssyncadd.s32 $0xFFFFD800  }
0xf7: {  	v1 =	vld [tilespmem:$0x80]  }
0xf8: {  	v2 =	vld [tilespmem:$0x90]  }
0xf9: {  	v3 =	vld [tilespmem:$0xA0]  }
0xfa: {  	v4 =	vld [tilespmem:$0xB0]  }
0xfb: {  	v5 =	vld [tilespmem:$0xC0]  }
0xfc: {  	p2 =	seq.s32 s3, $0x7F;
	[tilespmem:$0x400] =	vst v1  }
.Ltmp6:
0xfd: {  	[tilespmem:$0x410] =	vst v2;
	(pc) =	sbr.rel @!p2 .LBB2_7-.Ltmp6, $4  }
0xfe: {  	[tilespmem:$0x420] =	vst v3  }
0xff: {  	[tilespmem:$0x430] =	vst v4  }
0x100: {  	[tilespmem:$0x440] =	vst v5  }
0x101: {  	[spmem:s4] =	stream.indirect.scatter.add.f32 [tilespmem:s30], [sflag:$0x9], $0x80, s11, s6, $0xb8;
	[tilespmem:$0x1DD80] =	vst v63  }
.Ltmp7:
0x102: {  	(pc) =	sbr.rel @!p1 .LBB2_13-.Ltmp7, $1  }
0x103: {  	_ =	sdelay $0x3  }
.Ltmp8:
0x104: {  	(pc) =	sbr.rel .LBB2_11-.Ltmp8, $4  }
0x105: {  	_ = 	snop  }
0x106: {  	_ =	swait.ge [sflag:s12], $0x2800  }
0x107: {  	[sflag:s12] =	ssyncset.done $0x0  }
0x108: {  	[sflag:s12] =	ssyncadd.s32 $0xFFFFD800  }
.LBB2_7:
0x109: {  	s15 =	sadd.s32 $0xFFFFFFA0, s29;
	s21 =	sadd.s32 $0xFFFFFFFE, s3  }
0x10a: {  	[tilespmem:s13], [sflag:$0x1] =	stream.linear.gather [hbm4b:s15+s13], $0x100, $0x38;
	[tilespmem:$0x1DD80] =	vst v63  }
0x10b: {  	p2 =	sgt.u32 s21, $0x7C  }
0x10c: {  	p3 =	seq.s32 @!p2 s3, $0x3  }
0x10d: {  	p3 =	por p3, p2  }
0x10e: {  	s15 =	simm.s32 @!p3 $0xA  }
0x10f: {  	_ =	swait.ge @!p3 [sflag:s15], $0x2800  }
0x110: {  	[sflag:s15] =	ssyncset.done @!p3 $0x0  }
0x111: {  	[sflag:s15] =	ssyncadd.s32 @!p3 $0xFFFFD800;
	s15 =	simm.s32 @!p2 $0x4  }
0x112: {  	_ =	swait.ge @!p2 [sflag:s15], $0x100  }
0x113: {  	s20 =	simm.s32 @!p2 $0x300;
	[sflag:s15] =	ssyncset.done @!p2 $0x0  }
0x114: {  	s21 =	simm.s32 @!p2 $0x7D00;
	[sflag:s15] =	ssyncadd.s32 @!p2 $0xFFFFFF00;
	s15 =	simm.s32 @!p2 $0x50  }
0x115: {  	[tilespmem:s21], [sflag:$0x8] =	stream.indirect.gather @!p2 [hbm4b:s2+s15], $0x80, s20, s15, $0xb8;
	[tilespmem:$0x1DD80] =	vst v63  }
0x116: {  	s20 =	simm.s32 @!p2 $0x6  }
0x117: {  	_ =	swait.ge @!p2 [sflag:s20], $0x2800  }
0x118: {  	[sflag:s20] =	ssyncset.done @!p2 $0x0  }
0x119: {  	[sflag:s20] =	ssyncadd.s32 @!p2 $0xFFFFD800  }
0x11a: {  	v1 =	vld @!p2 [tilespmem:$0x180]  }
0x11b: {  	v2 =	vld @!p2 [tilespmem:$0x190]  }
0x11c: {  	v3 =	vld @!p2 [tilespmem:$0x1A0]  }
0x11d: {  	v4 =	vld @!p2 [tilespmem:$0x1B0]  }
0x11e: {  	v5 =	vld @!p2 [tilespmem:$0x1C0]  }
0x11f: {  	[tilespmem:$0x480] =	vst @!p2 v1  }
0x120: {  	[tilespmem:$0x490] =	vst @!p2 v2  }
0x121: {  	[tilespmem:$0x4A0] =	vst @!p2 v3  }
0x122: {  	p3 =	sgt.u32 @!p2 s19, $0x1D;
	[tilespmem:$0x4B0] =	vst @!p2 v4  }
.Ltmp9:
0x123: {  	s21 =	simm.s32 @!p2 $0x2D00;
	s20 =	simm.s32 @!p2 $0x480;
	[tilespmem:$0x4C0] =	vst @!p2 v5;
	(pc) =	sbr.rel @!p1 .LBB2_12-.Ltmp9, $4  }
0x124: {  	[spmem:s4] =	stream.indirect.scatter.add.f32 @!p2 [tilespmem:s21], [sflag:$0xA], $0x80, s20, s15, $0xb8;
	[tilespmem:$0x1DD80] =	vst v63  }
0x125: {  	p2 =	por p3, p2  }
0x126: {  	s15 =	sadd.s32 @!p2 $0xFFFFFFC0, s29;
	s20 =	simm.s32 @!p2 $0x0;
	s21 =	simm.s32 @!p2 $0x100  }
0x127: {  	[tilespmem:s21], [sflag:$0x2] =	stream.linear.gather @!p2 [hbm4b:s15+s20], $0x100, $0x38;
	[tilespmem:$0x1DD80] =	vst v63  }
0x128: {  	_ =	swait.ge [sflag:s12], $0x2800  }
0x129: {  	[sflag:s12] =	ssyncset.done $0x0  }
.Ltmp10:
0x12a: {  	[sflag:s12] =	ssyncadd.s32 $0xFFFFD800;
	(pc) =	sbr.rel .LBB2_11-.Ltmp10, $4  }
0x12b: {  	_ =	swait.ge [sflag:s5], $0x100  }
0x12c: {  	[sflag:s5] =	ssyncset.done $0x0  }
0x12d: {  	[sflag:s5] =	ssyncadd.s32 $0xFFFFFF00  }
0x12e: {  	[tilespmem:s30], [sflag:$0x5] =	stream.indirect.gather [hbm4b:s2+s6], $0x80, s13, s6, $0xb8;
	[tilespmem:$0x1DD80] =	vst v63  }
.LBB2_14:
0x12f: {  	_ =	sfence.sel $0x180000  }
0x130: {  	[bflag:$0x0] =	sbarrier.arrive $0xFFFF  }
0x131: {  	_ =	strace $0x90000047  }
0x132: {  	s0 =	stileid.u32;
	[bflag:$0x2] =	sbarrier.arrive $0xFFFF  }
0x133: {  	p0 =	sne.s32 s0, $0x0;
	s0 =	rddreg [dreg:$0x3]  }
0x134: {  	s0 =	sadd.s32 @!p0 $0x100000, s0  }
0x135: {  	[sflag:s0] =	ssyncadd.tile.s32 @!p0 $0x1;
	_ =	shalt  }
.Lfunc_end2:
_tile_overlayer_lowered:
.L_overlay_start_2:
0x136: {  	(tag) =	ssettag $0x2  }
0x137: {  	s0 =	rddreg [dreg:$0x0];
	s2 =	stileid.u32  }
0x138: {  	s1 =	rddreg [dreg:$0x1];
	p0 =	sne.s32 s2, $0x0  }
0x139: {  	s3 =	rddreg [dreg:$0x2];
	[bflag:$0x3] =	sbarrier.arrive $0xFFFF;
	s2 =	simm.s32 @!p0 $0x1C0B  }
0x13a: {  	[timem:s3], [sflag:s2] =	dma.local @!p0 [hbm:s0], s1  }
0x13b: {  	s0 =	simm.s32 @!p0 $0xB  }
0x13c: {  	_ =	swait.ge @!p0 [sflag:s0], s1  }
0x13d: {  	s1 =	ssub.s32 @!p0 $0x0, s1;
	[sflag:s0] =	ssyncset.done @!p0 $0x0  }
0x13e: {  	[sflag:s0] =	ssyncadd.s32 @!p0 s1  }
0x13f: {  	[bflag:$0x3] =	sbarrier.arrive $0xFFFF  }
0x140: {  	_ =	shalt  }

// kernel: kernel.15.cloned.1.call-start
scs
__scs_entry_jumppad:
0x0: {  	(pc) =	sbr.rel $0x88, $3  }
0x1: {  	(tag) =	ssettag $0x0;
	lr =	simm.s32 $0x1  }
0x2: {  	[smem:$0x3F8A] =	sst lr;
	_ =	strace $0xD0000000  }
0x3: {  	_ = 	snop  }
0x4: {  	_ = 	snop  }
0x5: {  	_ = 	snop  }
0x6: {  	_ = 	snop  }
0x7: {  	_ = 	snop  }
__scs_overlays_trampoline_lowered:
0x8: {  	[smem:$0x3F99] =	sst s0  }
0x9: {  	[smem:$0x3F9A] =	sst s1  }
0xa: {  	[smem:$0x3F9B] =	sst s2  }
0xb: {  	[smem:$0x3F9C] =	sst s3  }
0xc: {  	[smem:$0x3F9D] =	sst s4  }
0xd: {  	[smem:$0x3F9E] =	sst s5  }
0xe: {  	[smem:$0x3F9F] =	sst s6  }
0xf: {  	[smem:$0x3FA0] =	sst s7  }
0x10: {  	[smem:$0x3FA1] =	sst s8  }
0x11: {  	[smem:$0x3FA2] =	sst s9;
	s0 =	simm.s32 @!p0 $0x0  }
0x12: {  	s1 =	sld [smem:$0x3F88];
	s0 =	simm.s32 @p0 $0x1  }
0x13: {  	[smem:$0x3FA3] =	sst s0;
	s0 =	simm.s32 @!p1 $0x0  }
0x14: {  	s2 =	sld [smem:$0x3F87];
	s0 =	simm.s32 @p1 $0x1  }
0x15: {  	[smem:$0x3FA4] =	sst s0;
	s0 =	simm.s32 @!p2 $0x0  }
0x16: {  	s3 =	sld [smem:$0x3FDB];
	s0 =	simm.s32 @p2 $0x1  }
0x17: {  	s4 =	simm.s32 $0x1BF5;
	[smem:$0x3FA6] =	sst s0  }
0x18: {  	s0 =	sld [smem:$0x3F89];
	_ =	swait.ge [sflag:s4], $0x0  }
0x19: {  	s7 =	sld [smem:$0x3F8A]  }
0x1a: {  	s8 =	sadd.s32 $0xFFFFE003, lr  }
0x1b: {  	s9 =	sadd.s32 $0xFFFFFEF7, lr;
	s5 =	simm.s32 $0xFFFFFFFF;
	p2 =	slt.u32 s8, $0xFFFFF086  }
0x1c: {  	p1 =	slt.u32 s9, $0xF7A;
	s5 =	simm.s32 @!p2 $0x0  }
0x1d: {  	s5 =	simm.s32 @p1 $0x1;
	p0 =	seq.s32 s7, s2  }
0x1e: {  	s7 =	smul.u32 @!p0 $0xF7A, s2;
	p2 =	seq.s32 @!p0 s5, $0x0  }
0x1f: {  	s9 =	smul.u32 $0xF7A, s1;
	s8 =	simm.s32 @!p0 $0x1BF5;
	p2 =	por !p2, p0  }
0x20: {  	[sflag:s8] =	ssyncset.s32 @!p0 $0xFFFFF086;
	s6 =	sadd.s32 @!p0 s3, s7;
	s7 =	simm.s32 @!p0 $0x108  }
0x21: {  	s3 =	sadd.s32 s3, s9;
	s6 =	sadd.s32 @!p0 $0x88, s6;
	s7 =	simm.s32 @p2 $0x1082  }
0x22: {  	[simem:s7], [sflag:s8] =	dma.local @!p0 [hbm:s6], $0xF7A  }
0x23: {  	s9 =	sor.u32 $0xD0000000, s2;
	s6 =	simm.s32 $0x108;
	_ =	swait.ge @!p0 [sflag:s8], $0x0  }
0x24: {  	s3 =	sadd.s32 $0x88, s3;
	s6 =	simm.s32 @!p1 $0x1082;
	[sflag:s4] =	ssyncset.s32 $0xFFFFF086  }
0x25: {  	[simem:s6], [sflag:s4] =	dma.local [hbm:s3], $0xF7A  }
0x26: {  	[smem:$0x3F8A] =	sst s1;
	(tag) =	ssettag s2;
	_ =	strace s9  }
0x27: {  	s1 =	sld [smem:$0x3F9A]  }
0x28: {  	s2 =	sld [smem:$0x3F9B]  }
0x29: {  	s4 =	sld [smem:$0x3F9D]  }
0x2a: {  	p0 =	seq.s32 s5, $0x0;
	s5 =	sld [smem:$0x3F9E]  }
0x2b: {  	s6 =	sld [smem:$0x3F9F]  }
0x2c: {  	s7 =	sld [smem:$0x3FA0]  }
0x2d: {  	s3 =	simm.s32 $0x108;
	s8 =	sld [smem:$0x3FA1]  }
0x2e: {  	s3 =	simm.s32 @!p0 $0x1082;
	s9 =	sld [smem:$0x3FA2]  }
0x2f: {  	lr =	sadd.s32 s0, s3;
	s0 =	sld [smem:$0x3F99]  }
0x30: {  	s3 =	sld [smem:$0x3F9C]  }
0x31: {  	[smem:$0x3FA5] =	sst s10  }
0x32: {  	s10 =	sld [smem:$0x3FA3];
	_ =	sdelay $0x3  }
0x33: {  	p0 =	seq.s32 s10, $0x1;
	s10 =	sld [smem:$0x3FA5];
	_ =	sdelay $0x3  }
0x34: {  	[smem:$0x3FA5] =	sst s10  }
0x35: {  	s10 =	sld [smem:$0x3FA4];
	_ =	sdelay $0x3  }
0x36: {  	p1 =	seq.s32 s10, $0x1;
	s10 =	sld [smem:$0x3FA5];
	_ =	sdelay $0x3  }
0x37: {  	[smem:$0x3FA5] =	sst s10  }
0x38: {  	s10 =	sld [smem:$0x3FA6]  }
0x39: {  	_ = 	snop;
	(pc) =	sbr.ind lr, $3  }
0x3a: {  	_ = 	snop  }
0x3b: {  	_ = 	snop  }
0x3c: {  	p2 =	seq.s32 s10, $0x1;
	s10 =	sld [smem:$0x3FA5]  }
0x3d: {  	_ =	shalt  }
0x3e: {  	_ =	shalt  }
0x3f: {  	_ =	shalt  }
0x40: {  	_ =	shalt  }
0x41: {  	_ =	shalt  }
0x42: {  	_ =	shalt  }
0x43: {  	_ =	shalt  }
0x44: {  	_ =	shalt  }
0x45: {  	_ =	shalt  }
0x46: {  	_ =	shalt  }
0x47: {  	_ =	shalt  }
0x48: {  	_ =	shalt  }
0x49: {  	_ =	shalt  }
0x4a: {  	_ =	shalt  }
0x4b: {  	_ =	shalt  }
0x4c: {  	_ =	shalt  }
0x4d: {  	_ =	shalt  }
0x4e: {  	_ =	shalt  }
0x4f: {  	_ =	shalt  }
0x50: {  	_ =	shalt  }
0x51: {  	_ =	shalt  }
0x52: {  	_ =	shalt  }
0x53: {  	_ =	shalt  }
0x54: {  	_ =	shalt  }
0x55: {  	_ =	shalt  }
0x56: {  	_ =	shalt  }
0x57: {  	_ =	shalt  }
0x58: {  	_ =	shalt  }
0x59: {  	_ =	shalt  }
0x5a: {  	_ =	shalt  }
0x5b: {  	_ =	shalt  }
0x5c: {  	_ =	shalt  }
0x5d: {  	_ =	shalt  }
0x5e: {  	_ =	shalt  }
0x5f: {  	_ =	shalt  }
0x60: {  	_ =	shalt  }
0x61: {  	_ =	shalt  }
0x62: {  	_ =	shalt  }
0x63: {  	_ =	shalt  }
0x64: {  	_ =	shalt  }
0x65: {  	_ =	shalt  }
0x66: {  	_ =	shalt  }
0x67: {  	_ =	shalt  }
0x68: {  	_ =	shalt  }
0x69: {  	_ =	shalt  }
0x6a: {  	_ =	shalt  }
0x6b: {  	_ =	shalt  }
0x6c: {  	_ =	shalt  }
0x6d: {  	_ =	shalt  }
0x6e: {  	_ =	shalt  }
0x6f: {  	_ =	shalt  }
0x70: {  	_ =	shalt  }
0x71: {  	_ =	shalt  }
0x72: {  	_ =	shalt  }
0x73: {  	_ =	shalt  }
0x74: {  	_ =	shalt  }
0x75: {  	_ =	shalt  }
0x76: {  	_ =	shalt  }
0x77: {  	_ =	shalt  }
0x78: {  	_ =	shalt  }
0x79: {  	_ =	shalt  }
0x7a: {  	_ =	shalt  }
0x7b: {  	_ =	shalt  }
0x7c: {  	_ =	shalt  }
0x7d: {  	_ =	shalt  }
0x7e: {  	_ =	shalt  }
0x7f: {  	_ =	shalt  }
0x80: {  	_ =	shalt  }
0x81: {  	_ =	shalt  }
0x82: {  	_ =	shalt  }
0x83: {  	_ =	shalt  }
0x84: {  	_ =	shalt  }
0x85: {  	_ =	shalt  }
0x86: {  	_ =	shalt  }
0x87: {  	_ =	shalt  }
.Lfunc_end0:
.L_simem_size_0:
called_computation.1_lowered:
.L_overlay_start_0:
0x88: {  	s2 =	sld [smem:$0x3FD9]  }
0x89: {  	s3 =	sld [smem:$0x3FFE];
	_ =	sdelay $0x1  }
0x8a: {  	s1 =	srdreg.scid  }
0x8b: {  	s0 =	sand.u32 $0x1, s1  }
0x8c: {  	s16 =	sshll.u32 s0, $0xA;
	s2 =	sadd.s32 s3, s2  }
0x8d: {  	s2 =	sadd.s32 s2, s16  }
0x8e: {  	[smem:$0x3FB1] =	sst s2  }
0x8f: {  	_ = 	snop  }
0x90: {  	(tm) =	ssettm $0x1  }
0x91: {  	s17 =	sld [smem:$0x3FFB];
	_ =	sdelay $0x3  }
0x92: {  	_ =	strace s17  }
0x93: {  	s2 =	sld [smem:$0x3FFC];
	_ =	sdelay $0x3  }
0x94: {  	_ =	strace s2  }
0x95: {  	s2 =	sld [smem:$0x3FFD];
	_ =	sdelay $0x3  }
0x96: {  	_ =	strace s2  }
0x97: {  	_ =	strace $0x8FFFFFFF  }
0x98: {  	s18 =	sld [smem:$0x3FDB];
	_ =	sdelay $0x1  }
0x99: {  	s19 =	simm.s32 $_scs_section_size  }
0x9a: {  	s4 =	simm.s32 $_size__tile_overlayer_lowered;
	s5 =	simm.s32 $_tile_overlayer_lowered  }
0x9b: {  	s22 =	simm.s32 $0x1BFF;
	s21 =	sshll.u32 s5, $0x1;
	s2 =	sadd.s32 s19, s18  }
0x9c: {  	s6 =	simm.s32 $0x0;
	s20 =	sshll.u32 s4, $0x1;
	s4 =	sadd.s32 s21, s2  }
0x9d: {  	[timem:s6], [sflag:s22] =	dma.local [hbm:s4], s20  }
0x9e: {  	_ =	swait.ge [sflag:s22], s20  }
0x9f: {  	s3 =	ssub.s32 $0x0, s20;
	[sflag:s22] =	ssyncset.done $0x0  }
0xa0: {  	[sflag:s22] =	ssyncadd.s32 s3;
	_ =	sdelay $0x1  }
0xa1: {  	s23 =	simm.s32 $0x1B8B  }
0xa2: {  	_ =	swait.ge [sflag:s23], $0x1  }
0xa3: {  	[sflag:s23] =	ssyncset.done $0x0  }
0xa4: {  	s25 =	simm.s32 $0x1B8E;
	s24 =	sld [smem:$0x3FFE];
	[sflag:s23] =	ssyncadd.s32 $0xFFFFFFFF  }
0xa5: {  	s26 =	simm.s32 $execute0_lowered;
	[smem:$0x3FD2] =	sst s25  }
0xa6: {  	s4 =	sshll.u32 s26, $0x1;
	_ =	strace $0x80000049;
	[dreg:$0x1] =	wrdreg $0xFFFFFFFF  }
0xa7: {  	s28 =	simm.s32 $_size_execute0_lowered;
	s2 =	sadd.s32 s2, s4;
	[dreg:$0x0] =	wrdreg $0x0  }
0xa8: {  	s4 =	sshll.u32 s28, $0x1;
	[dreg:$0x2] =	wrdreg s2  }
0xa9: {  	[dreg:$0x3] =	wrdreg s4  }
0xaa: {  	[dreg:$0x4] =	wrdreg $0xC0  }
0xab: {  	_ =	task [dreg:s6], $0x5FFFF  }
0xac: {  	[dreg:$0x1] =	wrdreg $0xFFFFFFFF  }
0xad: {  	[dreg:$0x0] =	wrdreg $0x60  }
0xae: {  	[dreg:$0x2] =	wrdreg s24  }
0xaf: {  	[dreg:$0x3] =	wrdreg $0xA5000  }
0xb0: {  	[dreg:$0x4] =	wrdreg $0x9  }
0xb1: {  	_ =	task.clear_ibuf [dreg:s6], $0x5FFFF;
	_ =	strace $0x90000049  }
0xb2: {  	s29 =	simm.s32 $0x9;
	_ =	strace $0x8000004B  }
0xb3: {  	_ =	swait.ge [sflag:s29], $0x1  }
0xb4: {  	[sflag:s29] =	ssyncadd.s32 $0xFFFFFFFF  }
0xb5: {  	_ =	strace $0x9000004B  }
0xb6: {  	_ =	sfence  }
0xb7: {  	s30 =	sld [smem:$0x0];
	_ =	sdelay $0x2  }
0xb8: {  	s31 =	sshll.u32 s1, $0xD;
	s1 =	sshrl.u32 s1, $0x2  }
0xb9: {  	s3 =	sand.u32 $0x4000, s31;
	s1 =	sadd.s32 s1, s30  }
0xba: {  	s0 =	sor.u32 s3, s0;
	s1 =	sshll.u32 s1, $0x11  }
0xbb: {  	s0 =	sor.u32 s1, s0  }
0xbc: {  	s0 =	sadd.s32 $0x8F2B, s0  }
0xbd: {  	[sflag:s0] =	ssyncadd.remote.s32 $0x1  }
0xbe: {  	_ =	sfence.sel $0xFFFF  }
0xbf: {  	[dreg:$0x0] =	wrdreg $0xFFFFFFFF;
	(pc) =	sbr.abs _section_cstart, $3  }
0xc0: {  	[dreg:$0x1] =	wrdreg $0xFFFFFFFF  }
0xc1: {  	_ =	task.clear_ibuf [dreg:s6], $0x2FFFF;
	_ =	strace $0x9FFFFFFF  }
0xc2: {  	(tm) =	ssettm $0x7FFFFFFF  }
0xc3: {  	_ =	shalt  }
tec
execute0_lowered:
.L_overlay_start_1:
0x0: {  	(tag) =	ssettag $0x1  }
0x1: {  	s21 =	stileid.u32  }
0x2: {  	s0 =	srdreg.scid;
	s10 =	smul.u32 $0x500, s21  }
0x3: {  	s0 =	sand.u32 $0x1, s0;
	s25 =	smul.u32 $0x1F40, s21  }
0x4: {  	s8 =	sor.u32 $0x10, s21;
	s5 =	smul.u32 $0x27100, s0  }
0x5: {  	s9 =	smul.u32 $0xA000, s8  }
0x6: {  	s11 =	sor.u32 $0x20, s21;
	s8 =	smul.u32 $0x500, s8  }
0x7: {  	s6 =	rddreg [dreg:$0x0];
	s13 =	sor.u32 $0x30, s21;
	s14 =	smul.u32 $0x500, s11  }
0x8: {  	s3 =	rddreg [dreg:$0x1];
	s16 =	sor.u32 $0x40, s21;
	s17 =	smul.u32 $0x500, s13  }
0x9: {  	s1 =	sshll.u32 s21, $0x1;
	s23 =	sor.u32 $0x60, s21;
	s20 =	smul.u32 $0x500, s16  }
0xa: {  	s1 =	sor.u32 s0, s1;
	s15 =	ssub.s32 $0x2, s0;
	s0 =	smul.u32 $0xFA0, s0  }
0xb: {  	s4 =	simm.s32 $0x0;
	s30 =	simm.s32 $0x500;
	s26 =	smul.u32 $0x500, s23  }
0xc: {  	s31 =	simm.s32 $0xB;
	[smem:$0x7FF] =	sst s4;
	s11 =	smul.u32 $0xA000, s11  }
0xd: {  	s12 =	sadd.s32 $0x7200, s6;
	s19 =	sor.u32 $0x50, s21;
	s2 =	smul.u32 $0x7D, s1  }
0xe: {  	s24 =	sor.u32 $0x70, s21;
	_ =	strace $0x8000004A;
	s7 =	smul.u32 $0xFA0, s1  }
0xf: {  	p0 =	sgt.u32 s24, $0x7C;
	s1 =	smul.u32 $0x7D00, s1;
	s18 =	sshrl.u32 s15, $0x1  }
0x10: {  	s5 =	sadd.s32 s5, s6;
	s15 =	ssub.s32 s15, s18;
	s18 =	smul.u32 $0x500, s19  }
0x11: {  	s7 =	sadd.s32 s12, s7;
	s1 =	sshrl.u32 s1, $0x3;
	s5 =	sadd.s32 $0x4D800, s5  }
0x12: {  	[dreg:$0x3] =	wrdreg s7;
	s1 =	sadd.s32 s12, s1;
	s7 =	sadd.s32 s25, s12  }
0x13: {  	s10 =	sadd.s32 s10, s5;
	s8 =	sadd.s32 s8, s5;
	s14 =	sadd.s32 s14, s5  }
0x14: {  	s17 =	sadd.s32 s17, s5;
	s22 =	sadd.s32 s20, s5;
	[dreg:$0x4] =	wrdreg s10  }
0x15: {  	s25 =	sadd.s32 s18, s5;
	s26 =	sadd.s32 s26, s5;
	[dreg:$0x5] =	wrdreg s8  }
0x16: {  	s18 =	sadd.s32 $0x7280, s6;
	s12 =	smul.u32 $0xA000, s13;
	[dreg:$0x6] =	wrdreg s14  }
0x17: {  	s0 =	sadd.s32 s0, s7;
	s7 =	smul.u32 $0x500, s24;
	[dreg:$0x7] =	wrdreg s17  }
0x18: {  	s13 =	smax.u32 s15, $0x1;
	[dreg:$0x8] =	wrdreg s22;
	s10 =	smul.u32 $0xA000, s21  }
0x19: {  	s15 =	sshrl.u32 s9, $0x2;
	[dreg:$0x9] =	wrdreg s25;
	s14 =	smul.u32 $0xA000, s16  }
0x1a: {  	s9 =	simm.s32 $0x5500;
	[dreg:$0xa] =	wrdreg s26;
	s16 =	smul.u32 $0xA000, s19  }
0x1b: {  	s8 =	sadd.s32 $0x40, s1;
	s17 =	sadd.s32 $0x26600, s6;
	s22 =	smul.u32 $0xA000, s23  }
0x1c: {  	[dreg:$0xf] =	wrdreg s13;
	s19 =	sadd.s32 s15, s3;
	s23 =	smul.u32 $0xA000, s24  }
0x1d: {  	s13 =	simm.s32 $0x7;
	s15 =	simm.s32 $0xC;
	[dreg:$0xd] =	wrdreg s8  }
0x1e: {  	s6 =	sshrl.u32 s12, $0x2;
	s0 =	sadd.s32 $0xE0, s0;
	s8 =	simm.s32 $0x3  }
0x1f: {  	s12 =	simm.s32 $0x9;
	s5 =	sadd.s32 @!p0 s7, s5;
	s7 =	sadd.s32 $0x20, s1  }
0x20: {  	s1 =	sadd.s32 $0x60, s1;
	s29 =	sadd.s32 s6, s3;
	[dreg:$0x12] =	wrdreg s0  }
0x21: {  	s24 =	sshrl.u32 s16, $0x2;
	s25 =	sshrl.u32 s23, $0x2;
	[dreg:$0xb] =	wrdreg s5  }
0x22: {  	s0 =	simm.s32 $0x200;
	s6 =	simm.s32 $0x50;
	[dreg:$0xc] =	wrdreg s7  }
0x23: {  	s16 =	simm.s32 $0x0;
	[dreg:$0xe] =	wrdreg s1;
	s5 =	sshrl.u32 s10, $0x2  }
.Ltmp0:
0x24: {  	s1 =	sshrl.u32 s11, $0x2;
	s28 =	sadd.s32 s25, s3;
	(pc) =	sbr.rel .LBB2_1-.Ltmp0, $4  }
0x25: {  	s10 =	simm.s32 $0x5;
	s20 =	sadd.s32 s5, s3;
	s5 =	sshrl.u32 s14, $0x2  }
0x26: {  	s11 =	simm.s32 $0x400;
	s21 =	sadd.s32 s1, s3;
	s5 =	sadd.s32 s5, s3  }
0x27: {  	s1 =	sshrl.u32 s22, $0x2;
	[dreg:$0x10] =	wrdreg s5;
	s5 =	sadd.s32 s24, s3  }
0x28: {  	v0 =	vimm.f32 $0.0e+00;
	s26 =	sadd.s32 s1, s3;
	[dreg:$0x11] =	wrdreg s5;
	s5 =	simm.s32 $0x1  }
.LBB2_13:
0x29: {  	s1 =	simm.s32 $0xA  }
0x2a: {  	_ =	swait.ge [sflag:s1], $0x2800  }
0x2b: {  	[sflag:s1] =	ssyncset.done $0x0  }
0x2c: {  	[sflag:s1] =	ssyncadd.s32 $0xFFFFD800  }
0x2d: {  	_ =	swait.ge [sflag:s12], $0x2800  }
0x2e: {  	[sflag:s12] =	ssyncset.done $0x0  }
0x2f: {  	[sflag:s12] =	ssyncadd.s32 $0xFFFFD800  }
0x30: {  	[bflag:$0x0] =	sbarrier.arrive $0xFFFF  }
0x31: {  	[tilespmem:s30], [sflag:$0xC] =	stream.linear.gather [spmem:s22], $0x2800, $0x38;
	[tilespmem:$0x1DD80] =	vst v63  }
0x32: {  	_ =	swait.ge [sflag:s15], $0x2800  }
0x33: {  	[sflag:s15] =	ssyncset.done $0x0  }
0x34: {  	s20 =	smov.u32 s22;
	s22 =	rddreg [dreg:$0x4];
	[sflag:s15] =	ssyncadd.s32 $0xFFFFD800  }
0x35: {  	[hbm4b:s22+s4] =	stream.linear.scatter [tilespmem:s30], [sflag:$0xB], $0x2800, $0x38;
	[tilespmem:$0x1DD80] =	vst v63  }
0x36: {  	_ =	swait.ge [sflag:s31], $0x2800  }
0x37: {  	[sflag:s31] =	ssyncset.done $0x0  }
0x38: {  	[sflag:s31] =	ssyncadd.s32 $0xFFFFD800  }
0x39: {  	[tilespmem:s30], [sflag:$0xC] =	stream.linear.gather [spmem:s23], $0x2800, $0x38;
	[tilespmem:$0x1DD80] =	vst v63  }
0x3a: {  	_ =	swait.ge [sflag:s15], $0x2800  }
0x3b: {  	[sflag:s15] =	ssyncset.done $0x0  }
0x3c: {  	s19 =	smov.u32 s23;
	s23 =	rddreg [dreg:$0x5];
	[sflag:s15] =	ssyncadd.s32 $0xFFFFD800  }
0x3d: {  	[hbm4b:s23+s4] =	stream.linear.scatter [tilespmem:s30], [sflag:$0xB], $0x2800, $0x38;
	[tilespmem:$0x1DD80] =	vst v63  }
0x3e: {  	_ =	swait.ge [sflag:s31], $0x2800  }
0x3f: {  	[sflag:s31] =	ssyncset.done $0x0  }
0x40: {  	[sflag:s31] =	ssyncadd.s32 $0xFFFFD800  }
0x41: {  	[tilespmem:s30], [sflag:$0xC] =	stream.linear.gather [spmem:s24], $0x2800, $0x38;
	[tilespmem:$0x1DD80] =	vst v63  }
0x42: {  	_ =	swait.ge [sflag:s15], $0x2800  }
0x43: {  	[sflag:s15] =	ssyncset.done $0x0  }
0x44: {  	s21 =	smov.u32 s24;
	s24 =	rddreg [dreg:$0x6];
	[sflag:s15] =	ssyncadd.s32 $0xFFFFD800  }
0x45: {  	[hbm4b:s24+s4] =	stream.linear.scatter [tilespmem:s30], [sflag:$0xB], $0x2800, $0x38;
	[tilespmem:$0x1DD80] =	vst v63  }
0x46: {  	_ =	swait.ge [sflag:s31], $0x2800  }
0x47: {  	[sflag:s31] =	ssyncset.done $0x0  }
0x48: {  	[sflag:s31] =	ssyncadd.s32 $0xFFFFD800  }
0x49: {  	[tilespmem:s30], [sflag:$0xC] =	stream.linear.gather [spmem:s25], $0x2800, $0x38;
	[tilespmem:$0x1DD80] =	vst v63  }
0x4a: {  	_ =	swait.ge [sflag:s15], $0x2800  }
0x4b: {  	[sflag:s15] =	ssyncset.done $0x0  }
0x4c: {  	s29 =	smov.u32 s25;
	s25 =	rddreg [dreg:$0x7];
	[sflag:s15] =	ssyncadd.s32 $0xFFFFD800  }
0x4d: {  	[hbm4b:s25+s4] =	stream.linear.scatter [tilespmem:s30], [sflag:$0xB], $0x2800, $0x38;
	[tilespmem:$0x1DD80] =	vst v63  }
0x4e: {  	_ =	swait.ge [sflag:s31], $0x2800  }
0x4f: {  	[sflag:s31] =	ssyncset.done $0x0  }
0x50: {  	s7 =	rddreg [dreg:$0x10];
	[sflag:s31] =	ssyncadd.s32 $0xFFFFD800  }
0x51: {  	[tilespmem:s30], [sflag:$0xC] =	stream.linear.gather [spmem:s7], $0x2800, $0x38;
	[tilespmem:$0x1DD80] =	vst v63  }
0x52: {  	_ =	swait.ge [sflag:s15], $0x2800  }
0x53: {  	[sflag:s15] =	ssyncset.done $0x0  }
0x54: {  	s14 =	rddreg [dreg:$0x8];
	[sflag:s15] =	ssyncadd.s32 $0xFFFFD800  }
0x55: {  	[hbm4b:s14+s4] =	stream.linear.scatter [tilespmem:s30], [sflag:$0xB], $0x2800, $0x38;
	[tilespmem:$0x1DD80] =	vst v63  }
0x56: {  	_ =	swait.ge [sflag:s31], $0x2800  }
0x57: {  	[sflag:s31] =	ssyncset.done $0x0  }
0x58: {  	s22 =	rddreg [dreg:$0x11];
	[sflag:s31] =	ssyncadd.s32 $0xFFFFD800  }
0x59: {  	[tilespmem:s30], [sflag:$0xC] =	stream.linear.gather [spmem:s22], $0x2800, $0x38;
	[tilespmem:$0x1DD80] =	vst v63  }
0x5a: {  	_ =	swait.ge [sflag:s15], $0x2800  }
0x5b: {  	[sflag:s15] =	ssyncset.done $0x0  }
0x5c: {  	s23 =	rddreg [dreg:$0x9];
	[sflag:s15] =	ssyncadd.s32 $0xFFFFD800  }
0x5d: {  	[hbm4b:s23+s4] =	stream.linear.scatter [tilespmem:s30], [sflag:$0xB], $0x2800, $0x38;
	[tilespmem:$0x1DD80] =	vst v63  }
0x5e: {  	_ =	swait.ge [sflag:s31], $0x2800  }
0x5f: {  	[sflag:s31] =	ssyncset.done $0x0  }
0x60: {  	[sflag:s31] =	ssyncadd.s32 $0xFFFFD800  }
0x61: {  	[tilespmem:s30], [sflag:$0xC] =	stream.linear.gather [spmem:s26], $0x2800, $0x38;
	[tilespmem:$0x1DD80] =	vst v63  }
0x62: {  	_ =	swait.ge [sflag:s15], $0x2800  }
0x63: {  	[sflag:s15] =	ssyncset.done $0x0  }
0x64: {  	s24 =	rddreg [dreg:$0xa];
	[sflag:s15] =	ssyncadd.s32 $0xFFFFD800  }
0x65: {  	[hbm4b:s24+s4] =	stream.linear.scatter [tilespmem:s30], [sflag:$0xB], $0x2800, $0x38;
	[tilespmem:$0x1DD80] =	vst v63  }
0x66: {  	_ =	swait.ge [sflag:s31], $0x2800  }
0x67: {  	[sflag:s31] =	ssyncset.done $0x0  }
0x68: {  	s1 =	simm.s32 @!p0 $0x500;
	s7 =	simm.s32 @!p0 $0xC;
	[sflag:s31] =	ssyncadd.s32 $0xFFFFD800  }
0x69: {  	[tilespmem:s1], [sflag:$0xC] =	stream.linear.gather @!p0 [spmem:s28], $0x2800, $0x38;
	[tilespmem:$0x1DD80] =	vst v63  }
0x6a: {  	_ =	swait.ge @!p0 [sflag:s7], $0x2800  }
0x6b: {  	[sflag:s7] =	ssyncset.done @!p0 $0x0  }
0x6c: {  	s14 =	rddreg [dreg:$0xb];
	[sflag:s7] =	ssyncadd.s32 @!p0 $0xFFFFD800;
	s7 =	simm.s32 @!p0 $0x0  }
0x6d: {  	[hbm4b:s14+s7] =	stream.linear.scatter @!p0 [tilespmem:s1], [sflag:$0xB], $0x2800, $0x38;
	[tilespmem:$0x1DD80] =	vst v63  }
0x6e: {  	s1 =	simm.s32 @!p0 $0xB  }
0x6f: {  	_ =	swait.ge @!p0 [sflag:s1], $0x2800  }
0x70: {  	s16 =	sadd.s32 $0x1, s16;
	s25 =	rddreg [dreg:$0xf]  }
0x71: {  	p1 =	sne.s32 s16, s25  }
.Ltmp1:
0x72: {  	_ = 	snop;
	(pc) =	sbr.rel @!p1 .LBB2_14-.Ltmp1, $3  }
0x73: {  	_ =	sdelay $0x1  }
0x74: {  	[sflag:s1] =	ssyncset.done @!p0 $0x0  }
0x75: {  	[sflag:s1] =	ssyncadd.s32 @!p0 $0xFFFFD800  }
.LBB2_1:
0x76: {  	s1 =	simm.s32 $0x70;
	s7 =	simm.s32 $0x3C0  }
.LBB2_2:
0x77: {  	p1 =	sne.s32 s7, $0x9FC0;
	[tilespmem:s1+$0x500] =	vst v0  }
0x78: {  	[tilespmem:s1+$0x490] =	vst v0  }
0x79: {  	[tilespmem:s1+$0x4A0] =	vst v0  }
.Ltmp2:
0x7a: {  	[tilespmem:s1+$0x4B0] =	vst v0;
	(pc) =	sbr.rel @p1 .LBB2_2-.Ltmp2, $4  }
0x7b: {  	[tilespmem:s1+$0x4C0] =	vst v0  }
0x7c: {  	[tilespmem:s1+$0x4D0] =	vst v0  }
0x7d: {  	[tilespmem:s1+$0x4E0] =	vst v0  }
0x7e: {  	[tilespmem:s1+$0x4F0] =	vst v0;
	s1 =	sshra.s32 s7, $0x2;
	s7 =	sadd.s32 $0x200, s7  }
0x7f: {  	[tilespmem:s1+$0x500] =	vst v0  }
0x80: {  	[tilespmem:s1+$0x490] =	vst v0  }
0x81: {  	[tilespmem:s1+$0x4A0] =	vst v0  }
0x82: {  	[tilespmem:s1+$0x4B0] =	vst v0  }
0x83: {  	[tilespmem:s1+$0x4C0] =	vst v0  }
0x84: {  	[tilespmem:s1+$0x4D0] =	vst v0  }
0x85: {  	[tilespmem:s1+$0x4E0] =	vst v0  }
0x86: {  	[tilespmem:s1+$0x4F0] =	vst v0  }
0x87: {  	[spmem:s20] =	stream.linear.scatter [tilespmem:s30], [sflag:$0xB], $0x2800, $0x38;
	[tilespmem:$0x1DD80] =	vst v63  }
0x88: {  	_ =	swait.ge [sflag:s31], $0x2800  }
0x89: {  	[sflag:s31] =	ssyncset.done $0x0  }
0x8a: {  	[sflag:s31] =	ssyncadd.s32 $0xFFFFD800  }
0x8b: {  	[spmem:s19] =	stream.linear.scatter [tilespmem:s30], [sflag:$0xB], $0x2800, $0x38;
	[tilespmem:$0x1DD80] =	vst v63  }
0x8c: {  	_ =	swait.ge [sflag:s31], $0x2800  }
0x8d: {  	[sflag:s31] =	ssyncset.done $0x0  }
0x8e: {  	[sflag:s31] =	ssyncadd.s32 $0xFFFFD800  }
0x8f: {  	[spmem:s21] =	stream.linear.scatter [tilespmem:s30], [sflag:$0xB], $0x2800, $0x38;
	[tilespmem:$0x1DD80] =	vst v63  }
0x90: {  	_ =	swait.ge [sflag:s31], $0x2800  }
0x91: {  	[sflag:s31] =	ssyncset.done $0x0  }
0x92: {  	[sflag:s31] =	ssyncadd.s32 $0xFFFFD800  }
0x93: {  	[spmem:s29] =	stream.linear.scatter [tilespmem:s30], [sflag:$0xB], $0x2800, $0x38;
	[tilespmem:$0x1DD80] =	vst v63  }
0x94: {  	_ =	swait.ge [sflag:s31], $0x2800  }
0x95: {  	[sflag:s31] =	ssyncset.done $0x0  }
0x96: {  	s22 =	smov.u32 s20;
	s20 =	rddreg [dreg:$0x10];
	[sflag:s31] =	ssyncadd.s32 $0xFFFFD800  }
0x97: {  	[spmem:s20] =	stream.linear.scatter [tilespmem:s30], [sflag:$0xB], $0x2800, $0x38;
	[tilespmem:$0x1DD80] =	vst v63  }
0x98: {  	_ =	swait.ge [sflag:s31], $0x2800  }
0x99: {  	[sflag:s31] =	ssyncset.done $0x0  }
0x9a: {  	s24 =	smov.u32 s21;
	s21 =	rddreg [dreg:$0x11];
	[sflag:s31] =	ssyncadd.s32 $0xFFFFD800  }
0x9b: {  	[spmem:s21] =	stream.linear.scatter [tilespmem:s30], [sflag:$0xB], $0x2800, $0x38;
	[tilespmem:$0x1DD80] =	vst v63  }
0x9c: {  	_ =	swait.ge [sflag:s31], $0x2800  }
0x9d: {  	[sflag:s31] =	ssyncset.done $0x0  }
0x9e: {  	[sflag:s31] =	ssyncadd.s32 $0xFFFFD800  }
0x9f: {  	[spmem:s26] =	stream.linear.scatter [tilespmem:s30], [sflag:$0xB], $0x2800, $0x38;
	[tilespmem:$0x1DD80] =	vst v63  }
0xa0: {  	_ =	swait.ge [sflag:s31], $0x2800  }
0xa1: {  	[sflag:s31] =	ssyncset.done $0x0  }
0xa2: {  	s1 =	simm.s32 @!p0 $0x500;
	[sflag:s31] =	ssyncadd.s32 $0xFFFFD800  }
0xa3: {  	[spmem:s28] =	stream.linear.scatter @!p0 [tilespmem:s1], [sflag:$0xB], $0x2800, $0x38;
	[tilespmem:$0x1DD80] =	vst v63  }
0xa4: {  	s1 =	simm.s32 @!p0 $0xB  }
0xa5: {  	_ =	swait.ge @!p0 [sflag:s1], $0x2800  }
0xa6: {  	[sflag:s1] =	ssyncset.done @!p0 $0x0  }
0xa7: {  	[sflag:s1] =	ssyncadd.s32 @!p0 $0xFFFFD800  }
0xa8: {  	[bflag:$0x0] =	sbarrier.arrive $0xFFFF  }
0xa9: {  	s23 =	smov.u32 s19;
	s19 =	simm.s32 $0x0;
	s7 =	rddreg [dreg:$0x3]  }
0xaa: {  	[tilespmem:s19], [sflag:$0x1] =	stream.linear.gather [hbm4b:s7+s19], $0x100, $0x38;
	[tilespmem:$0x1DD80] =	vst v63  }
0xab: {  	s14 =	rddreg [dreg:$0xc];
	s7 =	simm.s32 $0x100  }
0xac: {  	[tilespmem:s7], [sflag:$0x2] =	stream.linear.gather [hbm4b:s14+s19], $0x100, $0x38;
	[tilespmem:$0x1DD80] =	vst v63  }
0xad: {  	s20 =	rddreg [dreg:$0xd]  }
0xae: {  	[tilespmem:s0], [sflag:$0x3] =	stream.linear.gather [hbm4b:s20+s19], $0x100, $0x38;
	[tilespmem:$0x1DD80] =	vst v63  }
0xaf: {  	s21 =	rddreg [dreg:$0xe];
	s14 =	simm.s32 $0x300  }
0xb0: {  	[tilespmem:s14], [sflag:$0x4] =	stream.linear.gather [hbm4b:s21+s19], $0x100, $0x38;
	[tilespmem:$0x1DD80] =	vst v63  }
0xb1: {  	_ =	swait.ge [sflag:s5], $0x100  }
0xb2: {  	[sflag:s5] =	ssyncset.done $0x0  }
0xb3: {  	[sflag:s5] =	ssyncadd.s32 $0xFFFFFF00  }
0xb4: {  	[tilespmem:s30], [sflag:$0x5] =	stream.indirect.gather [hbm4b:s17+s6], $0x80, s19, s6, $0xb8;
	[tilespmem:$0x1DD80] =	vst v63  }
.Ltmp3:
0xb5: {  	s20 =	simm.s32 $0x2;
	(pc) =	sbr.rel .LBB2_4-.Ltmp3, $4  }
0xb6: {  	_ =	swait.ge [sflag:s20], $0x100  }
0xb7: {  	s25 =	smov.u32 s29;
	s1 =	simm.s32 $0x3;
	[sflag:s20] =	ssyncset.done $0x0  }
0xb8: {  	s21 =	simm.s32 $0x2D00;
	s29 =	rddreg [dreg:$0x12];
	[sflag:s20] =	ssyncadd.s32 $0xFFFFFF00  }
0xb9: {  	[tilespmem:s21], [sflag:$0x6] =	stream.indirect.gather [hbm4b:s17+s6], $0x80, s7, s6, $0xb8;
	[tilespmem:$0x1DD80] =	vst v63  }
.LBB2_11:
0xba: {  	_ =	swait.ge [sflag:s13], $0x2800  }
0xbb: {  	[sflag:s13] =	ssyncset.done $0x0  }
0xbc: {  	[sflag:s13] =	ssyncadd.s32 $0xFFFFD800  }
0xbd: {  	v1 =	vld [tilespmem:$0x280]  }
0xbe: {  	v2 =	vld [tilespmem:$0x290]  }
0xbf: {  	v3 =	vld [tilespmem:$0x2A0]  }
0xc0: {  	v4 =	vld [tilespmem:$0x2B0]  }
0xc1: {  	v5 =	vld [tilespmem:$0x2C0]  }
0xc2: {  	[tilespmem:$0x400] =	vst v1  }
0xc3: {  	[tilespmem:$0x410] =	vst v2  }
0xc4: {  	p1 =	sgt.u32 s19, $0x1D;
	[tilespmem:$0x420] =	vst v3  }
0xc5: {  	s7 =	sadd.s32 @!p1 s2, s7;
	[tilespmem:$0x430] =	vst v4  }
0xc6: {  	s7 =	sshll.u32 @!p1 s7, $0x5;
	[tilespmem:$0x440] =	vst v5  }
0xc7: {  	[spmem:s3] =	stream.indirect.scatter.add.f32 [tilespmem:s9], [sflag:$0x9], $0x80, s11, s6, $0xb8;
	[tilespmem:$0x1DD80] =	vst v63  }
0xc8: {  	s14 =	simm.s32 @!p1 $0x0;
	s20 =	simm.s32 @!p1 $0x200;
	s7 =	sadd.s32 @!p1 s7, s18  }
0xc9: {  	[tilespmem:s20], [sflag:$0x3] =	stream.linear.gather @!p1 [hbm4b:s7+s14], $0x100, $0x38;
	[tilespmem:$0x1DD80] =	vst v63  }
.LBB2_12:
0xca: {  	p1 =	sgt.u32 s1, $0x7C  }
0xcb: {  	s7 =	simm.s32 @!p1 $0xA  }
0xcc: {  	p2 =	sgt.u32 @!p1 s19, $0x1D;
	_ =	swait.ge @!p1 [sflag:s7], $0x2800  }
0xcd: {  	p2 =	por p2, p1;
	[sflag:s7] =	ssyncset.done @!p1 $0x0  }
0xce: {  	[sflag:s7] =	ssyncadd.s32 @!p1 $0xFFFFD800;
	s7 =	simm.s32 @!p2 $0x2  }
0xcf: {  	_ =	swait.ge @!p2 [sflag:s7], $0x100  }
0xd0: {  	s14 =	simm.s32 @!p2 $0x100;
	[sflag:s7] =	ssyncset.done @!p2 $0x0  }
0xd1: {  	s20 =	simm.s32 @!p2 $0x2D00;
	[sflag:s7] =	ssyncadd.s32 @!p2 $0xFFFFFF00;
	s7 =	simm.s32 @!p2 $0x50  }
0xd2: {  	[tilespmem:s20], [sflag:$0x6] =	stream.indirect.gather @!p2 [hbm4b:s17+s7], $0x80, s14, s7, $0xb8;
	[tilespmem:$0x1DD80] =	vst v63  }
0xd3: {  	s7 =	simm.s32 @!p1 $0x8  }
0xd4: {  	_ =	swait.ge @!p1 [sflag:s7], $0x2800  }
0xd5: {  	[sflag:s7] =	ssyncset.done @!p1 $0x0  }
0xd6: {  	[sflag:s7] =	ssyncadd.s32 @!p1 $0xFFFFD800  }
0xd7: {  	v1 =	vld @!p1 [tilespmem:$0x380]  }
0xd8: {  	v2 =	vld @!p1 [tilespmem:$0x390]  }
0xd9: {  	v3 =	vld @!p1 [tilespmem:$0x3A0]  }
0xda: {  	v4 =	vld @!p1 [tilespmem:$0x3B0]  }
0xdb: {  	v5 =	vld @!p1 [tilespmem:$0x3C0]  }
0xdc: {  	[tilespmem:$0x480] =	vst @!p1 v1  }
0xdd: {  	[tilespmem:$0x490] =	vst @!p1 v2  }
0xde: {  	[tilespmem:$0x4A0] =	vst @!p1 v3  }
0xdf: {  	s1 =	sadd.s32 $0x4, s1;
	[tilespmem:$0x4B0] =	vst @!p1 v4  }
0xe0: {  	s14 =	simm.s32 @!p1 $0x480;
	s20 =	simm.s32 @!p1 $0x7D00;
	s7 =	simm.s32 @!p1 $0x50;
	[tilespmem:$0x4C0] =	vst @!p1 v5  }
0xe1: {  	[spmem:s3] =	stream.indirect.scatter.add.f32 @!p1 [tilespmem:s20], [sflag:$0xA], $0x80, s14, s7, $0xb8;
	[tilespmem:$0x1DD80] =	vst v63  }
0xe2: {  	p1 =	sne.s32 s1, $0x83  }
.Ltmp4:
0xe3: {  	_ = 	snop;
	(pc) =	sbr.rel @!p1 .LBB2_13-.Ltmp4, $4  }
0xe4: {  	_ = 	snop  }
0xe5: {  	s7 =	simm.s32 @!p2 $0x0;
	s14 =	simm.s32 @!p2 $0x300  }
0xe6: {  	[tilespmem:s14], [sflag:$0x4] =	stream.linear.gather @!p2 [hbm4b:s29+s7], $0x100, $0x38;
	[tilespmem:$0x1DD80] =	vst v63  }
0xe7: {  	s19 =	sadd.s32 $0x1, s19;
	s29 =	sadd.s32 $0x80, s29  }
.LBB2_4:
0xe8: {  	p2 =	seq.s32 s1, $0x3  }
0xe9: {  	s7 =	sadd.s32 @!p2 $0xFFFFFFFF, s1  }
0xea: {  	p1 =	sgt.u32 @!p2 s7, $0x7C  }
0xeb: {  	p3 =	por p2, !p1  }
.Ltmp5:
0xec: {  	_ = 	snop;
	(pc) =	sbr.rel @!p3 .LBB2_6-.Ltmp5, $4  }
0xed: {  	s14 =	simm.s32 @!p2 $0x9  }
0xee: {  	_ =	swait.ge @!p2 [sflag:s14], $0x2800  }
0xef: {  	[sflag:s14] =	ssyncset.done @!p2 $0x0  }
0xf0: {  	p1 =	por @!p2 $0x0, $0x0;
	[sflag:s14] =	ssyncadd.s32 @!p2 $0xFFFFD800  }
0xf1: {  	_ =	swait.ge [sflag:s8], $0x100  }
0xf2: {  	[sflag:s8] =	ssyncset.done $0x0  }
0xf3: {  	s7 =	simm.s32 @p2 $0x2;
	p1 =	por $0x1, $0x1;
	[sflag:s8] =	ssyncadd.s32 $0xFFFFFF00  }
0xf4: {  	[tilespmem:s9], [sflag:$0x7] =	stream.indirect.gather [hbm4b:s17+s6], $0x80, s0, s6, $0xb8;
	[tilespmem:$0x1DD80] =	vst v63  }
.LBB2_6:
0xf5: {  	_ =	swait.ge [sflag:s10], $0x2800  }
0xf6: {  	[sflag:s10] =	ssyncset.done $0x0  }
0xf7: {  	[sflag:s10] =	ssyncadd.s32 $0xFFFFD800  }
0xf8: {  	v1 =	vld [tilespmem:$0x80]  }
0xf9: {  	v2 =	vld [tilespmem:$0x90]  }
0xfa: {  	v3 =	vld [tilespmem:$0xA0]  }
0xfb: {  	v4 =	vld [tilespmem:$0xB0]  }
0xfc: {  	v5 =	vld [tilespmem:$0xC0]  }
0xfd: {  	p2 =	seq.s32 s1, $0x7F;
	[tilespmem:$0x400] =	vst v1  }
.Ltmp6:
0xfe: {  	[tilespmem:$0x410] =	vst v2;
	(pc) =	sbr.rel @!p2 .LBB2_7-.Ltmp6, $4  }
0xff: {  	[tilespmem:$0x420] =	vst v3  }
0x100: {  	[tilespmem:$0x430] =	vst v4  }
0x101: {  	[tilespmem:$0x440] =	vst v5  }
0x102: {  	[spmem:s3] =	stream.indirect.scatter.add.f32 [tilespmem:s30], [sflag:$0x9], $0x80, s11, s6, $0xb8;
	[tilespmem:$0x1DD80] =	vst v63  }
.Ltmp7:
0x103: {  	(pc) =	sbr.rel @!p1 .LBB2_13-.Ltmp7, $1  }
0x104: {  	_ =	sdelay $0x3  }
.Ltmp8:
0x105: {  	(pc) =	sbr.rel .LBB2_11-.Ltmp8, $4  }
0x106: {  	_ = 	snop  }
0x107: {  	_ =	swait.ge [sflag:s12], $0x2800  }
0x108: {  	[sflag:s12] =	ssyncset.done $0x0  }
0x109: {  	[sflag:s12] =	ssyncadd.s32 $0xFFFFD800  }
.LBB2_7:
0x10a: {  	s14 =	sadd.s32 $0xFFFFFFA0, s29;
	s21 =	sadd.s32 $0xFFFFFFFE, s1  }
0x10b: {  	[tilespmem:s4], [sflag:$0x1] =	stream.linear.gather [hbm4b:s14+s4], $0x100, $0x38;
	[tilespmem:$0x1DD80] =	vst v63  }
0x10c: {  	p2 =	sgt.u32 s21, $0x7C  }
0x10d: {  	p3 =	seq.s32 @!p2 s1, $0x3  }
0x10e: {  	p3 =	por p3, p2  }
0x10f: {  	s14 =	simm.s32 @!p3 $0xA  }
0x110: {  	_ =	swait.ge @!p3 [sflag:s14], $0x2800  }
0x111: {  	[sflag:s14] =	ssyncset.done @!p3 $0x0  }
0x112: {  	[sflag:s14] =	ssyncadd.s32 @!p3 $0xFFFFD800;
	s14 =	simm.s32 @!p2 $0x4  }
0x113: {  	_ =	swait.ge @!p2 [sflag:s14], $0x100  }
0x114: {  	s20 =	simm.s32 @!p2 $0x300;
	[sflag:s14] =	ssyncset.done @!p2 $0x0  }
0x115: {  	s21 =	simm.s32 @!p2 $0x7D00;
	[sflag:s14] =	ssyncadd.s32 @!p2 $0xFFFFFF00;
	s14 =	simm.s32 @!p2 $0x50  }
0x116: {  	[tilespmem:s21], [sflag:$0x8] =	stream.indirect.gather @!p2 [hbm4b:s17+s14], $0x80, s20, s14, $0xb8;
	[tilespmem:$0x1DD80] =	vst v63  }
0x117: {  	s20 =	simm.s32 @!p2 $0x6  }
0x118: {  	_ =	swait.ge @!p2 [sflag:s20], $0x2800  }
0x119: {  	[sflag:s20] =	ssyncset.done @!p2 $0x0  }
0x11a: {  	[sflag:s20] =	ssyncadd.s32 @!p2 $0xFFFFD800  }
0x11b: {  	v1 =	vld @!p2 [tilespmem:$0x180]  }
0x11c: {  	v2 =	vld @!p2 [tilespmem:$0x190]  }
0x11d: {  	v3 =	vld @!p2 [tilespmem:$0x1A0]  }
0x11e: {  	v4 =	vld @!p2 [tilespmem:$0x1B0]  }
0x11f: {  	v5 =	vld @!p2 [tilespmem:$0x1C0]  }
0x120: {  	[tilespmem:$0x480] =	vst @!p2 v1  }
0x121: {  	[tilespmem:$0x490] =	vst @!p2 v2  }
0x122: {  	[tilespmem:$0x4A0] =	vst @!p2 v3  }
0x123: {  	p3 =	sgt.u32 @!p2 s19, $0x1D;
	[tilespmem:$0x4B0] =	vst @!p2 v4  }
.Ltmp9:
0x124: {  	s21 =	simm.s32 @!p2 $0x2D00;
	s20 =	simm.s32 @!p2 $0x480;
	[tilespmem:$0x4C0] =	vst @!p2 v5;
	(pc) =	sbr.rel @!p1 .LBB2_12-.Ltmp9, $4  }
0x125: {  	[spmem:s3] =	stream.indirect.scatter.add.f32 @!p2 [tilespmem:s21], [sflag:$0xA], $0x80, s20, s14, $0xb8;
	[tilespmem:$0x1DD80] =	vst v63  }
0x126: {  	p2 =	por p3, p2  }
0x127: {  	s14 =	sadd.s32 @!p2 $0xFFFFFFC0, s29;
	s20 =	simm.s32 @!p2 $0x0;
	s21 =	simm.s32 @!p2 $0x100  }
0x128: {  	[tilespmem:s21], [sflag:$0x2] =	stream.linear.gather @!p2 [hbm4b:s14+s20], $0x100, $0x38;
	[tilespmem:$0x1DD80] =	vst v63  }
0x129: {  	_ =	swait.ge [sflag:s12], $0x2800  }
0x12a: {  	[sflag:s12] =	ssyncset.done $0x0  }
.Ltmp10:
0x12b: {  	[sflag:s12] =	ssyncadd.s32 $0xFFFFD800;
	(pc) =	sbr.rel .LBB2_11-.Ltmp10, $4  }
0x12c: {  	_ =	swait.ge [sflag:s5], $0x100  }
0x12d: {  	[sflag:s5] =	ssyncset.done $0x0  }
0x12e: {  	[sflag:s5] =	ssyncadd.s32 $0xFFFFFF00  }
0x12f: {  	[tilespmem:s30], [sflag:$0x5] =	stream.indirect.gather [hbm4b:s17+s6], $0x80, s4, s6, $0xb8;
	[tilespmem:$0x1DD80] =	vst v63  }
.LBB2_14:
0x130: {  	_ =	sfence.sel $0x180000  }
0x131: {  	[bflag:$0x0] =	sbarrier.arrive $0xFFFF  }
0x132: {  	_ =	strace $0x9000004A  }
0x133: {  	s0 =	stileid.u32;
	[bflag:$0x2] =	sbarrier.arrive $0xFFFF  }
0x134: {  	p0 =	sne.s32 s0, $0x0;
	s0 =	rddreg [dreg:$0x2]  }
0x135: {  	s0 =	sadd.s32 @!p0 $0x100000, s0  }
0x136: {  	[sflag:s0] =	ssyncadd.tile.s32 @!p0 $0x1;
	_ =	shalt  }
.Lfunc_end2:
_tile_overlayer_lowered:
.L_overlay_start_2:
0x137: {  	(tag) =	ssettag $0x2  }
0x138: {  	s0 =	rddreg [dreg:$0x0];
	s2 =	stileid.u32  }
0x139: {  	s1 =	rddreg [dreg:$0x1];
	p0 =	sne.s32 s2, $0x0  }
0x13a: {  	s3 =	rddreg [dreg:$0x2];
	[bflag:$0x3] =	sbarrier.arrive $0xFFFF;
	s2 =	simm.s32 @!p0 $0x1C0B  }
0x13b: {  	[timem:s3], [sflag:s2] =	dma.local @!p0 [hbm:s0], s1  }
0x13c: {  	s0 =	simm.s32 @!p0 $0xB  }
0x13d: {  	_ =	swait.ge @!p0 [sflag:s0], s1  }
0x13e: {  	s1 =	ssub.s32 @!p0 $0x0, s1;
	[sflag:s0] =	ssyncset.done @!p0 $0x0  }
0x13f: {  	[sflag:s0] =	ssyncadd.s32 @!p0 s1  }
0x140: {  	[bflag:$0x3] =	sbarrier.arrive $0xFFFF  }
0x141: {  	_ =	shalt  }

// kernel: kernel.18.cloned.1.call-start
scs
__scs_entry_jumppad:
0x0: {  	(pc) =	sbr.rel $0x88, $3  }
0x1: {  	(tag) =	ssettag $0x0;
	lr =	simm.s32 $0x1  }
0x2: {  	[smem:$0x3F8A] =	sst lr;
	_ =	strace $0xD0000000  }
0x3: {  	_ = 	snop  }
0x4: {  	_ = 	snop  }
0x5: {  	_ = 	snop  }
0x6: {  	_ = 	snop  }
0x7: {  	_ = 	snop  }
__scs_overlays_trampoline_lowered:
0x8: {  	[smem:$0x3F99] =	sst s0  }
0x9: {  	[smem:$0x3F9A] =	sst s1  }
0xa: {  	[smem:$0x3F9B] =	sst s2  }
0xb: {  	[smem:$0x3F9C] =	sst s3  }
0xc: {  	[smem:$0x3F9D] =	sst s4  }
0xd: {  	[smem:$0x3F9E] =	sst s5  }
0xe: {  	[smem:$0x3F9F] =	sst s6  }
0xf: {  	[smem:$0x3FA0] =	sst s7  }
0x10: {  	[smem:$0x3FA1] =	sst s8  }
0x11: {  	[smem:$0x3FA2] =	sst s9;
	s0 =	simm.s32 @!p0 $0x0  }
0x12: {  	s1 =	sld [smem:$0x3F88];
	s0 =	simm.s32 @p0 $0x1  }
0x13: {  	[smem:$0x3FA3] =	sst s0;
	s0 =	simm.s32 @!p1 $0x0  }
0x14: {  	s2 =	sld [smem:$0x3F87];
	s0 =	simm.s32 @p1 $0x1  }
0x15: {  	[smem:$0x3FA4] =	sst s0;
	s0 =	simm.s32 @!p2 $0x0  }
0x16: {  	s3 =	sld [smem:$0x3FDB];
	s0 =	simm.s32 @p2 $0x1  }
0x17: {  	s4 =	simm.s32 $0x1BF5;
	[smem:$0x3FA6] =	sst s0  }
0x18: {  	s0 =	sld [smem:$0x3F89];
	_ =	swait.ge [sflag:s4], $0x0  }
0x19: {  	s7 =	sld [smem:$0x3F8A]  }
0x1a: {  	s8 =	sadd.s32 $0xFFFFE003, lr  }
0x1b: {  	s9 =	sadd.s32 $0xFFFFFEF7, lr;
	s5 =	simm.s32 $0xFFFFFFFF;
	p2 =	slt.u32 s8, $0xFFFFF086  }
0x1c: {  	p1 =	slt.u32 s9, $0xF7A;
	s5 =	simm.s32 @!p2 $0x0  }
0x1d: {  	s5 =	simm.s32 @p1 $0x1;
	p0 =	seq.s32 s7, s2  }
0x1e: {  	s7 =	smul.u32 @!p0 $0xF7A, s2;
	p2 =	seq.s32 @!p0 s5, $0x0  }
0x1f: {  	s9 =	smul.u32 $0xF7A, s1;
	s8 =	simm.s32 @!p0 $0x1BF5;
	p2 =	por !p2, p0  }
0x20: {  	[sflag:s8] =	ssyncset.s32 @!p0 $0xFFFFF086;
	s6 =	sadd.s32 @!p0 s3, s7;
	s7 =	simm.s32 @!p0 $0x108  }
0x21: {  	s3 =	sadd.s32 s3, s9;
	s6 =	sadd.s32 @!p0 $0x88, s6;
	s7 =	simm.s32 @p2 $0x1082  }
0x22: {  	[simem:s7], [sflag:s8] =	dma.local @!p0 [hbm:s6], $0xF7A  }
0x23: {  	s9 =	sor.u32 $0xD0000000, s2;
	s6 =	simm.s32 $0x108;
	_ =	swait.ge @!p0 [sflag:s8], $0x0  }
0x24: {  	s3 =	sadd.s32 $0x88, s3;
	s6 =	simm.s32 @!p1 $0x1082;
	[sflag:s4] =	ssyncset.s32 $0xFFFFF086  }
0x25: {  	[simem:s6], [sflag:s4] =	dma.local [hbm:s3], $0xF7A  }
0x26: {  	[smem:$0x3F8A] =	sst s1;
	(tag) =	ssettag s2;
	_ =	strace s9  }
0x27: {  	s1 =	sld [smem:$0x3F9A]  }
0x28: {  	s2 =	sld [smem:$0x3F9B]  }
0x29: {  	s4 =	sld [smem:$0x3F9D]  }
0x2a: {  	p0 =	seq.s32 s5, $0x0;
	s5 =	sld [smem:$0x3F9E]  }
0x2b: {  	s6 =	sld [smem:$0x3F9F]  }
0x2c: {  	s7 =	sld [smem:$0x3FA0]  }
0x2d: {  	s3 =	simm.s32 $0x108;
	s8 =	sld [smem:$0x3FA1]  }
0x2e: {  	s3 =	simm.s32 @!p0 $0x1082;
	s9 =	sld [smem:$0x3FA2]  }
0x2f: {  	lr =	sadd.s32 s0, s3;
	s0 =	sld [smem:$0x3F99]  }
0x30: {  	s3 =	sld [smem:$0x3F9C]  }
0x31: {  	[smem:$0x3FA5] =	sst s10  }
0x32: {  	s10 =	sld [smem:$0x3FA3];
	_ =	sdelay $0x3  }
0x33: {  	p0 =	seq.s32 s10, $0x1;
	s10 =	sld [smem:$0x3FA5];
	_ =	sdelay $0x3  }
0x34: {  	[smem:$0x3FA5] =	sst s10  }
0x35: {  	s10 =	sld [smem:$0x3FA4];
	_ =	sdelay $0x3  }
0x36: {  	p1 =	seq.s32 s10, $0x1;
	s10 =	sld [smem:$0x3FA5];
	_ =	sdelay $0x3  }
0x37: {  	[smem:$0x3FA5] =	sst s10  }
0x38: {  	s10 =	sld [smem:$0x3FA6]  }
0x39: {  	_ = 	snop;
	(pc) =	sbr.ind lr, $3  }
0x3a: {  	_ = 	snop  }
0x3b: {  	_ = 	snop  }
0x3c: {  	p2 =	seq.s32 s10, $0x1;
	s10 =	sld [smem:$0x3FA5]  }
0x3d: {  	_ =	shalt  }
0x3e: {  	_ =	shalt  }
0x3f: {  	_ =	shalt  }
0x40: {  	_ =	shalt  }
0x41: {  	_ =	shalt  }
0x42: {  	_ =	shalt  }
0x43: {  	_ =	shalt  }
0x44: {  	_ =	shalt  }
0x45: {  	_ =	shalt  }
0x46: {  	_ =	shalt  }
0x47: {  	_ =	shalt  }
0x48: {  	_ =	shalt  }
0x49: {  	_ =	shalt  }
0x4a: {  	_ =	shalt  }
0x4b: {  	_ =	shalt  }
0x4c: {  	_ =	shalt  }
0x4d: {  	_ =	shalt  }
0x4e: {  	_ =	shalt  }
0x4f: {  	_ =	shalt  }
0x50: {  	_ =	shalt  }
0x51: {  	_ =	shalt  }
0x52: {  	_ =	shalt  }
0x53: {  	_ =	shalt  }
0x54: {  	_ =	shalt  }
0x55: {  	_ =	shalt  }
0x56: {  	_ =	shalt  }
0x57: {  	_ =	shalt  }
0x58: {  	_ =	shalt  }
0x59: {  	_ =	shalt  }
0x5a: {  	_ =	shalt  }
0x5b: {  	_ =	shalt  }
0x5c: {  	_ =	shalt  }
0x5d: {  	_ =	shalt  }
0x5e: {  	_ =	shalt  }
0x5f: {  	_ =	shalt  }
0x60: {  	_ =	shalt  }
0x61: {  	_ =	shalt  }
0x62: {  	_ =	shalt  }
0x63: {  	_ =	shalt  }
0x64: {  	_ =	shalt  }
0x65: {  	_ =	shalt  }
0x66: {  	_ =	shalt  }
0x67: {  	_ =	shalt  }
0x68: {  	_ =	shalt  }
0x69: {  	_ =	shalt  }
0x6a: {  	_ =	shalt  }
0x6b: {  	_ =	shalt  }
0x6c: {  	_ =	shalt  }
0x6d: {  	_ =	shalt  }
0x6e: {  	_ =	shalt  }
0x6f: {  	_ =	shalt  }
0x70: {  	_ =	shalt  }
0x71: {  	_ =	shalt  }
0x72: {  	_ =	shalt  }
0x73: {  	_ =	shalt  }
0x74: {  	_ =	shalt  }
0x75: {  	_ =	shalt  }
0x76: {  	_ =	shalt  }
0x77: {  	_ =	shalt  }
0x78: {  	_ =	shalt  }
0x79: {  	_ =	shalt  }
0x7a: {  	_ =	shalt  }
0x7b: {  	_ =	shalt  }
0x7c: {  	_ =	shalt  }
0x7d: {  	_ =	shalt  }
0x7e: {  	_ =	shalt  }
0x7f: {  	_ =	shalt  }
0x80: {  	_ =	shalt  }
0x81: {  	_ =	shalt  }
0x82: {  	_ =	shalt  }
0x83: {  	_ =	shalt  }
0x84: {  	_ =	shalt  }
0x85: {  	_ =	shalt  }
0x86: {  	_ =	shalt  }
0x87: {  	_ =	shalt  }
.Lfunc_end0:
.L_simem_size_0:
called_computation.2_lowered:
.L_overlay_start_0:
0x88: {  	s2 =	sld [smem:$0x3FD9]  }
0x89: {  	s3 =	sld [smem:$0x3FFE];
	_ =	sdelay $0x1  }
0x8a: {  	s1 =	srdreg.scid  }
0x8b: {  	s0 =	sand.u32 $0x1, s1  }
0x8c: {  	s16 =	sshll.u32 s0, $0xA;
	s2 =	sadd.s32 s3, s2  }
0x8d: {  	s2 =	sadd.s32 s2, s16  }
0x8e: {  	[smem:$0x3FB1] =	sst s2  }
0x8f: {  	_ = 	snop  }
0x90: {  	(tm) =	ssettm $0x1  }
0x91: {  	s17 =	sld [smem:$0x3FFB];
	_ =	sdelay $0x3  }
0x92: {  	_ =	strace s17  }
0x93: {  	s2 =	sld [smem:$0x3FFC];
	_ =	sdelay $0x3  }
0x94: {  	_ =	strace s2  }
0x95: {  	s2 =	sld [smem:$0x3FFD];
	_ =	sdelay $0x3  }
0x96: {  	_ =	strace s2  }
0x97: {  	_ =	strace $0x8FFFFFFF  }
0x98: {  	s18 =	sld [smem:$0x3FDB];
	_ =	sdelay $0x1  }
0x99: {  	s19 =	simm.s32 $_scs_section_size  }
0x9a: {  	s4 =	simm.s32 $_size__tile_overlayer_lowered;
	s5 =	simm.s32 $_tile_overlayer_lowered  }
0x9b: {  	s22 =	simm.s32 $0x1BFF;
	s21 =	sshll.u32 s5, $0x1;
	s2 =	sadd.s32 s19, s18  }
0x9c: {  	s6 =	simm.s32 $0x0;
	s20 =	sshll.u32 s4, $0x1;
	s4 =	sadd.s32 s21, s2  }
0x9d: {  	[timem:s6], [sflag:s22] =	dma.local [hbm:s4], s20  }
0x9e: {  	_ =	swait.ge [sflag:s22], s20  }
0x9f: {  	s3 =	ssub.s32 $0x0, s20;
	[sflag:s22] =	ssyncset.done $0x0  }
0xa0: {  	[sflag:s22] =	ssyncadd.s32 s3;
	_ =	sdelay $0x1  }
0xa1: {  	s23 =	simm.s32 $0x1B8B  }
0xa2: {  	_ =	swait.ge [sflag:s23], $0x1  }
0xa3: {  	[sflag:s23] =	ssyncset.done $0x0  }
0xa4: {  	s25 =	simm.s32 $0x1B8E;
	s24 =	sld [smem:$0x3FFE];
	[sflag:s23] =	ssyncadd.s32 $0xFFFFFFFF  }
0xa5: {  	s26 =	simm.s32 $execute0_lowered;
	[smem:$0x3FD2] =	sst s25  }
0xa6: {  	s4 =	sshll.u32 s26, $0x1;
	_ =	strace $0x8000004C;
	[dreg:$0x1] =	wrdreg $0xFFFFFFFF  }
0xa7: {  	s28 =	simm.s32 $_size_execute0_lowered;
	s2 =	sadd.s32 s2, s4;
	[dreg:$0x0] =	wrdreg $0x0  }
0xa8: {  	s4 =	sshll.u32 s28, $0x1;
	[dreg:$0x2] =	wrdreg s2  }
0xa9: {  	[dreg:$0x3] =	wrdreg s4  }
0xaa: {  	[dreg:$0x4] =	wrdreg $0xC0  }
0xab: {  	_ =	task [dreg:s6], $0x5FFFF  }
0xac: {  	[dreg:$0x1] =	wrdreg $0xFFFFFFFF  }
0xad: {  	[dreg:$0x0] =	wrdreg $0x60  }
0xae: {  	[dreg:$0x2] =	wrdreg s24  }
0xaf: {  	[dreg:$0x3] =	wrdreg $0xA5000  }
0xb0: {  	[dreg:$0x4] =	wrdreg $0x9  }
0xb1: {  	_ =	task.clear_ibuf [dreg:s6], $0x5FFFF;
	_ =	strace $0x9000004C  }
0xb2: {  	s29 =	simm.s32 $0x9;
	_ =	strace $0x8000004E  }
0xb3: {  	_ =	swait.ge [sflag:s29], $0x1  }
0xb4: {  	[sflag:s29] =	ssyncadd.s32 $0xFFFFFFFF  }
0xb5: {  	_ =	strace $0x9000004E  }
0xb6: {  	_ =	sfence  }
0xb7: {  	s30 =	sld [smem:$0x0];
	_ =	sdelay $0x2  }
0xb8: {  	s31 =	sshll.u32 s1, $0xD;
	s1 =	sshrl.u32 s1, $0x2  }
0xb9: {  	s3 =	sand.u32 $0x4000, s31;
	s1 =	sadd.s32 s1, s30  }
0xba: {  	s0 =	sor.u32 s3, s0;
	s1 =	sshll.u32 s1, $0x11  }
0xbb: {  	s0 =	sor.u32 s1, s0  }
0xbc: {  	s0 =	sadd.s32 $0x8F2B, s0  }
0xbd: {  	[sflag:s0] =	ssyncadd.remote.s32 $0x1  }
0xbe: {  	_ =	sfence.sel $0xFFFF  }
0xbf: {  	[dreg:$0x0] =	wrdreg $0xFFFFFFFF;
	(pc) =	sbr.abs _section_cstart, $3  }
0xc0: {  	[dreg:$0x1] =	wrdreg $0xFFFFFFFF  }
0xc1: {  	_ =	task.clear_ibuf [dreg:s6], $0x2FFFF;
	_ =	strace $0x9FFFFFFF  }
0xc2: {  	(tm) =	ssettm $0x7FFFFFFF  }
0xc3: {  	_ =	shalt  }
tec
execute0_lowered:
.L_overlay_start_1:
0x0: {  	(tag) =	ssettag $0x1  }
0x1: {  	s21 =	stileid.u32  }
0x2: {  	s0 =	srdreg.scid;
	s10 =	smul.u32 $0x500, s21  }
0x3: {  	s0 =	sand.u32 $0x1, s0;
	s25 =	smul.u32 $0x1F40, s21  }
0x4: {  	s8 =	sor.u32 $0x10, s21;
	s5 =	smul.u32 $0x27100, s0  }
0x5: {  	s9 =	smul.u32 $0xA000, s8  }
0x6: {  	s11 =	sor.u32 $0x20, s21;
	s8 =	smul.u32 $0x500, s8  }
0x7: {  	s6 =	rddreg [dreg:$0x0];
	s13 =	sor.u32 $0x30, s21;
	s14 =	smul.u32 $0x500, s11  }
0x8: {  	s3 =	rddreg [dreg:$0x1];
	s16 =	sor.u32 $0x40, s21;
	s17 =	smul.u32 $0x500, s13  }
0x9: {  	s1 =	sshll.u32 s21, $0x1;
	s23 =	sor.u32 $0x60, s21;
	s20 =	smul.u32 $0x500, s16  }
0xa: {  	s1 =	sor.u32 s0, s1;
	s15 =	ssub.s32 $0x2, s0;
	s0 =	smul.u32 $0xFA0, s0  }
0xb: {  	s4 =	simm.s32 $0x0;
	s30 =	simm.s32 $0x500;
	s26 =	smul.u32 $0x500, s23  }
0xc: {  	s31 =	simm.s32 $0xB;
	[smem:$0x7FF] =	sst s4;
	s11 =	smul.u32 $0xA000, s11  }
0xd: {  	s12 =	sadd.s32 $0x7200, s6;
	s19 =	sor.u32 $0x50, s21;
	s2 =	smul.u32 $0x7D, s1  }
0xe: {  	s24 =	sor.u32 $0x70, s21;
	_ =	strace $0x8000004D;
	s7 =	smul.u32 $0xFA0, s1  }
0xf: {  	p0 =	sgt.u32 s24, $0x7C;
	s1 =	smul.u32 $0x7D00, s1;
	s18 =	sshrl.u32 s15, $0x1  }
0x10: {  	s5 =	sadd.s32 s5, s6;
	s15 =	ssub.s32 s15, s18;
	s18 =	smul.u32 $0x500, s19  }
0x11: {  	s7 =	sadd.s32 s12, s7;
	s1 =	sshrl.u32 s1, $0x3;
	s5 =	sadd.s32 $0x4D800, s5  }
0x12: {  	[dreg:$0x3] =	wrdreg s7;
	s1 =	sadd.s32 s12, s1;
	s7 =	sadd.s32 s25, s12  }
0x13: {  	s10 =	sadd.s32 s10, s5;
	s8 =	sadd.s32 s8, s5;
	s14 =	sadd.s32 s14, s5  }
0x14: {  	s17 =	sadd.s32 s17, s5;
	s22 =	sadd.s32 s20, s5;
	[dreg:$0x4] =	wrdreg s10  }
0x15: {  	s25 =	sadd.s32 s18, s5;
	s26 =	sadd.s32 s26, s5;
	[dreg:$0x5] =	wrdreg s8  }
0x16: {  	s18 =	sadd.s32 $0x7280, s6;
	s12 =	smul.u32 $0xA000, s13;
	[dreg:$0x6] =	wrdreg s14  }
0x17: {  	s0 =	sadd.s32 s0, s7;
	s7 =	smul.u32 $0x500, s24;
	[dreg:$0x7] =	wrdreg s17  }
0x18: {  	s13 =	smax.u32 s15, $0x1;
	[dreg:$0x8] =	wrdreg s22;
	s10 =	smul.u32 $0xA000, s21  }
0x19: {  	s15 =	sshrl.u32 s9, $0x2;
	[dreg:$0x9] =	wrdreg s25;
	s14 =	smul.u32 $0xA000, s16  }
0x1a: {  	s9 =	simm.s32 $0x5500;
	[dreg:$0xa] =	wrdreg s26;
	s16 =	smul.u32 $0xA000, s19  }
0x1b: {  	s8 =	sadd.s32 $0x40, s1;
	s17 =	sadd.s32 $0x26600, s6;
	s22 =	smul.u32 $0xA000, s23  }
0x1c: {  	[dreg:$0xf] =	wrdreg s13;
	s19 =	sadd.s32 s15, s3;
	s23 =	smul.u32 $0xA000, s24  }
0x1d: {  	s13 =	simm.s32 $0x7;
	s15 =	simm.s32 $0xC;
	[dreg:$0xd] =	wrdreg s8  }
0x1e: {  	s6 =	sshrl.u32 s12, $0x2;
	s0 =	sadd.s32 $0xE0, s0;
	s8 =	simm.s32 $0x3  }
0x1f: {  	s12 =	simm.s32 $0x9;
	s5 =	sadd.s32 @!p0 s7, s5;
	s7 =	sadd.s32 $0x20, s1  }
0x20: {  	s1 =	sadd.s32 $0x60, s1;
	s29 =	sadd.s32 s6, s3;
	[dreg:$0x12] =	wrdreg s0  }
0x21: {  	s24 =	sshrl.u32 s16, $0x2;
	s25 =	sshrl.u32 s23, $0x2;
	[dreg:$0xb] =	wrdreg s5  }
0x22: {  	s0 =	simm.s32 $0x200;
	s6 =	simm.s32 $0x50;
	[dreg:$0xc] =	wrdreg s7  }
0x23: {  	s16 =	simm.s32 $0x0;
	[dreg:$0xe] =	wrdreg s1;
	s5 =	sshrl.u32 s10, $0x2  }
.Ltmp0:
0x24: {  	s1 =	sshrl.u32 s11, $0x2;
	s28 =	sadd.s32 s25, s3;
	(pc) =	sbr.rel .LBB2_1-.Ltmp0, $4  }
0x25: {  	s10 =	simm.s32 $0x5;
	s20 =	sadd.s32 s5, s3;
	s5 =	sshrl.u32 s14, $0x2  }
0x26: {  	s11 =	simm.s32 $0x400;
	s21 =	sadd.s32 s1, s3;
	s5 =	sadd.s32 s5, s3  }
0x27: {  	s1 =	sshrl.u32 s22, $0x2;
	[dreg:$0x10] =	wrdreg s5;
	s5 =	sadd.s32 s24, s3  }
0x28: {  	v0 =	vimm.f32 $0.0e+00;
	s26 =	sadd.s32 s1, s3;
	[dreg:$0x11] =	wrdreg s5;
	s5 =	simm.s32 $0x1  }
.LBB2_13:
0x29: {  	s1 =	simm.s32 $0xA  }
0x2a: {  	_ =	swait.ge [sflag:s1], $0x2800  }
0x2b: {  	[sflag:s1] =	ssyncset.done $0x0  }
0x2c: {  	[sflag:s1] =	ssyncadd.s32 $0xFFFFD800  }
0x2d: {  	_ =	swait.ge [sflag:s12], $0x2800  }
0x2e: {  	[sflag:s12] =	ssyncset.done $0x0  }
0x2f: {  	[sflag:s12] =	ssyncadd.s32 $0xFFFFD800  }
0x30: {  	[bflag:$0x0] =	sbarrier.arrive $0xFFFF  }
0x31: {  	[tilespmem:s30], [sflag:$0xC] =	stream.linear.gather [spmem:s22], $0x2800, $0x38;
	[tilespmem:$0x1DD80] =	vst v63  }
0x32: {  	_ =	swait.ge [sflag:s15], $0x2800  }
0x33: {  	[sflag:s15] =	ssyncset.done $0x0  }
0x34: {  	s20 =	smov.u32 s22;
	s22 =	rddreg [dreg:$0x4];
	[sflag:s15] =	ssyncadd.s32 $0xFFFFD800  }
0x35: {  	[hbm4b:s22+s4] =	stream.linear.scatter [tilespmem:s30], [sflag:$0xB], $0x2800, $0x38;
	[tilespmem:$0x1DD80] =	vst v63  }
0x36: {  	_ =	swait.ge [sflag:s31], $0x2800  }
0x37: {  	[sflag:s31] =	ssyncset.done $0x0  }
0x38: {  	[sflag:s31] =	ssyncadd.s32 $0xFFFFD800  }
0x39: {  	[tilespmem:s30], [sflag:$0xC] =	stream.linear.gather [spmem:s23], $0x2800, $0x38;
	[tilespmem:$0x1DD80] =	vst v63  }
0x3a: {  	_ =	swait.ge [sflag:s15], $0x2800  }
0x3b: {  	[sflag:s15] =	ssyncset.done $0x0  }
0x3c: {  	s19 =	smov.u32 s23;
	s23 =	rddreg [dreg:$0x5];
	[sflag:s15] =	ssyncadd.s32 $0xFFFFD800  }
0x3d: {  	[hbm4b:s23+s4] =	stream.linear.scatter [tilespmem:s30], [sflag:$0xB], $0x2800, $0x38;
	[tilespmem:$0x1DD80] =	vst v63  }
0x3e: {  	_ =	swait.ge [sflag:s31], $0x2800  }
0x3f: {  	[sflag:s31] =	ssyncset.done $0x0  }
0x40: {  	[sflag:s31] =	ssyncadd.s32 $0xFFFFD800  }
0x41: {  	[tilespmem:s30], [sflag:$0xC] =	stream.linear.gather [spmem:s24], $0x2800, $0x38;
	[tilespmem:$0x1DD80] =	vst v63  }
0x42: {  	_ =	swait.ge [sflag:s15], $0x2800  }
0x43: {  	[sflag:s15] =	ssyncset.done $0x0  }
0x44: {  	s21 =	smov.u32 s24;
	s24 =	rddreg [dreg:$0x6];
	[sflag:s15] =	ssyncadd.s32 $0xFFFFD800  }
0x45: {  	[hbm4b:s24+s4] =	stream.linear.scatter [tilespmem:s30], [sflag:$0xB], $0x2800, $0x38;
	[tilespmem:$0x1DD80] =	vst v63  }
0x46: {  	_ =	swait.ge [sflag:s31], $0x2800  }
0x47: {  	[sflag:s31] =	ssyncset.done $0x0  }
0x48: {  	[sflag:s31] =	ssyncadd.s32 $0xFFFFD800  }
0x49: {  	[tilespmem:s30], [sflag:$0xC] =	stream.linear.gather [spmem:s25], $0x2800, $0x38;
	[tilespmem:$0x1DD80] =	vst v63  }
0x4a: {  	_ =	swait.ge [sflag:s15], $0x2800  }
0x4b: {  	[sflag:s15] =	ssyncset.done $0x0  }
0x4c: {  	s29 =	smov.u32 s25;
	s25 =	rddreg [dreg:$0x7];
	[sflag:s15] =	ssyncadd.s32 $0xFFFFD800  }
0x4d: {  	[hbm4b:s25+s4] =	stream.linear.scatter [tilespmem:s30], [sflag:$0xB], $0x2800, $0x38;
	[tilespmem:$0x1DD80] =	vst v63  }
0x4e: {  	_ =	swait.ge [sflag:s31], $0x2800  }
0x4f: {  	[sflag:s31] =	ssyncset.done $0x0  }
0x50: {  	s7 =	rddreg [dreg:$0x10];
	[sflag:s31] =	ssyncadd.s32 $0xFFFFD800  }
0x51: {  	[tilespmem:s30], [sflag:$0xC] =	stream.linear.gather [spmem:s7], $0x2800, $0x38;
	[tilespmem:$0x1DD80] =	vst v63  }
0x52: {  	_ =	swait.ge [sflag:s15], $0x2800  }
0x53: {  	[sflag:s15] =	ssyncset.done $0x0  }
0x54: {  	s14 =	rddreg [dreg:$0x8];
	[sflag:s15] =	ssyncadd.s32 $0xFFFFD800  }
0x55: {  	[hbm4b:s14+s4] =	stream.linear.scatter [tilespmem:s30], [sflag:$0xB], $0x2800, $0x38;
	[tilespmem:$0x1DD80] =	vst v63  }
0x56: {  	_ =	swait.ge [sflag:s31], $0x2800  }
0x57: {  	[sflag:s31] =	ssyncset.done $0x0  }
0x58: {  	s22 =	rddreg [dreg:$0x11];
	[sflag:s31] =	ssyncadd.s32 $0xFFFFD800  }
0x59: {  	[tilespmem:s30], [sflag:$0xC] =	stream.linear.gather [spmem:s22], $0x2800, $0x38;
	[tilespmem:$0x1DD80] =	vst v63  }
0x5a: {  	_ =	swait.ge [sflag:s15], $0x2800  }
0x5b: {  	[sflag:s15] =	ssyncset.done $0x0  }
0x5c: {  	s23 =	rddreg [dreg:$0x9];
	[sflag:s15] =	ssyncadd.s32 $0xFFFFD800  }
0x5d: {  	[hbm4b:s23+s4] =	stream.linear.scatter [tilespmem:s30], [sflag:$0xB], $0x2800, $0x38;
	[tilespmem:$0x1DD80] =	vst v63  }
0x5e: {  	_ =	swait.ge [sflag:s31], $0x2800  }
0x5f: {  	[sflag:s31] =	ssyncset.done $0x0  }
0x60: {  	[sflag:s31] =	ssyncadd.s32 $0xFFFFD800  }
0x61: {  	[tilespmem:s30], [sflag:$0xC] =	stream.linear.gather [spmem:s26], $0x2800, $0x38;
	[tilespmem:$0x1DD80] =	vst v63  }
0x62: {  	_ =	swait.ge [sflag:s15], $0x2800  }
0x63: {  	[sflag:s15] =	ssyncset.done $0x0  }
0x64: {  	s24 =	rddreg [dreg:$0xa];
	[sflag:s15] =	ssyncadd.s32 $0xFFFFD800  }
0x65: {  	[hbm4b:s24+s4] =	stream.linear.scatter [tilespmem:s30], [sflag:$0xB], $0x2800, $0x38;
	[tilespmem:$0x1DD80] =	vst v63  }
0x66: {  	_ =	swait.ge [sflag:s31], $0x2800  }
0x67: {  	[sflag:s31] =	ssyncset.done $0x0  }
0x68: {  	s1 =	simm.s32 @!p0 $0x500;
	s7 =	simm.s32 @!p0 $0xC;
	[sflag:s31] =	ssyncadd.s32 $0xFFFFD800  }
0x69: {  	[tilespmem:s1], [sflag:$0xC] =	stream.linear.gather @!p0 [spmem:s28], $0x2800, $0x38;
	[tilespmem:$0x1DD80] =	vst v63  }
0x6a: {  	_ =	swait.ge @!p0 [sflag:s7], $0x2800  }
0x6b: {  	[sflag:s7] =	ssyncset.done @!p0 $0x0  }
0x6c: {  	s14 =	rddreg [dreg:$0xb];
	[sflag:s7] =	ssyncadd.s32 @!p0 $0xFFFFD800;
	s7 =	simm.s32 @!p0 $0x0  }
0x6d: {  	[hbm4b:s14+s7] =	stream.linear.scatter @!p0 [tilespmem:s1], [sflag:$0xB], $0x2800, $0x38;
	[tilespmem:$0x1DD80] =	vst v63  }
0x6e: {  	s1 =	simm.s32 @!p0 $0xB  }
0x6f: {  	_ =	swait.ge @!p0 [sflag:s1], $0x2800  }
0x70: {  	s16 =	sadd.s32 $0x1, s16;
	s25 =	rddreg [dreg:$0xf]  }
0x71: {  	p1 =	sne.s32 s16, s25  }
.Ltmp1:
0x72: {  	_ = 	snop;
	(pc) =	sbr.rel @!p1 .LBB2_14-.Ltmp1, $3  }
0x73: {  	_ =	sdelay $0x1  }
0x74: {  	[sflag:s1] =	ssyncset.done @!p0 $0x0  }
0x75: {  	[sflag:s1] =	ssyncadd.s32 @!p0 $0xFFFFD800  }
.LBB2_1:
0x76: {  	s1 =	simm.s32 $0x70;
	s7 =	simm.s32 $0x3C0  }
.LBB2_2:
0x77: {  	p1 =	sne.s32 s7, $0x9FC0;
	[tilespmem:s1+$0x500] =	vst v0  }
0x78: {  	[tilespmem:s1+$0x490] =	vst v0  }
0x79: {  	[tilespmem:s1+$0x4A0] =	vst v0  }
.Ltmp2:
0x7a: {  	[tilespmem:s1+$0x4B0] =	vst v0;
	(pc) =	sbr.rel @p1 .LBB2_2-.Ltmp2, $4  }
0x7b: {  	[tilespmem:s1+$0x4C0] =	vst v0  }
0x7c: {  	[tilespmem:s1+$0x4D0] =	vst v0  }
0x7d: {  	[tilespmem:s1+$0x4E0] =	vst v0  }
0x7e: {  	[tilespmem:s1+$0x4F0] =	vst v0;
	s1 =	sshra.s32 s7, $0x2;
	s7 =	sadd.s32 $0x200, s7  }
0x7f: {  	[tilespmem:s1+$0x500] =	vst v0  }
0x80: {  	[tilespmem:s1+$0x490] =	vst v0  }
0x81: {  	[tilespmem:s1+$0x4A0] =	vst v0  }
0x82: {  	[tilespmem:s1+$0x4B0] =	vst v0  }
0x83: {  	[tilespmem:s1+$0x4C0] =	vst v0  }
0x84: {  	[tilespmem:s1+$0x4D0] =	vst v0  }
0x85: {  	[tilespmem:s1+$0x4E0] =	vst v0  }
0x86: {  	[tilespmem:s1+$0x4F0] =	vst v0  }
0x87: {  	[spmem:s20] =	stream.linear.scatter [tilespmem:s30], [sflag:$0xB], $0x2800, $0x38;
	[tilespmem:$0x1DD80] =	vst v63  }
0x88: {  	_ =	swait.ge [sflag:s31], $0x2800  }
0x89: {  	[sflag:s31] =	ssyncset.done $0x0  }
0x8a: {  	[sflag:s31] =	ssyncadd.s32 $0xFFFFD800  }
0x8b: {  	[spmem:s19] =	stream.linear.scatter [tilespmem:s30], [sflag:$0xB], $0x2800, $0x38;
	[tilespmem:$0x1DD80] =	vst v63  }
0x8c: {  	_ =	swait.ge [sflag:s31], $0x2800  }
0x8d: {  	[sflag:s31] =	ssyncset.done $0x0  }
0x8e: {  	[sflag:s31] =	ssyncadd.s32 $0xFFFFD800  }
0x8f: {  	[spmem:s21] =	stream.linear.scatter [tilespmem:s30], [sflag:$0xB], $0x2800, $0x38;
	[tilespmem:$0x1DD80] =	vst v63  }
0x90: {  	_ =	swait.ge [sflag:s31], $0x2800  }
0x91: {  	[sflag:s31] =	ssyncset.done $0x0  }
0x92: {  	[sflag:s31] =	ssyncadd.s32 $0xFFFFD800  }
0x93: {  	[spmem:s29] =	stream.linear.scatter [tilespmem:s30], [sflag:$0xB], $0x2800, $0x38;
	[tilespmem:$0x1DD80] =	vst v63  }
0x94: {  	_ =	swait.ge [sflag:s31], $0x2800  }
0x95: {  	[sflag:s31] =	ssyncset.done $0x0  }
0x96: {  	s22 =	smov.u32 s20;
	s20 =	rddreg [dreg:$0x10];
	[sflag:s31] =	ssyncadd.s32 $0xFFFFD800  }
0x97: {  	[spmem:s20] =	stream.linear.scatter [tilespmem:s30], [sflag:$0xB], $0x2800, $0x38;
	[tilespmem:$0x1DD80] =	vst v63  }
0x98: {  	_ =	swait.ge [sflag:s31], $0x2800  }
0x99: {  	[sflag:s31] =	ssyncset.done $0x0  }
0x9a: {  	s24 =	smov.u32 s21;
	s21 =	rddreg [dreg:$0x11];
	[sflag:s31] =	ssyncadd.s32 $0xFFFFD800  }
0x9b: {  	[spmem:s21] =	stream.linear.scatter [tilespmem:s30], [sflag:$0xB], $0x2800, $0x38;
	[tilespmem:$0x1DD80] =	vst v63  }
0x9c: {  	_ =	swait.ge [sflag:s31], $0x2800  }
0x9d: {  	[sflag:s31] =	ssyncset.done $0x0  }
0x9e: {  	[sflag:s31] =	ssyncadd.s32 $0xFFFFD800  }
0x9f: {  	[spmem:s26] =	stream.linear.scatter [tilespmem:s30], [sflag:$0xB], $0x2800, $0x38;
	[tilespmem:$0x1DD80] =	vst v63  }
0xa0: {  	_ =	swait.ge [sflag:s31], $0x2800  }
0xa1: {  	[sflag:s31] =	ssyncset.done $0x0  }
0xa2: {  	s1 =	simm.s32 @!p0 $0x500;
	[sflag:s31] =	ssyncadd.s32 $0xFFFFD800  }
0xa3: {  	[spmem:s28] =	stream.linear.scatter @!p0 [tilespmem:s1], [sflag:$0xB], $0x2800, $0x38;
	[tilespmem:$0x1DD80] =	vst v63  }
0xa4: {  	s1 =	simm.s32 @!p0 $0xB  }
0xa5: {  	_ =	swait.ge @!p0 [sflag:s1], $0x2800  }
0xa6: {  	[sflag:s1] =	ssyncset.done @!p0 $0x0  }
0xa7: {  	[sflag:s1] =	ssyncadd.s32 @!p0 $0xFFFFD800  }
0xa8: {  	[bflag:$0x0] =	sbarrier.arrive $0xFFFF  }
0xa9: {  	s23 =	smov.u32 s19;
	s19 =	simm.s32 $0x0;
	s7 =	rddreg [dreg:$0x3]  }
0xaa: {  	[tilespmem:s19], [sflag:$0x1] =	stream.linear.gather [hbm4b:s7+s19], $0x100, $0x38;
	[tilespmem:$0x1DD80] =	vst v63  }
0xab: {  	s14 =	rddreg [dreg:$0xc];
	s7 =	simm.s32 $0x100  }
0xac: {  	[tilespmem:s7], [sflag:$0x2] =	stream.linear.gather [hbm4b:s14+s19], $0x100, $0x38;
	[tilespmem:$0x1DD80] =	vst v63  }
0xad: {  	s20 =	rddreg [dreg:$0xd]  }
0xae: {  	[tilespmem:s0], [sflag:$0x3] =	stream.linear.gather [hbm4b:s20+s19], $0x100, $0x38;
	[tilespmem:$0x1DD80] =	vst v63  }
0xaf: {  	s21 =	rddreg [dreg:$0xe];
	s14 =	simm.s32 $0x300  }
0xb0: {  	[tilespmem:s14], [sflag:$0x4] =	stream.linear.gather [hbm4b:s21+s19], $0x100, $0x38;
	[tilespmem:$0x1DD80] =	vst v63  }
0xb1: {  	_ =	swait.ge [sflag:s5], $0x100  }
0xb2: {  	[sflag:s5] =	ssyncset.done $0x0  }
0xb3: {  	[sflag:s5] =	ssyncadd.s32 $0xFFFFFF00  }
0xb4: {  	[tilespmem:s30], [sflag:$0x5] =	stream.indirect.gather [hbm4b:s17+s6], $0x80, s19, s6, $0xb8;
	[tilespmem:$0x1DD80] =	vst v63  }
.Ltmp3:
0xb5: {  	s20 =	simm.s32 $0x2;
	(pc) =	sbr.rel .LBB2_4-.Ltmp3, $4  }
0xb6: {  	_ =	swait.ge [sflag:s20], $0x100  }
0xb7: {  	s25 =	smov.u32 s29;
	s1 =	simm.s32 $0x3;
	[sflag:s20] =	ssyncset.done $0x0  }
0xb8: {  	s21 =	simm.s32 $0x2D00;
	s29 =	rddreg [dreg:$0x12];
	[sflag:s20] =	ssyncadd.s32 $0xFFFFFF00  }
0xb9: {  	[tilespmem:s21], [sflag:$0x6] =	stream.indirect.gather [hbm4b:s17+s6], $0x80, s7, s6, $0xb8;
	[tilespmem:$0x1DD80] =	vst v63  }
.LBB2_11:
0xba: {  	_ =	swait.ge [sflag:s13], $0x2800  }
0xbb: {  	[sflag:s13] =	ssyncset.done $0x0  }
0xbc: {  	[sflag:s13] =	ssyncadd.s32 $0xFFFFD800  }
0xbd: {  	v1 =	vld [tilespmem:$0x280]  }
0xbe: {  	v2 =	vld [tilespmem:$0x290]  }
0xbf: {  	v3 =	vld [tilespmem:$0x2A0]  }
0xc0: {  	v4 =	vld [tilespmem:$0x2B0]  }
0xc1: {  	v5 =	vld [tilespmem:$0x2C0]  }
0xc2: {  	[tilespmem:$0x400] =	vst v1  }
0xc3: {  	[tilespmem:$0x410] =	vst v2  }
0xc4: {  	p1 =	sgt.u32 s19, $0x1D;
	[tilespmem:$0x420] =	vst v3  }
0xc5: {  	s7 =	sadd.s32 @!p1 s2, s7;
	[tilespmem:$0x430] =	vst v4  }
0xc6: {  	s7 =	sshll.u32 @!p1 s7, $0x5;
	[tilespmem:$0x440] =	vst v5  }
0xc7: {  	[spmem:s3] =	stream.indirect.scatter.add.f32 [tilespmem:s9], [sflag:$0x9], $0x80, s11, s6, $0xb8;
	[tilespmem:$0x1DD80] =	vst v63  }
0xc8: {  	s14 =	simm.s32 @!p1 $0x0;
	s20 =	simm.s32 @!p1 $0x200;
	s7 =	sadd.s32 @!p1 s7, s18  }
0xc9: {  	[tilespmem:s20], [sflag:$0x3] =	stream.linear.gather @!p1 [hbm4b:s7+s14], $0x100, $0x38;
	[tilespmem:$0x1DD80] =	vst v63  }
.LBB2_12:
0xca: {  	p1 =	sgt.u32 s1, $0x7C  }
0xcb: {  	s7 =	simm.s32 @!p1 $0xA  }
0xcc: {  	p2 =	sgt.u32 @!p1 s19, $0x1D;
	_ =	swait.ge @!p1 [sflag:s7], $0x2800  }
0xcd: {  	p2 =	por p2, p1;
	[sflag:s7] =	ssyncset.done @!p1 $0x0  }
0xce: {  	[sflag:s7] =	ssyncadd.s32 @!p1 $0xFFFFD800;
	s7 =	simm.s32 @!p2 $0x2  }
0xcf: {  	_ =	swait.ge @!p2 [sflag:s7], $0x100  }
0xd0: {  	s14 =	simm.s32 @!p2 $0x100;
	[sflag:s7] =	ssyncset.done @!p2 $0x0  }
0xd1: {  	s20 =	simm.s32 @!p2 $0x2D00;
	[sflag:s7] =	ssyncadd.s32 @!p2 $0xFFFFFF00;
	s7 =	simm.s32 @!p2 $0x50  }
0xd2: {  	[tilespmem:s20], [sflag:$0x6] =	stream.indirect.gather @!p2 [hbm4b:s17+s7], $0x80, s14, s7, $0xb8;
	[tilespmem:$0x1DD80] =	vst v63  }
0xd3: {  	s7 =	simm.s32 @!p1 $0x8  }
0xd4: {  	_ =	swait.ge @!p1 [sflag:s7], $0x2800  }
0xd5: {  	[sflag:s7] =	ssyncset.done @!p1 $0x0  }
0xd6: {  	[sflag:s7] =	ssyncadd.s32 @!p1 $0xFFFFD800  }
0xd7: {  	v1 =	vld @!p1 [tilespmem:$0x380]  }
0xd8: {  	v2 =	vld @!p1 [tilespmem:$0x390]  }
0xd9: {  	v3 =	vld @!p1 [tilespmem:$0x3A0]  }
0xda: {  	v4 =	vld @!p1 [tilespmem:$0x3B0]  }
0xdb: {  	v5 =	vld @!p1 [tilespmem:$0x3C0]  }
0xdc: {  	[tilespmem:$0x480] =	vst @!p1 v1  }
0xdd: {  	[tilespmem:$0x490] =	vst @!p1 v2  }
0xde: {  	[tilespmem:$0x4A0] =	vst @!p1 v3  }
0xdf: {  	s1 =	sadd.s32 $0x4, s1;
	[tilespmem:$0x4B0] =	vst @!p1 v4  }
0xe0: {  	s14 =	simm.s32 @!p1 $0x480;
	s20 =	simm.s32 @!p1 $0x7D00;
	s7 =	simm.s32 @!p1 $0x50;
	[tilespmem:$0x4C0] =	vst @!p1 v5  }
0xe1: {  	[spmem:s3] =	stream.indirect.scatter.add.f32 @!p1 [tilespmem:s20], [sflag:$0xA], $0x80, s14, s7, $0xb8;
	[tilespmem:$0x1DD80] =	vst v63  }
0xe2: {  	p1 =	sne.s32 s1, $0x83  }
.Ltmp4:
0xe3: {  	_ = 	snop;
	(pc) =	sbr.rel @!p1 .LBB2_13-.Ltmp4, $4  }
0xe4: {  	_ = 	snop  }
0xe5: {  	s7 =	simm.s32 @!p2 $0x0;
	s14 =	simm.s32 @!p2 $0x300  }
0xe6: {  	[tilespmem:s14], [sflag:$0x4] =	stream.linear.gather @!p2 [hbm4b:s29+s7], $0x100, $0x38;
	[tilespmem:$0x1DD80] =	vst v63  }
0xe7: {  	s19 =	sadd.s32 $0x1, s19;
	s29 =	sadd.s32 $0x80, s29  }
.LBB2_4:
0xe8: {  	p2 =	seq.s32 s1, $0x3  }
0xe9: {  	s7 =	sadd.s32 @!p2 $0xFFFFFFFF, s1  }
0xea: {  	p1 =	sgt.u32 @!p2 s7, $0x7C  }
0xeb: {  	p3 =	por p2, !p1  }
.Ltmp5:
0xec: {  	_ = 	snop;
	(pc) =	sbr.rel @!p3 .LBB2_6-.Ltmp5, $4  }
0xed: {  	s14 =	simm.s32 @!p2 $0x9  }
0xee: {  	_ =	swait.ge @!p2 [sflag:s14], $0x2800  }
0xef: {  	[sflag:s14] =	ssyncset.done @!p2 $0x0  }
0xf0: {  	p1 =	por @!p2 $0x0, $0x0;
	[sflag:s14] =	ssyncadd.s32 @!p2 $0xFFFFD800  }
0xf1: {  	_ =	swait.ge [sflag:s8], $0x100  }
0xf2: {  	[sflag:s8] =	ssyncset.done $0x0  }
0xf3: {  	s7 =	simm.s32 @p2 $0x2;
	p1 =	por $0x1, $0x1;
	[sflag:s8] =	ssyncadd.s32 $0xFFFFFF00  }
0xf4: {  	[tilespmem:s9], [sflag:$0x7] =	stream.indirect.gather [hbm4b:s17+s6], $0x80, s0, s6, $0xb8;
	[tilespmem:$0x1DD80] =	vst v63  }
.LBB2_6:
0xf5: {  	_ =	swait.ge [sflag:s10], $0x2800  }
0xf6: {  	[sflag:s10] =	ssyncset.done $0x0  }
0xf7: {  	[sflag:s10] =	ssyncadd.s32 $0xFFFFD800  }
0xf8: {  	v1 =	vld [tilespmem:$0x80]  }
0xf9: {  	v2 =	vld [tilespmem:$0x90]  }
0xfa: {  	v3 =	vld [tilespmem:$0xA0]  }
0xfb: {  	v4 =	vld [tilespmem:$0xB0]  }
0xfc: {  	v5 =	vld [tilespmem:$0xC0]  }
0xfd: {  	p2 =	seq.s32 s1, $0x7F;
	[tilespmem:$0x400] =	vst v1  }
.Ltmp6:
0xfe: {  	[tilespmem:$0x410] =	vst v2;
	(pc) =	sbr.rel @!p2 .LBB2_7-.Ltmp6, $4  }
0xff: {  	[tilespmem:$0x420] =	vst v3  }
0x100: {  	[tilespmem:$0x430] =	vst v4  }
0x101: {  	[tilespmem:$0x440] =	vst v5  }
0x102: {  	[spmem:s3] =	stream.indirect.scatter.add.f32 [tilespmem:s30], [sflag:$0x9], $0x80, s11, s6, $0xb8;
	[tilespmem:$0x1DD80] =	vst v63  }
.Ltmp7:
0x103: {  	(pc) =	sbr.rel @!p1 .LBB2_13-.Ltmp7, $1  }
0x104: {  	_ =	sdelay $0x3  }
.Ltmp8:
0x105: {  	(pc) =	sbr.rel .LBB2_11-.Ltmp8, $4  }
0x106: {  	_ = 	snop  }
0x107: {  	_ =	swait.ge [sflag:s12], $0x2800  }
0x108: {  	[sflag:s12] =	ssyncset.done $0x0  }
0x109: {  	[sflag:s12] =	ssyncadd.s32 $0xFFFFD800  }
.LBB2_7:
0x10a: {  	s14 =	sadd.s32 $0xFFFFFFA0, s29;
	s21 =	sadd.s32 $0xFFFFFFFE, s1  }
0x10b: {  	[tilespmem:s4], [sflag:$0x1] =	stream.linear.gather [hbm4b:s14+s4], $0x100, $0x38;
	[tilespmem:$0x1DD80] =	vst v63  }
0x10c: {  	p2 =	sgt.u32 s21, $0x7C  }
0x10d: {  	p3 =	seq.s32 @!p2 s1, $0x3  }
0x10e: {  	p3 =	por p3, p2  }
0x10f: {  	s14 =	simm.s32 @!p3 $0xA  }
0x110: {  	_ =	swait.ge @!p3 [sflag:s14], $0x2800  }
0x111: {  	[sflag:s14] =	ssyncset.done @!p3 $0x0  }
0x112: {  	[sflag:s14] =	ssyncadd.s32 @!p3 $0xFFFFD800;
	s14 =	simm.s32 @!p2 $0x4  }
0x113: {  	_ =	swait.ge @!p2 [sflag:s14], $0x100  }
0x114: {  	s20 =	simm.s32 @!p2 $0x300;
	[sflag:s14] =	ssyncset.done @!p2 $0x0  }
0x115: {  	s21 =	simm.s32 @!p2 $0x7D00;
	[sflag:s14] =	ssyncadd.s32 @!p2 $0xFFFFFF00;
	s14 =	simm.s32 @!p2 $0x50  }
0x116: {  	[tilespmem:s21], [sflag:$0x8] =	stream.indirect.gather @!p2 [hbm4b:s17+s14], $0x80, s20, s14, $0xb8;
	[tilespmem:$0x1DD80] =	vst v63  }
0x117: {  	s20 =	simm.s32 @!p2 $0x6  }
0x118: {  	_ =	swait.ge @!p2 [sflag:s20], $0x2800  }
0x119: {  	[sflag:s20] =	ssyncset.done @!p2 $0x0  }
0x11a: {  	[sflag:s20] =	ssyncadd.s32 @!p2 $0xFFFFD800  }
0x11b: {  	v1 =	vld @!p2 [tilespmem:$0x180]  }
0x11c: {  	v2 =	vld @!p2 [tilespmem:$0x190]  }
0x11d: {  	v3 =	vld @!p2 [tilespmem:$0x1A0]  }
0x11e: {  	v4 =	vld @!p2 [tilespmem:$0x1B0]  }
0x11f: {  	v5 =	vld @!p2 [tilespmem:$0x1C0]  }
0x120: {  	[tilespmem:$0x480] =	vst @!p2 v1  }
0x121: {  	[tilespmem:$0x490] =	vst @!p2 v2  }
0x122: {  	[tilespmem:$0x4A0] =	vst @!p2 v3  }
0x123: {  	p3 =	sgt.u32 @!p2 s19, $0x1D;
	[tilespmem:$0x4B0] =	vst @!p2 v4  }
.Ltmp9:
0x124: {  	s21 =	simm.s32 @!p2 $0x2D00;
	s20 =	simm.s32 @!p2 $0x480;
	[tilespmem:$0x4C0] =	vst @!p2 v5;
	(pc) =	sbr.rel @!p1 .LBB2_12-.Ltmp9, $4  }
0x125: {  	[spmem:s3] =	stream.indirect.scatter.add.f32 @!p2 [tilespmem:s21], [sflag:$0xA], $0x80, s20, s14, $0xb8;
	[tilespmem:$0x1DD80] =	vst v63  }
0x126: {  	p2 =	por p3, p2  }
0x127: {  	s14 =	sadd.s32 @!p2 $0xFFFFFFC0, s29;
	s20 =	simm.s32 @!p2 $0x0;
	s21 =	simm.s32 @!p2 $0x100  }
0x128: {  	[tilespmem:s21], [sflag:$0x2] =	stream.linear.gather @!p2 [hbm4b:s14+s20], $0x100, $0x38;
	[tilespmem:$0x1DD80] =	vst v63  }
0x129: {  	_ =	swait.ge [sflag:s12], $0x2800  }
0x12a: {  	[sflag:s12] =	ssyncset.done $0x0  }
.Ltmp10:
0x12b: {  	[sflag:s12] =	ssyncadd.s32 $0xFFFFD800;
	(pc) =	sbr.rel .LBB2_11-.Ltmp10, $4  }
0x12c: {  	_ =	swait.ge [sflag:s5], $0x100  }
0x12d: {  	[sflag:s5] =	ssyncset.done $0x0  }
0x12e: {  	[sflag:s5] =	ssyncadd.s32 $0xFFFFFF00  }
0x12f: {  	[tilespmem:s30], [sflag:$0x5] =	stream.indirect.gather [hbm4b:s17+s6], $0x80, s4, s6, $0xb8;
	[tilespmem:$0x1DD80] =	vst v63  }
.LBB2_14:
0x130: {  	_ =	sfence.sel $0x180000  }
0x131: {  	[bflag:$0x0] =	sbarrier.arrive $0xFFFF  }
0x132: {  	_ =	strace $0x9000004D  }
0x133: {  	s0 =	stileid.u32;
	[bflag:$0x2] =	sbarrier.arrive $0xFFFF  }
0x134: {  	p0 =	sne.s32 s0, $0x0;
	s0 =	rddreg [dreg:$0x2]  }
0x135: {  	s0 =	sadd.s32 @!p0 $0x100000, s0  }
0x136: {  	[sflag:s0] =	ssyncadd.tile.s32 @!p0 $0x1;
	_ =	shalt  }
.Lfunc_end2:
_tile_overlayer_lowered:
.L_overlay_start_2:
0x137: {  	(tag) =	ssettag $0x2  }
0x138: {  	s0 =	rddreg [dreg:$0x0];
	s2 =	stileid.u32  }
0x139: {  	s1 =	rddreg [dreg:$0x1];
	p0 =	sne.s32 s2, $0x0  }
0x13a: {  	s3 =	rddreg [dreg:$0x2];
	[bflag:$0x3] =	sbarrier.arrive $0xFFFF;
	s2 =	simm.s32 @!p0 $0x1C0B  }
0x13b: {  	[timem:s3], [sflag:s2] =	dma.local @!p0 [hbm:s0], s1  }
0x13c: {  	s0 =	simm.s32 @!p0 $0xB  }
0x13d: {  	_ =	swait.ge @!p0 [sflag:s0], s1  }
0x13e: {  	s1 =	ssub.s32 @!p0 $0x0, s1;
	[sflag:s0] =	ssyncset.done @!p0 $0x0  }
0x13f: {  	[sflag:s0] =	ssyncadd.s32 @!p0 s1  }
0x140: {  	[bflag:$0x3] =	sbarrier.arrive $0xFFFF  }
0x141: {  	_ =	shalt  }

// kernel: kernel.21.cloned.1.call-start
scs
__scs_entry_jumppad:
0x0: {  	(pc) =	sbr.rel $0x88, $3  }
0x1: {  	(tag) =	ssettag $0x0;
	lr =	simm.s32 $0x1  }
0x2: {  	[smem:$0x3F8A] =	sst lr;
	_ =	strace $0xD0000000  }
0x3: {  	_ = 	snop  }
0x4: {  	_ = 	snop  }
0x5: {  	_ = 	snop  }
0x6: {  	_ = 	snop  }
0x7: {  	_ = 	snop  }
__scs_overlays_trampoline_lowered:
0x8: {  	[smem:$0x3F99] =	sst s0  }
0x9: {  	[smem:$0x3F9A] =	sst s1  }
0xa: {  	[smem:$0x3F9B] =	sst s2  }
0xb: {  	[smem:$0x3F9C] =	sst s3  }
0xc: {  	[smem:$0x3F9D] =	sst s4  }
0xd: {  	[smem:$0x3F9E] =	sst s5  }
0xe: {  	[smem:$0x3F9F] =	sst s6  }
0xf: {  	[smem:$0x3FA0] =	sst s7  }
0x10: {  	[smem:$0x3FA1] =	sst s8  }
0x11: {  	[smem:$0x3FA2] =	sst s9;
	s0 =	simm.s32 @!p0 $0x0  }
0x12: {  	s1 =	sld [smem:$0x3F88];
	s0 =	simm.s32 @p0 $0x1  }
0x13: {  	[smem:$0x3FA3] =	sst s0;
	s0 =	simm.s32 @!p1 $0x0  }
0x14: {  	s2 =	sld [smem:$0x3F87];
	s0 =	simm.s32 @p1 $0x1  }
0x15: {  	[smem:$0x3FA4] =	sst s0;
	s0 =	simm.s32 @!p2 $0x0  }
0x16: {  	s3 =	sld [smem:$0x3FDB];
	s0 =	simm.s32 @p2 $0x1  }
0x17: {  	s4 =	simm.s32 $0x1BF5;
	[smem:$0x3FA6] =	sst s0  }
0x18: {  	s0 =	sld [smem:$0x3F89];
	_ =	swait.ge [sflag:s4], $0x0  }
0x19: {  	s7 =	sld [smem:$0x3F8A]  }
0x1a: {  	s8 =	sadd.s32 $0xFFFFE003, lr  }
0x1b: {  	s9 =	sadd.s32 $0xFFFFFEF7, lr;
	s5 =	simm.s32 $0xFFFFFFFF;
	p2 =	slt.u32 s8, $0xFFFFF086  }
0x1c: {  	p1 =	slt.u32 s9, $0xF7A;
	s5 =	simm.s32 @!p2 $0x0  }
0x1d: {  	s5 =	simm.s32 @p1 $0x1;
	p0 =	seq.s32 s7, s2  }
0x1e: {  	s7 =	smul.u32 @!p0 $0xF7A, s2;
	p2 =	seq.s32 @!p0 s5, $0x0  }
0x1f: {  	s9 =	smul.u32 $0xF7A, s1;
	s8 =	simm.s32 @!p0 $0x1BF5;
	p2 =	por !p2, p0  }
0x20: {  	[sflag:s8] =	ssyncset.s32 @!p0 $0xFFFFF086;
	s6 =	sadd.s32 @!p0 s3, s7;
	s7 =	simm.s32 @!p0 $0x108  }
0x21: {  	s3 =	sadd.s32 s3, s9;
	s6 =	sadd.s32 @!p0 $0x88, s6;
	s7 =	simm.s32 @p2 $0x1082  }
0x22: {  	[simem:s7], [sflag:s8] =	dma.local @!p0 [hbm:s6], $0xF7A  }
0x23: {  	s9 =	sor.u32 $0xD0000000, s2;
	s6 =	simm.s32 $0x108;
	_ =	swait.ge @!p0 [sflag:s8], $0x0  }
0x24: {  	s3 =	sadd.s32 $0x88, s3;
	s6 =	simm.s32 @!p1 $0x1082;
	[sflag:s4] =	ssyncset.s32 $0xFFFFF086  }
0x25: {  	[simem:s6], [sflag:s4] =	dma.local [hbm:s3], $0xF7A  }
0x26: {  	[smem:$0x3F8A] =	sst s1;
	(tag) =	ssettag s2;
	_ =	strace s9  }
0x27: {  	s1 =	sld [smem:$0x3F9A]  }
0x28: {  	s2 =	sld [smem:$0x3F9B]  }
0x29: {  	s4 =	sld [smem:$0x3F9D]  }
0x2a: {  	p0 =	seq.s32 s5, $0x0;
	s5 =	sld [smem:$0x3F9E]  }
0x2b: {  	s6 =	sld [smem:$0x3F9F]  }
0x2c: {  	s7 =	sld [smem:$0x3FA0]  }
0x2d: {  	s3 =	simm.s32 $0x108;
	s8 =	sld [smem:$0x3FA1]  }
0x2e: {  	s3 =	simm.s32 @!p0 $0x1082;
	s9 =	sld [smem:$0x3FA2]  }
0x2f: {  	lr =	sadd.s32 s0, s3;
	s0 =	sld [smem:$0x3F99]  }
0x30: {  	s3 =	sld [smem:$0x3F9C]  }
0x31: {  	[smem:$0x3FA5] =	sst s10  }
0x32: {  	s10 =	sld [smem:$0x3FA3];
	_ =	sdelay $0x3  }
0x33: {  	p0 =	seq.s32 s10, $0x1;
	s10 =	sld [smem:$0x3FA5];
	_ =	sdelay $0x3  }
0x34: {  	[smem:$0x3FA5] =	sst s10  }
0x35: {  	s10 =	sld [smem:$0x3FA4];
	_ =	sdelay $0x3  }
0x36: {  	p1 =	seq.s32 s10, $0x1;
	s10 =	sld [smem:$0x3FA5];
	_ =	sdelay $0x3  }
0x37: {  	[smem:$0x3FA5] =	sst s10  }
0x38: {  	s10 =	sld [smem:$0x3FA6]  }
0x39: {  	_ = 	snop;
	(pc) =	sbr.ind lr, $3  }
0x3a: {  	_ = 	snop  }
0x3b: {  	_ = 	snop  }
0x3c: {  	p2 =	seq.s32 s10, $0x1;
	s10 =	sld [smem:$0x3FA5]  }
0x3d: {  	_ =	shalt  }
0x3e: {  	_ =	shalt  }
0x3f: {  	_ =	shalt  }
0x40: {  	_ =	shalt  }
0x41: {  	_ =	shalt  }
0x42: {  	_ =	shalt  }
0x43: {  	_ =	shalt  }
0x44: {  	_ =	shalt  }
0x45: {  	_ =	shalt  }
0x46: {  	_ =	shalt  }
0x47: {  	_ =	shalt  }
0x48: {  	_ =	shalt  }
0x49: {  	_ =	shalt  }
0x4a: {  	_ =	shalt  }
0x4b: {  	_ =	shalt  }
0x4c: {  	_ =	shalt  }
0x4d: {  	_ =	shalt  }
0x4e: {  	_ =	shalt  }
0x4f: {  	_ =	shalt  }
0x50: {  	_ =	shalt  }
0x51: {  	_ =	shalt  }
0x52: {  	_ =	shalt  }
0x53: {  	_ =	shalt  }
0x54: {  	_ =	shalt  }
0x55: {  	_ =	shalt  }
0x56: {  	_ =	shalt  }
0x57: {  	_ =	shalt  }
0x58: {  	_ =	shalt  }
0x59: {  	_ =	shalt  }
0x5a: {  	_ =	shalt  }
0x5b: {  	_ =	shalt  }
0x5c: {  	_ =	shalt  }
0x5d: {  	_ =	shalt  }
0x5e: {  	_ =	shalt  }
0x5f: {  	_ =	shalt  }
0x60: {  	_ =	shalt  }
0x61: {  	_ =	shalt  }
0x62: {  	_ =	shalt  }
0x63: {  	_ =	shalt  }
0x64: {  	_ =	shalt  }
0x65: {  	_ =	shalt  }
0x66: {  	_ =	shalt  }
0x67: {  	_ =	shalt  }
0x68: {  	_ =	shalt  }
0x69: {  	_ =	shalt  }
0x6a: {  	_ =	shalt  }
0x6b: {  	_ =	shalt  }
0x6c: {  	_ =	shalt  }
0x6d: {  	_ =	shalt  }
0x6e: {  	_ =	shalt  }
0x6f: {  	_ =	shalt  }
0x70: {  	_ =	shalt  }
0x71: {  	_ =	shalt  }
0x72: {  	_ =	shalt  }
0x73: {  	_ =	shalt  }
0x74: {  	_ =	shalt  }
0x75: {  	_ =	shalt  }
0x76: {  	_ =	shalt  }
0x77: {  	_ =	shalt  }
0x78: {  	_ =	shalt  }
0x79: {  	_ =	shalt  }
0x7a: {  	_ =	shalt  }
0x7b: {  	_ =	shalt  }
0x7c: {  	_ =	shalt  }
0x7d: {  	_ =	shalt  }
0x7e: {  	_ =	shalt  }
0x7f: {  	_ =	shalt  }
0x80: {  	_ =	shalt  }
0x81: {  	_ =	shalt  }
0x82: {  	_ =	shalt  }
0x83: {  	_ =	shalt  }
0x84: {  	_ =	shalt  }
0x85: {  	_ =	shalt  }
0x86: {  	_ =	shalt  }
0x87: {  	_ =	shalt  }
.Lfunc_end0:
.L_simem_size_0:
called_computation.3_lowered:
.L_overlay_start_0:
0x88: {  	s2 =	sld [smem:$0x3FD9]  }
0x89: {  	s3 =	sld [smem:$0x3FFE];
	_ =	sdelay $0x1  }
0x8a: {  	s1 =	srdreg.scid  }
0x8b: {  	s0 =	sand.u32 $0x1, s1  }
0x8c: {  	s16 =	sshll.u32 s0, $0xA;
	s2 =	sadd.s32 s3, s2  }
0x8d: {  	s2 =	sadd.s32 s2, s16  }
0x8e: {  	[smem:$0x3FB1] =	sst s2  }
0x8f: {  	_ = 	snop  }
0x90: {  	(tm) =	ssettm $0x1  }
0x91: {  	s17 =	sld [smem:$0x3FFB];
	_ =	sdelay $0x3  }
0x92: {  	_ =	strace s17  }
0x93: {  	s2 =	sld [smem:$0x3FFC];
	_ =	sdelay $0x3  }
0x94: {  	_ =	strace s2  }
0x95: {  	s2 =	sld [smem:$0x3FFD];
	_ =	sdelay $0x3  }
0x96: {  	_ =	strace s2  }
0x97: {  	_ =	strace $0x8FFFFFFF  }
0x98: {  	s18 =	sld [smem:$0x3FDB];
	_ =	sdelay $0x1  }
0x99: {  	s19 =	simm.s32 $_scs_section_size  }
0x9a: {  	s4 =	simm.s32 $_size__tile_overlayer_lowered;
	s5 =	simm.s32 $_tile_overlayer_lowered  }
0x9b: {  	s22 =	simm.s32 $0x1BFF;
	s21 =	sshll.u32 s5, $0x1;
	s2 =	sadd.s32 s19, s18  }
0x9c: {  	s6 =	simm.s32 $0x0;
	s20 =	sshll.u32 s4, $0x1;
	s4 =	sadd.s32 s21, s2  }
0x9d: {  	[timem:s6], [sflag:s22] =	dma.local [hbm:s4], s20  }
0x9e: {  	_ =	swait.ge [sflag:s22], s20  }
0x9f: {  	s3 =	ssub.s32 $0x0, s20;
	[sflag:s22] =	ssyncset.done $0x0  }
0xa0: {  	[sflag:s22] =	ssyncadd.s32 s3;
	_ =	sdelay $0x1  }
0xa1: {  	s23 =	simm.s32 $0x1B8B  }
0xa2: {  	_ =	swait.ge [sflag:s23], $0x1  }
0xa3: {  	[sflag:s23] =	ssyncset.done $0x0  }
0xa4: {  	s25 =	simm.s32 $0x1B8E;
	s24 =	sld [smem:$0x3FFE];
	[sflag:s23] =	ssyncadd.s32 $0xFFFFFFFF  }
0xa5: {  	s26 =	simm.s32 $execute0_lowered;
	[smem:$0x3FD2] =	sst s25  }
0xa6: {  	s4 =	sshll.u32 s26, $0x1;
	_ =	strace $0x8000004F;
	[dreg:$0x1] =	wrdreg $0xFFFFFFFF  }
0xa7: {  	s28 =	simm.s32 $_size_execute0_lowered;
	s2 =	sadd.s32 s2, s4;
	[dreg:$0x0] =	wrdreg $0x0  }
0xa8: {  	s4 =	sshll.u32 s28, $0x1;
	[dreg:$0x2] =	wrdreg s2  }
0xa9: {  	[dreg:$0x3] =	wrdreg s4  }
0xaa: {  	[dreg:$0x4] =	wrdreg $0xC0  }
0xab: {  	_ =	task [dreg:s6], $0x5FFFF  }
0xac: {  	[dreg:$0x1] =	wrdreg $0xFFFFFFFF  }
0xad: {  	[dreg:$0x0] =	wrdreg $0x60  }
0xae: {  	[dreg:$0x2] =	wrdreg s24  }
0xaf: {  	[dreg:$0x3] =	wrdreg $0xA5000  }
0xb0: {  	[dreg:$0x4] =	wrdreg $0x9  }
0xb1: {  	_ =	task.clear_ibuf [dreg:s6], $0x5FFFF;
	_ =	strace $0x9000004F  }
0xb2: {  	s29 =	simm.s32 $0x9;
	_ =	strace $0x80000051  }
0xb3: {  	_ =	swait.ge [sflag:s29], $0x1  }
0xb4: {  	[sflag:s29] =	ssyncadd.s32 $0xFFFFFFFF  }
0xb5: {  	_ =	strace $0x90000051  }
0xb6: {  	_ =	sfence  }
0xb7: {  	s30 =	sld [smem:$0x0];
	_ =	sdelay $0x2  }
0xb8: {  	s31 =	sshll.u32 s1, $0xD;
	s1 =	sshrl.u32 s1, $0x2  }
0xb9: {  	s3 =	sand.u32 $0x4000, s31;
	s1 =	sadd.s32 s1, s30  }
0xba: {  	s0 =	sor.u32 s3, s0;
	s1 =	sshll.u32 s1, $0x11  }
0xbb: {  	s0 =	sor.u32 s1, s0  }
0xbc: {  	s0 =	sadd.s32 $0x8F2B, s0  }
0xbd: {  	[sflag:s0] =	ssyncadd.remote.s32 $0x1  }
0xbe: {  	_ =	sfence.sel $0xFFFF  }
0xbf: {  	[dreg:$0x0] =	wrdreg $0xFFFFFFFF;
	(pc) =	sbr.abs _section_cstart, $3  }
0xc0: {  	[dreg:$0x1] =	wrdreg $0xFFFFFFFF  }
0xc1: {  	_ =	task.clear_ibuf [dreg:s6], $0x2FFFF;
	_ =	strace $0x9FFFFFFF  }
0xc2: {  	(tm) =	ssettm $0x7FFFFFFF  }
0xc3: {  	_ =	shalt  }
tec
execute0_lowered:
.L_overlay_start_1:
0x0: {  	(tag) =	ssettag $0x1  }
0x1: {  	s21 =	stileid.u32  }
0x2: {  	s0 =	srdreg.scid;
	s10 =	smul.u32 $0x500, s21  }
0x3: {  	s0 =	sand.u32 $0x1, s0;
	s25 =	smul.u32 $0x1F40, s21  }
0x4: {  	s8 =	sor.u32 $0x10, s21;
	s5 =	smul.u32 $0x27100, s0  }
0x5: {  	s9 =	smul.u32 $0xA000, s8  }
0x6: {  	s11 =	sor.u32 $0x20, s21;
	s8 =	smul.u32 $0x500, s8  }
0x7: {  	s6 =	rddreg [dreg:$0x0];
	s13 =	sor.u32 $0x30, s21;
	s14 =	smul.u32 $0x500, s11  }
0x8: {  	s3 =	rddreg [dreg:$0x1];
	s16 =	sor.u32 $0x40, s21;
	s17 =	smul.u32 $0x500, s13  }
0x9: {  	s1 =	sshll.u32 s21, $0x1;
	s23 =	sor.u32 $0x60, s21;
	s20 =	smul.u32 $0x500, s16  }
0xa: {  	s1 =	sor.u32 s0, s1;
	s15 =	ssub.s32 $0x2, s0;
	s0 =	smul.u32 $0xFA0, s0  }
0xb: {  	s4 =	simm.s32 $0x0;
	s30 =	simm.s32 $0x500;
	s26 =	smul.u32 $0x500, s23  }
0xc: {  	s31 =	simm.s32 $0xB;
	[smem:$0x7FF] =	sst s4;
	s11 =	smul.u32 $0xA000, s11  }
0xd: {  	s12 =	sadd.s32 $0x7200, s6;
	s19 =	sor.u32 $0x50, s21;
	s2 =	smul.u32 $0x7D, s1  }
0xe: {  	s24 =	sor.u32 $0x70, s21;
	_ =	strace $0x80000050;
	s7 =	smul.u32 $0xFA0, s1  }
0xf: {  	p0 =	sgt.u32 s24, $0x7C;
	s1 =	smul.u32 $0x7D00, s1;
	s18 =	sshrl.u32 s15, $0x1  }
0x10: {  	s5 =	sadd.s32 s5, s6;
	s15 =	ssub.s32 s15, s18;
	s18 =	smul.u32 $0x500, s19  }
0x11: {  	s7 =	sadd.s32 s12, s7;
	s1 =	sshrl.u32 s1, $0x3;
	s5 =	sadd.s32 $0x4D800, s5  }
0x12: {  	[dreg:$0x3] =	wrdreg s7;
	s1 =	sadd.s32 s12, s1;
	s7 =	sadd.s32 s25, s12  }
0x13: {  	s10 =	sadd.s32 s10, s5;
	s8 =	sadd.s32 s8, s5;
	s14 =	sadd.s32 s14, s5  }
0x14: {  	s17 =	sadd.s32 s17, s5;
	s22 =	sadd.s32 s20, s5;
	[dreg:$0x4] =	wrdreg s10  }
0x15: {  	s25 =	sadd.s32 s18, s5;
	s26 =	sadd.s32 s26, s5;
	[dreg:$0x5] =	wrdreg s8  }
0x16: {  	s18 =	sadd.s32 $0x7280, s6;
	s12 =	smul.u32 $0xA000, s13;
	[dreg:$0x6] =	wrdreg s14  }
0x17: {  	s0 =	sadd.s32 s0, s7;
	s7 =	smul.u32 $0x500, s24;
	[dreg:$0x7] =	wrdreg s17  }
0x18: {  	s13 =	smax.u32 s15, $0x1;
	[dreg:$0x8] =	wrdreg s22;
	s10 =	smul.u32 $0xA000, s21  }
0x19: {  	s15 =	sshrl.u32 s9, $0x2;
	[dreg:$0x9] =	wrdreg s25;
	s14 =	smul.u32 $0xA000, s16  }
0x1a: {  	s9 =	simm.s32 $0x5500;
	[dreg:$0xa] =	wrdreg s26;
	s16 =	smul.u32 $0xA000, s19  }
0x1b: {  	s8 =	sadd.s32 $0x40, s1;
	s17 =	sadd.s32 $0x26600, s6;
	s22 =	smul.u32 $0xA000, s23  }
0x1c: {  	[dreg:$0xf] =	wrdreg s13;
	s19 =	sadd.s32 s15, s3;
	s23 =	smul.u32 $0xA000, s24  }
0x1d: {  	s13 =	simm.s32 $0x7;
	s15 =	simm.s32 $0xC;
	[dreg:$0xd] =	wrdreg s8  }
0x1e: {  	s6 =	sshrl.u32 s12, $0x2;
	s0 =	sadd.s32 $0xE0, s0;
	s8 =	simm.s32 $0x3  }
0x1f: {  	s12 =	simm.s32 $0x9;
	s5 =	sadd.s32 @!p0 s7, s5;
	s7 =	sadd.s32 $0x20, s1  }
0x20: {  	s1 =	sadd.s32 $0x60, s1;
	s29 =	sadd.s32 s6, s3;
	[dreg:$0x12] =	wrdreg s0  }
0x21: {  	s24 =	sshrl.u32 s16, $0x2;
	s25 =	sshrl.u32 s23, $0x2;
	[dreg:$0xb] =	wrdreg s5  }
0x22: {  	s0 =	simm.s32 $0x200;
	s6 =	simm.s32 $0x50;
	[dreg:$0xc] =	wrdreg s7  }
0x23: {  	s16 =	simm.s32 $0x0;
	[dreg:$0xe] =	wrdreg s1;
	s5 =	sshrl.u32 s10, $0x2  }
.Ltmp0:
0x24: {  	s1 =	sshrl.u32 s11, $0x2;
	s28 =	sadd.s32 s25, s3;
	(pc) =	sbr.rel .LBB2_1-.Ltmp0, $4  }
0x25: {  	s10 =	simm.s32 $0x5;
	s20 =	sadd.s32 s5, s3;
	s5 =	sshrl.u32 s14, $0x2  }
0x26: {  	s11 =	simm.s32 $0x400;
	s21 =	sadd.s32 s1, s3;
	s5 =	sadd.s32 s5, s3  }
0x27: {  	s1 =	sshrl.u32 s22, $0x2;
	[dreg:$0x10] =	wrdreg s5;
	s5 =	sadd.s32 s24, s3  }
0x28: {  	v0 =	vimm.f32 $0.0e+00;
	s26 =	sadd.s32 s1, s3;
	[dreg:$0x11] =	wrdreg s5;
	s5 =	simm.s32 $0x1  }
.LBB2_13:
0x29: {  	s1 =	simm.s32 $0xA  }
0x2a: {  	_ =	swait.ge [sflag:s1], $0x2800  }
0x2b: {  	[sflag:s1] =	ssyncset.done $0x0  }
0x2c: {  	[sflag:s1] =	ssyncadd.s32 $0xFFFFD800  }
0x2d: {  	_ =	swait.ge [sflag:s12], $0x2800  }
0x2e: {  	[sflag:s12] =	ssyncset.done $0x0  }
0x2f: {  	[sflag:s12] =	ssyncadd.s32 $0xFFFFD800  }
0x30: {  	[bflag:$0x0] =	sbarrier.arrive $0xFFFF  }
0x31: {  	[tilespmem:s30], [sflag:$0xC] =	stream.linear.gather [spmem:s22], $0x2800, $0x38;
	[tilespmem:$0x1DD80] =	vst v63  }
0x32: {  	_ =	swait.ge [sflag:s15], $0x2800  }
0x33: {  	[sflag:s15] =	ssyncset.done $0x0  }
0x34: {  	s20 =	smov.u32 s22;
	s22 =	rddreg [dreg:$0x4];
	[sflag:s15] =	ssyncadd.s32 $0xFFFFD800  }
0x35: {  	[hbm4b:s22+s4] =	stream.linear.scatter [tilespmem:s30], [sflag:$0xB], $0x2800, $0x38;
	[tilespmem:$0x1DD80] =	vst v63  }
0x36: {  	_ =	swait.ge [sflag:s31], $0x2800  }
0x37: {  	[sflag:s31] =	ssyncset.done $0x0  }
0x38: {  	[sflag:s31] =	ssyncadd.s32 $0xFFFFD800  }
0x39: {  	[tilespmem:s30], [sflag:$0xC] =	stream.linear.gather [spmem:s23], $0x2800, $0x38;
	[tilespmem:$0x1DD80] =	vst v63  }
0x3a: {  	_ =	swait.ge [sflag:s15], $0x2800  }
0x3b: {  	[sflag:s15] =	ssyncset.done $0x0  }
0x3c: {  	s19 =	smov.u32 s23;
	s23 =	rddreg [dreg:$0x5];
	[sflag:s15] =	ssyncadd.s32 $0xFFFFD800  }
0x3d: {  	[hbm4b:s23+s4] =	stream.linear.scatter [tilespmem:s30], [sflag:$0xB], $0x2800, $0x38;
	[tilespmem:$0x1DD80] =	vst v63  }
0x3e: {  	_ =	swait.ge [sflag:s31], $0x2800  }
0x3f: {  	[sflag:s31] =	ssyncset.done $0x0  }
0x40: {  	[sflag:s31] =	ssyncadd.s32 $0xFFFFD800  }
0x41: {  	[tilespmem:s30], [sflag:$0xC] =	stream.linear.gather [spmem:s24], $0x2800, $0x38;
	[tilespmem:$0x1DD80] =	vst v63  }
0x42: {  	_ =	swait.ge [sflag:s15], $0x2800  }
0x43: {  	[sflag:s15] =	ssyncset.done $0x0  }
0x44: {  	s21 =	smov.u32 s24;
	s24 =	rddreg [dreg:$0x6];
	[sflag:s15] =	ssyncadd.s32 $0xFFFFD800  }
0x45: {  	[hbm4b:s24+s4] =	stream.linear.scatter [tilespmem:s30], [sflag:$0xB], $0x2800, $0x38;
	[tilespmem:$0x1DD80] =	vst v63  }
0x46: {  	_ =	swait.ge [sflag:s31], $0x2800  }
0x47: {  	[sflag:s31] =	ssyncset.done $0x0  }
0x48: {  	[sflag:s31] =	ssyncadd.s32 $0xFFFFD800  }
0x49: {  	[tilespmem:s30], [sflag:$0xC] =	stream.linear.gather [spmem:s25], $0x2800, $0x38;
	[tilespmem:$0x1DD80] =	vst v63  }
0x4a: {  	_ =	swait.ge [sflag:s15], $0x2800  }
0x4b: {  	[sflag:s15] =	ssyncset.done $0x0  }
0x4c: {  	s29 =	smov.u32 s25;
	s25 =	rddreg [dreg:$0x7];
	[sflag:s15] =	ssyncadd.s32 $0xFFFFD800  }
0x4d: {  	[hbm4b:s25+s4] =	stream.linear.scatter [tilespmem:s30], [sflag:$0xB], $0x2800, $0x38;
	[tilespmem:$0x1DD80] =	vst v63  }
0x4e: {  	_ =	swait.ge [sflag:s31], $0x2800  }
0x4f: {  	[sflag:s31] =	ssyncset.done $0x0  }
0x50: {  	s7 =	rddreg [dreg:$0x10];
	[sflag:s31] =	ssyncadd.s32 $0xFFFFD800  }
0x51: {  	[tilespmem:s30], [sflag:$0xC] =	stream.linear.gather [spmem:s7], $0x2800, $0x38;
	[tilespmem:$0x1DD80] =	vst v63  }
0x52: {  	_ =	swait.ge [sflag:s15], $0x2800  }
0x53: {  	[sflag:s15] =	ssyncset.done $0x0  }
0x54: {  	s14 =	rddreg [dreg:$0x8];
	[sflag:s15] =	ssyncadd.s32 $0xFFFFD800  }
0x55: {  	[hbm4b:s14+s4] =	stream.linear.scatter [tilespmem:s30], [sflag:$0xB], $0x2800, $0x38;
	[tilespmem:$0x1DD80] =	vst v63  }
0x56: {  	_ =	swait.ge [sflag:s31], $0x2800  }
0x57: {  	[sflag:s31] =	ssyncset.done $0x0  }
0x58: {  	s22 =	rddreg [dreg:$0x11];
	[sflag:s31] =	ssyncadd.s32 $0xFFFFD800  }
0x59: {  	[tilespmem:s30], [sflag:$0xC] =	stream.linear.gather [spmem:s22], $0x2800, $0x38;
	[tilespmem:$0x1DD80] =	vst v63  }
0x5a: {  	_ =	swait.ge [sflag:s15], $0x2800  }
0x5b: {  	[sflag:s15] =	ssyncset.done $0x0  }
0x5c: {  	s23 =	rddreg [dreg:$0x9];
	[sflag:s15] =	ssyncadd.s32 $0xFFFFD800  }
0x5d: {  	[hbm4b:s23+s4] =	stream.linear.scatter [tilespmem:s30], [sflag:$0xB], $0x2800, $0x38;
	[tilespmem:$0x1DD80] =	vst v63  }
0x5e: {  	_ =	swait.ge [sflag:s31], $0x2800  }
0x5f: {  	[sflag:s31] =	ssyncset.done $0x0  }
0x60: {  	[sflag:s31] =	ssyncadd.s32 $0xFFFFD800  }
0x61: {  	[tilespmem:s30], [sflag:$0xC] =	stream.linear.gather [spmem:s26], $0x2800, $0x38;
	[tilespmem:$0x1DD80] =	vst v63  }
0x62: {  	_ =	swait.ge [sflag:s15], $0x2800  }
0x63: {  	[sflag:s15] =	ssyncset.done $0x0  }
0x64: {  	s24 =	rddreg [dreg:$0xa];
	[sflag:s15] =	ssyncadd.s32 $0xFFFFD800  }
0x65: {  	[hbm4b:s24+s4] =	stream.linear.scatter [tilespmem:s30], [sflag:$0xB], $0x2800, $0x38;
	[tilespmem:$0x1DD80] =	vst v63  }
0x66: {  	_ =	swait.ge [sflag:s31], $0x2800  }
0x67: {  	[sflag:s31] =	ssyncset.done $0x0  }
0x68: {  	s1 =	simm.s32 @!p0 $0x500;
	s7 =	simm.s32 @!p0 $0xC;
	[sflag:s31] =	ssyncadd.s32 $0xFFFFD800  }
0x69: {  	[tilespmem:s1], [sflag:$0xC] =	stream.linear.gather @!p0 [spmem:s28], $0x2800, $0x38;
	[tilespmem:$0x1DD80] =	vst v63  }
0x6a: {  	_ =	swait.ge @!p0 [sflag:s7], $0x2800  }
0x6b: {  	[sflag:s7] =	ssyncset.done @!p0 $0x0  }
0x6c: {  	s14 =	rddreg [dreg:$0xb];
	[sflag:s7] =	ssyncadd.s32 @!p0 $0xFFFFD800;
	s7 =	simm.s32 @!p0 $0x0  }
0x6d: {  	[hbm4b:s14+s7] =	stream.linear.scatter @!p0 [tilespmem:s1], [sflag:$0xB], $0x2800, $0x38;
	[tilespmem:$0x1DD80] =	vst v63  }
0x6e: {  	s1 =	simm.s32 @!p0 $0xB  }
0x6f: {  	_ =	swait.ge @!p0 [sflag:s1], $0x2800  }
0x70: {  	s16 =	sadd.s32 $0x1, s16;
	s25 =	rddreg [dreg:$0xf]  }
0x71: {  	p1 =	sne.s32 s16, s25  }
.Ltmp1:
0x72: {  	_ = 	snop;
	(pc) =	sbr.rel @!p1 .LBB2_14-.Ltmp1, $3  }
0x73: {  	_ =	sdelay $0x1  }
0x74: {  	[sflag:s1] =	ssyncset.done @!p0 $0x0  }
0x75: {  	[sflag:s1] =	ssyncadd.s32 @!p0 $0xFFFFD800  }
.LBB2_1:
0x76: {  	s1 =	simm.s32 $0x70;
	s7 =	simm.s32 $0x3C0  }
.LBB2_2:
0x77: {  	p1 =	sne.s32 s7, $0x9FC0;
	[tilespmem:s1+$0x500] =	vst v0  }
0x78: {  	[tilespmem:s1+$0x490] =	vst v0  }
0x79: {  	[tilespmem:s1+$0x4A0] =	vst v0  }
.Ltmp2:
0x7a: {  	[tilespmem:s1+$0x4B0] =	vst v0;
	(pc) =	sbr.rel @p1 .LBB2_2-.Ltmp2, $4  }
0x7b: {  	[tilespmem:s1+$0x4C0] =	vst v0  }
0x7c: {  	[tilespmem:s1+$0x4D0] =	vst v0  }
0x7d: {  	[tilespmem:s1+$0x4E0] =	vst v0  }
0x7e: {  	[tilespmem:s1+$0x4F0] =	vst v0;
	s1 =	sshra.s32 s7, $0x2;
	s7 =	sadd.s32 $0x200, s7  }
0x7f: {  	[tilespmem:s1+$0x500] =	vst v0  }
0x80: {  	[tilespmem:s1+$0x490] =	vst v0  }
0x81: {  	[tilespmem:s1+$0x4A0] =	vst v0  }
0x82: {  	[tilespmem:s1+$0x4B0] =	vst v0  }
0x83: {  	[tilespmem:s1+$0x4C0] =	vst v0  }
0x84: {  	[tilespmem:s1+$0x4D0] =	vst v0  }
0x85: {  	[tilespmem:s1+$0x4E0] =	vst v0  }
0x86: {  	[tilespmem:s1+$0x4F0] =	vst v0  }
0x87: {  	[spmem:s20] =	stream.linear.scatter [tilespmem:s30], [sflag:$0xB], $0x2800, $0x38;
	[tilespmem:$0x1DD80] =	vst v63  }
0x88: {  	_ =	swait.ge [sflag:s31], $0x2800  }
0x89: {  	[sflag:s31] =	ssyncset.done $0x0  }
0x8a: {  	[sflag:s31] =	ssyncadd.s32 $0xFFFFD800  }
0x8b: {  	[spmem:s19] =	stream.linear.scatter [tilespmem:s30], [sflag:$0xB], $0x2800, $0x38;
	[tilespmem:$0x1DD80] =	vst v63  }
0x8c: {  	_ =	swait.ge [sflag:s31], $0x2800  }
0x8d: {  	[sflag:s31] =	ssyncset.done $0x0  }
0x8e: {  	[sflag:s31] =	ssyncadd.s32 $0xFFFFD800  }
0x8f: {  	[spmem:s21] =	stream.linear.scatter [tilespmem:s30], [sflag:$0xB], $0x2800, $0x38;
	[tilespmem:$0x1DD80] =	vst v63  }
0x90: {  	_ =	swait.ge [sflag:s31], $0x2800  }
0x91: {  	[sflag:s31] =	ssyncset.done $0x0  }
0x92: {  	[sflag:s31] =	ssyncadd.s32 $0xFFFFD800  }
0x93: {  	[spmem:s29] =	stream.linear.scatter [tilespmem:s30], [sflag:$0xB], $0x2800, $0x38;
	[tilespmem:$0x1DD80] =	vst v63  }
0x94: {  	_ =	swait.ge [sflag:s31], $0x2800  }
0x95: {  	[sflag:s31] =	ssyncset.done $0x0  }
0x96: {  	s22 =	smov.u32 s20;
	s20 =	rddreg [dreg:$0x10];
	[sflag:s31] =	ssyncadd.s32 $0xFFFFD800  }
0x97: {  	[spmem:s20] =	stream.linear.scatter [tilespmem:s30], [sflag:$0xB], $0x2800, $0x38;
	[tilespmem:$0x1DD80] =	vst v63  }
0x98: {  	_ =	swait.ge [sflag:s31], $0x2800  }
0x99: {  	[sflag:s31] =	ssyncset.done $0x0  }
0x9a: {  	s24 =	smov.u32 s21;
	s21 =	rddreg [dreg:$0x11];
	[sflag:s31] =	ssyncadd.s32 $0xFFFFD800  }
0x9b: {  	[spmem:s21] =	stream.linear.scatter [tilespmem:s30], [sflag:$0xB], $0x2800, $0x38;
	[tilespmem:$0x1DD80] =	vst v63  }
0x9c: {  	_ =	swait.ge [sflag:s31], $0x2800  }
0x9d: {  	[sflag:s31] =	ssyncset.done $0x0  }
0x9e: {  	[sflag:s31] =	ssyncadd.s32 $0xFFFFD800  }
0x9f: {  	[spmem:s26] =	stream.linear.scatter [tilespmem:s30], [sflag:$0xB], $0x2800, $0x38;
	[tilespmem:$0x1DD80] =	vst v63  }
0xa0: {  	_ =	swait.ge [sflag:s31], $0x2800  }
0xa1: {  	[sflag:s31] =	ssyncset.done $0x0  }
0xa2: {  	s1 =	simm.s32 @!p0 $0x500;
	[sflag:s31] =	ssyncadd.s32 $0xFFFFD800  }
0xa3: {  	[spmem:s28] =	stream.linear.scatter @!p0 [tilespmem:s1], [sflag:$0xB], $0x2800, $0x38;
	[tilespmem:$0x1DD80] =	vst v63  }
0xa4: {  	s1 =	simm.s32 @!p0 $0xB  }
0xa5: {  	_ =	swait.ge @!p0 [sflag:s1], $0x2800  }
0xa6: {  	[sflag:s1] =	ssyncset.done @!p0 $0x0  }
0xa7: {  	[sflag:s1] =	ssyncadd.s32 @!p0 $0xFFFFD800  }
0xa8: {  	[bflag:$0x0] =	sbarrier.arrive $0xFFFF  }
0xa9: {  	s23 =	smov.u32 s19;
	s19 =	simm.s32 $0x0;
	s7 =	rddreg [dreg:$0x3]  }
0xaa: {  	[tilespmem:s19], [sflag:$0x1] =	stream.linear.gather [hbm4b:s7+s19], $0x100, $0x38;
	[tilespmem:$0x1DD80] =	vst v63  }
0xab: {  	s14 =	rddreg [dreg:$0xc];
	s7 =	simm.s32 $0x100  }
0xac: {  	[tilespmem:s7], [sflag:$0x2] =	stream.linear.gather [hbm4b:s14+s19], $0x100, $0x38;
	[tilespmem:$0x1DD80] =	vst v63  }
0xad: {  	s20 =	rddreg [dreg:$0xd]  }
0xae: {  	[tilespmem:s0], [sflag:$0x3] =	stream.linear.gather [hbm4b:s20+s19], $0x100, $0x38;
	[tilespmem:$0x1DD80] =	vst v63  }
0xaf: {  	s21 =	rddreg [dreg:$0xe];
	s14 =	simm.s32 $0x300  }
0xb0: {  	[tilespmem:s14], [sflag:$0x4] =	stream.linear.gather [hbm4b:s21+s19], $0x100, $0x38;
	[tilespmem:$0x1DD80] =	vst v63  }
0xb1: {  	_ =	swait.ge [sflag:s5], $0x100  }
0xb2: {  	[sflag:s5] =	ssyncset.done $0x0  }
0xb3: {  	[sflag:s5] =	ssyncadd.s32 $0xFFFFFF00  }
0xb4: {  	[tilespmem:s30], [sflag:$0x5] =	stream.indirect.gather [hbm4b:s17+s6], $0x80, s19, s6, $0xb8;
	[tilespmem:$0x1DD80] =	vst v63  }
.Ltmp3:
0xb5: {  	s20 =	simm.s32 $0x2;
	(pc) =	sbr.rel .LBB2_4-.Ltmp3, $4  }
0xb6: {  	_ =	swait.ge [sflag:s20], $0x100  }
0xb7: {  	s25 =	smov.u32 s29;
	s1 =	simm.s32 $0x3;
	[sflag:s20] =	ssyncset.done $0x0  }
0xb8: {  	s21 =	simm.s32 $0x2D00;
	s29 =	rddreg [dreg:$0x12];
	[sflag:s20] =	ssyncadd.s32 $0xFFFFFF00  }
0xb9: {  	[tilespmem:s21], [sflag:$0x6] =	stream.indirect.gather [hbm4b:s17+s6], $0x80, s7, s6, $0xb8;
	[tilespmem:$0x1DD80] =	vst v63  }
.LBB2_11:
0xba: {  	_ =	swait.ge [sflag:s13], $0x2800  }
0xbb: {  	[sflag:s13] =	ssyncset.done $0x0  }
0xbc: {  	[sflag:s13] =	ssyncadd.s32 $0xFFFFD800  }
0xbd: {  	v1 =	vld [tilespmem:$0x280]  }
0xbe: {  	v2 =	vld [tilespmem:$0x290]  }
0xbf: {  	v3 =	vld [tilespmem:$0x2A0]  }
0xc0: {  	v4 =	vld [tilespmem:$0x2B0]  }
0xc1: {  	v5 =	vld [tilespmem:$0x2C0]  }
0xc2: {  	[tilespmem:$0x400] =	vst v1  }
0xc3: {  	[tilespmem:$0x410] =	vst v2  }
0xc4: {  	p1 =	sgt.u32 s19, $0x1D;
	[tilespmem:$0x420] =	vst v3  }
0xc5: {  	s7 =	sadd.s32 @!p1 s2, s7;
	[tilespmem:$0x430] =	vst v4  }
0xc6: {  	s7 =	sshll.u32 @!p1 s7, $0x5;
	[tilespmem:$0x440] =	vst v5  }
0xc7: {  	[spmem:s3] =	stream.indirect.scatter.add.f32 [tilespmem:s9], [sflag:$0x9], $0x80, s11, s6, $0xb8;
	[tilespmem:$0x1DD80] =	vst v63  }
0xc8: {  	s14 =	simm.s32 @!p1 $0x0;
	s20 =	simm.s32 @!p1 $0x200;
	s7 =	sadd.s32 @!p1 s7, s18  }
0xc9: {  	[tilespmem:s20], [sflag:$0x3] =	stream.linear.gather @!p1 [hbm4b:s7+s14], $0x100, $0x38;
	[tilespmem:$0x1DD80] =	vst v63  }
.LBB2_12:
0xca: {  	p1 =	sgt.u32 s1, $0x7C  }
0xcb: {  	s7 =	simm.s32 @!p1 $0xA  }
0xcc: {  	p2 =	sgt.u32 @!p1 s19, $0x1D;
	_ =	swait.ge @!p1 [sflag:s7], $0x2800  }
0xcd: {  	p2 =	por p2, p1;
	[sflag:s7] =	ssyncset.done @!p1 $0x0  }
0xce: {  	[sflag:s7] =	ssyncadd.s32 @!p1 $0xFFFFD800;
	s7 =	simm.s32 @!p2 $0x2  }
0xcf: {  	_ =	swait.ge @!p2 [sflag:s7], $0x100  }
0xd0: {  	s14 =	simm.s32 @!p2 $0x100;
	[sflag:s7] =	ssyncset.done @!p2 $0x0  }
0xd1: {  	s20 =	simm.s32 @!p2 $0x2D00;
	[sflag:s7] =	ssyncadd.s32 @!p2 $0xFFFFFF00;
	s7 =	simm.s32 @!p2 $0x50  }
0xd2: {  	[tilespmem:s20], [sflag:$0x6] =	stream.indirect.gather @!p2 [hbm4b:s17+s7], $0x80, s14, s7, $0xb8;
	[tilespmem:$0x1DD80] =	vst v63  }
0xd3: {  	s7 =	simm.s32 @!p1 $0x8  }
0xd4: {  	_ =	swait.ge @!p1 [sflag:s7], $0x2800  }
0xd5: {  	[sflag:s7] =	ssyncset.done @!p1 $0x0  }
0xd6: {  	[sflag:s7] =	ssyncadd.s32 @!p1 $0xFFFFD800  }
0xd7: {  	v1 =	vld @!p1 [tilespmem:$0x380]  }
0xd8: {  	v2 =	vld @!p1 [tilespmem:$0x390]  }
0xd9: {  	v3 =	vld @!p1 [tilespmem:$0x3A0]  }
0xda: {  	v4 =	vld @!p1 [tilespmem:$0x3B0]  }
0xdb: {  	v5 =	vld @!p1 [tilespmem:$0x3C0]  }
0xdc: {  	[tilespmem:$0x480] =	vst @!p1 v1  }
0xdd: {  	[tilespmem:$0x490] =	vst @!p1 v2  }
0xde: {  	[tilespmem:$0x4A0] =	vst @!p1 v3  }
0xdf: {  	s1 =	sadd.s32 $0x4, s1;
	[tilespmem:$0x4B0] =	vst @!p1 v4  }
0xe0: {  	s14 =	simm.s32 @!p1 $0x480;
	s20 =	simm.s32 @!p1 $0x7D00;
	s7 =	simm.s32 @!p1 $0x50;
	[tilespmem:$0x4C0] =	vst @!p1 v5  }
0xe1: {  	[spmem:s3] =	stream.indirect.scatter.add.f32 @!p1 [tilespmem:s20], [sflag:$0xA], $0x80, s14, s7, $0xb8;
	[tilespmem:$0x1DD80] =	vst v63  }
0xe2: {  	p1 =	sne.s32 s1, $0x83  }
.Ltmp4:
0xe3: {  	_ = 	snop;
	(pc) =	sbr.rel @!p1 .LBB2_13-.Ltmp4, $4  }
0xe4: {  	_ = 	snop  }
0xe5: {  	s7 =	simm.s32 @!p2 $0x0;
	s14 =	simm.s32 @!p2 $0x300  }
0xe6: {  	[tilespmem:s14], [sflag:$0x4] =	stream.linear.gather @!p2 [hbm4b:s29+s7], $0x100, $0x38;
	[tilespmem:$0x1DD80] =	vst v63  }
0xe7: {  	s19 =	sadd.s32 $0x1, s19;
	s29 =	sadd.s32 $0x80, s29  }
.LBB2_4:
0xe8: {  	p2 =	seq.s32 s1, $0x3  }
0xe9: {  	s7 =	sadd.s32 @!p2 $0xFFFFFFFF, s1  }
0xea: {  	p1 =	sgt.u32 @!p2 s7, $0x7C  }
0xeb: {  	p3 =	por p2, !p1  }
.Ltmp5:
0xec: {  	_ = 	snop;
	(pc) =	sbr.rel @!p3 .LBB2_6-.Ltmp5, $4  }
0xed: {  	s14 =	simm.s32 @!p2 $0x9  }
0xee: {  	_ =	swait.ge @!p2 [sflag:s14], $0x2800  }
0xef: {  	[sflag:s14] =	ssyncset.done @!p2 $0x0  }
0xf0: {  	p1 =	por @!p2 $0x0, $0x0;
	[sflag:s14] =	ssyncadd.s32 @!p2 $0xFFFFD800  }
0xf1: {  	_ =	swait.ge [sflag:s8], $0x100  }
0xf2: {  	[sflag:s8] =	ssyncset.done $0x0  }
0xf3: {  	s7 =	simm.s32 @p2 $0x2;
	p1 =	por $0x1, $0x1;
	[sflag:s8] =	ssyncadd.s32 $0xFFFFFF00  }
0xf4: {  	[tilespmem:s9], [sflag:$0x7] =	stream.indirect.gather [hbm4b:s17+s6], $0x80, s0, s6, $0xb8;
	[tilespmem:$0x1DD80] =	vst v63  }
.LBB2_6:
0xf5: {  	_ =	swait.ge [sflag:s10], $0x2800  }
0xf6: {  	[sflag:s10] =	ssyncset.done $0x0  }
0xf7: {  	[sflag:s10] =	ssyncadd.s32 $0xFFFFD800  }
0xf8: {  	v1 =	vld [tilespmem:$0x80]  }
0xf9: {  	v2 =	vld [tilespmem:$0x90]  }
0xfa: {  	v3 =	vld [tilespmem:$0xA0]  }
0xfb: {  	v4 =	vld [tilespmem:$0xB0]  }
0xfc: {  	v5 =	vld [tilespmem:$0xC0]  }
0xfd: {  	p2 =	seq.s32 s1, $0x7F;
	[tilespmem:$0x400] =	vst v1  }
.Ltmp6:
0xfe: {  	[tilespmem:$0x410] =	vst v2;
	(pc) =	sbr.rel @!p2 .LBB2_7-.Ltmp6, $4  }
0xff: {  	[tilespmem:$0x420] =	vst v3  }
0x100: {  	[tilespmem:$0x430] =	vst v4  }
0x101: {  	[tilespmem:$0x440] =	vst v5  }
0x102: {  	[spmem:s3] =	stream.indirect.scatter.add.f32 [tilespmem:s30], [sflag:$0x9], $0x80, s11, s6, $0xb8;
	[tilespmem:$0x1DD80] =	vst v63  }
.Ltmp7:
0x103: {  	(pc) =	sbr.rel @!p1 .LBB2_13-.Ltmp7, $1  }
0x104: {  	_ =	sdelay $0x3  }
.Ltmp8:
0x105: {  	(pc) =	sbr.rel .LBB2_11-.Ltmp8, $4  }
0x106: {  	_ = 	snop  }
0x107: {  	_ =	swait.ge [sflag:s12], $0x2800  }
0x108: {  	[sflag:s12] =	ssyncset.done $0x0  }
0x109: {  	[sflag:s12] =	ssyncadd.s32 $0xFFFFD800  }
.LBB2_7:
0x10a: {  	s14 =	sadd.s32 $0xFFFFFFA0, s29;
	s21 =	sadd.s32 $0xFFFFFFFE, s1  }
0x10b: {  	[tilespmem:s4], [sflag:$0x1] =	stream.linear.gather [hbm4b:s14+s4], $0x100, $0x38;
	[tilespmem:$0x1DD80] =	vst v63  }
0x10c: {  	p2 =	sgt.u32 s21, $0x7C  }
0x10d: {  	p3 =	seq.s32 @!p2 s1, $0x3  }
0x10e: {  	p3 =	por p3, p2  }
0x10f: {  	s14 =	simm.s32 @!p3 $0xA  }
0x110: {  	_ =	swait.ge @!p3 [sflag:s14], $0x2800  }
0x111: {  	[sflag:s14] =	ssyncset.done @!p3 $0x0  }
0x112: {  	[sflag:s14] =	ssyncadd.s32 @!p3 $0xFFFFD800;
	s14 =	simm.s32 @!p2 $0x4  }
0x113: {  	_ =	swait.ge @!p2 [sflag:s14], $0x100  }
0x114: {  	s20 =	simm.s32 @!p2 $0x300;
	[sflag:s14] =	ssyncset.done @!p2 $0x0  }
0x115: {  	s21 =	simm.s32 @!p2 $0x7D00;
	[sflag:s14] =	ssyncadd.s32 @!p2 $0xFFFFFF00;
	s14 =	simm.s32 @!p2 $0x50  }
0x116: {  	[tilespmem:s21], [sflag:$0x8] =	stream.indirect.gather @!p2 [hbm4b:s17+s14], $0x80, s20, s14, $0xb8;
	[tilespmem:$0x1DD80] =	vst v63  }
0x117: {  	s20 =	simm.s32 @!p2 $0x6  }
0x118: {  	_ =	swait.ge @!p2 [sflag:s20], $0x2800  }
0x119: {  	[sflag:s20] =	ssyncset.done @!p2 $0x0  }
0x11a: {  	[sflag:s20] =	ssyncadd.s32 @!p2 $0xFFFFD800  }
0x11b: {  	v1 =	vld @!p2 [tilespmem:$0x180]  }
0x11c: {  	v2 =	vld @!p2 [tilespmem:$0x190]  }
0x11d: {  	v3 =	vld @!p2 [tilespmem:$0x1A0]  }
0x11e: {  	v4 =	vld @!p2 [tilespmem:$0x1B0]  }
0x11f: {  	v5 =	vld @!p2 [tilespmem:$0x1C0]  }
0x120: {  	[tilespmem:$0x480] =	vst @!p2 v1  }
0x121: {  	[tilespmem:$0x490] =	vst @!p2 v2  }
0x122: {  	[tilespmem:$0x4A0] =	vst @!p2 v3  }
0x123: {  	p3 =	sgt.u32 @!p2 s19, $0x1D;
	[tilespmem:$0x4B0] =	vst @!p2 v4  }
.Ltmp9:
0x124: {  	s21 =	simm.s32 @!p2 $0x2D00;
	s20 =	simm.s32 @!p2 $0x480;
	[tilespmem:$0x4C0] =	vst @!p2 v5;
	(pc) =	sbr.rel @!p1 .LBB2_12-.Ltmp9, $4  }
0x125: {  	[spmem:s3] =	stream.indirect.scatter.add.f32 @!p2 [tilespmem:s21], [sflag:$0xA], $0x80, s20, s14, $0xb8;
	[tilespmem:$0x1DD80] =	vst v63  }
0x126: {  	p2 =	por p3, p2  }
0x127: {  	s14 =	sadd.s32 @!p2 $0xFFFFFFC0, s29;
	s20 =	simm.s32 @!p2 $0x0;
	s21 =	simm.s32 @!p2 $0x100  }
0x128: {  	[tilespmem:s21], [sflag:$0x2] =	stream.linear.gather @!p2 [hbm4b:s14+s20], $0x100, $0x38;
	[tilespmem:$0x1DD80] =	vst v63  }
0x129: {  	_ =	swait.ge [sflag:s12], $0x2800  }
0x12a: {  	[sflag:s12] =	ssyncset.done $0x0  }
.Ltmp10:
0x12b: {  	[sflag:s12] =	ssyncadd.s32 $0xFFFFD800;
	(pc) =	sbr.rel .LBB2_11-.Ltmp10, $4  }
0x12c: {  	_ =	swait.ge [sflag:s5], $0x100  }
0x12d: {  	[sflag:s5] =	ssyncset.done $0x0  }
0x12e: {  	[sflag:s5] =	ssyncadd.s32 $0xFFFFFF00  }
0x12f: {  	[tilespmem:s30], [sflag:$0x5] =	stream.indirect.gather [hbm4b:s17+s6], $0x80, s4, s6, $0xb8;
	[tilespmem:$0x1DD80] =	vst v63  }
.LBB2_14:
0x130: {  	_ =	sfence.sel $0x180000  }
0x131: {  	[bflag:$0x0] =	sbarrier.arrive $0xFFFF  }
0x132: {  	_ =	strace $0x90000050  }
0x133: {  	s0 =	stileid.u32;
	[bflag:$0x2] =	sbarrier.arrive $0xFFFF  }
0x134: {  	p0 =	sne.s32 s0, $0x0;
	s0 =	rddreg [dreg:$0x2]  }
0x135: {  	s0 =	sadd.s32 @!p0 $0x100000, s0  }
0x136: {  	[sflag:s0] =	ssyncadd.tile.s32 @!p0 $0x1;
	_ =	shalt  }
.Lfunc_end2:
_tile_overlayer_lowered:
.L_overlay_start_2:
0x137: {  	(tag) =	ssettag $0x2  }
0x138: {  	s0 =	rddreg [dreg:$0x0];
	s2 =	stileid.u32  }
0x139: {  	s1 =	rddreg [dreg:$0x1];
	p0 =	sne.s32 s2, $0x0  }
0x13a: {  	s3 =	rddreg [dreg:$0x2];
	[bflag:$0x3] =	sbarrier.arrive $0xFFFF;
	s2 =	simm.s32 @!p0 $0x1C0B  }
0x13b: {  	[timem:s3], [sflag:s2] =	dma.local @!p0 [hbm:s0], s1  }
0x13c: {  	s0 =	simm.s32 @!p0 $0xB  }
0x13d: {  	_ =	swait.ge @!p0 [sflag:s0], s1  }
0x13e: {  	s1 =	ssub.s32 @!p0 $0x0, s1;
	[sflag:s0] =	ssyncset.done @!p0 $0x0  }
0x13f: {  	[sflag:s0] =	ssyncadd.s32 @!p0 s1  }
0x140: {  	[bflag:$0x3] =	sbarrier.arrive $0xFFFF  }
0x141: {  	_ =	shalt  }

// kernel: kernel.24.cloned.1.call-start
scs
__scs_entry_jumppad:
0x0: {  	(pc) =	sbr.rel $0x88, $3  }
0x1: {  	(tag) =	ssettag $0x0;
	lr =	simm.s32 $0x1  }
0x2: {  	[smem:$0x3F8A] =	sst lr;
	_ =	strace $0xD0000000  }
0x3: {  	_ = 	snop  }
0x4: {  	_ = 	snop  }
0x5: {  	_ = 	snop  }
0x6: {  	_ = 	snop  }
0x7: {  	_ = 	snop  }
__scs_overlays_trampoline_lowered:
0x8: {  	[smem:$0x3F99] =	sst s0  }
0x9: {  	[smem:$0x3F9A] =	sst s1  }
0xa: {  	[smem:$0x3F9B] =	sst s2  }
0xb: {  	[smem:$0x3F9C] =	sst s3  }
0xc: {  	[smem:$0x3F9D] =	sst s4  }
0xd: {  	[smem:$0x3F9E] =	sst s5  }
0xe: {  	[smem:$0x3F9F] =	sst s6  }
0xf: {  	[smem:$0x3FA0] =	sst s7  }
0x10: {  	[smem:$0x3FA1] =	sst s8  }
0x11: {  	[smem:$0x3FA2] =	sst s9;
	s0 =	simm.s32 @!p0 $0x0  }
0x12: {  	s1 =	sld [smem:$0x3F88];
	s0 =	simm.s32 @p0 $0x1  }
0x13: {  	[smem:$0x3FA3] =	sst s0;
	s0 =	simm.s32 @!p1 $0x0  }
0x14: {  	s2 =	sld [smem:$0x3F87];
	s0 =	simm.s32 @p1 $0x1  }
0x15: {  	[smem:$0x3FA4] =	sst s0;
	s0 =	simm.s32 @!p2 $0x0  }
0x16: {  	s3 =	sld [smem:$0x3FDB];
	s0 =	simm.s32 @p2 $0x1  }
0x17: {  	s4 =	simm.s32 $0x1BF5;
	[smem:$0x3FA6] =	sst s0  }
0x18: {  	s0 =	sld [smem:$0x3F89];
	_ =	swait.ge [sflag:s4], $0x0  }
0x19: {  	s7 =	sld [smem:$0x3F8A]  }
0x1a: {  	s8 =	sadd.s32 $0xFFFFE003, lr  }
0x1b: {  	s9 =	sadd.s32 $0xFFFFFEF7, lr;
	s5 =	simm.s32 $0xFFFFFFFF;
	p2 =	slt.u32 s8, $0xFFFFF086  }
0x1c: {  	p1 =	slt.u32 s9, $0xF7A;
	s5 =	simm.s32 @!p2 $0x0  }
0x1d: {  	s5 =	simm.s32 @p1 $0x1;
	p0 =	seq.s32 s7, s2  }
0x1e: {  	s7 =	smul.u32 @!p0 $0xF7A, s2;
	p2 =	seq.s32 @!p0 s5, $0x0  }
0x1f: {  	s9 =	smul.u32 $0xF7A, s1;
	s8 =	simm.s32 @!p0 $0x1BF5;
	p2 =	por !p2, p0  }
0x20: {  	[sflag:s8] =	ssyncset.s32 @!p0 $0xFFFFF086;
	s6 =	sadd.s32 @!p0 s3, s7;
	s7 =	simm.s32 @!p0 $0x108  }
0x21: {  	s3 =	sadd.s32 s3, s9;
	s6 =	sadd.s32 @!p0 $0x88, s6;
	s7 =	simm.s32 @p2 $0x1082  }
0x22: {  	[simem:s7], [sflag:s8] =	dma.local @!p0 [hbm:s6], $0xF7A  }
0x23: {  	s9 =	sor.u32 $0xD0000000, s2;
	s6 =	simm.s32 $0x108;
	_ =	swait.ge @!p0 [sflag:s8], $0x0  }
0x24: {  	s3 =	sadd.s32 $0x88, s3;
	s6 =	simm.s32 @!p1 $0x1082;
	[sflag:s4] =	ssyncset.s32 $0xFFFFF086  }
0x25: {  	[simem:s6], [sflag:s4] =	dma.local [hbm:s3], $0xF7A  }
0x26: {  	[smem:$0x3F8A] =	sst s1;
	(tag) =	ssettag s2;
	_ =	strace s9  }
0x27: {  	s1 =	sld [smem:$0x3F9A]  }
0x28: {  	s2 =	sld [smem:$0x3F9B]  }
0x29: {  	s4 =	sld [smem:$0x3F9D]  }
0x2a: {  	p0 =	seq.s32 s5, $0x0;
	s5 =	sld [smem:$0x3F9E]  }
0x2b: {  	s6 =	sld [smem:$0x3F9F]  }
0x2c: {  	s7 =	sld [smem:$0x3FA0]  }
0x2d: {  	s3 =	simm.s32 $0x108;
	s8 =	sld [smem:$0x3FA1]  }
0x2e: {  	s3 =	simm.s32 @!p0 $0x1082;
	s9 =	sld [smem:$0x3FA2]  }
0x2f: {  	lr =	sadd.s32 s0, s3;
	s0 =	sld [smem:$0x3F99]  }
0x30: {  	s3 =	sld [smem:$0x3F9C]  }
0x31: {  	[smem:$0x3FA5] =	sst s10  }
0x32: {  	s10 =	sld [smem:$0x3FA3];
	_ =	sdelay $0x3  }
0x33: {  	p0 =	seq.s32 s10, $0x1;
	s10 =	sld [smem:$0x3FA5];
	_ =	sdelay $0x3  }
0x34: {  	[smem:$0x3FA5] =	sst s10  }
0x35: {  	s10 =	sld [smem:$0x3FA4];
	_ =	sdelay $0x3  }
0x36: {  	p1 =	seq.s32 s10, $0x1;
	s10 =	sld [smem:$0x3FA5];
	_ =	sdelay $0x3  }
0x37: {  	[smem:$0x3FA5] =	sst s10  }
0x38: {  	s10 =	sld [smem:$0x3FA6]  }
0x39: {  	_ = 	snop;
	(pc) =	sbr.ind lr, $3  }
0x3a: {  	_ = 	snop  }
0x3b: {  	_ = 	snop  }
0x3c: {  	p2 =	seq.s32 s10, $0x1;
	s10 =	sld [smem:$0x3FA5]  }
0x3d: {  	_ =	shalt  }
0x3e: {  	_ =	shalt  }
0x3f: {  	_ =	shalt  }
0x40: {  	_ =	shalt  }
0x41: {  	_ =	shalt  }
0x42: {  	_ =	shalt  }
0x43: {  	_ =	shalt  }
0x44: {  	_ =	shalt  }
0x45: {  	_ =	shalt  }
0x46: {  	_ =	shalt  }
0x47: {  	_ =	shalt  }
0x48: {  	_ =	shalt  }
0x49: {  	_ =	shalt  }
0x4a: {  	_ =	shalt  }
0x4b: {  	_ =	shalt  }
0x4c: {  	_ =	shalt  }
0x4d: {  	_ =	shalt  }
0x4e: {  	_ =	shalt  }
0x4f: {  	_ =	shalt  }
0x50: {  	_ =	shalt  }
0x51: {  	_ =	shalt  }
0x52: {  	_ =	shalt  }
0x53: {  	_ =	shalt  }
0x54: {  	_ =	shalt  }
0x55: {  	_ =	shalt  }
0x56: {  	_ =	shalt  }
0x57: {  	_ =	shalt  }
0x58: {  	_ =	shalt  }
0x59: {  	_ =	shalt  }
0x5a: {  	_ =	shalt  }
0x5b: {  	_ =	shalt  }
0x5c: {  	_ =	shalt  }
0x5d: {  	_ =	shalt  }
0x5e: {  	_ =	shalt  }
0x5f: {  	_ =	shalt  }
0x60: {  	_ =	shalt  }
0x61: {  	_ =	shalt  }
0x62: {  	_ =	shalt  }
0x63: {  	_ =	shalt  }
0x64: {  	_ =	shalt  }
0x65: {  	_ =	shalt  }
0x66: {  	_ =	shalt  }
0x67: {  	_ =	shalt  }
0x68: {  	_ =	shalt  }
0x69: {  	_ =	shalt  }
0x6a: {  	_ =	shalt  }
0x6b: {  	_ =	shalt  }
0x6c: {  	_ =	shalt  }
0x6d: {  	_ =	shalt  }
0x6e: {  	_ =	shalt  }
0x6f: {  	_ =	shalt  }
0x70: {  	_ =	shalt  }
0x71: {  	_ =	shalt  }
0x72: {  	_ =	shalt  }
0x73: {  	_ =	shalt  }
0x74: {  	_ =	shalt  }
0x75: {  	_ =	shalt  }
0x76: {  	_ =	shalt  }
0x77: {  	_ =	shalt  }
0x78: {  	_ =	shalt  }
0x79: {  	_ =	shalt  }
0x7a: {  	_ =	shalt  }
0x7b: {  	_ =	shalt  }
0x7c: {  	_ =	shalt  }
0x7d: {  	_ =	shalt  }
0x7e: {  	_ =	shalt  }
0x7f: {  	_ =	shalt  }
0x80: {  	_ =	shalt  }
0x81: {  	_ =	shalt  }
0x82: {  	_ =	shalt  }
0x83: {  	_ =	shalt  }
0x84: {  	_ =	shalt  }
0x85: {  	_ =	shalt  }
0x86: {  	_ =	shalt  }
0x87: {  	_ =	shalt  }
.Lfunc_end0:
.L_simem_size_0:
called_computation.4_lowered:
.L_overlay_start_0:
0x88: {  	s2 =	sld [smem:$0x3FD9]  }
0x89: {  	s3 =	sld [smem:$0x3FFE];
	_ =	sdelay $0x1  }
0x8a: {  	s1 =	srdreg.scid  }
0x8b: {  	s0 =	sand.u32 $0x1, s1  }
0x8c: {  	s16 =	sshll.u32 s0, $0xA;
	s2 =	sadd.s32 s3, s2  }
0x8d: {  	s2 =	sadd.s32 s2, s16  }
0x8e: {  	[smem:$0x3FB1] =	sst s2  }
0x8f: {  	_ = 	snop  }
0x90: {  	(tm) =	ssettm $0x1  }
0x91: {  	s17 =	sld [smem:$0x3FFB];
	_ =	sdelay $0x3  }
0x92: {  	_ =	strace s17  }
0x93: {  	s2 =	sld [smem:$0x3FFC];
	_ =	sdelay $0x3  }
0x94: {  	_ =	strace s2  }
0x95: {  	s2 =	sld [smem:$0x3FFD];
	_ =	sdelay $0x3  }
0x96: {  	_ =	strace s2  }
0x97: {  	_ =	strace $0x8FFFFFFF  }
0x98: {  	s18 =	sld [smem:$0x3FDB];
	_ =	sdelay $0x1  }
0x99: {  	s19 =	simm.s32 $_scs_section_size  }
0x9a: {  	s4 =	simm.s32 $_size__tile_overlayer_lowered;
	s5 =	simm.s32 $_tile_overlayer_lowered  }
0x9b: {  	s22 =	simm.s32 $0x1BFF;
	s21 =	sshll.u32 s5, $0x1;
	s2 =	sadd.s32 s19, s18  }
0x9c: {  	s6 =	simm.s32 $0x0;
	s20 =	sshll.u32 s4, $0x1;
	s4 =	sadd.s32 s21, s2  }
0x9d: {  	[timem:s6], [sflag:s22] =	dma.local [hbm:s4], s20  }
0x9e: {  	_ =	swait.ge [sflag:s22], s20  }
0x9f: {  	s3 =	ssub.s32 $0x0, s20;
	[sflag:s22] =	ssyncset.done $0x0  }
0xa0: {  	[sflag:s22] =	ssyncadd.s32 s3;
	_ =	sdelay $0x1  }
0xa1: {  	s23 =	simm.s32 $0x1B8B  }
0xa2: {  	_ =	swait.ge [sflag:s23], $0x1  }
0xa3: {  	[sflag:s23] =	ssyncset.done $0x0  }
0xa4: {  	s25 =	simm.s32 $0x1B8E;
	s24 =	sld [smem:$0x3FFE];
	[sflag:s23] =	ssyncadd.s32 $0xFFFFFFFF  }
0xa5: {  	s26 =	simm.s32 $execute0_lowered;
	[smem:$0x3FD2] =	sst s25  }
0xa6: {  	s4 =	sshll.u32 s26, $0x1;
	_ =	strace $0x80000052;
	[dreg:$0x1] =	wrdreg $0xFFFFFFFF  }
0xa7: {  	s28 =	simm.s32 $_size_execute0_lowered;
	s2 =	sadd.s32 s2, s4;
	[dreg:$0x0] =	wrdreg $0x0  }
0xa8: {  	s4 =	sshll.u32 s28, $0x1;
	[dreg:$0x2] =	wrdreg s2  }
0xa9: {  	[dreg:$0x3] =	wrdreg s4  }
0xaa: {  	[dreg:$0x4] =	wrdreg $0xC0  }
0xab: {  	_ =	task [dreg:s6], $0x5FFFF  }
0xac: {  	[dreg:$0x1] =	wrdreg $0xFFFFFFFF  }
0xad: {  	[dreg:$0x0] =	wrdreg $0x60  }
0xae: {  	[dreg:$0x2] =	wrdreg s24  }
0xaf: {  	[dreg:$0x3] =	wrdreg $0x51000  }
0xb0: {  	[dreg:$0x4] =	wrdreg $0x61000  }
0xb1: {  	[dreg:$0x5] =	wrdreg $0x9  }
0xb2: {  	_ =	task.clear_ibuf [dreg:s6], $0x6FFFF;
	_ =	strace $0x90000052  }
0xb3: {  	s29 =	simm.s32 $0x9;
	_ =	strace $0x80000054  }
0xb4: {  	_ =	swait.ge [sflag:s29], $0x1  }
0xb5: {  	[sflag:s29] =	ssyncadd.s32 $0xFFFFFFFF  }
0xb6: {  	_ =	strace $0x90000054  }
0xb7: {  	_ =	sfence  }
0xb8: {  	s30 =	sld [smem:$0x0];
	_ =	sdelay $0x2  }
0xb9: {  	s31 =	sshll.u32 s1, $0xD;
	s1 =	sshrl.u32 s1, $0x2  }
0xba: {  	s3 =	sand.u32 $0x4000, s31;
	s1 =	sadd.s32 s1, s30  }
0xbb: {  	s0 =	sor.u32 s3, s0;
	s1 =	sshll.u32 s1, $0x11  }
0xbc: {  	s0 =	sor.u32 s1, s0  }
0xbd: {  	s0 =	sadd.s32 $0x8F2B, s0  }
0xbe: {  	[sflag:s0] =	ssyncadd.remote.s32 $0x1  }
0xbf: {  	_ =	sfence.sel $0xFFFF  }
0xc0: {  	[dreg:$0x0] =	wrdreg $0xFFFFFFFF;
	(pc) =	sbr.abs _section_cstart, $3  }
0xc1: {  	[dreg:$0x1] =	wrdreg $0xFFFFFFFF  }
0xc2: {  	_ =	task.clear_ibuf [dreg:s6], $0x2FFFF;
	_ =	strace $0x9FFFFFFF  }
0xc3: {  	(tm) =	ssettm $0x7FFFFFFF  }
tec
execute0_lowered:
.L_overlay_start_1:
0x0: {  	(tag) =	ssettag $0x1  }
0x1: {  	s5 =	rddreg [dreg:$0x0]  }
0x2: {  	s1 =	rddreg [dreg:$0x1]  }
0x3: {  	s3 =	rddreg [dreg:$0x2]  }
0x4: {  	s0 =	rddreg [dreg:$0x3]  }
0x5: {  	s4 =	simm.s32 $0x0;
	s2 =	stileid.u32;
	s7 =	srdreg.scid  }
0x6: {  	[smem:$0x7FF] =	sst s4;
	s6 =	smul.u32 $0xA00, s2  }
0x7: {  	s10 =	sand.u32 $0x1, s7;
	s23 =	sshll.u32 s2, $0x5;
	s11 =	sadd.s32 $0x2E400, s5  }
0x8: {  	s12 =	sadd.s32 $0x32400, s5;
	s25 =	sshll.u32 s2, $0x6;
	s13 =	sshll.u32 s2, $0x1  }
0x9: {  	s26 =	sshll.u32 s2, $0xD;
	p0 =	sgt.u32 s2, $0x7;
	s17 =	sshll.u32 s2, $0xA  }
0xa: {  	_ =	strace $0x80000053;
	s7 =	ssub.s32 $0x2, s10;
	s9 =	sadd.s32 s23, s5  }
0xb: {  	s14 =	sadd.s32 $0xFFFFFE00, s25;
	s15 =	sadd.s32 s26, s3;
	s29 =	sshll.u32 s10, $0xD  }
0xc: {  	s30 =	smul.u32 $0x500, s10;
	s11 =	smov.u32 @p0 s12;
	s31 =	sshll.u32 s10, $0x4  }
0xd: {  	s10 =	sor.u32 s10, s13;
	s12 =	simm.s32 $0x1;
	s8 =	sadd.s32 s6, s5  }
0xe: {  	s24 =	sshrl.u32 s7, $0x1;
	s16 =	sshll.u32 s14, $0x7;
	s5 =	sadd.s32 s26, s1  }
0xf: {  	s15 =	sadd.s32 $0xFFFF0000, s15;
	s14 =	sshll.u32 s14, $0x4;
	s9 =	sadd.s32 s31, s9  }
0x10: {  	s7 =	ssub.s32 s7, s24;
	s28 =	sand.u32 $0x3FFFE000, s16;
	s6 =	smov.u32 s5  }
0x11: {  	s16 =	sadd.s32 s11, s29;
	s8 =	sadd.s32 s30, s8;
	s17 =	smov.u32 @p0 s14  }
0x12: {  	s9 =	sadd.s32 $0x9BA00, s9;
	s11 =	simm.s32 $0x100;
	s14 =	simm.s32 $0x0  }
0x13: {  	s18 =	sadd.s32 s28, s3;
	s6 =	smov.u32 @p0 s15;
	s7 =	smax.u32 s7, $0x1  }
0x14: {  	v0 =	vimm.f32 $0.0e+00;
	v1 =	vimm.f32 $1.000000000e+00;
	s8 =	sadd.s32 $0x7200, s8;
	s13 =	sadd.s32 s17, s16;
	s5 =	smov.u32 @p0 s18  }
.LBB2_1:
0x15: {  	s15 =	simm.s32 $0x70;
	s16 =	simm.s32 $0x3C0  }
.LBB2_2:
0x16: {  	p0 =	sne.s32 s16, $0x9FC0;
	[tilespmem:s15+$0x100] =	vst v0  }
0x17: {  	[tilespmem:s15+$0x90] =	vst v0  }
0x18: {  	[tilespmem:s15+$0xA0] =	vst v0  }
.Ltmp0:
0x19: {  	[tilespmem:s15+$0xB0] =	vst v0;
	(pc) =	sbr.rel @p0 .LBB2_2-.Ltmp0, $4  }
0x1a: {  	[tilespmem:s15+$0xC0] =	vst v0  }
0x1b: {  	[tilespmem:s15+$0xD0] =	vst v0  }
0x1c: {  	[tilespmem:s15+$0xE0] =	vst v0  }
0x1d: {  	[tilespmem:s15+$0xF0] =	vst v0;
	s15 =	sshra.s32 s16, $0x2;
	s16 =	sadd.s32 $0x200, s16  }
0x1e: {  	[tilespmem:s15+$0x100] =	vst v0  }
0x1f: {  	[tilespmem:s15+$0x90] =	vst v0  }
0x20: {  	[tilespmem:s15+$0xA0] =	vst v0  }
0x21: {  	[tilespmem:s15+$0xB0] =	vst v0  }
0x22: {  	[tilespmem:s15+$0xC0] =	vst v0  }
0x23: {  	[tilespmem:s15+$0xD0] =	vst v0  }
0x24: {  	[tilespmem:s15+$0xE0] =	vst v0  }
0x25: {  	[tilespmem:s15+$0xF0] =	vst v0;
	s15 =	simm.s32 $0x70;
	s16 =	simm.s32 $0x3C0  }
.LBB2_4:
0x26: {  	p0 =	sne.s32 s16, $0x9FC0;
	[tilespmem:s15+$0x2900] =	vst v1  }
0x27: {  	[tilespmem:s15+$0x2890] =	vst v1  }
0x28: {  	[tilespmem:s15+$0x28A0] =	vst v1  }
.Ltmp1:
0x29: {  	[tilespmem:s15+$0x28B0] =	vst v1;
	(pc) =	sbr.rel @p0 .LBB2_4-.Ltmp1, $4  }
0x2a: {  	[tilespmem:s15+$0x28C0] =	vst v1  }
0x2b: {  	[tilespmem:s15+$0x28D0] =	vst v1  }
0x2c: {  	[tilespmem:s15+$0x28E0] =	vst v1  }
0x2d: {  	[tilespmem:s15+$0x28F0] =	vst v1;
	s15 =	sshra.s32 s16, $0x2;
	s16 =	sadd.s32 $0x200, s16  }
0x2e: {  	[tilespmem:s15+$0x2900] =	vst v1  }
0x2f: {  	[tilespmem:s15+$0x2890] =	vst v1  }
0x30: {  	[tilespmem:s15+$0x28A0] =	vst v1  }
0x31: {  	[tilespmem:s15+$0x28B0] =	vst v1  }
0x32: {  	[tilespmem:s15+$0x28C0] =	vst v1  }
0x33: {  	[tilespmem:s15+$0x28D0] =	vst v1  }
0x34: {  	[tilespmem:s15+$0x28E0] =	vst v1  }
0x35: {  	[tilespmem:s15+$0x28F0] =	vst v1  }
0x36: {  	[spmem:s6] =	stream.linear.scatter [tilespmem:s11], [sflag:$0x1], $0x2000, $0x38;
	[tilespmem:$0x7100] =	vst v63  }
0x37: {  	s31 =	sadd.s32 $0x0, s10;
	_ =	swait.ge [sflag:s12], $0x2000  }
0x38: {  	p0 =	sgt.u32 s31, $0x7C;
	[sflag:s12] =	ssyncset.done $0x0  }
0x39: {  	s16 =	simm.s32 @!p0 $0x0;
	s17 =	simm.s32 @!p0 $0x100;
	[sflag:s12] =	ssyncadd.s32 $0xFFFFE000  }
0x3a: {  	s15 =	simm.s32 @!p0 $0x2;
	p0 =	por p0, p0;
	[bflag:$0x0] =	sbarrier.arrive $0xFFFF  }
0x3b: {  	[tilespmem:s17], [sflag:$0x2] =	stream.linear.gather @!p0 [hbm4b:s8+s16], $0x2800, $0x38;
	[tilespmem:$0x7100] =	vst v63  }
0x3c: {  	_ =	swait.ge @!p0 [sflag:s15], $0x2800  }
0x3d: {  	[sflag:s15] =	ssyncset.done @!p0 $0x0  }
0x3e: {  	[sflag:s15] =	ssyncadd.s32 @!p0 $0xFFFFD800  }
0x3f: {  	[tilespmem:s16], [sflag:$0x2] =	stream.linear.gather @!p0 [hbm4b:s9+s16], $0x80, $0x38;
	[tilespmem:$0x7100] =	vst v63  }
0x40: {  	_ =	swait.ge @!p0 [sflag:s15], $0x80  }
0x41: {  	[sflag:s15] =	ssyncset.done @!p0 $0x0  }
0x42: {  	[sflag:s15] =	ssyncadd.s32 @!p0 $0xFFFFFF80  }
0x43: {  	v2 =	vld @!p0 [tilespmem:$0x40]  }
0x44: {  	v3 =	vld @!p0 [tilespmem:$0x30]  }
0x45: {  	v4 =	vld @!p0 [tilespmem:$0x0]  }
0x46: {  	v5 =	vld @!p0 [tilespmem:$0x20]  }
0x47: {  	v6 =	vld @!p0 [tilespmem:$0x10]  }
0x48: {  	[tilespmem:$0xC0] =	vst @!p0 v2  }
0x49: {  	[tilespmem:$0xB0] =	vst @!p0 v3  }
0x4a: {  	[tilespmem:$0x80] =	vst @!p0 v4  }
0x4b: {  	[tilespmem:$0xA0] =	vst @!p0 v5  }
0x4c: {  	s18 =	sadd.s32 $0x200, s9;
	s19 =	simm.s32 @!p0 $0x50;
	s20 =	simm.s32 @!p0 $0x80;
	[tilespmem:$0x90] =	vst @!p0 v6  }
0x4d: {  	[spmem:s1] =	stream.indirect.scatter.add.f32 @!p0 [tilespmem:s17], [sflag:$0x2], $0x80, s20, s19, $0xb8;
	[tilespmem:$0x7100] =	vst v63  }
0x4e: {  	s16 =	simm.s32 $0x20;
	s17 =	sadd.s32 $0xA000, s8;
	_ =	swait.ge @!p0 [sflag:s15], $0x2800  }
.LBB2_6:
0x4f: {  	[sflag:s15] =	ssyncset.done @!p0 $0x0  }
0x50: {  	s21 =	simm.s32 @!p0 $0x1;
	s22 =	smov.u32 s16;
	s16 =	sadd.s32 $0x20, s16  }
0x51: {  	s22 =	sadd.s32 s22, s10;
	[sflag:s15] =	ssyncadd.s32 @!p0 $0xFFFFD800;
	s15 =	simm.s32 @!p0 $0x2900  }
0x52: {  	[spmem:s3] =	stream.indirect.scatter.add.f32 @!p0 [tilespmem:s15], [sflag:$0x1], $0x80, s20, s19, $0xb8;
	[tilespmem:$0x7100] =	vst v63  }
0x53: {  	p1 =	sne.s32 s16, $0x80;
	p2 =	sgt.u32 s22, $0x7C;
	_ =	swait.ge @!p0 [sflag:s21], $0x2800  }
0x54: {  	s19 =	simm.s32 @!p2 $0x0;
	s22 =	simm.s32 @!p2 $0x100;
	[sflag:s21] =	ssyncset.done @!p0 $0x0  }
0x55: {  	s15 =	simm.s32 @!p2 $0x2;
	[sflag:s21] =	ssyncadd.s32 @!p0 $0xFFFFD800;
	p0 =	por p2, p2  }
0x56: {  	[tilespmem:s22], [sflag:$0x2] =	stream.linear.gather @!p0 [hbm4b:s17+s19], $0x2800, $0x38;
	[tilespmem:$0x7100] =	vst v63  }
0x57: {  	_ =	swait.ge @!p0 [sflag:s15], $0x2800  }
0x58: {  	[sflag:s15] =	ssyncset.done @!p0 $0x0  }
0x59: {  	[sflag:s15] =	ssyncadd.s32 @!p0 $0xFFFFD800  }
0x5a: {  	[tilespmem:s19], [sflag:$0x2] =	stream.linear.gather @!p0 [hbm4b:s18+s19], $0x80, $0x38;
	[tilespmem:$0x7100] =	vst v63  }
0x5b: {  	_ =	swait.ge @!p0 [sflag:s15], $0x80  }
0x5c: {  	[sflag:s15] =	ssyncset.done @!p0 $0x0  }
0x5d: {  	[sflag:s15] =	ssyncadd.s32 @!p0 $0xFFFFFF80  }
0x5e: {  	v2 =	vld @!p0 [tilespmem:$0x40]  }
0x5f: {  	v3 =	vld @!p0 [tilespmem:$0x30]  }
0x60: {  	v4 =	vld @!p0 [tilespmem:$0x0]  }
0x61: {  	v5 =	vld @!p0 [tilespmem:$0x20]  }
0x62: {  	v6 =	vld @!p0 [tilespmem:$0x10]  }
0x63: {  	[tilespmem:$0xC0] =	vst @!p0 v2  }
0x64: {  	[tilespmem:$0xB0] =	vst @!p0 v3  }
.Ltmp2:
0x65: {  	[tilespmem:$0x80] =	vst @!p0 v4;
	(pc) =	sbr.rel @p1 .LBB2_6-.Ltmp2, $4  }
0x66: {  	[tilespmem:$0xA0] =	vst @!p0 v5  }
0x67: {  	s20 =	simm.s32 @!p0 $0x80;
	s19 =	simm.s32 @!p0 $0x50;
	[tilespmem:$0x90] =	vst @!p0 v6  }
0x68: {  	[spmem:s1] =	stream.indirect.scatter.add.f32 @!p0 [tilespmem:s22], [sflag:$0x2], $0x80, s20, s19, $0xb8;
	[tilespmem:$0x7100] =	vst v63  }
0x69: {  	s17 =	sadd.s32 $0xA000, s17;
	s18 =	sadd.s32 $0x200, s18;
	_ =	swait.ge @!p0 [sflag:s15], $0x2800  }
0x6a: {  	[sflag:s15] =	ssyncset.done @!p0 $0x0  }
0x6b: {  	s16 =	simm.s32 @!p0 $0x1;
	[sflag:s15] =	ssyncadd.s32 @!p0 $0xFFFFD800;
	s15 =	simm.s32 @!p0 $0x2900  }
0x6c: {  	[spmem:s3] =	stream.indirect.scatter.add.f32 @!p0 [tilespmem:s15], [sflag:$0x1], $0x80, s20, s19, $0xb8;
	[tilespmem:$0x7100] =	vst v63  }
0x6d: {  	_ =	swait.ge @!p0 [sflag:s16], $0x2800  }
0x6e: {  	[sflag:s16] =	ssyncset.done @!p0 $0x0  }
0x6f: {  	[sflag:s16] =	ssyncadd.s32 @!p0 $0xFFFFD800  }
0x70: {  	[bflag:$0x0] =	sbarrier.arrive $0xFFFF  }
0x71: {  	[tilespmem:s11], [sflag:$0x1] =	stream.linear.gather [spmem:s5], $0x2000, $0x38;
	[tilespmem:$0x7100] =	vst v63  }
0x72: {  	s14 =	sadd.s32 $0x1, s14;
	_ =	swait.ge [sflag:s12], $0x2000  }
0x73: {  	p0 =	sne.s32 s14, s7;
	[sflag:s12] =	ssyncset.done $0x0  }
.Ltmp3:
0x74: {  	[sflag:s12] =	ssyncadd.s32 $0xFFFFE000;
	(pc) =	sbr.rel @p0 .LBB2_1-.Ltmp3, $4  }
0x75: {  	[hbm4b:s13+s4] =	stream.linear.scatter [tilespmem:s11], [sflag:$0x1], $0x2000, $0x38;
	[tilespmem:$0x7100] =	vst v63  }
0x76: {  	_ =	swait.ge [sflag:s12], $0x2000  }
0x77: {  	[sflag:s12] =	ssyncset.done $0x0  }
0x78: {  	[sflag:s12] =	ssyncadd.s32 $0xFFFFE000  }
0x79: {  	_ =	sfence.sel $0x180000  }
0x7a: {  	[bflag:$0x0] =	sbarrier.arrive $0xFFFF  }
0x7b: {  	p0 =	sne.s32 s2, $0x0;
	_ =	strace $0x90000053  }
0x7c: {  	s0 =	sadd.s32 @!p0 $0x100000, s0;
	[bflag:$0x2] =	sbarrier.arrive $0xFFFF  }
0x7d: {  	[sflag:s0] =	ssyncadd.tile.s32 @!p0 $0x1;
	_ =	shalt  }
.Lfunc_end2:
_tile_overlayer_lowered:
.L_overlay_start_2:
0x7e: {  	(tag) =	ssettag $0x2  }
0x7f: {  	s0 =	rddreg [dreg:$0x0];
	s2 =	stileid.u32  }
0x80: {  	s1 =	rddreg [dreg:$0x1];
	p0 =	sne.s32 s2, $0x0  }
0x81: {  	s3 =	rddreg [dreg:$0x2];
	[bflag:$0x3] =	sbarrier.arrive $0xFFFF;
	s2 =	simm.s32 @!p0 $0x1C01  }
0x82: {  	[timem:s3], [sflag:s2] =	dma.local @!p0 [hbm:s0], s1  }
0x83: {  	s0 =	simm.s32 @!p0 $0x1  }
0x84: {  	_ =	swait.ge @!p0 [sflag:s0], s1  }
0x85: {  	s1 =	ssub.s32 @!p0 $0x0, s1;
	[sflag:s0] =	ssyncset.done @!p0 $0x0  }
0x86: {  	[sflag:s0] =	ssyncadd.s32 @!p0 s1  }
0x87: {  	[bflag:$0x3] =	sbarrier.arrive $0xFFFF  }
0x88: {  	_ =	shalt  }

</sc_bundles>
